<compile_context>
chip_gen: v7x
topology: tpu7x:2x2x1
jax: 0.10.2.dev20260603
libtpu: 0.0.44.dev20260713+nightly
codegen_flags: <defaults>
</compile_context>

<pallas_src>
import functools

import jax
import jax.numpy as jnp
from jax import lax
from jax.experimental import pallas as pl
from jax.experimental.pallas import tpu as pltpu
from jax.experimental.pallas import tpu_sc as plsc

V = 1000000
P = 10000
D = 16
B = 1024
CR = 1.0

_NC = 2
_NS = 16
_NW = _NC * _NS
_BPW = B // _NW
_TAIL = (V // 128) * 128
_LASTBLK = _TAIL - 128
_NBUF = 8

_ROWS = 512
_GRID = B // _ROWS


def _sc_children_body(idx_hbm, tabT_hbm, pids_hbm, resp_hbm,
                      out_hbm, femb_out, prow_out,
                      idx_v, tail_v, blkbuf, out_blk, out_blkT,
                      pids_v, prows_v, sems, sem_p, sem_r):
    wid = lax.axis_index("s") * _NC + lax.axis_index("c")
    base = wid * _BPW
    pltpu.sync_copy(idx_hbm.at[pl.ds(base, _BPW)], idx_v)
    cp_p = pltpu.async_copy(pids_hbm.at[idx_v], pids_v, sem_p)
    pltpu.sync_copy(tabT_hbm.at[:, pl.ds(_TAIL, V - _TAIL)], tail_v)
    iota = lax.iota(jnp.int32, 16)
    chunks = [idx_v[pl.ds(0, 16)], idx_v[pl.ds(16, 16)]]

    def ridx(i):
        return jnp.sum(jnp.where(iota == (i % 16), chunks[i // 16], 0))

    rs = [ridx(i) for i in range(_BPW)]
    rblks = [jnp.minimum((r // 128) * 128, _LASTBLK) for r in rs]

    def fire(i):
        s = i % _NBUF
        rblk = pl.multiple_of(rblks[i], 128)
        return pltpu.async_copy(
            tabT_hbm.at[:, pl.ds(rblk, 128)], blkbuf.at[s], sems[s])

    def extract(i):
        s = i % _NBUF
        r = rs[i]
        rblk = rblks[i]
        rmod = jnp.full((16,), (r - rblk) & 127, jnp.int32)
        rtail = jnp.full((16,), jnp.clip(r - _TAIL, 0, V - _TAIL - 1), jnp.int32)
        coli = jnp.full((16,), i, jnp.int32)
        lo_n = plsc.load_gather(blkbuf.at[s], [iota, rmod])
        hi_n = plsc.load_gather(blkbuf.at[s], [iota + 16, rmod])
        lo_t = plsc.load_gather(tail_v, [iota, rtail])
        hi_t = plsc.load_gather(tail_v, [iota + 16, rtail])
        sel = r < _TAIL
        lo = jnp.where(sel, lo_n, lo_t)
        hi = jnp.where(sel, hi_n, hi_t)
        plsc.store_scatter(out_blk, [iota, coli], lo)
        plsc.store_scatter(out_blk, [iota + 16, coli], hi)
        plsc.store_scatter(out_blkT, [coli, iota], lo)
        plsc.store_scatter(out_blkT, [coli, iota + 16], hi)

    handles = {}
    for i in range(_NBUF):
        handles[i] = fire(i)
    cp_p.wait()
    cp_r = pltpu.async_copy(resp_hbm.at[pids_v], prows_v, sem_r)
    for i in range(_BPW):
        handles[i].wait()
        extract(i)
        if i + _NBUF < _BPW:
            handles[i + _NBUF] = fire(i + _NBUF)
    pltpu.sync_copy(out_blk, out_hbm.at[wid])
    pltpu.sync_copy(out_blkT, femb_out.at[pl.ds(base, _BPW)])
    cp_r.wait()
    pltpu.sync_copy(prows_v, prow_out.at[pl.ds(base, _BPW)])


@functools.cache
def _sc_children():
    return pl.kernel(
        _sc_children_body,
        out_type=(jax.ShapeDtypeStruct((_NW, 2 * D, _BPW), jnp.float32),
                  jax.ShapeDtypeStruct((B, 2 * D), jnp.float32),
                  jax.ShapeDtypeStruct((B, 128), jnp.float32)),
        mesh=plsc.VectorSubcoreMesh(core_axis_name="c", subcore_axis_name="s"),
        scratch_types=[
            pltpu.VMEM((_BPW,), jnp.int32),
            pltpu.VMEM((2 * D, V - _TAIL), jnp.float32),
            pltpu.VMEM((_NBUF, 2 * D, 128), jnp.float32),
            pltpu.VMEM((2 * D, _BPW), jnp.float32),
            pltpu.VMEM((_BPW, 2 * D), jnp.float32),
            pltpu.VMEM((_BPW,), jnp.int32),
            pltpu.VMEM((_BPW, 128), jnp.float32),
            [pltpu.SemaphoreType.DMA] * _NBUF,
            pltpu.SemaphoreType.DMA,
            pltpu.SemaphoreType.DMA,
        ],
        compiler_params=pltpu.CompilerParams(
            use_tc_tiling_on_sc=True, needs_layout_passes=False,
            skip_device_barrier=True),
    )


def _tc_dist_body(femb_ref, out3_ref, prow_ref, loss_ref, lower_ref, higher_ref,
                  fembT_ref):
    i = pl.program_id(0)

    @pl.when(i == 0)
    def _():
        for w in range(_NW):
            fembT_ref[:, pl.ds(w * _BPW, _BPW)] = out3_ref[w]
    cL = femb_ref[:, :D]
    cH = femb_ref[:, D:]
    accL = jnp.zeros((_ROWS, B), jnp.float32)
    accH = jnp.zeros((_ROWS, B), jnp.float32)
    for d in range(D):
        accL = accL + jnp.abs(cL[:, d:d + 1] - fembT_ref[d:d + 1, :])
        accH = accH + jnp.abs(cH[:, d:d + 1] - fembT_ref[D + d:D + d + 1, :])
    lower_ref[...] = accL
    higher_ref[...] = accH

    pL = prow_ref[:, :D] + CR
    pH = prow_ref[:, D:2 * D] + CR
    part = (jnp.sum(jnp.maximum(pL - cL, 0.0))
            + jnp.sum(jnp.maximum(cH - pH, 0.0))
            + jnp.sum(jnp.maximum(pL - cH, 0.0))
            + jnp.sum(jnp.maximum(cL - pH, 0.0)))

    @pl.when(i == 0)
    def _():
        loss_ref[0, 0] = 0.0

    loss_ref[0, 0] += part


_tc_dist = pl.pallas_call(
    _tc_dist_body,
    grid=(_GRID,),
    in_specs=[
        pl.BlockSpec((_ROWS, 2 * D), lambda i: (i, 0)),
        pl.BlockSpec((_NW, 2 * D, _BPW), lambda i: (0, 0, 0)),
        pl.BlockSpec((_ROWS, 128), lambda i: (i, 0)),
    ],
    scratch_shapes=[pltpu.VMEM((2 * D, B), jnp.float32)],
    out_specs=[
        pl.BlockSpec(memory_space=pltpu.SMEM),
        pl.BlockSpec((_ROWS, B), lambda i: (i, 0)),
        pl.BlockSpec((_ROWS, B), lambda i: (i, 0)),
    ],
    out_shape=[
        jax.ShapeDtypeStruct((1, 1), jnp.float32),
        jax.ShapeDtypeStruct((B, B), jnp.float32),
        jax.ShapeDtypeStruct((B, B), jnp.float32),
    ],
)


@jax.jit
def kernel(idIndexes, omegaEmb, epoch, childrenEmbedding, res, parentIds):
    idx = idIndexes.astype(jnp.int32)
    ptab = parentIds.astype(jnp.int32)
    resp = jnp.pad(res, ((0, 0), (0, 128 - 2 * D)))
    out3, femb, prow = _sc_children()(idx, childrenEmbedding.T, ptab, resp)
    loss, lower, higher = _tc_dist(femb, out3, prow)
    return (loss[0, 0], lower, higher)

# --- scband reference (transcript-rebuilt; emitter-appended) ---
"""Pipeline reference for scband-hierarchy-model-20237885898964 (READ-ONLY COPY).

The authoritative reference and input builder live on the scoring server;
editing this copy changes nothing except your own understanding.
"""

import jax, jax.numpy as jnp
import numpy as np

V = 1000000
P = 10000
D = 16
B = 1024
CR = 1.0
LAYER = 0


def setup_inputs(seed: int = 0) -> dict:
    key = jax.random.key(seed)
    k1, k2, k3, k4, k5, k6 = jax.random.split(key, 6)
    # childrenEmbedding init mirrors HierarchyModel.__init__: lower bound uniform in
    # [CR*(layer+1), CR*(layer+2)] per dim, higher = lower + leaves-ratio * CR.
    counts = jax.random.randint(k1, (V,), 1, 100).astype(jnp.float32)
    ratio = counts / jnp.sum(counts)
    lower = jax.random.uniform(k2, (V, D), minval=CR * (LAYER + 1), maxval=CR * (LAYER + 2), dtype=jnp.float32)
    higher = lower + (ratio * CR)[:, None]
    childrenEmbedding = jnp.concatenate([lower, higher], axis=1)
    # res: parent-layer result embeddings [P, 2D] (buffer, not a learned Parameter)
    res = jax.random.uniform(k3, (P, 2 * D), minval=0.0, maxval=CR, dtype=jnp.float32)
    # parentDict as a dense child->parent id map
    parentIds = jax.random.randint(k4, (V,), 0, P)
    idIndexes = jax.random.randint(k5, (B,), 0, V)
    omegaEmb = jax.random.normal(k6, (B, D), dtype=jnp.float32)
    return {"idIndexes": idIndexes, "omegaEmb": omegaEmb, "epoch": 0,
            "childrenEmbedding": childrenEmbedding, "res": res, "parentIds": parentIds}


def _pairwise_dist(lb):
    # faithful to calcLowerBoundDist: emb1 = reshape(lb.T,(numel,1)).repeat(1,n); emb2 = repeat_interleave(lb.T, n, 0)
    n = lb.shape[0]
    emb1 = jnp.tile(jnp.reshape(lb.T, (lb.size, 1)), (1, n))
    emb2 = jnp.repeat(lb.T, n, axis=0)
    d = jnp.abs(emb1 - emb2)
    return jnp.sum(d.reshape(D, n, n), axis=0)


def reference(idIndexes, omegaEmb, epoch, childrenEmbedding, res, parentIds):
    # embedding lookup: index_select(childrenEmbedding, 0, idIndexes)
    finalEmb = jnp.take(childrenEmbedding, idIndexes, axis=0)
    resL, resH = res[:, :D], res[:, D:]
    cL, cH = finalEmb[:, :D], finalEmb[:, D:]
    # parent lookup (itemgetter over parentDict -> gather on dense map)
    pids = jnp.take(parentIds, idIndexes, axis=0)
    pL = jnp.take(resL, pids, axis=0) + CR
    pH = jnp.take(resH, pids, axis=0) + CR
    e11 = pL - cL
    e12 = pL - cH
    e21 = cH - pH
    e22 = cL - pH
    lossExceed = (jnp.sum(jax.nn.relu(e11)) + jnp.sum(jax.nn.relu(e21))
                  + jnp.sum(jax.nn.relu(e12)) + jnp.sum(jax.nn.relu(e22)))
    # pairwise lower/higher-bound distance tensors built in the (truncated) tail of forward
    lowerDist = _pairwise_dist(cL)
    higherDist = _pairwise_dist(cH)
    return (lossExceed, lowerDist, higherDist)

if __name__ == "__main__":
    import jax
    _d = setup_inputs()
    print(jax.jit(kernel)(*tuple(_d.values())))

</pallas_src>

<mosaic_0001>
#map = affine_map<(d0, d1) -> (0)>
#map1 = affine_map<(d0, d1) -> (0, 0)>
#map2 = affine_map<(d0, d1) -> (0, 0, 0)>
module attributes {stable_mosaic.version = 14 : i64} {
  func.func @_sc_children_body(%arg0: i32, %arg1: i32, %arg2: memref<1024xi32, #tpu.memory_space<hbm>>, %arg3: memref<32x1000000xf32, #tpu.memory_space<hbm>>, %arg4: memref<1000000xi32, #tpu.memory_space<hbm>>, %arg5: memref<10000x128xf32, #tpu.memory_space<hbm>>, %arg6: memref<32x32x32xf32, #tpu.memory_space<hbm>>, %arg7: memref<1024x32xf32, #tpu.memory_space<hbm>>, %arg8: memref<1024x128xf32, #tpu.memory_space<hbm>>, %arg9: memref<32xi32, #tpu.memory_space<vmem>>, %arg10: memref<32x64xf32, #tpu.memory_space<vmem>>, %arg11: memref<8x32x128xf32, #tpu.memory_space<vmem>>, %arg12: memref<32x32xf32, #tpu.memory_space<vmem>>, %arg13: memref<32x32xf32, #tpu.memory_space<vmem>>, %arg14: memref<32xi32, #tpu.memory_space<vmem>>, %arg15: memref<32x128xf32, #tpu.memory_space<vmem>>, %arg16: memref<!tpu.dma_semaphore, #tpu.memory_space<semaphore_mem>>, %arg17: memref<!tpu.dma_semaphore, #tpu.memory_space<semaphore_mem>>, %arg18: memref<!tpu.dma_semaphore, #tpu.memory_space<semaphore_mem>>, %arg19: memref<!tpu.dma_semaphore, #tpu.memory_space<semaphore_mem>>, %arg20: memref<!tpu.dma_semaphore, #tpu.memory_space<semaphore_mem>>, %arg21: memref<!tpu.dma_semaphore, #tpu.memory_space<semaphore_mem>>, %arg22: memref<!tpu.dma_semaphore, #tpu.memory_space<semaphore_mem>>, %arg23: memref<!tpu.dma_semaphore, #tpu.memory_space<semaphore_mem>>, %arg24: memref<!tpu.dma_semaphore, #tpu.memory_space<semaphore_mem>>, %arg25: memref<!tpu.dma_semaphore, #tpu.memory_space<semaphore_mem>>) attributes {dimension_semantics = [#tpu.dimension_semantics<core_parallel>, #tpu.dimension_semantics<subcore_parallel>], iteration_bounds = array<i64: 2, 16>, scalar_prefetch = 0 : i64, scratch_operands = 17 : i64, tpu.core_type = #tpu.core_type<sc_vector_subcore>, window_params = [{transform_indices = #map}, {transform_indices = #map1}, {transform_indices = #map}, {transform_indices = #map1}, {transform_indices = #map2}, {transform_indices = #map1}, {transform_indices = #map1}]} {
    %mul3A = arith.constant 2 : i32
    %mul3A_0 = arith.muli %arg1, %mul3A : i32
    %add3A = arith.addi %mul3A_0, %arg0 : i32
    %mul3A_1 = arith.constant 32 : i32
    %mul3A_2 = arith.muli %add3A, %mul3A_1 : i32
    "tpu.region"() ({
      %run_scoped3A = tpu.sem_alloc : memref<!tpu.dma_semaphore, #tpu.memory_space<semaphore_mem>>
      %dma_start3A_3454 = tpu.memref_slice %arg2[%mul3A_2] : memref<1024xi32, #tpu.memory_space<hbm>> -> memref<32xi32, #tpu.memory_space<hbm>>
      %dma_start3A_3455 = tpu.memref_slice %arg2[%mul3A_2] : memref<1024xi32, #tpu.memory_space<hbm>> -> memref<32xi32, #tpu.memory_space<hbm>>
      tpu.enqueue_dma source(%dma_start3A_3455 : memref<32xi32, #tpu.memory_space<hbm>>) target(%arg9 : memref<32xi32, #tpu.memory_space<vmem>>) target_semaphore(%run_scoped3A : memref<!tpu.dma_semaphore, #tpu.memory_space<semaphore_mem>>)
      %dma_wait3A_3456 = tpu.memref_slice %arg2[%mul3A_2] : memref<1024xi32, #tpu.memory_space<hbm>> -> memref<32xi32, #tpu.memory_space<hbm>>
      %dma_wait3A_3457 = tpu.memref_slice %arg2[%mul3A_2] : memref<1024xi32, #tpu.memory_space<hbm>> -> memref<32xi32, #tpu.memory_space<hbm>>
      tpu.wait_dma2 semaphore(%run_scoped3A : memref<!tpu.dma_semaphore, #tpu.memory_space<semaphore_mem>>) src(%dma_wait3A_3457 : memref<32xi32, #tpu.memory_space<hbm>>) dst(%arg9 : memref<32xi32, #tpu.memory_space<vmem>>)
      tpu.yield
    }) : () -> ()
    %dma_start3A = arith.constant 0 : i32
    %dma_start3A_3 = tpu.memref_slice %arg4[%dma_start3A] : memref<1000000xi32, #tpu.memory_space<hbm>> -> memref<1000000xi32, #tpu.memory_space<hbm>>
    tpu.enqueue_indirect_dma source(%dma_start3A_3 : memref<1000000xi32, #tpu.memory_space<hbm>>) target(%arg14 : memref<32xi32, #tpu.memory_space<vmem>>) offsets(%arg9 : memref<32xi32, #tpu.memory_space<vmem>>) semaphore(%arg24 : memref<!tpu.dma_semaphore, #tpu.memory_space<semaphore_mem>>)
    "tpu.region"() ({
      %run_scoped3A = tpu.sem_alloc : memref<!tpu.dma_semaphore, #tpu.memory_space<semaphore_mem>>
      %dma_start3A_3454 = arith.constant 0 : i32
      %dma_start3A_3455 = arith.constant 999936 : i32
      %dma_start3A_3456 = tpu.memref_slice %arg3[%dma_start3A_3454, %dma_start3A_3455] : memref<32x1000000xf32, #tpu.memory_space<hbm>> -> memref<32x64xf32, #tpu.memory_space<hbm>>
      %dma_start3A_3457 = arith.constant 0 : i32
      %dma_start3A_3458 = arith.constant 999936 : i32
      %dma_start3A_3459 = tpu.memref_slice %arg3[%dma_start3A_3457, %dma_start3A_3458] : memref<32x1000000xf32, #tpu.memory_space<hbm>> -> memref<32x64xf32, #tpu.memory_space<hbm>>
      tpu.enqueue_dma source(%dma_start3A_3459 : memref<32x64xf32, #tpu.memory_space<hbm>>) target(%arg10 : memref<32x64xf32, #tpu.memory_space<vmem>>) target_semaphore(%run_scoped3A : memref<!tpu.dma_semaphore, #tpu.memory_space<semaphore_mem>>)
      %dma_wait3A_3460 = arith.constant 0 : i32
      %dma_wait3A_3461 = arith.constant 999936 : i32
      %dma_wait3A_3462 = tpu.memref_slice %arg3[%dma_wait3A_3460, %dma_wait3A_3461] : memref<32x1000000xf32, #tpu.memory_space<hbm>> -> memref<32x64xf32, #tpu.memory_space<hbm>>
      %dma_wait3A_3463 = arith.constant 0 : i32
      %dma_wait3A_3464 = arith.constant 999936 : i32
      %dma_wait3A_3465 = tpu.memref_slice %arg3[%dma_wait3A_3463, %dma_wait3A_3464] : memref<32x1000000xf32, #tpu.memory_space<hbm>> -> memref<32x64xf32, #tpu.memory_space<hbm>>
      tpu.wait_dma2 semaphore(%run_scoped3A : memref<!tpu.dma_semaphore, #tpu.memory_space<semaphore_mem>>) src(%dma_wait3A_3465 : memref<32x64xf32, #tpu.memory_space<hbm>>) dst(%arg10 : memref<32x64xf32, #tpu.memory_space<vmem>>)
      tpu.yield
    }) : () -> ()
    %iota3A = tpu.iota {dimensions = array<i32: 0>} : vector<16xi32>
    %get3A = arith.constant 0 : index
    %get3A_4 = tpu.vector_load %arg9[%get3A] {strides = array<i32>} : memref<32xi32, #tpu.memory_space<vmem>>, vector<16xi32>,
    %get3A_5 = arith.constant 16 : index
    %get3A_6 = tpu.vector_load %arg9[%get3A_5] {strides = array<i32>} : memref<32xi32, #tpu.memory_space<vmem>>, vector<16xi32>,
    %eq3A = arith.constant 0 : i32
    %eq3A_7 = vector.broadcast %eq3A : i32 to vector<16xi32>
    %eq3A_8 = arith.cmpi eq, %iota3A, %eq3A_7 : vector<16xi32>
    %jit3A = arith.constant 0 : i32
    %broadcast_in_dim3A = vector.broadcast %jit3A : i32 to vector<16xi32>
    %select_n3A = arith.select %eq3A_8, %get3A_4, %broadcast_in_dim3A : vector<16xi1>, vector<16xi32>
    %reduce_sum3A = arith.constant true
    %reduce_sum3A_9 = vector.broadcast %reduce_sum3A : i1 to vector<16xi1>
    %reduce_sum3A_10 = tpu.scan <sum>, %select_n3A masked %reduce_sum3A_9 : vector<16xi32>, vector<16xi1> -> vector<16xi32>
    %reduce_sum3A_11 = vector.extract %reduce_sum3A_10[15] : i32 from vector<16xi32>
    %eq3A_12 = arith.constant 1 : i32
    %eq3A_13 = vector.broadcast %eq3A_12 : i32 to vector<16xi32>
    %eq3A_14 = arith.cmpi eq, %iota3A, %eq3A_13 : vector<16xi32>
    %jit3A_15 = arith.constant 0 : i32
    %broadcast_in_dim3A_16 = vector.broadcast %jit3A_15 : i32 to vector<16xi32>
    %select_n3A_17 = arith.select %eq3A_14, %get3A_4, %broadcast_in_dim3A_16 : vector<16xi1>, vector<16xi32>
    %reduce_sum3A_18 = arith.constant true
    %reduce_sum3A_19 = vector.broadcast %reduce_sum3A_18 : i1 to vector<16xi1>
    %reduce_sum3A_20 = tpu.scan <sum>, %select_n3A_17 masked %reduce_sum3A_19 : vector<16xi32>, vector<16xi1> -> vector<16xi32>
    %reduce_sum3A_21 = vector.extract %reduce_sum3A_20[15] : i32 from vector<16xi32>
    %eq3A_22 = arith.constant 2 : i32
    %eq3A_23 = vector.broadcast %eq3A_22 : i32 to vector<16xi32>
    %eq3A_24 = arith.cmpi eq, %iota3A, %eq3A_23 : vector<16xi32>
    %jit3A_25 = arith.constant 0 : i32
    %broadcast_in_dim3A_26 = vector.broadcast %jit3A_25 : i32 to vector<16xi32>
    %select_n3A_27 = arith.select %eq3A_24, %get3A_4, %broadcast_in_dim3A_26 : vector<16xi1>, vector<16xi32>
    %reduce_sum3A_28 = arith.constant true
    %reduce_sum3A_29 = vector.broadcast %reduce_sum3A_28 : i1 to vector<16xi1>
    %reduce_sum3A_30 = tpu.scan <sum>, %select_n3A_27 masked %reduce_sum3A_29 : vector<16xi32>, vector<16xi1> -> vector<16xi32>
    %reduce_sum3A_31 = vector.extract %reduce_sum3A_30[15] : i32 from vector<16xi32>
    %eq3A_32 = arith.constant 3 : i32
    %eq3A_33 = vector.broadcast %eq3A_32 : i32 to vector<16xi32>
    %eq3A_34 = arith.cmpi eq, %iota3A, %eq3A_33 : vector<16xi32>
    %jit3A_35 = arith.constant 0 : i32
    %broadcast_in_dim3A_36 = vector.broadcast %jit3A_35 : i32 to vector<16xi32>
    %select_n3A_37 = arith.select %eq3A_34, %get3A_4, %broadcast_in_dim3A_36 : vector<16xi1>, vector<16xi32>
    %reduce_sum3A_38 = arith.constant true
    %reduce_sum3A_39 = vector.broadcast %reduce_sum3A_38 : i1 to vector<16xi1>
    %reduce_sum3A_40 = tpu.scan <sum>, %select_n3A_37 masked %reduce_sum3A_39 : vector<16xi32>, vector<16xi1> -> vector<16xi32>
    %reduce_sum3A_41 = vector.extract %reduce_sum3A_40[15] : i32 from vector<16xi32>
    %eq3A_42 = arith.constant 4 : i32
    %eq3A_43 = vector.broadcast %eq3A_42 : i32 to vector<16xi32>
    %eq3A_44 = arith.cmpi eq, %iota3A, %eq3A_43 : vector<16xi32>
    %jit3A_45 = arith.constant 0 : i32
    %broadcast_in_dim3A_46 = vector.broadcast %jit3A_45 : i32 to vector<16xi32>
    %select_n3A_47 = arith.select %eq3A_44, %get3A_4, %broadcast_in_dim3A_46 : vector<16xi1>, vector<16xi32>
    %reduce_sum3A_48 = arith.constant true
    %reduce_sum3A_49 = vector.broadcast %reduce_sum3A_48 : i1 to vector<16xi1>
    %reduce_sum3A_50 = tpu.scan <sum>, %select_n3A_47 masked %reduce_sum3A_49 : vector<16xi32>, vector<16xi1> -> vector<16xi32>
    %reduce_sum3A_51 = vector.extract %reduce_sum3A_50[15] : i32 from vector<16xi32>
    %eq3A_52 = arith.constant 5 : i32
    %eq3A_53 = vector.broadcast %eq3A_52 : i32 to vector<16xi32>
    %eq3A_54 = arith.cmpi eq, %iota3A, %eq3A_53 : vector<16xi32>
    %jit3A_55 = arith.constant 0 : i32
    %broadcast_in_dim3A_56 = vector.broadcast %jit3A_55 : i32 to vector<16xi32>
    %select_n3A_57 = arith.select %eq3A_54, %get3A_4, %broadcast_in_dim3A_56 : vector<16xi1>, vector<16xi32>
    %reduce_sum3A_58 = arith.constant true
    %reduce_sum3A_59 = vector.broadcast %reduce_sum3A_58 : i1 to vector<16xi1>
    %reduce_sum3A_60 = tpu.scan <sum>, %select_n3A_57 masked %reduce_sum3A_59 : vector<16xi32>, vector<16xi1> -> vector<16xi32>
    %reduce_sum3A_61 = vector.extract %reduce_sum3A_60[15] : i32 from vector<16xi32>
    %eq3A_62 = arith.constant 6 : i32
    %eq3A_63 = vector.broadcast %eq3A_62 : i32 to vector<16xi32>
    %eq3A_64 = arith.cmpi eq, %iota3A, %eq3A_63 : vector<16xi32>
    %jit3A_65 = arith.constant 0 : i32
    %broadcast_in_dim3A_66 = vector.broadcast %jit3A_65 : i32 to vector<16xi32>
    %select_n3A_67 = arith.select %eq3A_64, %get3A_4, %broadcast_in_dim3A_66 : vector<16xi1>, vector<16xi32>
    %reduce_sum3A_68 = arith.constant true
    %reduce_sum3A_69 = vector.broadcast %reduce_sum3A_68 : i1 to vector<16xi1>
    %reduce_sum3A_70 = tpu.scan <sum>, %select_n3A_67 masked %reduce_sum3A_69 : vector<16xi32>, vector<16xi1> -> vector<16xi32>
    %reduce_sum3A_71 = vector.extract %reduce_sum3A_70[15] : i32 from vector<16xi32>
    %eq3A_72 = arith.constant 7 : i32
    %eq3A_73 = vector.broadcast %eq3A_72 : i32 to vector<16xi32>
    %eq3A_74 = arith.cmpi eq, %iota3A, %eq3A_73 : vector<16xi32>
    %jit3A_75 = arith.constant 0 : i32
    %broadcast_in_dim3A_76 = vector.broadcast %jit3A_75 : i32 to vector<16xi32>
    %select_n3A_77 = arith.select %eq3A_74, %get3A_4, %broadcast_in_dim3A_76 : vector<16xi1>, vector<16xi32>
    %reduce_sum3A_78 = arith.constant true
    %reduce_sum3A_79 = vector.broadcast %reduce_sum3A_78 : i1 to vector<16xi1>
    %reduce_sum3A_80 = tpu.scan <sum>, %select_n3A_77 masked %reduce_sum3A_79 : vector<16xi32>, vector<16xi1> -> vector<16xi32>
    %reduce_sum3A_81 = vector.extract %reduce_sum3A_80[15] : i32 from vector<16xi32>
    %eq3A_82 = arith.constant 8 : i32
    %eq3A_83 = vector.broadcast %eq3A_82 : i32 to vector<16xi32>
    %eq3A_84 = arith.cmpi eq, %iota3A, %eq3A_83 : vector<16xi32>
    %jit3A_85 = arith.constant 0 : i32
    %broadcast_in_dim3A_86 = vector.broadcast %jit3A_85 : i32 to vector<16xi32>
    %select_n3A_87 = arith.select %eq3A_84, %get3A_4, %broadcast_in_dim3A_86 : vector<16xi1>, vector<16xi32>
    %reduce_sum3A_88 = arith.constant true
    %reduce_sum3A_89 = vector.broadcast %reduce_sum3A_88 : i1 to vector<16xi1>
    %reduce_sum3A_90 = tpu.scan <sum>, %select_n3A_87 masked %reduce_sum3A_89 : vector<16xi32>, vector<16xi1> -> vector<16xi32>
    %reduce_sum3A_91 = vector.extract %reduce_sum3A_90[15] : i32 from vector<16xi32>
    %eq3A_92 = arith.constant 9 : i32
    %eq3A_93 = vector.broadcast %eq3A_92 : i32 to vector<16xi32>
    %eq3A_94 = arith.cmpi eq, %iota3A, %eq3A_93 : vector<16xi32>
    %jit3A_95 = arith.constant 0 : i32
    %broadcast_in_dim3A_96 = vector.broadcast %jit3A_95 : i32 to vector<16xi32>
    %select_n3A_97 = arith.select %eq3A_94, %get3A_4, %broadcast_in_dim3A_96 : vector<16xi1>, vector<16xi32>
    %reduce_sum3A_98 = arith.constant true
    %reduce_sum3A_99 = vector.broadcast %reduce_sum3A_98 : i1 to vector<16xi1>
    %reduce_sum3A_100 = tpu.scan <sum>, %select_n3A_97 masked %reduce_sum3A_99 : vector<16xi32>, vector<16xi1> -> vector<16xi32>
    %reduce_sum3A_101 = vector.extract %reduce_sum3A_100[15] : i32 from vector<16xi32>
    %eq3A_102 = arith.constant 10 : i32
    %eq3A_103 = vector.broadcast %eq3A_102 : i32 to vector<16xi32>
    %eq3A_104 = arith.cmpi eq, %iota3A, %eq3A_103 : vector<16xi32>
    %jit3A_105 = arith.constant 0 : i32
    %broadcast_in_dim3A_106 = vector.broadcast %jit3A_105 : i32 to vector<16xi32>
    %select_n3A_107 = arith.select %eq3A_104, %get3A_4, %broadcast_in_dim3A_106 : vector<16xi1>, vector<16xi32>
    %reduce_sum3A_108 = arith.constant true
    %reduce_sum3A_109 = vector.broadcast %reduce_sum3A_108 : i1 to vector<16xi1>
    %reduce_sum3A_110 = tpu.scan <sum>, %select_n3A_107 masked %reduce_sum3A_109 : vector<16xi32>, vector<16xi1> -> vector<16xi32>
    %reduce_sum3A_111 = vector.extract %reduce_sum3A_110[15] : i32 from vector<16xi32>
    %eq3A_112 = arith.constant 11 : i32
    %eq3A_113 = vector.broadcast %eq3A_112 : i32 to vector<16xi32>
    %eq3A_114 = arith.cmpi eq, %iota3A, %eq3A_113 : vector<16xi32>
    %jit3A_115 = arith.constant 0 : i32
    %broadcast_in_dim3A_116 = vector.broadcast %jit3A_115 : i32 to vector<16xi32>
    %select_n3A_117 = arith.select %eq3A_114, %get3A_4, %broadcast_in_dim3A_116 : vector<16xi1>, vector<16xi32>
    %reduce_sum3A_118 = arith.constant true
    %reduce_sum3A_119 = vector.broadcast %reduce_sum3A_118 : i1 to vector<16xi1>
    %reduce_sum3A_120 = tpu.scan <sum>, %select_n3A_117 masked %reduce_sum3A_119 : vector<16xi32>, vector<16xi1> -> vector<16xi32>
    %reduce_sum3A_121 = vector.extract %reduce_sum3A_120[15] : i32 from vector<16xi32>
    %eq3A_122 = arith.constant 12 : i32
    %eq3A_123 = vector.broadcast %eq3A_122 : i32 to vector<16xi32>
    %eq3A_124 = arith.cmpi eq, %iota3A, %eq3A_123 : vector<16xi32>
    %jit3A_125 = arith.constant 0 : i32
    %broadcast_in_dim3A_126 = vector.broadcast %jit3A_125 : i32 to vector<16xi32>
    %select_n3A_127 = arith.select %eq3A_124, %get3A_4, %broadcast_in_dim3A_126 : vector<16xi1>, vector<16xi32>
    %reduce_sum3A_128 = arith.constant true
    %reduce_sum3A_129 = vector.broadcast %reduce_sum3A_128 : i1 to vector<16xi1>
    %reduce_sum3A_130 = tpu.scan <sum>, %select_n3A_127 masked %reduce_sum3A_129 : vector<16xi32>, vector<16xi1> -> vector<16xi32>
    %reduce_sum3A_131 = vector.extract %reduce_sum3A_130[15] : i32 from vector<16xi32>
    %eq3A_132 = arith.constant 13 : i32
    %eq3A_133 = vector.broadcast %eq3A_132 : i32 to vector<16xi32>
    %eq3A_134 = arith.cmpi eq, %iota3A, %eq3A_133 : vector<16xi32>
    %jit3A_135 = arith.constant 0 : i32
    %broadcast_in_dim3A_136 = vector.broadcast %jit3A_135 : i32 to vector<16xi32>
    %select_n3A_137 = arith.select %eq3A_134, %get3A_4, %broadcast_in_dim3A_136 : vector<16xi1>, vector<16xi32>
    %reduce_sum3A_138 = arith.constant true
    %reduce_sum3A_139 = vector.broadcast %reduce_sum3A_138 : i1 to vector<16xi1>
    %reduce_sum3A_140 = tpu.scan <sum>, %select_n3A_137 masked %reduce_sum3A_139 : vector<16xi32>, vector<16xi1> -> vector<16xi32>
    %reduce_sum3A_141 = vector.extract %reduce_sum3A_140[15] : i32 from vector<16xi32>
    %eq3A_142 = arith.constant 14 : i32
    %eq3A_143 = vector.broadcast %eq3A_142 : i32 to vector<16xi32>
    %eq3A_144 = arith.cmpi eq, %iota3A, %eq3A_143 : vector<16xi32>
    %jit3A_145 = arith.constant 0 : i32
    %broadcast_in_dim3A_146 = vector.broadcast %jit3A_145 : i32 to vector<16xi32>
    %select_n3A_147 = arith.select %eq3A_144, %get3A_4, %broadcast_in_dim3A_146 : vector<16xi1>, vector<16xi32>
    %reduce_sum3A_148 = arith.constant true
    %reduce_sum3A_149 = vector.broadcast %reduce_sum3A_148 : i1 to vector<16xi1>
    %reduce_sum3A_150 = tpu.scan <sum>, %select_n3A_147 masked %reduce_sum3A_149 : vector<16xi32>, vector<16xi1> -> vector<16xi32>
    %reduce_sum3A_151 = vector.extract %reduce_sum3A_150[15] : i32 from vector<16xi32>
    %eq3A_152 = arith.constant 15 : i32
    %eq3A_153 = vector.broadcast %eq3A_152 : i32 to vector<16xi32>
    %eq3A_154 = arith.cmpi eq, %iota3A, %eq3A_153 : vector<16xi32>
    %jit3A_155 = arith.constant 0 : i32
    %broadcast_in_dim3A_156 = vector.broadcast %jit3A_155 : i32 to vector<16xi32>
    %select_n3A_157 = arith.select %eq3A_154, %get3A_4, %broadcast_in_dim3A_156 : vector<16xi1>, vector<16xi32>
    %reduce_sum3A_158 = arith.constant true
    %reduce_sum3A_159 = vector.broadcast %reduce_sum3A_158 : i1 to vector<16xi1>
    %reduce_sum3A_160 = tpu.scan <sum>, %select_n3A_157 masked %reduce_sum3A_159 : vector<16xi32>, vector<16xi1> -> vector<16xi32>
    %reduce_sum3A_161 = vector.extract %reduce_sum3A_160[15] : i32 from vector<16xi32>
    %eq3A_162 = arith.constant 0 : i32
    %eq3A_163 = vector.broadcast %eq3A_162 : i32 to vector<16xi32>
    %eq3A_164 = arith.cmpi eq, %iota3A, %eq3A_163 : vector<16xi32>
    %jit3A_165 = arith.constant 0 : i32
    %broadcast_in_dim3A_166 = vector.broadcast %jit3A_165 : i32 to vector<16xi32>
    %select_n3A_167 = arith.select %eq3A_164, %get3A_6, %broadcast_in_dim3A_166 : vector<16xi1>, vector<16xi32>
    %reduce_sum3A_168 = arith.constant true
    %reduce_sum3A_169 = vector.broadcast %reduce_sum3A_168 : i1 to vector<16xi1>
    %reduce_sum3A_170 = tpu.scan <sum>, %select_n3A_167 masked %reduce_sum3A_169 : vector<16xi32>, vector<16xi1> -> vector<16xi32>
    %reduce_sum3A_171 = vector.extract %reduce_sum3A_170[15] : i32 from vector<16xi32>
    %eq3A_172 = arith.constant 1 : i32
    %eq3A_173 = vector.broadcast %eq3A_172 : i32 to vector<16xi32>
    %eq3A_174 = arith.cmpi eq, %iota3A, %eq3A_173 : vector<16xi32>
    %jit3A_175 = arith.constant 0 : i32
    %broadcast_in_dim3A_176 = vector.broadcast %jit3A_175 : i32 to vector<16xi32>
    %select_n3A_177 = arith.select %eq3A_174, %get3A_6, %broadcast_in_dim3A_176 : vector<16xi1>, vector<16xi32>
    %reduce_sum3A_178 = arith.constant true
    %reduce_sum3A_179 = vector.broadcast %reduce_sum3A_178 : i1 to vector<16xi1>
    %reduce_sum3A_180 = tpu.scan <sum>, %select_n3A_177 masked %reduce_sum3A_179 : vector<16xi32>, vector<16xi1> -> vector<16xi32>
    %reduce_sum3A_181 = vector.extract %reduce_sum3A_180[15] : i32 from vector<16xi32>
    %eq3A_182 = arith.constant 2 : i32
    %eq3A_183 = vector.broadcast %eq3A_182 : i32 to vector<16xi32>
    %eq3A_184 = arith.cmpi eq, %iota3A, %eq3A_183 : vector<16xi32>
    %jit3A_185 = arith.constant 0 : i32
    %broadcast_in_dim3A_186 = vector.broadcast %jit3A_185 : i32 to vector<16xi32>
    %select_n3A_187 = arith.select %eq3A_184, %get3A_6, %broadcast_in_dim3A_186 : vector<16xi1>, vector<16xi32>
    %reduce_sum3A_188 = arith.constant true
    %reduce_sum3A_189 = vector.broadcast %reduce_sum3A_188 : i1 to vector<16xi1>
    %reduce_sum3A_190 = tpu.scan <sum>, %select_n3A_187 masked %reduce_sum3A_189 : vector<16xi32>, vector<16xi1> -> vector<16xi32>
    %reduce_sum3A_191 = vector.extract %reduce_sum3A_190[15] : i32 from vector<16xi32>
    %eq3A_192 = arith.constant 3 : i32
    %eq3A_193 = vector.broadcast %eq3A_192 : i32 to vector<16xi32>
    %eq3A_194 = arith.cmpi eq, %iota3A, %eq3A_193 : vector<16xi32>
    %jit3A_195 = arith.constant 0 : i32
    %broadcast_in_dim3A_196 = vector.broadcast %jit3A_195 : i32 to vector<16xi32>
    %select_n3A_197 = arith.select %eq3A_194, %get3A_6, %broadcast_in_dim3A_196 : vector<16xi1>, vector<16xi32>
    %reduce_sum3A_198 = arith.constant true
    %reduce_sum3A_199 = vector.broadcast %reduce_sum3A_198 : i1 to vector<16xi1>
    %reduce_sum3A_200 = tpu.scan <sum>, %select_n3A_197 masked %reduce_sum3A_199 : vector<16xi32>, vector<16xi1> -> vector<16xi32>
    %reduce_sum3A_201 = vector.extract %reduce_sum3A_200[15] : i32 from vector<16xi32>
    %eq3A_202 = arith.constant 4 : i32
    %eq3A_203 = vector.broadcast %eq3A_202 : i32 to vector<16xi32>
    %eq3A_204 = arith.cmpi eq, %iota3A, %eq3A_203 : vector<16xi32>
    %jit3A_205 = arith.constant 0 : i32
    %broadcast_in_dim3A_206 = vector.broadcast %jit3A_205 : i32 to vector<16xi32>
    %select_n3A_207 = arith.select %eq3A_204, %get3A_6, %broadcast_in_dim3A_206 : vector<16xi1>, vector<16xi32>
    %reduce_sum3A_208 = arith.constant true
    %reduce_sum3A_209 = vector.broadcast %reduce_sum3A_208 : i1 to vector<16xi1>
    %reduce_sum3A_210 = tpu.scan <sum>, %select_n3A_207 masked %reduce_sum3A_209 : vector<16xi32>, vector<16xi1> -> vector<16xi32>
    %reduce_sum3A_211 = vector.extract %reduce_sum3A_210[15] : i32 from vector<16xi32>
    %eq3A_212 = arith.constant 5 : i32
    %eq3A_213 = vector.broadcast %eq3A_212 : i32 to vector<16xi32>
    %eq3A_214 = arith.cmpi eq, %iota3A, %eq3A_213 : vector<16xi32>
    %jit3A_215 = arith.constant 0 : i32
    %broadcast_in_dim3A_216 = vector.broadcast %jit3A_215 : i32 to vector<16xi32>
    %select_n3A_217 = arith.select %eq3A_214, %get3A_6, %broadcast_in_dim3A_216 : vector<16xi1>, vector<16xi32>
    %reduce_sum3A_218 = arith.constant true
    %reduce_sum3A_219 = vector.broadcast %reduce_sum3A_218 : i1 to vector<16xi1>
    %reduce_sum3A_220 = tpu.scan <sum>, %select_n3A_217 masked %reduce_sum3A_219 : vector<16xi32>, vector<16xi1> -> vector<16xi32>
    %reduce_sum3A_221 = vector.extract %reduce_sum3A_220[15] : i32 from vector<16xi32>
    %eq3A_222 = arith.constant 6 : i32
    %eq3A_223 = vector.broadcast %eq3A_222 : i32 to vector<16xi32>
    %eq3A_224 = arith.cmpi eq, %iota3A, %eq3A_223 : vector<16xi32>
    %jit3A_225 = arith.constant 0 : i32
    %broadcast_in_dim3A_226 = vector.broadcast %jit3A_225 : i32 to vector<16xi32>
    %select_n3A_227 = arith.select %eq3A_224, %get3A_6, %broadcast_in_dim3A_226 : vector<16xi1>, vector<16xi32>
    %reduce_sum3A_228 = arith.constant true
    %reduce_sum3A_229 = vector.broadcast %reduce_sum3A_228 : i1 to vector<16xi1>
    %reduce_sum3A_230 = tpu.scan <sum>, %select_n3A_227 masked %reduce_sum3A_229 : vector<16xi32>, vector<16xi1> -> vector<16xi32>
    %reduce_sum3A_231 = vector.extract %reduce_sum3A_230[15] : i32 from vector<16xi32>
    %eq3A_232 = arith.constant 7 : i32
    %eq3A_233 = vector.broadcast %eq3A_232 : i32 to vector<16xi32>
    %eq3A_234 = arith.cmpi eq, %iota3A, %eq3A_233 : vector<16xi32>
    %jit3A_235 = arith.constant 0 : i32
    %broadcast_in_dim3A_236 = vector.broadcast %jit3A_235 : i32 to vector<16xi32>
    %select_n3A_237 = arith.select %eq3A_234, %get3A_6, %broadcast_in_dim3A_236 : vector<16xi1>, vector<16xi32>
    %reduce_sum3A_238 = arith.constant true
    %reduce_sum3A_239 = vector.broadcast %reduce_sum3A_238 : i1 to vector<16xi1>
    %reduce_sum3A_240 = tpu.scan <sum>, %select_n3A_237 masked %reduce_sum3A_239 : vector<16xi32>, vector<16xi1> -> vector<16xi32>
    %reduce_sum3A_241 = vector.extract %reduce_sum3A_240[15] : i32 from vector<16xi32>
    %eq3A_242 = arith.constant 8 : i32
    %eq3A_243 = vector.broadcast %eq3A_242 : i32 to vector<16xi32>
    %eq3A_244 = arith.cmpi eq, %iota3A, %eq3A_243 : vector<16xi32>
    %jit3A_245 = arith.constant 0 : i32
    %broadcast_in_dim3A_246 = vector.broadcast %jit3A_245 : i32 to vector<16xi32>
    %select_n3A_247 = arith.select %eq3A_244, %get3A_6, %broadcast_in_dim3A_246 : vector<16xi1>, vector<16xi32>
    %reduce_sum3A_248 = arith.constant true
    %reduce_sum3A_249 = vector.broadcast %reduce_sum3A_248 : i1 to vector<16xi1>
    %reduce_sum3A_250 = tpu.scan <sum>, %select_n3A_247 masked %reduce_sum3A_249 : vector<16xi32>, vector<16xi1> -> vector<16xi32>
    %reduce_sum3A_251 = vector.extract %reduce_sum3A_250[15] : i32 from vector<16xi32>
    %eq3A_252 = arith.constant 9 : i32
    %eq3A_253 = vector.broadcast %eq3A_252 : i32 to vector<16xi32>
    %eq3A_254 = arith.cmpi eq, %iota3A, %eq3A_253 : vector<16xi32>
    %jit3A_255 = arith.constant 0 : i32
    %broadcast_in_dim3A_256 = vector.broadcast %jit3A_255 : i32 to vector<16xi32>
    %select_n3A_257 = arith.select %eq3A_254, %get3A_6, %broadcast_in_dim3A_256 : vector<16xi1>, vector<16xi32>
    %reduce_sum3A_258 = arith.constant true
    %reduce_sum3A_259 = vector.broadcast %reduce_sum3A_258 : i1 to vector<16xi1>
    %reduce_sum3A_260 = tpu.scan <sum>, %select_n3A_257 masked %reduce_sum3A_259 : vector<16xi32>, vector<16xi1> -> vector<16xi32>
    %reduce_sum3A_261 = vector.extract %reduce_sum3A_260[15] : i32 from vector<16xi32>
    %eq3A_262 = arith.constant 10 : i32
    %eq3A_263 = vector.broadcast %eq3A_262 : i32 to vector<16xi32>
    %eq3A_264 = arith.cmpi eq, %iota3A, %eq3A_263 : vector<16xi32>
    %jit3A_265 = arith.constant 0 : i32
    %broadcast_in_dim3A_266 = vector.broadcast %jit3A_265 : i32 to vector<16xi32>
    %select_n3A_267 = arith.select %eq3A_264, %get3A_6, %broadcast_in_dim3A_266 : vector<16xi1>, vector<16xi32>
    %reduce_sum3A_268 = arith.constant true
    %reduce_sum3A_269 = vector.broadcast %reduce_sum3A_268 : i1 to vector<16xi1>
    %reduce_sum3A_270 = tpu.scan <sum>, %select_n3A_267 masked %reduce_sum3A_269 : vector<16xi32>, vector<16xi1> -> vector<16xi32>
    %reduce_sum3A_271 = vector.extract %reduce_sum3A_270[15] : i32 from vector<16xi32>
    %eq3A_272 = arith.constant 11 : i32
    %eq3A_273 = vector.broadcast %eq3A_272 : i32 to vector<16xi32>
    %eq3A_274 = arith.cmpi eq, %iota3A, %eq3A_273 : vector<16xi32>
    %jit3A_275 = arith.constant 0 : i32
    %broadcast_in_dim3A_276 = vector.broadcast %jit3A_275 : i32 to vector<16xi32>
    %select_n3A_277 = arith.select %eq3A_274, %get3A_6, %broadcast_in_dim3A_276 : vector<16xi1>, vector<16xi32>
    %reduce_sum3A_278 = arith.constant true
    %reduce_sum3A_279 = vector.broadcast %reduce_sum3A_278 : i1 to vector<16xi1>
    %reduce_sum3A_280 = tpu.scan <sum>, %select_n3A_277 masked %reduce_sum3A_279 : vector<16xi32>, vector<16xi1> -> vector<16xi32>
    %reduce_sum3A_281 = vector.extract %reduce_sum3A_280[15] : i32 from vector<16xi32>
    %eq3A_282 = arith.constant 12 : i32
    %eq3A_283 = vector.broadcast %eq3A_282 : i32 to vector<16xi32>
    %eq3A_284 = arith.cmpi eq, %iota3A, %eq3A_283 : vector<16xi32>
    %jit3A_285 = arith.constant 0 : i32
    %broadcast_in_dim3A_286 = vector.broadcast %jit3A_285 : i32 to vector<16xi32>
    %select_n3A_287 = arith.select %eq3A_284, %get3A_6, %broadcast_in_dim3A_286 : vector<16xi1>, vector<16xi32>
    %reduce_sum3A_288 = arith.constant true
    %reduce_sum3A_289 = vector.broadcast %reduce_sum3A_288 : i1 to vector<16xi1>
    %reduce_sum3A_290 = tpu.scan <sum>, %select_n3A_287 masked %reduce_sum3A_289 : vector<16xi32>, vector<16xi1> -> vector<16xi32>
    %reduce_sum3A_291 = vector.extract %reduce_sum3A_290[15] : i32 from vector<16xi32>
    %eq3A_292 = arith.constant 13 : i32
    %eq3A_293 = vector.broadcast %eq3A_292 : i32 to vector<16xi32>
    %eq3A_294 = arith.cmpi eq, %iota3A, %eq3A_293 : vector<16xi32>
    %jit3A_295 = arith.constant 0 : i32
    %broadcast_in_dim3A_296 = vector.broadcast %jit3A_295 : i32 to vector<16xi32>
    %select_n3A_297 = arith.select %eq3A_294, %get3A_6, %broadcast_in_dim3A_296 : vector<16xi1>, vector<16xi32>
    %reduce_sum3A_298 = arith.constant true
    %reduce_sum3A_299 = vector.broadcast %reduce_sum3A_298 : i1 to vector<16xi1>
    %reduce_sum3A_300 = tpu.scan <sum>, %select_n3A_297 masked %reduce_sum3A_299 : vector<16xi32>, vector<16xi1> -> vector<16xi32>
    %reduce_sum3A_301 = vector.extract %reduce_sum3A_300[15] : i32 from vector<16xi32>
    %eq3A_302 = arith.constant 14 : i32
    %eq3A_303 = vector.broadcast %eq3A_302 : i32 to vector<16xi32>
    %eq3A_304 = arith.cmpi eq, %iota3A, %eq3A_303 : vector<16xi32>
    %jit3A_305 = arith.constant 0 : i32
    %broadcast_in_dim3A_306 = vector.broadcast %jit3A_305 : i32 to vector<16xi32>
    %select_n3A_307 = arith.select %eq3A_304, %get3A_6, %broadcast_in_dim3A_306 : vector<16xi1>, vector<16xi32>
    %reduce_sum3A_308 = arith.constant true
    %reduce_sum3A_309 = vector.broadcast %reduce_sum3A_308 : i1 to vector<16xi1>
    %reduce_sum3A_310 = tpu.scan <sum>, %select_n3A_307 masked %reduce_sum3A_309 : vector<16xi32>, vector<16xi1> -> vector<16xi32>
    %reduce_sum3A_311 = vector.extract %reduce_sum3A_310[15] : i32 from vector<16xi32>
    %eq3A_312 = arith.constant 15 : i32
    %eq3A_313 = vector.broadcast %eq3A_312 : i32 to vector<16xi32>
    %eq3A_314 = arith.cmpi eq, %iota3A, %eq3A_313 : vector<16xi32>
    %jit3A_315 = arith.constant 0 : i32
    %broadcast_in_dim3A_316 = vector.broadcast %jit3A_315 : i32 to vector<16xi32>
    %select_n3A_317 = arith.select %eq3A_314, %get3A_6, %broadcast_in_dim3A_316 : vector<16xi1>, vector<16xi32>
    %reduce_sum3A_318 = arith.constant true
    %reduce_sum3A_319 = vector.broadcast %reduce_sum3A_318 : i1 to vector<16xi1>
    %reduce_sum3A_320 = tpu.scan <sum>, %select_n3A_317 masked %reduce_sum3A_319 : vector<16xi32>, vector<16xi1> -> vector<16xi32>
    %reduce_sum3A_321 = vector.extract %reduce_sum3A_320[15] : i32 from vector<16xi32>
    %jit3A_322 = arith.constant 128 : i32
    %div3A = arith.divsi %reduce_sum3A_11, %jit3A_322 : i32
    %sign3A = arith.constant 0 : i32
    %sign3A_323 = arith.cmpi sgt, %reduce_sum3A_11, %sign3A : i32
    %sign3A_324 = arith.extui %sign3A_323 : i1 to i32
    %sign3A_325 = arith.constant 0 : i32
    %sign3A_326 = arith.cmpi slt, %reduce_sum3A_11, %sign3A_325 : i32
    %sign3A_327 = arith.extui %sign3A_326 : i1 to i32
    %sign3A_328 = arith.subi %sign3A_324, %sign3A_327 : i32
    %sign3A_329 = arith.constant 0 : i32
    %sign3A_330 = arith.cmpi sgt, %jit3A_322, %sign3A_329 : i32
    %sign3A_331 = arith.extui %sign3A_330 : i1 to i32
    %sign3A_332 = arith.constant 0 : i32
    %sign3A_333 = arith.cmpi slt, %jit3A_322, %sign3A_332 : i32
    %sign3A_334 = arith.extui %sign3A_333 : i1 to i32
    %sign3A_335 = arith.subi %sign3A_331, %sign3A_334 : i32
    %ne3A = arith.cmpi ne, %sign3A_328, %sign3A_335 : i32
    %rem3A = arith.remsi %reduce_sum3A_11, %jit3A_322 : i32
    %ne3A_336 = arith.constant 0 : i32
    %ne3A_337 = arith.cmpi ne, %rem3A, %ne3A_336 : i32
    %and3A = arith.andi %ne3A, %ne3A_337 : i1
    %sub3A = arith.constant 1 : i32
    %sub3A_338 = arith.subi %div3A, %sub3A : i32
    %select_n3A_339 = arith.select %and3A, %sub3A_338, %div3A : i32
    %mul3A_340 = arith.constant 128 : i32
    %mul3A_341 = arith.muli %select_n3A_339, %mul3A_340 : i32
    %min3A = arith.constant 999808 : i32
    %min3A_342 = arith.minsi %mul3A_341, %min3A : i32
    %jit3A_343 = arith.constant 128 : i32
    %div3A_344 = arith.divsi %reduce_sum3A_21, %jit3A_343 : i32
    %sign3A_345 = arith.constant 0 : i32
    %sign3A_346 = arith.cmpi sgt, %reduce_sum3A_21, %sign3A_345 : i32
    %sign3A_347 = arith.extui %sign3A_346 : i1 to i32
    %sign3A_348 = arith.constant 0 : i32
    %sign3A_349 = arith.cmpi slt, %reduce_sum3A_21, %sign3A_348 : i32
    %sign3A_350 = arith.extui %sign3A_349 : i1 to i32
    %sign3A_351 = arith.subi %sign3A_347, %sign3A_350 : i32
    %sign3A_352 = arith.constant 0 : i32
    %sign3A_353 = arith.cmpi sgt, %jit3A_343, %sign3A_352 : i32
    %sign3A_354 = arith.extui %sign3A_353 : i1 to i32
    %sign3A_355 = arith.constant 0 : i32
    %sign3A_356 = arith.cmpi slt, %jit3A_343, %sign3A_355 : i32
    %sign3A_357 = arith.extui %sign3A_356 : i1 to i32
    %sign3A_358 = arith.subi %sign3A_354, %sign3A_357 : i32
    %ne3A_359 = arith.cmpi ne, %sign3A_351, %sign3A_358 : i32
    %rem3A_360 = arith.remsi %reduce_sum3A_21, %jit3A_343 : i32
    %ne3A_361 = arith.constant 0 : i32
    %ne3A_362 = arith.cmpi ne, %rem3A_360, %ne3A_361 : i32
    %and3A_363 = arith.andi %ne3A_359, %ne3A_362 : i1
    %sub3A_364 = arith.constant 1 : i32
    %sub3A_365 = arith.subi %div3A_344, %sub3A_364 : i32
    %select_n3A_366 = arith.select %and3A_363, %sub3A_365, %div3A_344 : i32
    %mul3A_367 = arith.constant 128 : i32
    %mul3A_368 = arith.muli %select_n3A_366, %mul3A_367 : i32
    %min3A_369 = arith.constant 999808 : i32
    %min3A_370 = arith.minsi %mul3A_368, %min3A_369 : i32
    %jit3A_371 = arith.constant 128 : i32
    %div3A_372 = arith.divsi %reduce_sum3A_31, %jit3A_371 : i32
    %sign3A_373 = arith.constant 0 : i32
    %sign3A_374 = arith.cmpi sgt, %reduce_sum3A_31, %sign3A_373 : i32
    %sign3A_375 = arith.extui %sign3A_374 : i1 to i32
    %sign3A_376 = arith.constant 0 : i32
    %sign3A_377 = arith.cmpi slt, %reduce_sum3A_31, %sign3A_376 : i32
    %sign3A_378 = arith.extui %sign3A_377 : i1 to i32
    %sign3A_379 = arith.subi %sign3A_375, %sign3A_378 : i32
    %sign3A_380 = arith.constant 0 : i32
    %sign3A_381 = arith.cmpi sgt, %jit3A_371, %sign3A_380 : i32
    %sign3A_382 = arith.extui %sign3A_381 : i1 to i32
    %sign3A_383 = arith.constant 0 : i32
    %sign3A_384 = arith.cmpi slt, %jit3A_371, %sign3A_383 : i32
    %sign3A_385 = arith.extui %sign3A_384 : i1 to i32
    %sign3A_386 = arith.subi %sign3A_382, %sign3A_385 : i32
    %ne3A_387 = arith.cmpi ne, %sign3A_379, %sign3A_386 : i32
    %rem3A_388 = arith.remsi %reduce_sum3A_31, %jit3A_371 : i32
    %ne3A_389 = arith.constant 0 : i32
    %ne3A_390 = arith.cmpi ne, %rem3A_388, %ne3A_389 : i32
    %and3A_391 = arith.andi %ne3A_387, %ne3A_390 : i1
    %sub3A_392 = arith.constant 1 : i32
    %sub3A_393 = arith.subi %div3A_372, %sub3A_392 : i32
    %select_n3A_394 = arith.select %and3A_391, %sub3A_393, %div3A_372 : i32
    %mul3A_395 = arith.constant 128 : i32
    %mul3A_396 = arith.muli %select_n3A_394, %mul3A_395 : i32
    %min3A_397 = arith.constant 999808 : i32
    %min3A_398 = arith.minsi %mul3A_396, %min3A_397 : i32
    %jit3A_399 = arith.constant 128 : i32
    %div3A_400 = arith.divsi %reduce_sum3A_41, %jit3A_399 : i32
    %sign3A_401 = arith.constant 0 : i32
    %sign3A_402 = arith.cmpi sgt, %reduce_sum3A_41, %sign3A_401 : i32
    %sign3A_403 = arith.extui %sign3A_402 : i1 to i32
    %sign3A_404 = arith.constant 0 : i32
    %sign3A_405 = arith.cmpi slt, %reduce_sum3A_41, %sign3A_404 : i32
    %sign3A_406 = arith.extui %sign3A_405 : i1 to i32
    %sign3A_407 = arith.subi %sign3A_403, %sign3A_406 : i32
    %sign3A_408 = arith.constant 0 : i32
    %sign3A_409 = arith.cmpi sgt, %jit3A_399, %sign3A_408 : i32
    %sign3A_410 = arith.extui %sign3A_409 : i1 to i32
    %sign3A_411 = arith.constant 0 : i32
    %sign3A_412 = arith.cmpi slt, %jit3A_399, %sign3A_411 : i32
    %sign3A_413 = arith.extui %sign3A_412 : i1 to i32
    %sign3A_414 = arith.subi %sign3A_410, %sign3A_413 : i32
    %ne3A_415 = arith.cmpi ne, %sign3A_407, %sign3A_414 : i32
    %rem3A_416 = arith.remsi %reduce_sum3A_41, %jit3A_399 : i32
    %ne3A_417 = arith.constant 0 : i32
    %ne3A_418 = arith.cmpi ne, %rem3A_416, %ne3A_417 : i32
    %and3A_419 = arith.andi %ne3A_415, %ne3A_418 : i1
    %sub3A_420 = arith.constant 1 : i32
    %sub3A_421 = arith.subi %div3A_400, %sub3A_420 : i32
    %select_n3A_422 = arith.select %and3A_419, %sub3A_421, %div3A_400 : i32
    %mul3A_423 = arith.constant 128 : i32
    %mul3A_424 = arith.muli %select_n3A_422, %mul3A_423 : i32
    %min3A_425 = arith.constant 999808 : i32
    %min3A_426 = arith.minsi %mul3A_424, %min3A_425 : i32
    %jit3A_427 = arith.constant 128 : i32
    %div3A_428 = arith.divsi %reduce_sum3A_51, %jit3A_427 : i32
    %sign3A_429 = arith.constant 0 : i32
    %sign3A_430 = arith.cmpi sgt, %reduce_sum3A_51, %sign3A_429 : i32
    %sign3A_431 = arith.extui %sign3A_430 : i1 to i32
    %sign3A_432 = arith.constant 0 : i32
    %sign3A_433 = arith.cmpi slt, %reduce_sum3A_51, %sign3A_432 : i32
    %sign3A_434 = arith.extui %sign3A_433 : i1 to i32
    %sign3A_435 = arith.subi %sign3A_431, %sign3A_434 : i32
    %sign3A_436 = arith.constant 0 : i32
    %sign3A_437 = arith.cmpi sgt, %jit3A_427, %sign3A_436 : i32
    %sign3A_438 = arith.extui %sign3A_437 : i1 to i32
    %sign3A_439 = arith.constant 0 : i32
    %sign3A_440 = arith.cmpi slt, %jit3A_427, %sign3A_439 : i32
    %sign3A_441 = arith.extui %sign3A_440 : i1 to i32
    %sign3A_442 = arith.subi %sign3A_438, %sign3A_441 : i32
    %ne3A_443 = arith.cmpi ne, %sign3A_435, %sign3A_442 : i32
    %rem3A_444 = arith.remsi %reduce_sum3A_51, %jit3A_427 : i32
    %ne3A_445 = arith.constant 0 : i32
    %ne3A_446 = arith.cmpi ne, %rem3A_444, %ne3A_445 : i32
    %and3A_447 = arith.andi %ne3A_443, %ne3A_446 : i1
    %sub3A_448 = arith.constant 1 : i32
    %sub3A_449 = arith.subi %div3A_428, %sub3A_448 : i32
    %select_n3A_450 = arith.select %and3A_447, %sub3A_449, %div3A_428 : i32
    %mul3A_451 = arith.constant 128 : i32
    %mul3A_452 = arith.muli %select_n3A_450, %mul3A_451 : i32
    %min3A_453 = arith.constant 999808 : i32
    %min3A_454 = arith.minsi %mul3A_452, %min3A_453 : i32
    %jit3A_455 = arith.constant 128 : i32
    %div3A_456 = arith.divsi %reduce_sum3A_61, %jit3A_455 : i32
    %sign3A_457 = arith.constant 0 : i32
    %sign3A_458 = arith.cmpi sgt, %reduce_sum3A_61, %sign3A_457 : i32
    %sign3A_459 = arith.extui %sign3A_458 : i1 to i32
    %sign3A_460 = arith.constant 0 : i32
    %sign3A_461 = arith.cmpi slt, %reduce_sum3A_61, %sign3A_460 : i32
    %sign3A_462 = arith.extui %sign3A_461 : i1 to i32
    %sign3A_463 = arith.subi %sign3A_459, %sign3A_462 : i32
    %sign3A_464 = arith.constant 0 : i32
    %sign3A_465 = arith.cmpi sgt, %jit3A_455, %sign3A_464 : i32
    %sign3A_466 = arith.extui %sign3A_465 : i1 to i32
    %sign3A_467 = arith.constant 0 : i32
    %sign3A_468 = arith.cmpi slt, %jit3A_455, %sign3A_467 : i32
    %sign3A_469 = arith.extui %sign3A_468 : i1 to i32
    %sign3A_470 = arith.subi %sign3A_466, %sign3A_469 : i32
    %ne3A_471 = arith.cmpi ne, %sign3A_463, %sign3A_470 : i32
    %rem3A_472 = arith.remsi %reduce_sum3A_61, %jit3A_455 : i32
    %ne3A_473 = arith.constant 0 : i32
    %ne3A_474 = arith.cmpi ne, %rem3A_472, %ne3A_473 : i32
    %and3A_475 = arith.andi %ne3A_471, %ne3A_474 : i1
    %sub3A_476 = arith.constant 1 : i32
    %sub3A_477 = arith.subi %div3A_456, %sub3A_476 : i32
    %select_n3A_478 = arith.select %and3A_475, %sub3A_477, %div3A_456 : i32
    %mul3A_479 = arith.constant 128 : i32
    %mul3A_480 = arith.muli %select_n3A_478, %mul3A_479 : i32
    %min3A_481 = arith.constant 999808 : i32
    %min3A_482 = arith.minsi %mul3A_480, %min3A_481 : i32
    %jit3A_483 = arith.constant 128 : i32
    %div3A_484 = arith.divsi %reduce_sum3A_71, %jit3A_483 : i32
    %sign3A_485 = arith.constant 0 : i32
    %sign3A_486 = arith.cmpi sgt, %reduce_sum3A_71, %sign3A_485 : i32
    %sign3A_487 = arith.extui %sign3A_486 : i1 to i32
    %sign3A_488 = arith.constant 0 : i32
    %sign3A_489 = arith.cmpi slt, %reduce_sum3A_71, %sign3A_488 : i32
    %sign3A_490 = arith.extui %sign3A_489 : i1 to i32
    %sign3A_491 = arith.subi %sign3A_487, %sign3A_490 : i32
    %sign3A_492 = arith.constant 0 : i32
    %sign3A_493 = arith.cmpi sgt, %jit3A_483, %sign3A_492 : i32
    %sign3A_494 = arith.extui %sign3A_493 : i1 to i32
    %sign3A_495 = arith.constant 0 : i32
    %sign3A_496 = arith.cmpi slt, %jit3A_483, %sign3A_495 : i32
    %sign3A_497 = arith.extui %sign3A_496 : i1 to i32
    %sign3A_498 = arith.subi %sign3A_494, %sign3A_497 : i32
    %ne3A_499 = arith.cmpi ne, %sign3A_491, %sign3A_498 : i32
    %rem3A_500 = arith.remsi %reduce_sum3A_71, %jit3A_483 : i32
    %ne3A_501 = arith.constant 0 : i32
    %ne3A_502 = arith.cmpi ne, %rem3A_500, %ne3A_501 : i32
    %and3A_503 = arith.andi %ne3A_499, %ne3A_502 : i1
    %sub3A_504 = arith.constant 1 : i32
    %sub3A_505 = arith.subi %div3A_484, %sub3A_504 : i32
    %select_n3A_506 = arith.select %and3A_503, %sub3A_505, %div3A_484 : i32
    %mul3A_507 = arith.constant 128 : i32
    %mul3A_508 = arith.muli %select_n3A_506, %mul3A_507 : i32
    %min3A_509 = arith.constant 999808 : i32
    %min3A_510 = arith.minsi %mul3A_508, %min3A_509 : i32
    %jit3A_511 = arith.constant 128 : i32
    %div3A_512 = arith.divsi %reduce_sum3A_81, %jit3A_511 : i32
    %sign3A_513 = arith.constant 0 : i32
    %sign3A_514 = arith.cmpi sgt, %reduce_sum3A_81, %sign3A_513 : i32
    %sign3A_515 = arith.extui %sign3A_514 : i1 to i32
    %sign3A_516 = arith.constant 0 : i32
    %sign3A_517 = arith.cmpi slt, %reduce_sum3A_81, %sign3A_516 : i32
    %sign3A_518 = arith.extui %sign3A_517 : i1 to i32
    %sign3A_519 = arith.subi %sign3A_515, %sign3A_518 : i32
    %sign3A_520 = arith.constant 0 : i32
    %sign3A_521 = arith.cmpi sgt, %jit3A_511, %sign3A_520 : i32
    %sign3A_522 = arith.extui %sign3A_521 : i1 to i32
    %sign3A_523 = arith.constant 0 : i32
    %sign3A_524 = arith.cmpi slt, %jit3A_511, %sign3A_523 : i32
    %sign3A_525 = arith.extui %sign3A_524 : i1 to i32
    %sign3A_526 = arith.subi %sign3A_522, %sign3A_525 : i32
    %ne3A_527 = arith.cmpi ne, %sign3A_519, %sign3A_526 : i32
    %rem3A_528 = arith.remsi %reduce_sum3A_81, %jit3A_511 : i32
    %ne3A_529 = arith.constant 0 : i32
    %ne3A_530 = arith.cmpi ne, %rem3A_528, %ne3A_529 : i32
    %and3A_531 = arith.andi %ne3A_527, %ne3A_530 : i1
    %sub3A_532 = arith.constant 1 : i32
    %sub3A_533 = arith.subi %div3A_512, %sub3A_532 : i32
    %select_n3A_534 = arith.select %and3A_531, %sub3A_533, %div3A_512 : i32
    %mul3A_535 = arith.constant 128 : i32
    %mul3A_536 = arith.muli %select_n3A_534, %mul3A_535 : i32
    %min3A_537 = arith.constant 999808 : i32
    %min3A_538 = arith.minsi %mul3A_536, %min3A_537 : i32
    %jit3A_539 = arith.constant 128 : i32
    %div3A_540 = arith.divsi %reduce_sum3A_91, %jit3A_539 : i32
    %sign3A_541 = arith.constant 0 : i32
    %sign3A_542 = arith.cmpi sgt, %reduce_sum3A_91, %sign3A_541 : i32
    %sign3A_543 = arith.extui %sign3A_542 : i1 to i32
    %sign3A_544 = arith.constant 0 : i32
    %sign3A_545 = arith.cmpi slt, %reduce_sum3A_91, %sign3A_544 : i32
    %sign3A_546 = arith.extui %sign3A_545 : i1 to i32
    %sign3A_547 = arith.subi %sign3A_543, %sign3A_546 : i32
    %sign3A_548 = arith.constant 0 : i32
    %sign3A_549 = arith.cmpi sgt, %jit3A_539, %sign3A_548 : i32
    %sign3A_550 = arith.extui %sign3A_549 : i1 to i32
    %sign3A_551 = arith.constant 0 : i32
    %sign3A_552 = arith.cmpi slt, %jit3A_539, %sign3A_551 : i32
    %sign3A_553 = arith.extui %sign3A_552 : i1 to i32
    %sign3A_554 = arith.subi %sign3A_550, %sign3A_553 : i32
    %ne3A_555 = arith.cmpi ne, %sign3A_547, %sign3A_554 : i32
    %rem3A_556 = arith.remsi %reduce_sum3A_91, %jit3A_539 : i32
    %ne3A_557 = arith.constant 0 : i32
    %ne3A_558 = arith.cmpi ne, %rem3A_556, %ne3A_557 : i32
    %and3A_559 = arith.andi %ne3A_555, %ne3A_558 : i1
    %sub3A_560 = arith.constant 1 : i32
    %sub3A_561 = arith.subi %div3A_540, %sub3A_560 : i32
    %select_n3A_562 = arith.select %and3A_559, %sub3A_561, %div3A_540 : i32
    %mul3A_563 = arith.constant 128 : i32
    %mul3A_564 = arith.muli %select_n3A_562, %mul3A_563 : i32
    %min3A_565 = arith.constant 999808 : i32
    %min3A_566 = arith.minsi %mul3A_564, %min3A_565 : i32
    %jit3A_567 = arith.constant 128 : i32
    %div3A_568 = arith.divsi %reduce_sum3A_101, %jit3A_567 : i32
    %sign3A_569 = arith.constant 0 : i32
    %sign3A_570 = arith.cmpi sgt, %reduce_sum3A_101, %sign3A_569 : i32
    %sign3A_571 = arith.extui %sign3A_570 : i1 to i32
    %sign3A_572 = arith.constant 0 : i32
    %sign3A_573 = arith.cmpi slt, %reduce_sum3A_101, %sign3A_572 : i32
    %sign3A_574 = arith.extui %sign3A_573 : i1 to i32
    %sign3A_575 = arith.subi %sign3A_571, %sign3A_574 : i32
    %sign3A_576 = arith.constant 0 : i32
    %sign3A_577 = arith.cmpi sgt, %jit3A_567, %sign3A_576 : i32
    %sign3A_578 = arith.extui %sign3A_577 : i1 to i32
    %sign3A_579 = arith.constant 0 : i32
    %sign3A_580 = arith.cmpi slt, %jit3A_567, %sign3A_579 : i32
    %sign3A_581 = arith.extui %sign3A_580 : i1 to i32
    %sign3A_582 = arith.subi %sign3A_578, %sign3A_581 : i32
    %ne3A_583 = arith.cmpi ne, %sign3A_575, %sign3A_582 : i32
    %rem3A_584 = arith.remsi %reduce_sum3A_101, %jit3A_567 : i32
    %ne3A_585 = arith.constant 0 : i32
    %ne3A_586 = arith.cmpi ne, %rem3A_584, %ne3A_585 : i32
    %and3A_587 = arith.andi %ne3A_583, %ne3A_586 : i1
    %sub3A_588 = arith.constant 1 : i32
    %sub3A_589 = arith.subi %div3A_568, %sub3A_588 : i32
    %select_n3A_590 = arith.select %and3A_587, %sub3A_589, %div3A_568 : i32
    %mul3A_591 = arith.constant 128 : i32
    %mul3A_592 = arith.muli %select_n3A_590, %mul3A_591 : i32
    %min3A_593 = arith.constant 999808 : i32
    %min3A_594 = arith.minsi %mul3A_592, %min3A_593 : i32
    %jit3A_595 = arith.constant 128 : i32
    %div3A_596 = arith.divsi %reduce_sum3A_111, %jit3A_595 : i32
    %sign3A_597 = arith.constant 0 : i32
    %sign3A_598 = arith.cmpi sgt, %reduce_sum3A_111, %sign3A_597 : i32
    %sign3A_599 = arith.extui %sign3A_598 : i1 to i32
    %sign3A_600 = arith.constant 0 : i32
    %sign3A_601 = arith.cmpi slt, %reduce_sum3A_111, %sign3A_600 : i32
    %sign3A_602 = arith.extui %sign3A_601 : i1 to i32
    %sign3A_603 = arith.subi %sign3A_599, %sign3A_602 : i32
    %sign3A_604 = arith.constant 0 : i32
    %sign3A_605 = arith.cmpi sgt, %jit3A_595, %sign3A_604 : i32
    %sign3A_606 = arith.extui %sign3A_605 : i1 to i32
    %sign3A_607 = arith.constant 0 : i32
    %sign3A_608 = arith.cmpi slt, %jit3A_595, %sign3A_607 : i32
    %sign3A_609 = arith.extui %sign3A_608 : i1 to i32
    %sign3A_610 = arith.subi %sign3A_606, %sign3A_609 : i32
    %ne3A_611 = arith.cmpi ne, %sign3A_603, %sign3A_610 : i32
    %rem3A_612 = arith.remsi %reduce_sum3A_111, %jit3A_595 : i32
    %ne3A_613 = arith.constant 0 : i32
    %ne3A_614 = arith.cmpi ne, %rem3A_612, %ne3A_613 : i32
    %and3A_615 = arith.andi %ne3A_611, %ne3A_614 : i1
    %sub3A_616 = arith.constant 1 : i32
    %sub3A_617 = arith.subi %div3A_596, %sub3A_616 : i32
    %select_n3A_618 = arith.select %and3A_615, %sub3A_617, %div3A_596 : i32
    %mul3A_619 = arith.constant 128 : i32
    %mul3A_620 = arith.muli %select_n3A_618, %mul3A_619 : i32
    %min3A_621 = arith.constant 999808 : i32
    %min3A_622 = arith.minsi %mul3A_620, %min3A_621 : i32
    %jit3A_623 = arith.constant 128 : i32
    %div3A_624 = arith.divsi %reduce_sum3A_121, %jit3A_623 : i32
    %sign3A_625 = arith.constant 0 : i32
    %sign3A_626 = arith.cmpi sgt, %reduce_sum3A_121, %sign3A_625 : i32
    %sign3A_627 = arith.extui %sign3A_626 : i1 to i32
    %sign3A_628 = arith.constant 0 : i32
    %sign3A_629 = arith.cmpi slt, %reduce_sum3A_121, %sign3A_628 : i32
    %sign3A_630 = arith.extui %sign3A_629 : i1 to i32
    %sign3A_631 = arith.subi %sign3A_627, %sign3A_630 : i32
    %sign3A_632 = arith.constant 0 : i32
    %sign3A_633 = arith.cmpi sgt, %jit3A_623, %sign3A_632 : i32
    %sign3A_634 = arith.extui %sign3A_633 : i1 to i32
    %sign3A_635 = arith.constant 0 : i32
    %sign3A_636 = arith.cmpi slt, %jit3A_623, %sign3A_635 : i32
    %sign3A_637 = arith.extui %sign3A_636 : i1 to i32
    %sign3A_638 = arith.subi %sign3A_634, %sign3A_637 : i32
    %ne3A_639 = arith.cmpi ne, %sign3A_631, %sign3A_638 : i32
    %rem3A_640 = arith.remsi %reduce_sum3A_121, %jit3A_623 : i32
    %ne3A_641 = arith.constant 0 : i32
    %ne3A_642 = arith.cmpi ne, %rem3A_640, %ne3A_641 : i32
    %and3A_643 = arith.andi %ne3A_639, %ne3A_642 : i1
    %sub3A_644 = arith.constant 1 : i32
    %sub3A_645 = arith.subi %div3A_624, %sub3A_644 : i32
    %select_n3A_646 = arith.select %and3A_643, %sub3A_645, %div3A_624 : i32
    %mul3A_647 = arith.constant 128 : i32
    %mul3A_648 = arith.muli %select_n3A_646, %mul3A_647 : i32
    %min3A_649 = arith.constant 999808 : i32
    %min3A_650 = arith.minsi %mul3A_648, %min3A_649 : i32
    %jit3A_651 = arith.constant 128 : i32
    %div3A_652 = arith.divsi %reduce_sum3A_131, %jit3A_651 : i32
    %sign3A_653 = arith.constant 0 : i32
    %sign3A_654 = arith.cmpi sgt, %reduce_sum3A_131, %sign3A_653 : i32
    %sign3A_655 = arith.extui %sign3A_654 : i1 to i32
    %sign3A_656 = arith.constant 0 : i32
    %sign3A_657 = arith.cmpi slt, %reduce_sum3A_131, %sign3A_656 : i32
    %sign3A_658 = arith.extui %sign3A_657 : i1 to i32
    %sign3A_659 = arith.subi %sign3A_655, %sign3A_658 : i32
    %sign3A_660 = arith.constant 0 : i32
    %sign3A_661 = arith.cmpi sgt, %jit3A_651, %sign3A_660 : i32
    %sign3A_662 = arith.extui %sign3A_661 : i1 to i32
    %sign3A_663 = arith.constant 0 : i32
    %sign3A_664 = arith.cmpi slt, %jit3A_651, %sign3A_663 : i32
    %sign3A_665 = arith.extui %sign3A_664 : i1 to i32
    %sign3A_666 = arith.subi %sign3A_662, %sign3A_665 : i32
    %ne3A_667 = arith.cmpi ne, %sign3A_659, %sign3A_666 : i32
    %rem3A_668 = arith.remsi %reduce_sum3A_131, %jit3A_651 : i32
    %ne3A_669 = arith.constant 0 : i32
    %ne3A_670 = arith.cmpi ne, %rem3A_668, %ne3A_669 : i32
    %and3A_671 = arith.andi %ne3A_667, %ne3A_670 : i1
    %sub3A_672 = arith.constant 1 : i32
    %sub3A_673 = arith.subi %div3A_652, %sub3A_672 : i32
    %select_n3A_674 = arith.select %and3A_671, %sub3A_673, %div3A_652 : i32
    %mul3A_675 = arith.constant 128 : i32
    %mul3A_676 = arith.muli %select_n3A_674, %mul3A_675 : i32
    %min3A_677 = arith.constant 999808 : i32
    %min3A_678 = arith.minsi %mul3A_676, %min3A_677 : i32
    %jit3A_679 = arith.constant 128 : i32
    %div3A_680 = arith.divsi %reduce_sum3A_141, %jit3A_679 : i32
    %sign3A_681 = arith.constant 0 : i32
    %sign3A_682 = arith.cmpi sgt, %reduce_sum3A_141, %sign3A_681 : i32
    %sign3A_683 = arith.extui %sign3A_682 : i1 to i32
    %sign3A_684 = arith.constant 0 : i32
    %sign3A_685 = arith.cmpi slt, %reduce_sum3A_141, %sign3A_684 : i32
    %sign3A_686 = arith.extui %sign3A_685 : i1 to i32
    %sign3A_687 = arith.subi %sign3A_683, %sign3A_686 : i32
    %sign3A_688 = arith.constant 0 : i32
    %sign3A_689 = arith.cmpi sgt, %jit3A_679, %sign3A_688 : i32
    %sign3A_690 = arith.extui %sign3A_689 : i1 to i32
    %sign3A_691 = arith.constant 0 : i32
    %sign3A_692 = arith.cmpi slt, %jit3A_679, %sign3A_691 : i32
    %sign3A_693 = arith.extui %sign3A_692 : i1 to i32
    %sign3A_694 = arith.subi %sign3A_690, %sign3A_693 : i32
    %ne3A_695 = arith.cmpi ne, %sign3A_687, %sign3A_694 : i32
    %rem3A_696 = arith.remsi %reduce_sum3A_141, %jit3A_679 : i32
    %ne3A_697 = arith.constant 0 : i32
    %ne3A_698 = arith.cmpi ne, %rem3A_696, %ne3A_697 : i32
    %and3A_699 = arith.andi %ne3A_695, %ne3A_698 : i1
    %sub3A_700 = arith.constant 1 : i32
    %sub3A_701 = arith.subi %div3A_680, %sub3A_700 : i32
    %select_n3A_702 = arith.select %and3A_699, %sub3A_701, %div3A_680 : i32
    %mul3A_703 = arith.constant 128 : i32
    %mul3A_704 = arith.muli %select_n3A_702, %mul3A_703 : i32
    %min3A_705 = arith.constant 999808 : i32
    %min3A_706 = arith.minsi %mul3A_704, %min3A_705 : i32
    %jit3A_707 = arith.constant 128 : i32
    %div3A_708 = arith.divsi %reduce_sum3A_151, %jit3A_707 : i32
    %sign3A_709 = arith.constant 0 : i32
    %sign3A_710 = arith.cmpi sgt, %reduce_sum3A_151, %sign3A_709 : i32
    %sign3A_711 = arith.extui %sign3A_710 : i1 to i32
    %sign3A_712 = arith.constant 0 : i32
    %sign3A_713 = arith.cmpi slt, %reduce_sum3A_151, %sign3A_712 : i32
    %sign3A_714 = arith.extui %sign3A_713 : i1 to i32
    %sign3A_715 = arith.subi %sign3A_711, %sign3A_714 : i32
    %sign3A_716 = arith.constant 0 : i32
    %sign3A_717 = arith.cmpi sgt, %jit3A_707, %sign3A_716 : i32
    %sign3A_718 = arith.extui %sign3A_717 : i1 to i32
    %sign3A_719 = arith.constant 0 : i32
    %sign3A_720 = arith.cmpi slt, %jit3A_707, %sign3A_719 : i32
    %sign3A_721 = arith.extui %sign3A_720 : i1 to i32
    %sign3A_722 = arith.subi %sign3A_718, %sign3A_721 : i32
    %ne3A_723 = arith.cmpi ne, %sign3A_715, %sign3A_722 : i32
    %rem3A_724 = arith.remsi %reduce_sum3A_151, %jit3A_707 : i32
    %ne3A_725 = arith.constant 0 : i32
    %ne3A_726 = arith.cmpi ne, %rem3A_724, %ne3A_725 : i32
    %and3A_727 = arith.andi %ne3A_723, %ne3A_726 : i1
    %sub3A_728 = arith.constant 1 : i32
    %sub3A_729 = arith.subi %div3A_708, %sub3A_728 : i32
    %select_n3A_730 = arith.select %and3A_727, %sub3A_729, %div3A_708 : i32
    %mul3A_731 = arith.constant 128 : i32
    %mul3A_732 = arith.muli %select_n3A_730, %mul3A_731 : i32
    %min3A_733 = arith.constant 999808 : i32
    %min3A_734 = arith.minsi %mul3A_732, %min3A_733 : i32
    %jit3A_735 = arith.constant 128 : i32
    %div3A_736 = arith.divsi %reduce_sum3A_161, %jit3A_735 : i32
    %sign3A_737 = arith.constant 0 : i32
    %sign3A_738 = arith.cmpi sgt, %reduce_sum3A_161, %sign3A_737 : i32
    %sign3A_739 = arith.extui %sign3A_738 : i1 to i32
    %sign3A_740 = arith.constant 0 : i32
    %sign3A_741 = arith.cmpi slt, %reduce_sum3A_161, %sign3A_740 : i32
    %sign3A_742 = arith.extui %sign3A_741 : i1 to i32
    %sign3A_743 = arith.subi %sign3A_739, %sign3A_742 : i32
    %sign3A_744 = arith.constant 0 : i32
    %sign3A_745 = arith.cmpi sgt, %jit3A_735, %sign3A_744 : i32
    %sign3A_746 = arith.extui %sign3A_745 : i1 to i32
    %sign3A_747 = arith.constant 0 : i32
    %sign3A_748 = arith.cmpi slt, %jit3A_735, %sign3A_747 : i32
    %sign3A_749 = arith.extui %sign3A_748 : i1 to i32
    %sign3A_750 = arith.subi %sign3A_746, %sign3A_749 : i32
    %ne3A_751 = arith.cmpi ne, %sign3A_743, %sign3A_750 : i32
    %rem3A_752 = arith.remsi %reduce_sum3A_161, %jit3A_735 : i32
    %ne3A_753 = arith.constant 0 : i32
    %ne3A_754 = arith.cmpi ne, %rem3A_752, %ne3A_753 : i32
    %and3A_755 = arith.andi %ne3A_751, %ne3A_754 : i1
    %sub3A_756 = arith.constant 1 : i32
    %sub3A_757 = arith.subi %div3A_736, %sub3A_756 : i32
    %select_n3A_758 = arith.select %and3A_755, %sub3A_757, %div3A_736 : i32
    %mul3A_759 = arith.constant 128 : i32
    %mul3A_760 = arith.muli %select_n3A_758, %mul3A_759 : i32
    %min3A_761 = arith.constant 999808 : i32
    %min3A_762 = arith.minsi %mul3A_760, %min3A_761 : i32
    %jit3A_763 = arith.constant 128 : i32
    %div3A_764 = arith.divsi %reduce_sum3A_171, %jit3A_763 : i32
    %sign3A_765 = arith.constant 0 : i32
    %sign3A_766 = arith.cmpi sgt, %reduce_sum3A_171, %sign3A_765 : i32
    %sign3A_767 = arith.extui %sign3A_766 : i1 to i32
    %sign3A_768 = arith.constant 0 : i32
    %sign3A_769 = arith.cmpi slt, %reduce_sum3A_171, %sign3A_768 : i32
    %sign3A_770 = arith.extui %sign3A_769 : i1 to i32
    %sign3A_771 = arith.subi %sign3A_767, %sign3A_770 : i32
    %sign3A_772 = arith.constant 0 : i32
    %sign3A_773 = arith.cmpi sgt, %jit3A_763, %sign3A_772 : i32
    %sign3A_774 = arith.extui %sign3A_773 : i1 to i32
    %sign3A_775 = arith.constant 0 : i32
    %sign3A_776 = arith.cmpi slt, %jit3A_763, %sign3A_775 : i32
    %sign3A_777 = arith.extui %sign3A_776 : i1 to i32
    %sign3A_778 = arith.subi %sign3A_774, %sign3A_777 : i32
    %ne3A_779 = arith.cmpi ne, %sign3A_771, %sign3A_778 : i32
    %rem3A_780 = arith.remsi %reduce_sum3A_171, %jit3A_763 : i32
    %ne3A_781 = arith.constant 0 : i32
    %ne3A_782 = arith.cmpi ne, %rem3A_780, %ne3A_781 : i32
    %and3A_783 = arith.andi %ne3A_779, %ne3A_782 : i1
    %sub3A_784 = arith.constant 1 : i32
    %sub3A_785 = arith.subi %div3A_764, %sub3A_784 : i32
    %select_n3A_786 = arith.select %and3A_783, %sub3A_785, %div3A_764 : i32
    %mul3A_787 = arith.constant 128 : i32
    %mul3A_788 = arith.muli %select_n3A_786, %mul3A_787 : i32
    %min3A_789 = arith.constant 999808 : i32
    %min3A_790 = arith.minsi %mul3A_788, %min3A_789 : i32
    %jit3A_791 = arith.constant 128 : i32
    %div3A_792 = arith.divsi %reduce_sum3A_181, %jit3A_791 : i32
    %sign3A_793 = arith.constant 0 : i32
    %sign3A_794 = arith.cmpi sgt, %reduce_sum3A_181, %sign3A_793 : i32
    %sign3A_795 = arith.extui %sign3A_794 : i1 to i32
    %sign3A_796 = arith.constant 0 : i32
    %sign3A_797 = arith.cmpi slt, %reduce_sum3A_181, %sign3A_796 : i32
    %sign3A_798 = arith.extui %sign3A_797 : i1 to i32
    %sign3A_799 = arith.subi %sign3A_795, %sign3A_798 : i32
    %sign3A_800 = arith.constant 0 : i32
    %sign3A_801 = arith.cmpi sgt, %jit3A_791, %sign3A_800 : i32
    %sign3A_802 = arith.extui %sign3A_801 : i1 to i32
    %sign3A_803 = arith.constant 0 : i32
    %sign3A_804 = arith.cmpi slt, %jit3A_791, %sign3A_803 : i32
    %sign3A_805 = arith.extui %sign3A_804 : i1 to i32
    %sign3A_806 = arith.subi %sign3A_802, %sign3A_805 : i32
    %ne3A_807 = arith.cmpi ne, %sign3A_799, %sign3A_806 : i32
    %rem3A_808 = arith.remsi %reduce_sum3A_181, %jit3A_791 : i32
    %ne3A_809 = arith.constant 0 : i32
    %ne3A_810 = arith.cmpi ne, %rem3A_808, %ne3A_809 : i32
    %and3A_811 = arith.andi %ne3A_807, %ne3A_810 : i1
    %sub3A_812 = arith.constant 1 : i32
    %sub3A_813 = arith.subi %div3A_792, %sub3A_812 : i32
    %select_n3A_814 = arith.select %and3A_811, %sub3A_813, %div3A_792 : i32
    %mul3A_815 = arith.constant 128 : i32
    %mul3A_816 = arith.muli %select_n3A_814, %mul3A_815 : i32
    %min3A_817 = arith.constant 999808 : i32
    %min3A_818 = arith.minsi %mul3A_816, %min3A_817 : i32
    %jit3A_819 = arith.constant 128 : i32
    %div3A_820 = arith.divsi %reduce_sum3A_191, %jit3A_819 : i32
    %sign3A_821 = arith.constant 0 : i32
    %sign3A_822 = arith.cmpi sgt, %reduce_sum3A_191, %sign3A_821 : i32
    %sign3A_823 = arith.extui %sign3A_822 : i1 to i32
    %sign3A_824 = arith.constant 0 : i32
    %sign3A_825 = arith.cmpi slt, %reduce_sum3A_191, %sign3A_824 : i32
    %sign3A_826 = arith.extui %sign3A_825 : i1 to i32
    %sign3A_827 = arith.subi %sign3A_823, %sign3A_826 : i32
    %sign3A_828 = arith.constant 0 : i32
    %sign3A_829 = arith.cmpi sgt, %jit3A_819, %sign3A_828 : i32
    %sign3A_830 = arith.extui %sign3A_829 : i1 to i32
    %sign3A_831 = arith.constant 0 : i32
    %sign3A_832 = arith.cmpi slt, %jit3A_819, %sign3A_831 : i32
    %sign3A_833 = arith.extui %sign3A_832 : i1 to i32
    %sign3A_834 = arith.subi %sign3A_830, %sign3A_833 : i32
    %ne3A_835 = arith.cmpi ne, %sign3A_827, %sign3A_834 : i32
    %rem3A_836 = arith.remsi %reduce_sum3A_191, %jit3A_819 : i32
    %ne3A_837 = arith.constant 0 : i32
    %ne3A_838 = arith.cmpi ne, %rem3A_836, %ne3A_837 : i32
    %and3A_839 = arith.andi %ne3A_835, %ne3A_838 : i1
    %sub3A_840 = arith.constant 1 : i32
    %sub3A_841 = arith.subi %div3A_820, %sub3A_840 : i32
    %select_n3A_842 = arith.select %and3A_839, %sub3A_841, %div3A_820 : i32
    %mul3A_843 = arith.constant 128 : i32
    %mul3A_844 = arith.muli %select_n3A_842, %mul3A_843 : i32
    %min3A_845 = arith.constant 999808 : i32
    %min3A_846 = arith.minsi %mul3A_844, %min3A_845 : i32
    %jit3A_847 = arith.constant 128 : i32
    %div3A_848 = arith.divsi %reduce_sum3A_201, %jit3A_847 : i32
    %sign3A_849 = arith.constant 0 : i32
    %sign3A_850 = arith.cmpi sgt, %reduce_sum3A_201, %sign3A_849 : i32
    %sign3A_851 = arith.extui %sign3A_850 : i1 to i32
    %sign3A_852 = arith.constant 0 : i32
    %sign3A_853 = arith.cmpi slt, %reduce_sum3A_201, %sign3A_852 : i32
    %sign3A_854 = arith.extui %sign3A_853 : i1 to i32
    %sign3A_855 = arith.subi %sign3A_851, %sign3A_854 : i32
    %sign3A_856 = arith.constant 0 : i32
    %sign3A_857 = arith.cmpi sgt, %jit3A_847, %sign3A_856 : i32
    %sign3A_858 = arith.extui %sign3A_857 : i1 to i32
    %sign3A_859 = arith.constant 0 : i32
    %sign3A_860 = arith.cmpi slt, %jit3A_847, %sign3A_859 : i32
    %sign3A_861 = arith.extui %sign3A_860 : i1 to i32
    %sign3A_862 = arith.subi %sign3A_858, %sign3A_861 : i32
    %ne3A_863 = arith.cmpi ne, %sign3A_855, %sign3A_862 : i32
    %rem3A_864 = arith.remsi %reduce_sum3A_201, %jit3A_847 : i32
    %ne3A_865 = arith.constant 0 : i32
    %ne3A_866 = arith.cmpi ne, %rem3A_864, %ne3A_865 : i32
    %and3A_867 = arith.andi %ne3A_863, %ne3A_866 : i1
    %sub3A_868 = arith.constant 1 : i32
    %sub3A_869 = arith.subi %div3A_848, %sub3A_868 : i32
    %select_n3A_870 = arith.select %and3A_867, %sub3A_869, %div3A_848 : i32
    %mul3A_871 = arith.constant 128 : i32
    %mul3A_872 = arith.muli %select_n3A_870, %mul3A_871 : i32
    %min3A_873 = arith.constant 999808 : i32
    %min3A_874 = arith.minsi %mul3A_872, %min3A_873 : i32
    %jit3A_875 = arith.constant 128 : i32
    %div3A_876 = arith.divsi %reduce_sum3A_211, %jit3A_875 : i32
    %sign3A_877 = arith.constant 0 : i32
    %sign3A_878 = arith.cmpi sgt, %reduce_sum3A_211, %sign3A_877 : i32
    %sign3A_879 = arith.extui %sign3A_878 : i1 to i32
    %sign3A_880 = arith.constant 0 : i32
    %sign3A_881 = arith.cmpi slt, %reduce_sum3A_211, %sign3A_880 : i32
    %sign3A_882 = arith.extui %sign3A_881 : i1 to i32
    %sign3A_883 = arith.subi %sign3A_879, %sign3A_882 : i32
    %sign3A_884 = arith.constant 0 : i32
    %sign3A_885 = arith.cmpi sgt, %jit3A_875, %sign3A_884 : i32
    %sign3A_886 = arith.extui %sign3A_885 : i1 to i32
    %sign3A_887 = arith.constant 0 : i32
    %sign3A_888 = arith.cmpi slt, %jit3A_875, %sign3A_887 : i32
    %sign3A_889 = arith.extui %sign3A_888 : i1 to i32
    %sign3A_890 = arith.subi %sign3A_886, %sign3A_889 : i32
    %ne3A_891 = arith.cmpi ne, %sign3A_883, %sign3A_890 : i32
    %rem3A_892 = arith.remsi %reduce_sum3A_211, %jit3A_875 : i32
    %ne3A_893 = arith.constant 0 : i32
    %ne3A_894 = arith.cmpi ne, %rem3A_892, %ne3A_893 : i32
    %and3A_895 = arith.andi %ne3A_891, %ne3A_894 : i1
    %sub3A_896 = arith.constant 1 : i32
    %sub3A_897 = arith.subi %div3A_876, %sub3A_896 : i32
    %select_n3A_898 = arith.select %and3A_895, %sub3A_897, %div3A_876 : i32
    %mul3A_899 = arith.constant 128 : i32
    %mul3A_900 = arith.muli %select_n3A_898, %mul3A_899 : i32
    %min3A_901 = arith.constant 999808 : i32
    %min3A_902 = arith.minsi %mul3A_900, %min3A_901 : i32
    %jit3A_903 = arith.constant 128 : i32
    %div3A_904 = arith.divsi %reduce_sum3A_221, %jit3A_903 : i32
    %sign3A_905 = arith.constant 0 : i32
    %sign3A_906 = arith.cmpi sgt, %reduce_sum3A_221, %sign3A_905 : i32
    %sign3A_907 = arith.extui %sign3A_906 : i1 to i32
    %sign3A_908 = arith.constant 0 : i32
    %sign3A_909 = arith.cmpi slt, %reduce_sum3A_221, %sign3A_908 : i32
    %sign3A_910 = arith.extui %sign3A_909 : i1 to i32
    %sign3A_911 = arith.subi %sign3A_907, %sign3A_910 : i32
    %sign3A_912 = arith.constant 0 : i32
    %sign3A_913 = arith.cmpi sgt, %jit3A_903, %sign3A_912 : i32
    %sign3A_914 = arith.extui %sign3A_913 : i1 to i32
    %sign3A_915 = arith.constant 0 : i32
    %sign3A_916 = arith.cmpi slt, %jit3A_903, %sign3A_915 : i32
    %sign3A_917 = arith.extui %sign3A_916 : i1 to i32
    %sign3A_918 = arith.subi %sign3A_914, %sign3A_917 : i32
    %ne3A_919 = arith.cmpi ne, %sign3A_911, %sign3A_918 : i32
    %rem3A_920 = arith.remsi %reduce_sum3A_221, %jit3A_903 : i32
    %ne3A_921 = arith.constant 0 : i32
    %ne3A_922 = arith.cmpi ne, %rem3A_920, %ne3A_921 : i32
    %and3A_923 = arith.andi %ne3A_919, %ne3A_922 : i1
    %sub3A_924 = arith.constant 1 : i32
    %sub3A_925 = arith.subi %div3A_904, %sub3A_924 : i32
    %select_n3A_926 = arith.select %and3A_923, %sub3A_925, %div3A_904 : i32
    %mul3A_927 = arith.constant 128 : i32
    %mul3A_928 = arith.muli %select_n3A_926, %mul3A_927 : i32
    %min3A_929 = arith.constant 999808 : i32
    %min3A_930 = arith.minsi %mul3A_928, %min3A_929 : i32
    %jit3A_931 = arith.constant 128 : i32
    %div3A_932 = arith.divsi %reduce_sum3A_231, %jit3A_931 : i32
    %sign3A_933 = arith.constant 0 : i32
    %sign3A_934 = arith.cmpi sgt, %reduce_sum3A_231, %sign3A_933 : i32
    %sign3A_935 = arith.extui %sign3A_934 : i1 to i32
    %sign3A_936 = arith.constant 0 : i32
    %sign3A_937 = arith.cmpi slt, %reduce_sum3A_231, %sign3A_936 : i32
    %sign3A_938 = arith.extui %sign3A_937 : i1 to i32
    %sign3A_939 = arith.subi %sign3A_935, %sign3A_938 : i32
    %sign3A_940 = arith.constant 0 : i32
    %sign3A_941 = arith.cmpi sgt, %jit3A_931, %sign3A_940 : i32
    %sign3A_942 = arith.extui %sign3A_941 : i1 to i32
    %sign3A_943 = arith.constant 0 : i32
    %sign3A_944 = arith.cmpi slt, %jit3A_931, %sign3A_943 : i32
    %sign3A_945 = arith.extui %sign3A_944 : i1 to i32
    %sign3A_946 = arith.subi %sign3A_942, %sign3A_945 : i32
    %ne3A_947 = arith.cmpi ne, %sign3A_939, %sign3A_946 : i32
    %rem3A_948 = arith.remsi %reduce_sum3A_231, %jit3A_931 : i32
    %ne3A_949 = arith.constant 0 : i32
    %ne3A_950 = arith.cmpi ne, %rem3A_948, %ne3A_949 : i32
    %and3A_951 = arith.andi %ne3A_947, %ne3A_950 : i1
    %sub3A_952 = arith.constant 1 : i32
    %sub3A_953 = arith.subi %div3A_932, %sub3A_952 : i32
    %select_n3A_954 = arith.select %and3A_951, %sub3A_953, %div3A_932 : i32
    %mul3A_955 = arith.constant 128 : i32
    %mul3A_956 = arith.muli %select_n3A_954, %mul3A_955 : i32
    %min3A_957 = arith.constant 999808 : i32
    %min3A_958 = arith.minsi %mul3A_956, %min3A_957 : i32
    %jit3A_959 = arith.constant 128 : i32
    %div3A_960 = arith.divsi %reduce_sum3A_241, %jit3A_959 : i32
    %sign3A_961 = arith.constant 0 : i32
    %sign3A_962 = arith.cmpi sgt, %reduce_sum3A_241, %sign3A_961 : i32
    %sign3A_963 = arith.extui %sign3A_962 : i1 to i32
    %sign3A_964 = arith.constant 0 : i32
    %sign3A_965 = arith.cmpi slt, %reduce_sum3A_241, %sign3A_964 : i32
    %sign3A_966 = arith.extui %sign3A_965 : i1 to i32
    %sign3A_967 = arith.subi %sign3A_963, %sign3A_966 : i32
    %sign3A_968 = arith.constant 0 : i32
    %sign3A_969 = arith.cmpi sgt, %jit3A_959, %sign3A_968 : i32
    %sign3A_970 = arith.extui %sign3A_969 : i1 to i32
    %sign3A_971 = arith.constant 0 : i32
    %sign3A_972 = arith.cmpi slt, %jit3A_959, %sign3A_971 : i32
    %sign3A_973 = arith.extui %sign3A_972 : i1 to i32
    %sign3A_974 = arith.subi %sign3A_970, %sign3A_973 : i32
    %ne3A_975 = arith.cmpi ne, %sign3A_967, %sign3A_974 : i32
    %rem3A_976 = arith.remsi %reduce_sum3A_241, %jit3A_959 : i32
    %ne3A_977 = arith.constant 0 : i32
    %ne3A_978 = arith.cmpi ne, %rem3A_976, %ne3A_977 : i32
    %and3A_979 = arith.andi %ne3A_975, %ne3A_978 : i1
    %sub3A_980 = arith.constant 1 : i32
    %sub3A_981 = arith.subi %div3A_960, %sub3A_980 : i32
    %select_n3A_982 = arith.select %and3A_979, %sub3A_981, %div3A_960 : i32
    %mul3A_983 = arith.constant 128 : i32
    %mul3A_984 = arith.muli %select_n3A_982, %mul3A_983 : i32
    %min3A_985 = arith.constant 999808 : i32
    %min3A_986 = arith.minsi %mul3A_984, %min3A_985 : i32
    %jit3A_987 = arith.constant 128 : i32
    %div3A_988 = arith.divsi %reduce_sum3A_251, %jit3A_987 : i32
    %sign3A_989 = arith.constant 0 : i32
    %sign3A_990 = arith.cmpi sgt, %reduce_sum3A_251, %sign3A_989 : i32
    %sign3A_991 = arith.extui %sign3A_990 : i1 to i32
    %sign3A_992 = arith.constant 0 : i32
    %sign3A_993 = arith.cmpi slt, %reduce_sum3A_251, %sign3A_992 : i32
    %sign3A_994 = arith.extui %sign3A_993 : i1 to i32
    %sign3A_995 = arith.subi %sign3A_991, %sign3A_994 : i32
    %sign3A_996 = arith.constant 0 : i32
    %sign3A_997 = arith.cmpi sgt, %jit3A_987, %sign3A_996 : i32
    %sign3A_998 = arith.extui %sign3A_997 : i1 to i32
    %sign3A_999 = arith.constant 0 : i32
    %sign3A_1000 = arith.cmpi slt, %jit3A_987, %sign3A_999 : i32
    %sign3A_1001 = arith.extui %sign3A_1000 : i1 to i32
    %sign3A_1002 = arith.subi %sign3A_998, %sign3A_1001 : i32
    %ne3A_1003 = arith.cmpi ne, %sign3A_995, %sign3A_1002 : i32
    %rem3A_1004 = arith.remsi %reduce_sum3A_251, %jit3A_987 : i32
    %ne3A_1005 = arith.constant 0 : i32
    %ne3A_1006 = arith.cmpi ne, %rem3A_1004, %ne3A_1005 : i32
    %and3A_1007 = arith.andi %ne3A_1003, %ne3A_1006 : i1
    %sub3A_1008 = arith.constant 1 : i32
    %sub3A_1009 = arith.subi %div3A_988, %sub3A_1008 : i32
    %select_n3A_1010 = arith.select %and3A_1007, %sub3A_1009, %div3A_988 : i32
    %mul3A_1011 = arith.constant 128 : i32
    %mul3A_1012 = arith.muli %select_n3A_1010, %mul3A_1011 : i32
    %min3A_1013 = arith.constant 999808 : i32
    %min3A_1014 = arith.minsi %mul3A_1012, %min3A_1013 : i32
    %jit3A_1015 = arith.constant 128 : i32
    %div3A_1016 = arith.divsi %reduce_sum3A_261, %jit3A_1015 : i32
    %sign3A_1017 = arith.constant 0 : i32
    %sign3A_1018 = arith.cmpi sgt, %reduce_sum3A_261, %sign3A_1017 : i32
    %sign3A_1019 = arith.extui %sign3A_1018 : i1 to i32
    %sign3A_1020 = arith.constant 0 : i32
    %sign3A_1021 = arith.cmpi slt, %reduce_sum3A_261, %sign3A_1020 : i32
    %sign3A_1022 = arith.extui %sign3A_1021 : i1 to i32
    %sign3A_1023 = arith.subi %sign3A_1019, %sign3A_1022 : i32
    %sign3A_1024 = arith.constant 0 : i32
    %sign3A_1025 = arith.cmpi sgt, %jit3A_1015, %sign3A_1024 : i32
    %sign3A_1026 = arith.extui %sign3A_1025 : i1 to i32
    %sign3A_1027 = arith.constant 0 : i32
    %sign3A_1028 = arith.cmpi slt, %jit3A_1015, %sign3A_1027 : i32
    %sign3A_1029 = arith.extui %sign3A_1028 : i1 to i32
    %sign3A_1030 = arith.subi %sign3A_1026, %sign3A_1029 : i32
    %ne3A_1031 = arith.cmpi ne, %sign3A_1023, %sign3A_1030 : i32
    %rem3A_1032 = arith.remsi %reduce_sum3A_261, %jit3A_1015 : i32
    %ne3A_1033 = arith.constant 0 : i32
    %ne3A_1034 = arith.cmpi ne, %rem3A_1032, %ne3A_1033 : i32
    %and3A_1035 = arith.andi %ne3A_1031, %ne3A_1034 : i1
    %sub3A_1036 = arith.constant 1 : i32
    %sub3A_1037 = arith.subi %div3A_1016, %sub3A_1036 : i32
    %select_n3A_1038 = arith.select %and3A_1035, %sub3A_1037, %div3A_1016 : i32
    %mul3A_1039 = arith.constant 128 : i32
    %mul3A_1040 = arith.muli %select_n3A_1038, %mul3A_1039 : i32
    %min3A_1041 = arith.constant 999808 : i32
    %min3A_1042 = arith.minsi %mul3A_1040, %min3A_1041 : i32
    %jit3A_1043 = arith.constant 128 : i32
    %div3A_1044 = arith.divsi %reduce_sum3A_271, %jit3A_1043 : i32
    %sign3A_1045 = arith.constant 0 : i32
    %sign3A_1046 = arith.cmpi sgt, %reduce_sum3A_271, %sign3A_1045 : i32
    %sign3A_1047 = arith.extui %sign3A_1046 : i1 to i32
    %sign3A_1048 = arith.constant 0 : i32
    %sign3A_1049 = arith.cmpi slt, %reduce_sum3A_271, %sign3A_1048 : i32
    %sign3A_1050 = arith.extui %sign3A_1049 : i1 to i32
    %sign3A_1051 = arith.subi %sign3A_1047, %sign3A_1050 : i32
    %sign3A_1052 = arith.constant 0 : i32
    %sign3A_1053 = arith.cmpi sgt, %jit3A_1043, %sign3A_1052 : i32
    %sign3A_1054 = arith.extui %sign3A_1053 : i1 to i32
    %sign3A_1055 = arith.constant 0 : i32
    %sign3A_1056 = arith.cmpi slt, %jit3A_1043, %sign3A_1055 : i32
    %sign3A_1057 = arith.extui %sign3A_1056 : i1 to i32
    %sign3A_1058 = arith.subi %sign3A_1054, %sign3A_1057 : i32
    %ne3A_1059 = arith.cmpi ne, %sign3A_1051, %sign3A_1058 : i32
    %rem3A_1060 = arith.remsi %reduce_sum3A_271, %jit3A_1043 : i32
    %ne3A_1061 = arith.constant 0 : i32
    %ne3A_1062 = arith.cmpi ne, %rem3A_1060, %ne3A_1061 : i32
    %and3A_1063 = arith.andi %ne3A_1059, %ne3A_1062 : i1
    %sub3A_1064 = arith.constant 1 : i32
    %sub3A_1065 = arith.subi %div3A_1044, %sub3A_1064 : i32
    %select_n3A_1066 = arith.select %and3A_1063, %sub3A_1065, %div3A_1044 : i32
    %mul3A_1067 = arith.constant 128 : i32
    %mul3A_1068 = arith.muli %select_n3A_1066, %mul3A_1067 : i32
    %min3A_1069 = arith.constant 999808 : i32
    %min3A_1070 = arith.minsi %mul3A_1068, %min3A_1069 : i32
    %jit3A_1071 = arith.constant 128 : i32
    %div3A_1072 = arith.divsi %reduce_sum3A_281, %jit3A_1071 : i32
    %sign3A_1073 = arith.constant 0 : i32
    %sign3A_1074 = arith.cmpi sgt, %reduce_sum3A_281, %sign3A_1073 : i32
    %sign3A_1075 = arith.extui %sign3A_1074 : i1 to i32
    %sign3A_1076 = arith.constant 0 : i32
    %sign3A_1077 = arith.cmpi slt, %reduce_sum3A_281, %sign3A_1076 : i32
    %sign3A_1078 = arith.extui %sign3A_1077 : i1 to i32
    %sign3A_1079 = arith.subi %sign3A_1075, %sign3A_1078 : i32
    %sign3A_1080 = arith.constant 0 : i32
    %sign3A_1081 = arith.cmpi sgt, %jit3A_1071, %sign3A_1080 : i32
    %sign3A_1082 = arith.extui %sign3A_1081 : i1 to i32
    %sign3A_1083 = arith.constant 0 : i32
    %sign3A_1084 = arith.cmpi slt, %jit3A_1071, %sign3A_1083 : i32
    %sign3A_1085 = arith.extui %sign3A_1084 : i1 to i32
    %sign3A_1086 = arith.subi %sign3A_1082, %sign3A_1085 : i32
    %ne3A_1087 = arith.cmpi ne, %sign3A_1079, %sign3A_1086 : i32
    %rem3A_1088 = arith.remsi %reduce_sum3A_281, %jit3A_1071 : i32
    %ne3A_1089 = arith.constant 0 : i32
    %ne3A_1090 = arith.cmpi ne, %rem3A_1088, %ne3A_1089 : i32
    %and3A_1091 = arith.andi %ne3A_1087, %ne3A_1090 : i1
    %sub3A_1092 = arith.constant 1 : i32
    %sub3A_1093 = arith.subi %div3A_1072, %sub3A_1092 : i32
    %select_n3A_1094 = arith.select %and3A_1091, %sub3A_1093, %div3A_1072 : i32
    %mul3A_1095 = arith.constant 128 : i32
    %mul3A_1096 = arith.muli %select_n3A_1094, %mul3A_1095 : i32
    %min3A_1097 = arith.constant 999808 : i32
    %min3A_1098 = arith.minsi %mul3A_1096, %min3A_1097 : i32
    %jit3A_1099 = arith.constant 128 : i32
    %div3A_1100 = arith.divsi %reduce_sum3A_291, %jit3A_1099 : i32
    %sign3A_1101 = arith.constant 0 : i32
    %sign3A_1102 = arith.cmpi sgt, %reduce_sum3A_291, %sign3A_1101 : i32
    %sign3A_1103 = arith.extui %sign3A_1102 : i1 to i32
    %sign3A_1104 = arith.constant 0 : i32
    %sign3A_1105 = arith.cmpi slt, %reduce_sum3A_291, %sign3A_1104 : i32
    %sign3A_1106 = arith.extui %sign3A_1105 : i1 to i32
    %sign3A_1107 = arith.subi %sign3A_1103, %sign3A_1106 : i32
    %sign3A_1108 = arith.constant 0 : i32
    %sign3A_1109 = arith.cmpi sgt, %jit3A_1099, %sign3A_1108 : i32
    %sign3A_1110 = arith.extui %sign3A_1109 : i1 to i32
    %sign3A_1111 = arith.constant 0 : i32
    %sign3A_1112 = arith.cmpi slt, %jit3A_1099, %sign3A_1111 : i32
    %sign3A_1113 = arith.extui %sign3A_1112 : i1 to i32
    %sign3A_1114 = arith.subi %sign3A_1110, %sign3A_1113 : i32
    %ne3A_1115 = arith.cmpi ne, %sign3A_1107, %sign3A_1114 : i32
    %rem3A_1116 = arith.remsi %reduce_sum3A_291, %jit3A_1099 : i32
    %ne3A_1117 = arith.constant 0 : i32
    %ne3A_1118 = arith.cmpi ne, %rem3A_1116, %ne3A_1117 : i32
    %and3A_1119 = arith.andi %ne3A_1115, %ne3A_1118 : i1
    %sub3A_1120 = arith.constant 1 : i32
    %sub3A_1121 = arith.subi %div3A_1100, %sub3A_1120 : i32
    %select_n3A_1122 = arith.select %and3A_1119, %sub3A_1121, %div3A_1100 : i32
    %mul3A_1123 = arith.constant 128 : i32
    %mul3A_1124 = arith.muli %select_n3A_1122, %mul3A_1123 : i32
    %min3A_1125 = arith.constant 999808 : i32
    %min3A_1126 = arith.minsi %mul3A_1124, %min3A_1125 : i32
    %jit3A_1127 = arith.constant 128 : i32
    %div3A_1128 = arith.divsi %reduce_sum3A_301, %jit3A_1127 : i32
    %sign3A_1129 = arith.constant 0 : i32
    %sign3A_1130 = arith.cmpi sgt, %reduce_sum3A_301, %sign3A_1129 : i32
    %sign3A_1131 = arith.extui %sign3A_1130 : i1 to i32
    %sign3A_1132 = arith.constant 0 : i32
    %sign3A_1133 = arith.cmpi slt, %reduce_sum3A_301, %sign3A_1132 : i32
    %sign3A_1134 = arith.extui %sign3A_1133 : i1 to i32
    %sign3A_1135 = arith.subi %sign3A_1131, %sign3A_1134 : i32
    %sign3A_1136 = arith.constant 0 : i32
    %sign3A_1137 = arith.cmpi sgt, %jit3A_1127, %sign3A_1136 : i32
    %sign3A_1138 = arith.extui %sign3A_1137 : i1 to i32
    %sign3A_1139 = arith.constant 0 : i32
    %sign3A_1140 = arith.cmpi slt, %jit3A_1127, %sign3A_1139 : i32
    %sign3A_1141 = arith.extui %sign3A_1140 : i1 to i32
    %sign3A_1142 = arith.subi %sign3A_1138, %sign3A_1141 : i32
    %ne3A_1143 = arith.cmpi ne, %sign3A_1135, %sign3A_1142 : i32
    %rem3A_1144 = arith.remsi %reduce_sum3A_301, %jit3A_1127 : i32
    %ne3A_1145 = arith.constant 0 : i32
    %ne3A_1146 = arith.cmpi ne, %rem3A_1144, %ne3A_1145 : i32
    %and3A_1147 = arith.andi %ne3A_1143, %ne3A_1146 : i1
    %sub3A_1148 = arith.constant 1 : i32
    %sub3A_1149 = arith.subi %div3A_1128, %sub3A_1148 : i32
    %select_n3A_1150 = arith.select %and3A_1147, %sub3A_1149, %div3A_1128 : i32
    %mul3A_1151 = arith.constant 128 : i32
    %mul3A_1152 = arith.muli %select_n3A_1150, %mul3A_1151 : i32
    %min3A_1153 = arith.constant 999808 : i32
    %min3A_1154 = arith.minsi %mul3A_1152, %min3A_1153 : i32
    %jit3A_1155 = arith.constant 128 : i32
    %div3A_1156 = arith.divsi %reduce_sum3A_311, %jit3A_1155 : i32
    %sign3A_1157 = arith.constant 0 : i32
    %sign3A_1158 = arith.cmpi sgt, %reduce_sum3A_311, %sign3A_1157 : i32
    %sign3A_1159 = arith.extui %sign3A_1158 : i1 to i32
    %sign3A_1160 = arith.constant 0 : i32
    %sign3A_1161 = arith.cmpi slt, %reduce_sum3A_311, %sign3A_1160 : i32
    %sign3A_1162 = arith.extui %sign3A_1161 : i1 to i32
    %sign3A_1163 = arith.subi %sign3A_1159, %sign3A_1162 : i32
    %sign3A_1164 = arith.constant 0 : i32
    %sign3A_1165 = arith.cmpi sgt, %jit3A_1155, %sign3A_1164 : i32
    %sign3A_1166 = arith.extui %sign3A_1165 : i1 to i32
    %sign3A_1167 = arith.constant 0 : i32
    %sign3A_1168 = arith.cmpi slt, %jit3A_1155, %sign3A_1167 : i32
    %sign3A_1169 = arith.extui %sign3A_1168 : i1 to i32
    %sign3A_1170 = arith.subi %sign3A_1166, %sign3A_1169 : i32
    %ne3A_1171 = arith.cmpi ne, %sign3A_1163, %sign3A_1170 : i32
    %rem3A_1172 = arith.remsi %reduce_sum3A_311, %jit3A_1155 : i32
    %ne3A_1173 = arith.constant 0 : i32
    %ne3A_1174 = arith.cmpi ne, %rem3A_1172, %ne3A_1173 : i32
    %and3A_1175 = arith.andi %ne3A_1171, %ne3A_1174 : i1
    %sub3A_1176 = arith.constant 1 : i32
    %sub3A_1177 = arith.subi %div3A_1156, %sub3A_1176 : i32
    %select_n3A_1178 = arith.select %and3A_1175, %sub3A_1177, %div3A_1156 : i32
    %mul3A_1179 = arith.constant 128 : i32
    %mul3A_1180 = arith.muli %select_n3A_1178, %mul3A_1179 : i32
    %min3A_1181 = arith.constant 999808 : i32
    %min3A_1182 = arith.minsi %mul3A_1180, %min3A_1181 : i32
    %jit3A_1183 = arith.constant 128 : i32
    %div3A_1184 = arith.divsi %reduce_sum3A_321, %jit3A_1183 : i32
    %sign3A_1185 = arith.constant 0 : i32
    %sign3A_1186 = arith.cmpi sgt, %reduce_sum3A_321, %sign3A_1185 : i32
    %sign3A_1187 = arith.extui %sign3A_1186 : i1 to i32
    %sign3A_1188 = arith.constant 0 : i32
    %sign3A_1189 = arith.cmpi slt, %reduce_sum3A_321, %sign3A_1188 : i32
    %sign3A_1190 = arith.extui %sign3A_1189 : i1 to i32
    %sign3A_1191 = arith.subi %sign3A_1187, %sign3A_1190 : i32
    %sign3A_1192 = arith.constant 0 : i32
    %sign3A_1193 = arith.cmpi sgt, %jit3A_1183, %sign3A_1192 : i32
    %sign3A_1194 = arith.extui %sign3A_1193 : i1 to i32
    %sign3A_1195 = arith.constant 0 : i32
    %sign3A_1196 = arith.cmpi slt, %jit3A_1183, %sign3A_1195 : i32
    %sign3A_1197 = arith.extui %sign3A_1196 : i1 to i32
    %sign3A_1198 = arith.subi %sign3A_1194, %sign3A_1197 : i32
    %ne3A_1199 = arith.cmpi ne, %sign3A_1191, %sign3A_1198 : i32
    %rem3A_1200 = arith.remsi %reduce_sum3A_321, %jit3A_1183 : i32
    %ne3A_1201 = arith.constant 0 : i32
    %ne3A_1202 = arith.cmpi ne, %rem3A_1200, %ne3A_1201 : i32
    %and3A_1203 = arith.andi %ne3A_1199, %ne3A_1202 : i1
    %sub3A_1204 = arith.constant 1 : i32
    %sub3A_1205 = arith.subi %div3A_1184, %sub3A_1204 : i32
    %select_n3A_1206 = arith.select %and3A_1203, %sub3A_1205, %div3A_1184 : i32
    %mul3A_1207 = arith.constant 128 : i32
    %mul3A_1208 = arith.muli %select_n3A_1206, %mul3A_1207 : i32
    %min3A_1209 = arith.constant 999808 : i32
    %min3A_1210 = arith.minsi %mul3A_1208, %min3A_1209 : i32
    %multiple_of3A = tpu.assume_multiple %min3A_342, 128 : i32
    %dma_start3A_1211 = arith.constant 0 : i32
    %dma_start3A_1212 = arith.constant 0 : i32
    %dma_start3A_1213 = arith.constant 0 : i32
    %dma_start3A_1214 = tpu.memref_slice %arg11[%dma_start3A_1211, %dma_start3A_1212, %dma_start3A_1213] : memref<8x32x128xf32, #tpu.memory_space<vmem>> -> memref<1x32x128xf32, #tpu.memory_space<vmem>>
    %dma_start3A_1215 = tpu.memref_squeeze %dma_start3A_1214 : memref<1x32x128xf32, #tpu.memory_space<vmem>> -> memref<32x128xf32, #tpu.memory_space<vmem>>
    %dma_start3A_1216 = arith.constant 0 : i32
    %dma_start3A_1217 = tpu.memref_slice %arg3[%dma_start3A_1216, %multiple_of3A] : memref<32x1000000xf32, #tpu.memory_space<hbm>> -> memref<32x128xf32, #tpu.memory_space<hbm>>
    %dma_start3A_1218 = arith.constant 0 : i32
    %dma_start3A_1219 = arith.constant 0 : i32
    %dma_start3A_1220 = tpu.memref_slice %arg11[%dma_start3A_1211, %dma_start3A_1218, %dma_start3A_1219] : memref<8x32x128xf32, #tpu.memory_space<vmem>> -> memref<1x32x128xf32, #tpu.memory_space<vmem>>
    %dma_start3A_1221 = tpu.memref_squeeze %dma_start3A_1220 : memref<1x32x128xf32, #tpu.memory_space<vmem>> -> memref<32x128xf32, #tpu.memory_space<vmem>>
    %dma_start3A_1222 = arith.constant 0 : i32
    %dma_start3A_1223 = tpu.memref_slice %arg3[%dma_start3A_1222, %multiple_of3A] : memref<32x1000000xf32, #tpu.memory_space<hbm>> -> memref<32x128xf32, #tpu.memory_space<hbm>>
    tpu.enqueue_dma source(%dma_start3A_1223 : memref<32x128xf32, #tpu.memory_space<hbm>>) target(%dma_start3A_1221 : memref<32x128xf32, #tpu.memory_space<vmem>>) target_semaphore(%arg16 : memref<!tpu.dma_semaphore, #tpu.memory_space<semaphore_mem>>)
    %multiple_of3A_1224 = tpu.assume_multiple %min3A_370, 128 : i32
    %dma_start3A_1225 = arith.constant 1 : i32
    %dma_start3A_1226 = arith.constant 0 : i32
    %dma_start3A_1227 = arith.constant 0 : i32
    %dma_start3A_1228 = tpu.memref_slice %arg11[%dma_start3A_1225, %dma_start3A_1226, %dma_start3A_1227] : memref<8x32x128xf32, #tpu.memory_space<vmem>> -> memref<1x32x128xf32, #tpu.memory_space<vmem>>
    %dma_start3A_1229 = tpu.memref_squeeze %dma_start3A_1228 : memref<1x32x128xf32, #tpu.memory_space<vmem>> -> memref<32x128xf32, #tpu.memory_space<vmem>>
    %dma_start3A_1230 = arith.constant 0 : i32
    %dma_start3A_1231 = tpu.memref_slice %arg3[%dma_start3A_1230, %multiple_of3A_1224] : memref<32x1000000xf32, #tpu.memory_space<hbm>> -> memref<32x128xf32, #tpu.memory_space<hbm>>
    %dma_start3A_1232 = arith.constant 0 : i32
    %dma_start3A_1233 = arith.constant 0 : i32
    %dma_start3A_1234 = tpu.memref_slice %arg11[%dma_start3A_1225, %dma_start3A_1232, %dma_start3A_1233] : memref<8x32x128xf32, #tpu.memory_space<vmem>> -> memref<1x32x128xf32, #tpu.memory_space<vmem>>
    %dma_start3A_1235 = tpu.memref_squeeze %dma_start3A_1234 : memref<1x32x128xf32, #tpu.memory_space<vmem>> -> memref<32x128xf32, #tpu.memory_space<vmem>>
    %dma_start3A_1236 = arith.constant 0 : i32
    %dma_start3A_1237 = tpu.memref_slice %arg3[%dma_start3A_1236, %multiple_of3A_1224] : memref<32x1000000xf32, #tpu.memory_space<hbm>> -> memref<32x128xf32, #tpu.memory_space<hbm>>
    tpu.enqueue_dma source(%dma_start3A_1237 : memref<32x128xf32, #tpu.memory_space<hbm>>) target(%dma_start3A_1235 : memref<32x128xf32, #tpu.memory_space<vmem>>) target_semaphore(%arg17 : memref<!tpu.dma_semaphore, #tpu.memory_space<semaphore_mem>>)
    %multiple_of3A_1238 = tpu.assume_multiple %min3A_398, 128 : i32
    %dma_start3A_1239 = arith.constant 2 : i32
    %dma_start3A_1240 = arith.constant 0 : i32
    %dma_start3A_1241 = arith.constant 0 : i32
    %dma_start3A_1242 = tpu.memref_slice %arg11[%dma_start3A_1239, %dma_start3A_1240, %dma_start3A_1241] : memref<8x32x128xf32, #tpu.memory_space<vmem>> -> memref<1x32x128xf32, #tpu.memory_space<vmem>>
    %dma_start3A_1243 = tpu.memref_squeeze %dma_start3A_1242 : memref<1x32x128xf32, #tpu.memory_space<vmem>> -> memref<32x128xf32, #tpu.memory_space<vmem>>
    %dma_start3A_1244 = arith.constant 0 : i32
    %dma_start3A_1245 = tpu.memref_slice %arg3[%dma_start3A_1244, %multiple_of3A_1238] : memref<32x1000000xf32, #tpu.memory_space<hbm>> -> memref<32x128xf32, #tpu.memory_space<hbm>>
    %dma_start3A_1246 = arith.constant 0 : i32
    %dma_start3A_1247 = arith.constant 0 : i32
    %dma_start3A_1248 = tpu.memref_slice %arg11[%dma_start3A_1239, %dma_start3A_1246, %dma_start3A_1247] : memref<8x32x128xf32, #tpu.memory_space<vmem>> -> memref<1x32x128xf32, #tpu.memory_space<vmem>>
    %dma_start3A_1249 = tpu.memref_squeeze %dma_start3A_1248 : memref<1x32x128xf32, #tpu.memory_space<vmem>> -> memref<32x128xf32, #tpu.memory_space<vmem>>
    %dma_start3A_1250 = arith.constant 0 : i32
    %dma_start3A_1251 = tpu.memref_slice %arg3[%dma_start3A_1250, %multiple_of3A_1238] : memref<32x1000000xf32, #tpu.memory_space<hbm>> -> memref<32x128xf32, #tpu.memory_space<hbm>>
    tpu.enqueue_dma source(%dma_start3A_1251 : memref<32x128xf32, #tpu.memory_space<hbm>>) target(%dma_start3A_1249 : memref<32x128xf32, #tpu.memory_space<vmem>>) target_semaphore(%arg18 : memref<!tpu.dma_semaphore, #tpu.memory_space<semaphore_mem>>)
    %multiple_of3A_1252 = tpu.assume_multiple %min3A_426, 128 : i32
    %dma_start3A_1253 = arith.constant 3 : i32
    %dma_start3A_1254 = arith.constant 0 : i32
    %dma_start3A_1255 = arith.constant 0 : i32
    %dma_start3A_1256 = tpu.memref_slice %arg11[%dma_start3A_1253, %dma_start3A_1254, %dma_start3A_1255] : memref<8x32x128xf32, #tpu.memory_space<vmem>> -> memref<1x32x128xf32, #tpu.memory_space<vmem>>
    %dma_start3A_1257 = tpu.memref_squeeze %dma_start3A_1256 : memref<1x32x128xf32, #tpu.memory_space<vmem>> -> memref<32x128xf32, #tpu.memory_space<vmem>>
    %dma_start3A_1258 = arith.constant 0 : i32
    %dma_start3A_1259 = tpu.memref_slice %arg3[%dma_start3A_1258, %multiple_of3A_1252] : memref<32x1000000xf32, #tpu.memory_space<hbm>> -> memref<32x128xf32, #tpu.memory_space<hbm>>
    %dma_start3A_1260 = arith.constant 0 : i32
    %dma_start3A_1261 = arith.constant 0 : i32
    %dma_start3A_1262 = tpu.memref_slice %arg11[%dma_start3A_1253, %dma_start3A_1260, %dma_start3A_1261] : memref<8x32x128xf32, #tpu.memory_space<vmem>> -> memref<1x32x128xf32, #tpu.memory_space<vmem>>
    %dma_start3A_1263 = tpu.memref_squeeze %dma_start3A_1262 : memref<1x32x128xf32, #tpu.memory_space<vmem>> -> memref<32x128xf32, #tpu.memory_space<vmem>>
    %dma_start3A_1264 = arith.constant 0 : i32
    %dma_start3A_1265 = tpu.memref_slice %arg3[%dma_start3A_1264, %multiple_of3A_1252] : memref<32x1000000xf32, #tpu.memory_space<hbm>> -> memref<32x128xf32, #tpu.memory_space<hbm>>
    tpu.enqueue_dma source(%dma_start3A_1265 : memref<32x128xf32, #tpu.memory_space<hbm>>) target(%dma_start3A_1263 : memref<32x128xf32, #tpu.memory_space<vmem>>) target_semaphore(%arg19 : memref<!tpu.dma_semaphore, #tpu.memory_space<semaphore_mem>>)
    %multiple_of3A_1266 = tpu.assume_multiple %min3A_454, 128 : i32
    %dma_start3A_1267 = arith.constant 4 : i32
    %dma_start3A_1268 = arith.constant 0 : i32
    %dma_start3A_1269 = arith.constant 0 : i32
    %dma_start3A_1270 = tpu.memref_slice %arg11[%dma_start3A_1267, %dma_start3A_1268, %dma_start3A_1269] : memref<8x32x128xf32, #tpu.memory_space<vmem>> -> memref<1x32x128xf32, #tpu.memory_space<vmem>>
    %dma_start3A_1271 = tpu.memref_squeeze %dma_start3A_1270 : memref<1x32x128xf32, #tpu.memory_space<vmem>> -> memref<32x128xf32, #tpu.memory_space<vmem>>
    %dma_start3A_1272 = arith.constant 0 : i32
    %dma_start3A_1273 = tpu.memref_slice %arg3[%dma_start3A_1272, %multiple_of3A_1266] : memref<32x1000000xf32, #tpu.memory_space<hbm>> -> memref<32x128xf32, #tpu.memory_space<hbm>>
    %dma_start3A_1274 = arith.constant 0 : i32
    %dma_start3A_1275 = arith.constant 0 : i32
    %dma_start3A_1276 = tpu.memref_slice %arg11[%dma_start3A_1267, %dma_start3A_1274, %dma_start3A_1275] : memref<8x32x128xf32, #tpu.memory_space<vmem>> -> memref<1x32x128xf32, #tpu.memory_space<vmem>>
    %dma_start3A_1277 = tpu.memref_squeeze %dma_start3A_1276 : memref<1x32x128xf32, #tpu.memory_space<vmem>> -> memref<32x128xf32, #tpu.memory_space<vmem>>
    %dma_start3A_1278 = arith.constant 0 : i32
    %dma_start3A_1279 = tpu.memref_slice %arg3[%dma_start3A_1278, %multiple_of3A_1266] : memref<32x1000000xf32, #tpu.memory_space<hbm>> -> memref<32x128xf32, #tpu.memory_space<hbm>>
    tpu.enqueue_dma source(%dma_start3A_1279 : memref<32x128xf32, #tpu.memory_space<hbm>>) target(%dma_start3A_1277 : memref<32x128xf32, #tpu.memory_space<vmem>>) target_semaphore(%arg20 : memref<!tpu.dma_semaphore, #tpu.memory_space<semaphore_mem>>)
    %multiple_of3A_1280 = tpu.assume_multiple %min3A_482, 128 : i32
    %dma_start3A_1281 = arith.constant 5 : i32
    %dma_start3A_1282 = arith.constant 0 : i32
    %dma_start3A_1283 = arith.constant 0 : i32
    %dma_start3A_1284 = tpu.memref_slice %arg11[%dma_start3A_1281, %dma_start3A_1282, %dma_start3A_1283] : memref<8x32x128xf32, #tpu.memory_space<vmem>> -> memref<1x32x128xf32, #tpu.memory_space<vmem>>
    %dma_start3A_1285 = tpu.memref_squeeze %dma_start3A_1284 : memref<1x32x128xf32, #tpu.memory_space<vmem>> -> memref<32x128xf32, #tpu.memory_space<vmem>>
    %dma_start3A_1286 = arith.constant 0 : i32
    %dma_start3A_1287 = tpu.memref_slice %arg3[%dma_start3A_1286, %multiple_of3A_1280] : memref<32x1000000xf32, #tpu.memory_space<hbm>> -> memref<32x128xf32, #tpu.memory_space<hbm>>
    %dma_start3A_1288 = arith.constant 0 : i32
    %dma_start3A_1289 = arith.constant 0 : i32
    %dma_start3A_1290 = tpu.memref_slice %arg11[%dma_start3A_1281, %dma_start3A_1288, %dma_start3A_1289] : memref<8x32x128xf32, #tpu.memory_space<vmem>> -> memref<1x32x128xf32, #tpu.memory_space<vmem>>
    %dma_start3A_1291 = tpu.memref_squeeze %dma_start3A_1290 : memref<1x32x128xf32, #tpu.memory_space<vmem>> -> memref<32x128xf32, #tpu.memory_space<vmem>>
    %dma_start3A_1292 = arith.constant 0 : i32
    %dma_start3A_1293 = tpu.memref_slice %arg3[%dma_start3A_1292, %multiple_of3A_1280] : memref<32x1000000xf32, #tpu.memory_space<hbm>> -> memref<32x128xf32, #tpu.memory_space<hbm>>
    tpu.enqueue_dma source(%dma_start3A_1293 : memref<32x128xf32, #tpu.memory_space<hbm>>) target(%dma_start3A_1291 : memref<32x128xf32, #tpu.memory_space<vmem>>) target_semaphore(%arg21 : memref<!tpu.dma_semaphore, #tpu.memory_space<semaphore_mem>>)
    %multiple_of3A_1294 = tpu.assume_multiple %min3A_510, 128 : i32
    %dma_start3A_1295 = arith.constant 6 : i32
    %dma_start3A_1296 = arith.constant 0 : i32
    %dma_start3A_1297 = arith.constant 0 : i32
    %dma_start3A_1298 = tpu.memref_slice %arg11[%dma_start3A_1295, %dma_start3A_1296, %dma_start3A_1297] : memref<8x32x128xf32, #tpu.memory_space<vmem>> -> memref<1x32x128xf32, #tpu.memory_space<vmem>>
    %dma_start3A_1299 = tpu.memref_squeeze %dma_start3A_1298 : memref<1x32x128xf32, #tpu.memory_space<vmem>> -> memref<32x128xf32, #tpu.memory_space<vmem>>
    %dma_start3A_1300 = arith.constant 0 : i32
    %dma_start3A_1301 = tpu.memref_slice %arg3[%dma_start3A_1300, %multiple_of3A_1294] : memref<32x1000000xf32, #tpu.memory_space<hbm>> -> memref<32x128xf32, #tpu.memory_space<hbm>>
    %dma_start3A_1302 = arith.constant 0 : i32
    %dma_start3A_1303 = arith.constant 0 : i32
    %dma_start3A_1304 = tpu.memref_slice %arg11[%dma_start3A_1295, %dma_start3A_1302, %dma_start3A_1303] : memref<8x32x128xf32, #tpu.memory_space<vmem>> -> memref<1x32x128xf32, #tpu.memory_space<vmem>>
    %dma_start3A_1305 = tpu.memref_squeeze %dma_start3A_1304 : memref<1x32x128xf32, #tpu.memory_space<vmem>> -> memref<32x128xf32, #tpu.memory_space<vmem>>
    %dma_start3A_1306 = arith.constant 0 : i32
    %dma_start3A_1307 = tpu.memref_slice %arg3[%dma_start3A_1306, %multiple_of3A_1294] : memref<32x1000000xf32, #tpu.memory_space<hbm>> -> memref<32x128xf32, #tpu.memory_space<hbm>>
    tpu.enqueue_dma source(%dma_start3A_1307 : memref<32x128xf32, #tpu.memory_space<hbm>>) target(%dma_start3A_1305 : memref<32x128xf32, #tpu.memory_space<vmem>>) target_semaphore(%arg22 : memref<!tpu.dma_semaphore, #tpu.memory_space<semaphore_mem>>)
    %multiple_of3A_1308 = tpu.assume_multiple %min3A_538, 128 : i32
    %dma_start3A_1309 = arith.constant 7 : i32
    %dma_start3A_1310 = arith.constant 0 : i32
    %dma_start3A_1311 = arith.constant 0 : i32
    %dma_start3A_1312 = tpu.memref_slice %arg11[%dma_start3A_1309, %dma_start3A_1310, %dma_start3A_1311] : memref<8x32x128xf32, #tpu.memory_space<vmem>> -> memref<1x32x128xf32, #tpu.memory_space<vmem>>
    %dma_start3A_1313 = tpu.memref_squeeze %dma_start3A_1312 : memref<1x32x128xf32, #tpu.memory_space<vmem>> -> memref<32x128xf32, #tpu.memory_space<vmem>>
    %dma_start3A_1314 = arith.constant 0 : i32
    %dma_start3A_1315 = tpu.memref_slice %arg3[%dma_start3A_1314, %multiple_of3A_1308] : memref<32x1000000xf32, #tpu.memory_space<hbm>> -> memref<32x128xf32, #tpu.memory_space<hbm>>
    %dma_start3A_1316 = arith.constant 0 : i32
    %dma_start3A_1317 = arith.constant 0 : i32
    %dma_start3A_1318 = tpu.memref_slice %arg11[%dma_start3A_1309, %dma_start3A_1316, %dma_start3A_1317] : memref<8x32x128xf32, #tpu.memory_space<vmem>> -> memref<1x32x128xf32, #tpu.memory_space<vmem>>
    %dma_start3A_1319 = tpu.memref_squeeze %dma_start3A_1318 : memref<1x32x128xf32, #tpu.memory_space<vmem>> -> memref<32x128xf32, #tpu.memory_space<vmem>>
    %dma_start3A_1320 = arith.constant 0 : i32
    %dma_start3A_1321 = tpu.memref_slice %arg3[%dma_start3A_1320, %multiple_of3A_1308] : memref<32x1000000xf32, #tpu.memory_space<hbm>> -> memref<32x128xf32, #tpu.memory_space<hbm>>
    tpu.enqueue_dma source(%dma_start3A_1321 : memref<32x128xf32, #tpu.memory_space<hbm>>) target(%dma_start3A_1319 : memref<32x128xf32, #tpu.memory_space<vmem>>) target_semaphore(%arg23 : memref<!tpu.dma_semaphore, #tpu.memory_space<semaphore_mem>>)
    %dma_wait3A = arith.constant 0 : i32
    %dma_wait3A_1322 = tpu.memref_slice %arg4[%dma_wait3A] : memref<1000000xi32, #tpu.memory_space<hbm>> -> memref<1000000xi32, #tpu.memory_space<hbm>>
    tpu.wait_indirect_dma semaphore(%arg24 : memref<!tpu.dma_semaphore, #tpu.memory_space<semaphore_mem>>) src(%dma_wait3A_1322 : memref<1000000xi32, #tpu.memory_space<hbm>>) dst(%arg14 : memref<32xi32, #tpu.memory_space<vmem>>)
    %dma_start3A_1323 = arith.constant 0 : i32
    %dma_start3A_1324 = arith.constant 0 : i32
    %dma_start3A_1325 = tpu.memref_slice %arg5[%dma_start3A_1323, %dma_start3A_1324] : memref<10000x128xf32, #tpu.memory_space<hbm>> -> memref<10000x128xf32, #tpu.memory_space<hbm>>
    tpu.enqueue_indirect_dma source(%dma_start3A_1325 : memref<10000x128xf32, #tpu.memory_space<hbm>>) target(%arg15 : memref<32x128xf32, #tpu.memory_space<vmem>>) offsets(%arg14 : memref<32xi32, #tpu.memory_space<vmem>>) semaphore(%arg25 : memref<!tpu.dma_semaphore, #tpu.memory_space<semaphore_mem>>)
    %dma_wait3A_1326 = arith.constant 0 : i32
    %dma_wait3A_1327 = arith.constant 0 : i32
    %dma_wait3A_1328 = arith.constant 0 : i32
    %dma_wait3A_1329 = tpu.memref_slice %arg11[%dma_wait3A_1326, %dma_wait3A_1327, %dma_wait3A_1328] : memref<8x32x128xf32, #tpu.memory_space<vmem>> -> memref<1x32x128xf32, #tpu.memory_space<vmem>>
    %dma_wait3A_1330 = tpu.memref_squeeze %dma_wait3A_1329 : memref<1x32x128xf32, #tpu.memory_space<vmem>> -> memref<32x128xf32, #tpu.memory_space<vmem>>
    %dma_wait3A_1331 = arith.constant 0 : i32
    %dma_wait3A_1332 = tpu.memref_slice %arg3[%dma_wait3A_1331, %multiple_of3A] : memref<32x1000000xf32, #tpu.memory_space<hbm>> -> memref<32x128xf32, #tpu.memory_space<hbm>>
    %dma_wait3A_1333 = arith.constant 0 : i32
    %dma_wait3A_1334 = arith.constant 0 : i32
    %dma_wait3A_1335 = tpu.memref_slice %arg11[%dma_wait3A_1326, %dma_wait3A_1333, %dma_wait3A_1334] : memref<8x32x128xf32, #tpu.memory_space<vmem>> -> memref<1x32x128xf32, #tpu.memory_space<vmem>>
    %dma_wait3A_1336 = tpu.memref_squeeze %dma_wait3A_1335 : memref<1x32x128xf32, #tpu.memory_space<vmem>> -> memref<32x128xf32, #tpu.memory_space<vmem>>
    %dma_wait3A_1337 = arith.constant 0 : i32
    %dma_wait3A_1338 = tpu.memref_slice %arg3[%dma_wait3A_1337, %multiple_of3A] : memref<32x1000000xf32, #tpu.memory_space<hbm>> -> memref<32x128xf32, #tpu.memory_space<hbm>>
    tpu.wait_dma2 semaphore(%arg16 : memref<!tpu.dma_semaphore, #tpu.memory_space<semaphore_mem>>) src(%dma_wait3A_1338 : memref<32x128xf32, #tpu.memory_space<hbm>>) dst(%dma_wait3A_1336 : memref<32x128xf32, #tpu.memory_space<vmem>>)
    %sub3A_1339 = arith.subi %reduce_sum3A_11, %min3A_342 : i32
    %and3A_1340 = arith.constant 127 : i32
    %and3A_1341 = arith.andi %sub3A_1339, %and3A_1340 : i32
    %broadcast_in_dim3A_1342 = vector.broadcast %and3A_1341 : i32 to vector<16xi32>
    %sub3A_1343 = arith.constant 999936 : i32
    %sub3A_1344 = arith.subi %reduce_sum3A_11, %sub3A_1343 : i32
    %jit3A_1345 = arith.constant 0 : i32
    %jit3A_1346 = arith.constant 63 : i32
    %max3A = arith.maxsi %jit3A_1345, %sub3A_1344 : i32
    %min3A_1347 = arith.minsi %jit3A_1346, %max3A : i32
    %broadcast_in_dim3A_1348 = vector.broadcast %min3A_1347 : i32 to vector<16xi32>
    %broadcast_in_dim3A_1349 = arith.constant 0 : i32
    %broadcast_in_dim3A_1350 = vector.broadcast %broadcast_in_dim3A_1349 : i32 to vector<16xi32>
    %gather3A = arith.constant 0 : i32
    %gather3A_1351 = arith.constant 0 : i32
    %gather3A_1352 = arith.constant 0 : i32
    %gather3A_1353 = tpu.memref_slice %arg11[%gather3A, %gather3A_1351, %gather3A_1352] : memref<8x32x128xf32, #tpu.memory_space<vmem>> -> memref<1x32x128xf32, #tpu.memory_space<vmem>>
    %gather3A_1354 = tpu.memref_squeeze %gather3A_1353 : memref<1x32x128xf32, #tpu.memory_space<vmem>> -> memref<32x128xf32, #tpu.memory_space<vmem>>
    %gather3A_1355 = tpu.vector_load_idx %gather3A_1354[%iota3A, %broadcast_in_dim3A_1342] : memref<32x128xf32, #tpu.memory_space<vmem>>[vector<16xi32>, vector<16xi32>], vector<16xf32>,
    %add3A_1356 = arith.constant 16 : i32
    %add3A_1357 = vector.broadcast %add3A_1356 : i32 to vector<16xi32>
    %add3A_1358 = arith.addi %iota3A, %add3A_1357 : vector<16xi32>
    %gather3A_1359 = arith.constant 0 : i32
    %gather3A_1360 = arith.constant 0 : i32
    %gather3A_1361 = arith.constant 0 : i32
    %gather3A_1362 = tpu.memref_slice %arg11[%gather3A_1359, %gather3A_1360, %gather3A_1361] : memref<8x32x128xf32, #tpu.memory_space<vmem>> -> memref<1x32x128xf32, #tpu.memory_space<vmem>>
    %gather3A_1363 = tpu.memref_squeeze %gather3A_1362 : memref<1x32x128xf32, #tpu.memory_space<vmem>> -> memref<32x128xf32, #tpu.memory_space<vmem>>
    %gather3A_1364 = tpu.vector_load_idx %gather3A_1363[%add3A_1358, %broadcast_in_dim3A_1342] : memref<32x128xf32, #tpu.memory_space<vmem>>[vector<16xi32>, vector<16xi32>], vector<16xf32>,
    %gather3A_1365 = tpu.vector_load_idx %arg10[%iota3A, %broadcast_in_dim3A_1348] : memref<32x64xf32, #tpu.memory_space<vmem>>[vector<16xi32>, vector<16xi32>], vector<16xf32>,
    %add3A_1366 = arith.constant 16 : i32
    %add3A_1367 = vector.broadcast %add3A_1366 : i32 to vector<16xi32>
    %add3A_1368 = arith.addi %iota3A, %add3A_1367 : vector<16xi32>
    %gather3A_1369 = tpu.vector_load_idx %arg10[%add3A_1368, %broadcast_in_dim3A_1348] : memref<32x64xf32, #tpu.memory_space<vmem>>[vector<16xi32>, vector<16xi32>], vector<16xf32>,
    %lt3A = arith.constant 999936 : i32
    %lt3A_1370 = arith.cmpi slt, %reduce_sum3A_11, %lt3A : i32
    %select_n3A_1371 = arith.select %lt3A_1370, %gather3A_1355, %gather3A_1365 : vector<16xf32>
    %select_n3A_1372 = arith.select %lt3A_1370, %gather3A_1364, %gather3A_1369 : vector<16xf32>
    tpu.vector_store_idx %arg12[%iota3A, %broadcast_in_dim3A_1350], %select_n3A_1371 : memref<32x32xf32, #tpu.memory_space<vmem>>[vector<16xi32>, vector<16xi32>], vector<16xf32>,
    %add3A_1373 = arith.constant 16 : i32
    %add3A_1374 = vector.broadcast %add3A_1373 : i32 to vector<16xi32>
    %add3A_1375 = arith.addi %iota3A, %add3A_1374 : vector<16xi32>
    tpu.vector_store_idx %arg12[%add3A_1375, %broadcast_in_dim3A_1350], %select_n3A_1372 : memref<32x32xf32, #tpu.memory_space<vmem>>[vector<16xi32>, vector<16xi32>], vector<16xf32>,
    tpu.vector_store_idx %arg13[%broadcast_in_dim3A_1350, %iota3A], %select_n3A_1371 : memref<32x32xf32, #tpu.memory_space<vmem>>[vector<16xi32>, vector<16xi32>], vector<16xf32>,
    %add3A_1376 = arith.constant 16 : i32
    %add3A_1377 = vector.broadcast %add3A_1376 : i32 to vector<16xi32>
    %add3A_1378 = arith.addi %iota3A, %add3A_1377 : vector<16xi32>
    tpu.vector_store_idx %arg13[%broadcast_in_dim3A_1350, %add3A_1378], %select_n3A_1372 : memref<32x32xf32, #tpu.memory_space<vmem>>[vector<16xi32>, vector<16xi32>], vector<16xf32>,
    %multiple_of3A_1379 = tpu.assume_multiple %min3A_566, 128 : i32
    %dma_start3A_1380 = arith.constant 0 : i32
    %dma_start3A_1381 = arith.constant 0 : i32
    %dma_start3A_1382 = arith.constant 0 : i32
    %dma_start3A_1383 = tpu.memref_slice %arg11[%dma_start3A_1380, %dma_start3A_1381, %dma_start3A_1382] : memref<8x32x128xf32, #tpu.memory_space<vmem>> -> memref<1x32x128xf32, #tpu.memory_space<vmem>>
    %dma_start3A_1384 = tpu.memref_squeeze %dma_start3A_1383 : memref<1x32x128xf32, #tpu.memory_space<vmem>> -> memref<32x128xf32, #tpu.memory_space<vmem>>
    %dma_start3A_1385 = arith.constant 0 : i32
    %dma_start3A_1386 = tpu.memref_slice %arg3[%dma_start3A_1385, %multiple_of3A_1379] : memref<32x1000000xf32, #tpu.memory_space<hbm>> -> memref<32x128xf32, #tpu.memory_space<hbm>>
    %dma_start3A_1387 = arith.constant 0 : i32
    %dma_start3A_1388 = arith.constant 0 : i32
    %dma_start3A_1389 = tpu.memref_slice %arg11[%dma_start3A_1380, %dma_start3A_1387, %dma_start3A_1388] : memref<8x32x128xf32, #tpu.memory_space<vmem>> -> memref<1x32x128xf32, #tpu.memory_space<vmem>>
    %dma_start3A_1390 = tpu.memref_squeeze %dma_start3A_1389 : memref<1x32x128xf32, #tpu.memory_space<vmem>> -> memref<32x128xf32, #tpu.memory_space<vmem>>
    %dma_start3A_1391 = arith.constant 0 : i32
    %dma_start3A_1392 = tpu.memref_slice %arg3[%dma_start3A_1391, %multiple_of3A_1379] : memref<32x1000000xf32, #tpu.memory_space<hbm>> -> memref<32x128xf32, #tpu.memory_space<hbm>>
    tpu.enqueue_dma source(%dma_start3A_1392 : memref<32x128xf32, #tpu.memory_space<hbm>>) target(%dma_start3A_1390 : memref<32x128xf32, #tpu.memory_space<vmem>>) target_semaphore(%arg16 : memref<!tpu.dma_semaphore, #tpu.memory_space<semaphore_mem>>)
    %dma_wait3A_1393 = arith.constant 1 : i32
    %dma_wait3A_1394 = arith.constant 0 : i32
    %dma_wait3A_1395 = arith.constant 0 : i32
    %dma_wait3A_1396 = tpu.memref_slice %arg11[%dma_wait3A_1393, %dma_wait3A_1394, %dma_wait3A_1395] : memref<8x32x128xf32, #tpu.memory_space<vmem>> -> memref<1x32x128xf32, #tpu.memory_space<vmem>>
    %dma_wait3A_1397 = tpu.memref_squeeze %dma_wait3A_1396 : memref<1x32x128xf32, #tpu.memory_space<vmem>> -> memref<32x128xf32, #tpu.memory_space<vmem>>
    %dma_wait3A_1398 = arith.constant 0 : i32
    %dma_wait3A_1399 = tpu.memref_slice %arg3[%dma_wait3A_1398, %multiple_of3A_1224] : memref<32x1000000xf32, #tpu.memory_space<hbm>> -> memref<32x128xf32, #tpu.memory_space<hbm>>
    %dma_wait3A_1400 = arith.constant 0 : i32
    %dma_wait3A_1401 = arith.constant 0 : i32
    %dma_wait3A_1402 = tpu.memref_slice %arg11[%dma_wait3A_1393, %dma_wait3A_1400, %dma_wait3A_1401] : memref<8x32x128xf32, #tpu.memory_space<vmem>> -> memref<1x32x128xf32, #tpu.memory_space<vmem>>
    %dma_wait3A_1403 = tpu.memref_squeeze %dma_wait3A_1402 : memref<1x32x128xf32, #tpu.memory_space<vmem>> -> memref<32x128xf32, #tpu.memory_space<vmem>>
    %dma_wait3A_1404 = arith.constant 0 : i32
    %dma_wait3A_1405 = tpu.memref_slice %arg3[%dma_wait3A_1404, %multiple_of3A_1224] : memref<32x1000000xf32, #tpu.memory_space<hbm>> -> memref<32x128xf32, #tpu.memory_space<hbm>>
    tpu.wait_dma2 semaphore(%arg17 : memref<!tpu.dma_semaphore, #tpu.memory_space<semaphore_mem>>) src(%dma_wait3A_1405 : memref<32x128xf32, #tpu.memory_space<hbm>>) dst(%dma_wait3A_1403 : memref<32x128xf32, #tpu.memory_space<vmem>>)
    %sub3A_1406 = arith.subi %reduce_sum3A_21, %min3A_370 : i32
    %and3A_1407 = arith.constant 127 : i32
    %and3A_1408 = arith.andi %sub3A_1406, %and3A_1407 : i32
    %broadcast_in_dim3A_1409 = vector.broadcast %and3A_1408 : i32 to vector<16xi32>
    %sub3A_1410 = arith.constant 999936 : i32
    %sub3A_1411 = arith.subi %reduce_sum3A_21, %sub3A_1410 : i32
    %jit3A_1412 = arith.constant 0 : i32
    %jit3A_1413 = arith.constant 63 : i32
    %max3A_1414 = arith.maxsi %jit3A_1412, %sub3A_1411 : i32
    %min3A_1415 = arith.minsi %jit3A_1413, %max3A_1414 : i32
    %broadcast_in_dim3A_1416 = vector.broadcast %min3A_1415 : i32 to vector<16xi32>
    %broadcast_in_dim3A_1417 = arith.constant 1 : i32
    %broadcast_in_dim3A_1418 = vector.broadcast %broadcast_in_dim3A_1417 : i32 to vector<16xi32>
    %gather3A_1419 = arith.constant 1 : i32
    %gather3A_1420 = arith.constant 0 : i32
    %gather3A_1421 = arith.constant 0 : i32
    %gather3A_1422 = tpu.memref_slice %arg11[%gather3A_1419, %gather3A_1420, %gather3A_1421] : memref<8x32x128xf32, #tpu.memory_space<vmem>> -> memref<1x32x128xf32, #tpu.memory_space<vmem>>
    %gather3A_1423 = tpu.memref_squeeze %gather3A_1422 : memref<1x32x128xf32, #tpu.memory_space<vmem>> -> memref<32x128xf32, #tpu.memory_space<vmem>>
    %gather3A_1424 = tpu.vector_load_idx %gather3A_1423[%iota3A, %broadcast_in_dim3A_1409] : memref<32x128xf32, #tpu.memory_space<vmem>>[vector<16xi32>, vector<16xi32>], vector<16xf32>,
    %add3A_1425 = arith.constant 16 : i32
    %add3A_1426 = vector.broadcast %add3A_1425 : i32 to vector<16xi32>
    %add3A_1427 = arith.addi %iota3A, %add3A_1426 : vector<16xi32>
    %gather3A_1428 = arith.constant 1 : i32
    %gather3A_1429 = arith.constant 0 : i32
    %gather3A_1430 = arith.constant 0 : i32
    %gather3A_1431 = tpu.memref_slice %arg11[%gather3A_1428, %gather3A_1429, %gather3A_1430] : memref<8x32x128xf32, #tpu.memory_space<vmem>> -> memref<1x32x128xf32, #tpu.memory_space<vmem>>
    %gather3A_1432 = tpu.memref_squeeze %gather3A_1431 : memref<1x32x128xf32, #tpu.memory_space<vmem>> -> memref<32x128xf32, #tpu.memory_space<vmem>>
    %gather3A_1433 = tpu.vector_load_idx %gather3A_1432[%add3A_1427, %broadcast_in_dim3A_1409] : memref<32x128xf32, #tpu.memory_space<vmem>>[vector<16xi32>, vector<16xi32>], vector<16xf32>,
    %gather3A_1434 = tpu.vector_load_idx %arg10[%iota3A, %broadcast_in_dim3A_1416] : memref<32x64xf32, #tpu.memory_space<vmem>>[vector<16xi32>, vector<16xi32>], vector<16xf32>,
    %add3A_1435 = arith.constant 16 : i32
    %add3A_1436 = vector.broadcast %add3A_1435 : i32 to vector<16xi32>
    %add3A_1437 = arith.addi %iota3A, %add3A_1436 : vector<16xi32>
    %gather3A_1438 = tpu.vector_load_idx %arg10[%add3A_1437, %broadcast_in_dim3A_1416] : memref<32x64xf32, #tpu.memory_space<vmem>>[vector<16xi32>, vector<16xi32>], vector<16xf32>,
    %lt3A_1439 = arith.constant 999936 : i32
    %lt3A_1440 = arith.cmpi slt, %reduce_sum3A_21, %lt3A_1439 : i32
    %select_n3A_1441 = arith.select %lt3A_1440, %gather3A_1424, %gather3A_1434 : vector<16xf32>
    %select_n3A_1442 = arith.select %lt3A_1440, %gather3A_1433, %gather3A_1438 : vector<16xf32>
    tpu.vector_store_idx %arg12[%iota3A, %broadcast_in_dim3A_1418], %select_n3A_1441 : memref<32x32xf32, #tpu.memory_space<vmem>>[vector<16xi32>, vector<16xi32>], vector<16xf32>,
    %add3A_1443 = arith.constant 16 : i32
    %add3A_1444 = vector.broadcast %add3A_1443 : i32 to vector<16xi32>
    %add3A_1445 = arith.addi %iota3A, %add3A_1444 : vector<16xi32>
    tpu.vector_store_idx %arg12[%add3A_1445, %broadcast_in_dim3A_1418], %select_n3A_1442 : memref<32x32xf32, #tpu.memory_space<vmem>>[vector<16xi32>, vector<16xi32>], vector<16xf32>,
    tpu.vector_store_idx %arg13[%broadcast_in_dim3A_1418, %iota3A], %select_n3A_1441 : memref<32x32xf32, #tpu.memory_space<vmem>>[vector<16xi32>, vector<16xi32>], vector<16xf32>,
    %add3A_1446 = arith.constant 16 : i32
    %add3A_1447 = vector.broadcast %add3A_1446 : i32 to vector<16xi32>
    %add3A_1448 = arith.addi %iota3A, %add3A_1447 : vector<16xi32>
    tpu.vector_store_idx %arg13[%broadcast_in_dim3A_1418, %add3A_1448], %select_n3A_1442 : memref<32x32xf32, #tpu.memory_space<vmem>>[vector<16xi32>, vector<16xi32>], vector<16xf32>,
    %multiple_of3A_1449 = tpu.assume_multiple %min3A_594, 128 : i32
    %dma_start3A_1450 = arith.constant 1 : i32
    %dma_start3A_1451 = arith.constant 0 : i32
    %dma_start3A_1452 = arith.constant 0 : i32
    %dma_start3A_1453 = tpu.memref_slice %arg11[%dma_start3A_1450, %dma_start3A_1451, %dma_start3A_1452] : memref<8x32x128xf32, #tpu.memory_space<vmem>> -> memref<1x32x128xf32, #tpu.memory_space<vmem>>
    %dma_start3A_1454 = tpu.memref_squeeze %dma_start3A_1453 : memref<1x32x128xf32, #tpu.memory_space<vmem>> -> memref<32x128xf32, #tpu.memory_space<vmem>>
    %dma_start3A_1455 = arith.constant 0 : i32
    %dma_start3A_1456 = tpu.memref_slice %arg3[%dma_start3A_1455, %multiple_of3A_1449] : memref<32x1000000xf32, #tpu.memory_space<hbm>> -> memref<32x128xf32, #tpu.memory_space<hbm>>
    %dma_start3A_1457 = arith.constant 0 : i32
    %dma_start3A_1458 = arith.constant 0 : i32
    %dma_start3A_1459 = tpu.memref_slice %arg11[%dma_start3A_1450, %dma_start3A_1457, %dma_start3A_1458] : memref<8x32x128xf32, #tpu.memory_space<vmem>> -> memref<1x32x128xf32, #tpu.memory_space<vmem>>
    %dma_start3A_1460 = tpu.memref_squeeze %dma_start3A_1459 : memref<1x32x128xf32, #tpu.memory_space<vmem>> -> memref<32x128xf32, #tpu.memory_space<vmem>>
    %dma_start3A_1461 = arith.constant 0 : i32
    %dma_start3A_1462 = tpu.memref_slice %arg3[%dma_start3A_1461, %multiple_of3A_1449] : memref<32x1000000xf32, #tpu.memory_space<hbm>> -> memref<32x128xf32, #tpu.memory_space<hbm>>
    tpu.enqueue_dma source(%dma_start3A_1462 : memref<32x128xf32, #tpu.memory_space<hbm>>) target(%dma_start3A_1460 : memref<32x128xf32, #tpu.memory_space<vmem>>) target_semaphore(%arg17 : memref<!tpu.dma_semaphore, #tpu.memory_space<semaphore_mem>>)
    %dma_wait3A_1463 = arith.constant 2 : i32
    %dma_wait3A_1464 = arith.constant 0 : i32
    %dma_wait3A_1465 = arith.constant 0 : i32
    %dma_wait3A_1466 = tpu.memref_slice %arg11[%dma_wait3A_1463, %dma_wait3A_1464, %dma_wait3A_1465] : memref<8x32x128xf32, #tpu.memory_space<vmem>> -> memref<1x32x128xf32, #tpu.memory_space<vmem>>
    %dma_wait3A_1467 = tpu.memref_squeeze %dma_wait3A_1466 : memref<1x32x128xf32, #tpu.memory_space<vmem>> -> memref<32x128xf32, #tpu.memory_space<vmem>>
    %dma_wait3A_1468 = arith.constant 0 : i32
    %dma_wait3A_1469 = tpu.memref_slice %arg3[%dma_wait3A_1468, %multiple_of3A_1238] : memref<32x1000000xf32, #tpu.memory_space<hbm>> -> memref<32x128xf32, #tpu.memory_space<hbm>>
    %dma_wait3A_1470 = arith.constant 0 : i32
    %dma_wait3A_1471 = arith.constant 0 : i32
    %dma_wait3A_1472 = tpu.memref_slice %arg11[%dma_wait3A_1463, %dma_wait3A_1470, %dma_wait3A_1471] : memref<8x32x128xf32, #tpu.memory_space<vmem>> -> memref<1x32x128xf32, #tpu.memory_space<vmem>>
    %dma_wait3A_1473 = tpu.memref_squeeze %dma_wait3A_1472 : memref<1x32x128xf32, #tpu.memory_space<vmem>> -> memref<32x128xf32, #tpu.memory_space<vmem>>
    %dma_wait3A_1474 = arith.constant 0 : i32
    %dma_wait3A_1475 = tpu.memref_slice %arg3[%dma_wait3A_1474, %multiple_of3A_1238] : memref<32x1000000xf32, #tpu.memory_space<hbm>> -> memref<32x128xf32, #tpu.memory_space<hbm>>
    tpu.wait_dma2 semaphore(%arg18 : memref<!tpu.dma_semaphore, #tpu.memory_space<semaphore_mem>>) src(%dma_wait3A_1475 : memref<32x128xf32, #tpu.memory_space<hbm>>) dst(%dma_wait3A_1473 : memref<32x128xf32, #tpu.memory_space<vmem>>)
    %sub3A_1476 = arith.subi %reduce_sum3A_31, %min3A_398 : i32
    %and3A_1477 = arith.constant 127 : i32
    %and3A_1478 = arith.andi %sub3A_1476, %and3A_1477 : i32
    %broadcast_in_dim3A_1479 = vector.broadcast %and3A_1478 : i32 to vector<16xi32>
    %sub3A_1480 = arith.constant 999936 : i32
    %sub3A_1481 = arith.subi %reduce_sum3A_31, %sub3A_1480 : i32
    %jit3A_1482 = arith.constant 0 : i32
    %jit3A_1483 = arith.constant 63 : i32
    %max3A_1484 = arith.maxsi %jit3A_1482, %sub3A_1481 : i32
    %min3A_1485 = arith.minsi %jit3A_1483, %max3A_1484 : i32
    %broadcast_in_dim3A_1486 = vector.broadcast %min3A_1485 : i32 to vector<16xi32>
    %broadcast_in_dim3A_1487 = arith.constant 2 : i32
    %broadcast_in_dim3A_1488 = vector.broadcast %broadcast_in_dim3A_1487 : i32 to vector<16xi32>
    %gather3A_1489 = arith.constant 2 : i32
    %gather3A_1490 = arith.constant 0 : i32
    %gather3A_1491 = arith.constant 0 : i32
    %gather3A_1492 = tpu.memref_slice %arg11[%gather3A_1489, %gather3A_1490, %gather3A_1491] : memref<8x32x128xf32, #tpu.memory_space<vmem>> -> memref<1x32x128xf32, #tpu.memory_space<vmem>>
    %gather3A_1493 = tpu.memref_squeeze %gather3A_1492 : memref<1x32x128xf32, #tpu.memory_space<vmem>> -> memref<32x128xf32, #tpu.memory_space<vmem>>
    %gather3A_1494 = tpu.vector_load_idx %gather3A_1493[%iota3A, %broadcast_in_dim3A_1479] : memref<32x128xf32, #tpu.memory_space<vmem>>[vector<16xi32>, vector<16xi32>], vector<16xf32>,
    %add3A_1495 = arith.constant 16 : i32
    %add3A_1496 = vector.broadcast %add3A_1495 : i32 to vector<16xi32>
    %add3A_1497 = arith.addi %iota3A, %add3A_1496 : vector<16xi32>
    %gather3A_1498 = arith.constant 2 : i32
    %gather3A_1499 = arith.constant 0 : i32
    %gather3A_1500 = arith.constant 0 : i32
    %gather3A_1501 = tpu.memref_slice %arg11[%gather3A_1498, %gather3A_1499, %gather3A_1500] : memref<8x32x128xf32, #tpu.memory_space<vmem>> -> memref<1x32x128xf32, #tpu.memory_space<vmem>>
    %gather3A_1502 = tpu.memref_squeeze %gather3A_1501 : memref<1x32x128xf32, #tpu.memory_space<vmem>> -> memref<32x128xf32, #tpu.memory_space<vmem>>
    %gather3A_1503 = tpu.vector_load_idx %gather3A_1502[%add3A_1497, %broadcast_in_dim3A_1479] : memref<32x128xf32, #tpu.memory_space<vmem>>[vector<16xi32>, vector<16xi32>], vector<16xf32>,
    %gather3A_1504 = tpu.vector_load_idx %arg10[%iota3A, %broadcast_in_dim3A_1486] : memref<32x64xf32, #tpu.memory_space<vmem>>[vector<16xi32>, vector<16xi32>], vector<16xf32>,
    %add3A_1505 = arith.constant 16 : i32
    %add3A_1506 = vector.broadcast %add3A_1505 : i32 to vector<16xi32>
    %add3A_1507 = arith.addi %iota3A, %add3A_1506 : vector<16xi32>
    %gather3A_1508 = tpu.vector_load_idx %arg10[%add3A_1507, %broadcast_in_dim3A_1486] : memref<32x64xf32, #tpu.memory_space<vmem>>[vector<16xi32>, vector<16xi32>], vector<16xf32>,
    %lt3A_1509 = arith.constant 999936 : i32
    %lt3A_1510 = arith.cmpi slt, %reduce_sum3A_31, %lt3A_1509 : i32
    %select_n3A_1511 = arith.select %lt3A_1510, %gather3A_1494, %gather3A_1504 : vector<16xf32>
    %select_n3A_1512 = arith.select %lt3A_1510, %gather3A_1503, %gather3A_1508 : vector<16xf32>
    tpu.vector_store_idx %arg12[%iota3A, %broadcast_in_dim3A_1488], %select_n3A_1511 : memref<32x32xf32, #tpu.memory_space<vmem>>[vector<16xi32>, vector<16xi32>], vector<16xf32>,
    %add3A_1513 = arith.constant 16 : i32
    %add3A_1514 = vector.broadcast %add3A_1513 : i32 to vector<16xi32>
    %add3A_1515 = arith.addi %iota3A, %add3A_1514 : vector<16xi32>
    tpu.vector_store_idx %arg12[%add3A_1515, %broadcast_in_dim3A_1488], %select_n3A_1512 : memref<32x32xf32, #tpu.memory_space<vmem>>[vector<16xi32>, vector<16xi32>], vector<16xf32>,
    tpu.vector_store_idx %arg13[%broadcast_in_dim3A_1488, %iota3A], %select_n3A_1511 : memref<32x32xf32, #tpu.memory_space<vmem>>[vector<16xi32>, vector<16xi32>], vector<16xf32>,
    %add3A_1516 = arith.constant 16 : i32
    %add3A_1517 = vector.broadcast %add3A_1516 : i32 to vector<16xi32>
    %add3A_1518 = arith.addi %iota3A, %add3A_1517 : vector<16xi32>
    tpu.vector_store_idx %arg13[%broadcast_in_dim3A_1488, %add3A_1518], %select_n3A_1512 : memref<32x32xf32, #tpu.memory_space<vmem>>[vector<16xi32>, vector<16xi32>], vector<16xf32>,
    %multiple_of3A_1519 = tpu.assume_multiple %min3A_622, 128 : i32
    %dma_start3A_1520 = arith.constant 2 : i32
    %dma_start3A_1521 = arith.constant 0 : i32
    %dma_start3A_1522 = arith.constant 0 : i32
    %dma_start3A_1523 = tpu.memref_slice %arg11[%dma_start3A_1520, %dma_start3A_1521, %dma_start3A_1522] : memref<8x32x128xf32, #tpu.memory_space<vmem>> -> memref<1x32x128xf32, #tpu.memory_space<vmem>>
    %dma_start3A_1524 = tpu.memref_squeeze %dma_start3A_1523 : memref<1x32x128xf32, #tpu.memory_space<vmem>> -> memref<32x128xf32, #tpu.memory_space<vmem>>
    %dma_start3A_1525 = arith.constant 0 : i32
    %dma_start3A_1526 = tpu.memref_slice %arg3[%dma_start3A_1525, %multiple_of3A_1519] : memref<32x1000000xf32, #tpu.memory_space<hbm>> -> memref<32x128xf32, #tpu.memory_space<hbm>>
    %dma_start3A_1527 = arith.constant 0 : i32
    %dma_start3A_1528 = arith.constant 0 : i32
    %dma_start3A_1529 = tpu.memref_slice %arg11[%dma_start3A_1520, %dma_start3A_1527, %dma_start3A_1528] : memref<8x32x128xf32, #tpu.memory_space<vmem>> -> memref<1x32x128xf32, #tpu.memory_space<vmem>>
    %dma_start3A_1530 = tpu.memref_squeeze %dma_start3A_1529 : memref<1x32x128xf32, #tpu.memory_space<vmem>> -> memref<32x128xf32, #tpu.memory_space<vmem>>
    %dma_start3A_1531 = arith.constant 0 : i32
    %dma_start3A_1532 = tpu.memref_slice %arg3[%dma_start3A_1531, %multiple_of3A_1519] : memref<32x1000000xf32, #tpu.memory_space<hbm>> -> memref<32x128xf32, #tpu.memory_space<hbm>>
    tpu.enqueue_dma source(%dma_start3A_1532 : memref<32x128xf32, #tpu.memory_space<hbm>>) target(%dma_start3A_1530 : memref<32x128xf32, #tpu.memory_space<vmem>>) target_semaphore(%arg18 : memref<!tpu.dma_semaphore, #tpu.memory_space<semaphore_mem>>)
    %dma_wait3A_1533 = arith.constant 3 : i32
    %dma_wait3A_1534 = arith.constant 0 : i32
    %dma_wait3A_1535 = arith.constant 0 : i32
    %dma_wait3A_1536 = tpu.memref_slice %arg11[%dma_wait3A_1533, %dma_wait3A_1534, %dma_wait3A_1535] : memref<8x32x128xf32, #tpu.memory_space<vmem>> -> memref<1x32x128xf32, #tpu.memory_space<vmem>>
    %dma_wait3A_1537 = tpu.memref_squeeze %dma_wait3A_1536 : memref<1x32x128xf32, #tpu.memory_space<vmem>> -> memref<32x128xf32, #tpu.memory_space<vmem>>
    %dma_wait3A_1538 = arith.constant 0 : i32
    %dma_wait3A_1539 = tpu.memref_slice %arg3[%dma_wait3A_1538, %multiple_of3A_1252] : memref<32x1000000xf32, #tpu.memory_space<hbm>> -> memref<32x128xf32, #tpu.memory_space<hbm>>
    %dma_wait3A_1540 = arith.constant 0 : i32
    %dma_wait3A_1541 = arith.constant 0 : i32
    %dma_wait3A_1542 = tpu.memref_slice %arg11[%dma_wait3A_1533, %dma_wait3A_1540, %dma_wait3A_1541] : memref<8x32x128xf32, #tpu.memory_space<vmem>> -> memref<1x32x128xf32, #tpu.memory_space<vmem>>
    %dma_wait3A_1543 = tpu.memref_squeeze %dma_wait3A_1542 : memref<1x32x128xf32, #tpu.memory_space<vmem>> -> memref<32x128xf32, #tpu.memory_space<vmem>>
    %dma_wait3A_1544 = arith.constant 0 : i32
    %dma_wait3A_1545 = tpu.memref_slice %arg3[%dma_wait3A_1544, %multiple_of3A_1252] : memref<32x1000000xf32, #tpu.memory_space<hbm>> -> memref<32x128xf32, #tpu.memory_space<hbm>>
    tpu.wait_dma2 semaphore(%arg19 : memref<!tpu.dma_semaphore, #tpu.memory_space<semaphore_mem>>) src(%dma_wait3A_1545 : memref<32x128xf32, #tpu.memory_space<hbm>>) dst(%dma_wait3A_1543 : memref<32x128xf32, #tpu.memory_space<vmem>>)
    %sub3A_1546 = arith.subi %reduce_sum3A_41, %min3A_426 : i32
    %and3A_1547 = arith.constant 127 : i32
    %and3A_1548 = arith.andi %sub3A_1546, %and3A_1547 : i32
    %broadcast_in_dim3A_1549 = vector.broadcast %and3A_1548 : i32 to vector<16xi32>
    %sub3A_1550 = arith.constant 999936 : i32
    %sub3A_1551 = arith.subi %reduce_sum3A_41, %sub3A_1550 : i32
    %jit3A_1552 = arith.constant 0 : i32
    %jit3A_1553 = arith.constant 63 : i32
    %max3A_1554 = arith.maxsi %jit3A_1552, %sub3A_1551 : i32
    %min3A_1555 = arith.minsi %jit3A_1553, %max3A_1554 : i32
    %broadcast_in_dim3A_1556 = vector.broadcast %min3A_1555 : i32 to vector<16xi32>
    %broadcast_in_dim3A_1557 = arith.constant 3 : i32
    %broadcast_in_dim3A_1558 = vector.broadcast %broadcast_in_dim3A_1557 : i32 to vector<16xi32>
    %gather3A_1559 = arith.constant 3 : i32
    %gather3A_1560 = arith.constant 0 : i32
    %gather3A_1561 = arith.constant 0 : i32
    %gather3A_1562 = tpu.memref_slice %arg11[%gather3A_1559, %gather3A_1560, %gather3A_1561] : memref<8x32x128xf32, #tpu.memory_space<vmem>> -> memref<1x32x128xf32, #tpu.memory_space<vmem>>
    %gather3A_1563 = tpu.memref_squeeze %gather3A_1562 : memref<1x32x128xf32, #tpu.memory_space<vmem>> -> memref<32x128xf32, #tpu.memory_space<vmem>>
    %gather3A_1564 = tpu.vector_load_idx %gather3A_1563[%iota3A, %broadcast_in_dim3A_1549] : memref<32x128xf32, #tpu.memory_space<vmem>>[vector<16xi32>, vector<16xi32>], vector<16xf32>,
    %add3A_1565 = arith.constant 16 : i32
    %add3A_1566 = vector.broadcast %add3A_1565 : i32 to vector<16xi32>
    %add3A_1567 = arith.addi %iota3A, %add3A_1566 : vector<16xi32>
    %gather3A_1568 = arith.constant 3 : i32
    %gather3A_1569 = arith.constant 0 : i32
    %gather3A_1570 = arith.constant 0 : i32
    %gather3A_1571 = tpu.memref_slice %arg11[%gather3A_1568, %gather3A_1569, %gather3A_1570] : memref<8x32x128xf32, #tpu.memory_space<vmem>> -> memref<1x32x128xf32, #tpu.memory_space<vmem>>
    %gather3A_1572 = tpu.memref_squeeze %gather3A_1571 : memref<1x32x128xf32, #tpu.memory_space<vmem>> -> memref<32x128xf32, #tpu.memory_space<vmem>>
    %gather3A_1573 = tpu.vector_load_idx %gather3A_1572[%add3A_1567, %broadcast_in_dim3A_1549] : memref<32x128xf32, #tpu.memory_space<vmem>>[vector<16xi32>, vector<16xi32>], vector<16xf32>,
    %gather3A_1574 = tpu.vector_load_idx %arg10[%iota3A, %broadcast_in_dim3A_1556] : memref<32x64xf32, #tpu.memory_space<vmem>>[vector<16xi32>, vector<16xi32>], vector<16xf32>,
    %add3A_1575 = arith.constant 16 : i32
    %add3A_1576 = vector.broadcast %add3A_1575 : i32 to vector<16xi32>
    %add3A_1577 = arith.addi %iota3A, %add3A_1576 : vector<16xi32>
    %gather3A_1578 = tpu.vector_load_idx %arg10[%add3A_1577, %broadcast_in_dim3A_1556] : memref<32x64xf32, #tpu.memory_space<vmem>>[vector<16xi32>, vector<16xi32>], vector<16xf32>,
    %lt3A_1579 = arith.constant 999936 : i32
    %lt3A_1580 = arith.cmpi slt, %reduce_sum3A_41, %lt3A_1579 : i32
    %select_n3A_1581 = arith.select %lt3A_1580, %gather3A_1564, %gather3A_1574 : vector<16xf32>
    %select_n3A_1582 = arith.select %lt3A_1580, %gather3A_1573, %gather3A_1578 : vector<16xf32>
    tpu.vector_store_idx %arg12[%iota3A, %broadcast_in_dim3A_1558], %select_n3A_1581 : memref<32x32xf32, #tpu.memory_space<vmem>>[vector<16xi32>, vector<16xi32>], vector<16xf32>,
    %add3A_1583 = arith.constant 16 : i32
    %add3A_1584 = vector.broadcast %add3A_1583 : i32 to vector<16xi32>
    %add3A_1585 = arith.addi %iota3A, %add3A_1584 : vector<16xi32>
    tpu.vector_store_idx %arg12[%add3A_1585, %broadcast_in_dim3A_1558], %select_n3A_1582 : memref<32x32xf32, #tpu.memory_space<vmem>>[vector<16xi32>, vector<16xi32>], vector<16xf32>,
    tpu.vector_store_idx %arg13[%broadcast_in_dim3A_1558, %iota3A], %select_n3A_1581 : memref<32x32xf32, #tpu.memory_space<vmem>>[vector<16xi32>, vector<16xi32>], vector<16xf32>,
    %add3A_1586 = arith.constant 16 : i32
    %add3A_1587 = vector.broadcast %add3A_1586 : i32 to vector<16xi32>
    %add3A_1588 = arith.addi %iota3A, %add3A_1587 : vector<16xi32>
    tpu.vector_store_idx %arg13[%broadcast_in_dim3A_1558, %add3A_1588], %select_n3A_1582 : memref<32x32xf32, #tpu.memory_space<vmem>>[vector<16xi32>, vector<16xi32>], vector<16xf32>,
    %multiple_of3A_1589 = tpu.assume_multiple %min3A_650, 128 : i32
    %dma_start3A_1590 = arith.constant 3 : i32
    %dma_start3A_1591 = arith.constant 0 : i32
    %dma_start3A_1592 = arith.constant 0 : i32
    %dma_start3A_1593 = tpu.memref_slice %arg11[%dma_start3A_1590, %dma_start3A_1591, %dma_start3A_1592] : memref<8x32x128xf32, #tpu.memory_space<vmem>> -> memref<1x32x128xf32, #tpu.memory_space<vmem>>
    %dma_start3A_1594 = tpu.memref_squeeze %dma_start3A_1593 : memref<1x32x128xf32, #tpu.memory_space<vmem>> -> memref<32x128xf32, #tpu.memory_space<vmem>>
    %dma_start3A_1595 = arith.constant 0 : i32
    %dma_start3A_1596 = tpu.memref_slice %arg3[%dma_start3A_1595, %multiple_of3A_1589] : memref<32x1000000xf32, #tpu.memory_space<hbm>> -> memref<32x128xf32, #tpu.memory_space<hbm>>
    %dma_start3A_1597 = arith.constant 0 : i32
    %dma_start3A_1598 = arith.constant 0 : i32
    %dma_start3A_1599 = tpu.memref_slice %arg11[%dma_start3A_1590, %dma_start3A_1597, %dma_start3A_1598] : memref<8x32x128xf32, #tpu.memory_space<vmem>> -> memref<1x32x128xf32, #tpu.memory_space<vmem>>
    %dma_start3A_1600 = tpu.memref_squeeze %dma_start3A_1599 : memref<1x32x128xf32, #tpu.memory_space<vmem>> -> memref<32x128xf32, #tpu.memory_space<vmem>>
    %dma_start3A_1601 = arith.constant 0 : i32
    %dma_start3A_1602 = tpu.memref_slice %arg3[%dma_start3A_1601, %multiple_of3A_1589] : memref<32x1000000xf32, #tpu.memory_space<hbm>> -> memref<32x128xf32, #tpu.memory_space<hbm>>
    tpu.enqueue_dma source(%dma_start3A_1602 : memref<32x128xf32, #tpu.memory_space<hbm>>) target(%dma_start3A_1600 : memref<32x128xf32, #tpu.memory_space<vmem>>) target_semaphore(%arg19 : memref<!tpu.dma_semaphore, #tpu.memory_space<semaphore_mem>>)
    %dma_wait3A_1603 = arith.constant 4 : i32
    %dma_wait3A_1604 = arith.constant 0 : i32
    %dma_wait3A_1605 = arith.constant 0 : i32
    %dma_wait3A_1606 = tpu.memref_slice %arg11[%dma_wait3A_1603, %dma_wait3A_1604, %dma_wait3A_1605] : memref<8x32x128xf32, #tpu.memory_space<vmem>> -> memref<1x32x128xf32, #tpu.memory_space<vmem>>
    %dma_wait3A_1607 = tpu.memref_squeeze %dma_wait3A_1606 : memref<1x32x128xf32, #tpu.memory_space<vmem>> -> memref<32x128xf32, #tpu.memory_space<vmem>>
    %dma_wait3A_1608 = arith.constant 0 : i32
    %dma_wait3A_1609 = tpu.memref_slice %arg3[%dma_wait3A_1608, %multiple_of3A_1266] : memref<32x1000000xf32, #tpu.memory_space<hbm>> -> memref<32x128xf32, #tpu.memory_space<hbm>>
    %dma_wait3A_1610 = arith.constant 0 : i32
    %dma_wait3A_1611 = arith.constant 0 : i32
    %dma_wait3A_1612 = tpu.memref_slice %arg11[%dma_wait3A_1603, %dma_wait3A_1610, %dma_wait3A_1611] : memref<8x32x128xf32, #tpu.memory_space<vmem>> -> memref<1x32x128xf32, #tpu.memory_space<vmem>>
    %dma_wait3A_1613 = tpu.memref_squeeze %dma_wait3A_1612 : memref<1x32x128xf32, #tpu.memory_space<vmem>> -> memref<32x128xf32, #tpu.memory_space<vmem>>
    %dma_wait3A_1614 = arith.constant 0 : i32
    %dma_wait3A_1615 = tpu.memref_slice %arg3[%dma_wait3A_1614, %multiple_of3A_1266] : memref<32x1000000xf32, #tpu.memory_space<hbm>> -> memref<32x128xf32, #tpu.memory_space<hbm>>
    tpu.wait_dma2 semaphore(%arg20 : memref<!tpu.dma_semaphore, #tpu.memory_space<semaphore_mem>>) src(%dma_wait3A_1615 : memref<32x128xf32, #tpu.memory_space<hbm>>) dst(%dma_wait3A_1613 : memref<32x128xf32, #tpu.memory_space<vmem>>)
    %sub3A_1616 = arith.subi %reduce_sum3A_51, %min3A_454 : i32
    %and3A_1617 = arith.constant 127 : i32
    %and3A_1618 = arith.andi %sub3A_1616, %and3A_1617 : i32
    %broadcast_in_dim3A_1619 = vector.broadcast %and3A_1618 : i32 to vector<16xi32>
    %sub3A_1620 = arith.constant 999936 : i32
    %sub3A_1621 = arith.subi %reduce_sum3A_51, %sub3A_1620 : i32
    %jit3A_1622 = arith.constant 0 : i32
    %jit3A_1623 = arith.constant 63 : i32
    %max3A_1624 = arith.maxsi %jit3A_1622, %sub3A_1621 : i32
    %min3A_1625 = arith.minsi %jit3A_1623, %max3A_1624 : i32
    %broadcast_in_dim3A_1626 = vector.broadcast %min3A_1625 : i32 to vector<16xi32>
    %broadcast_in_dim3A_1627 = arith.constant 4 : i32
    %broadcast_in_dim3A_1628 = vector.broadcast %broadcast_in_dim3A_1627 : i32 to vector<16xi32>
    %gather3A_1629 = arith.constant 4 : i32
    %gather3A_1630 = arith.constant 0 : i32
    %gather3A_1631 = arith.constant 0 : i32
    %gather3A_1632 = tpu.memref_slice %arg11[%gather3A_1629, %gather3A_1630, %gather3A_1631] : memref<8x32x128xf32, #tpu.memory_space<vmem>> -> memref<1x32x128xf32, #tpu.memory_space<vmem>>
    %gather3A_1633 = tpu.memref_squeeze %gather3A_1632 : memref<1x32x128xf32, #tpu.memory_space<vmem>> -> memref<32x128xf32, #tpu.memory_space<vmem>>
    %gather3A_1634 = tpu.vector_load_idx %gather3A_1633[%iota3A, %broadcast_in_dim3A_1619] : memref<32x128xf32, #tpu.memory_space<vmem>>[vector<16xi32>, vector<16xi32>], vector<16xf32>,
    %add3A_1635 = arith.constant 16 : i32
    %add3A_1636 = vector.broadcast %add3A_1635 : i32 to vector<16xi32>
    %add3A_1637 = arith.addi %iota3A, %add3A_1636 : vector<16xi32>
    %gather3A_1638 = arith.constant 4 : i32
    %gather3A_1639 = arith.constant 0 : i32
    %gather3A_1640 = arith.constant 0 : i32
    %gather3A_1641 = tpu.memref_slice %arg11[%gather3A_1638, %gather3A_1639, %gather3A_1640] : memref<8x32x128xf32, #tpu.memory_space<vmem>> -> memref<1x32x128xf32, #tpu.memory_space<vmem>>
    %gather3A_1642 = tpu.memref_squeeze %gather3A_1641 : memref<1x32x128xf32, #tpu.memory_space<vmem>> -> memref<32x128xf32, #tpu.memory_space<vmem>>
    %gather3A_1643 = tpu.vector_load_idx %gather3A_1642[%add3A_1637, %broadcast_in_dim3A_1619] : memref<32x128xf32, #tpu.memory_space<vmem>>[vector<16xi32>, vector<16xi32>], vector<16xf32>,
    %gather3A_1644 = tpu.vector_load_idx %arg10[%iota3A, %broadcast_in_dim3A_1626] : memref<32x64xf32, #tpu.memory_space<vmem>>[vector<16xi32>, vector<16xi32>], vector<16xf32>,
    %add3A_1645 = arith.constant 16 : i32
    %add3A_1646 = vector.broadcast %add3A_1645 : i32 to vector<16xi32>
    %add3A_1647 = arith.addi %iota3A, %add3A_1646 : vector<16xi32>
    %gather3A_1648 = tpu.vector_load_idx %arg10[%add3A_1647, %broadcast_in_dim3A_1626] : memref<32x64xf32, #tpu.memory_space<vmem>>[vector<16xi32>, vector<16xi32>], vector<16xf32>,
    %lt3A_1649 = arith.constant 999936 : i32
    %lt3A_1650 = arith.cmpi slt, %reduce_sum3A_51, %lt3A_1649 : i32
    %select_n3A_1651 = arith.select %lt3A_1650, %gather3A_1634, %gather3A_1644 : vector<16xf32>
    %select_n3A_1652 = arith.select %lt3A_1650, %gather3A_1643, %gather3A_1648 : vector<16xf32>
    tpu.vector_store_idx %arg12[%iota3A, %broadcast_in_dim3A_1628], %select_n3A_1651 : memref<32x32xf32, #tpu.memory_space<vmem>>[vector<16xi32>, vector<16xi32>], vector<16xf32>,
    %add3A_1653 = arith.constant 16 : i32
    %add3A_1654 = vector.broadcast %add3A_1653 : i32 to vector<16xi32>
    %add3A_1655 = arith.addi %iota3A, %add3A_1654 : vector<16xi32>
    tpu.vector_store_idx %arg12[%add3A_1655, %broadcast_in_dim3A_1628], %select_n3A_1652 : memref<32x32xf32, #tpu.memory_space<vmem>>[vector<16xi32>, vector<16xi32>], vector<16xf32>,
    tpu.vector_store_idx %arg13[%broadcast_in_dim3A_1628, %iota3A], %select_n3A_1651 : memref<32x32xf32, #tpu.memory_space<vmem>>[vector<16xi32>, vector<16xi32>], vector<16xf32>,
    %add3A_1656 = arith.constant 16 : i32
    %add3A_1657 = vector.broadcast %add3A_1656 : i32 to vector<16xi32>
    %add3A_1658 = arith.addi %iota3A, %add3A_1657 : vector<16xi32>
    tpu.vector_store_idx %arg13[%broadcast_in_dim3A_1628, %add3A_1658], %select_n3A_1652 : memref<32x32xf32, #tpu.memory_space<vmem>>[vector<16xi32>, vector<16xi32>], vector<16xf32>,
    %multiple_of3A_1659 = tpu.assume_multiple %min3A_678, 128 : i32
    %dma_start3A_1660 = arith.constant 4 : i32
    %dma_start3A_1661 = arith.constant 0 : i32
    %dma_start3A_1662 = arith.constant 0 : i32
    %dma_start3A_1663 = tpu.memref_slice %arg11[%dma_start3A_1660, %dma_start3A_1661, %dma_start3A_1662] : memref<8x32x128xf32, #tpu.memory_space<vmem>> -> memref<1x32x128xf32, #tpu.memory_space<vmem>>
    %dma_start3A_1664 = tpu.memref_squeeze %dma_start3A_1663 : memref<1x32x128xf32, #tpu.memory_space<vmem>> -> memref<32x128xf32, #tpu.memory_space<vmem>>
    %dma_start3A_1665 = arith.constant 0 : i32
    %dma_start3A_1666 = tpu.memref_slice %arg3[%dma_start3A_1665, %multiple_of3A_1659] : memref<32x1000000xf32, #tpu.memory_space<hbm>> -> memref<32x128xf32, #tpu.memory_space<hbm>>
    %dma_start3A_1667 = arith.constant 0 : i32
    %dma_start3A_1668 = arith.constant 0 : i32
    %dma_start3A_1669 = tpu.memref_slice %arg11[%dma_start3A_1660, %dma_start3A_1667, %dma_start3A_1668] : memref<8x32x128xf32, #tpu.memory_space<vmem>> -> memref<1x32x128xf32, #tpu.memory_space<vmem>>
    %dma_start3A_1670 = tpu.memref_squeeze %dma_start3A_1669 : memref<1x32x128xf32, #tpu.memory_space<vmem>> -> memref<32x128xf32, #tpu.memory_space<vmem>>
    %dma_start3A_1671 = arith.constant 0 : i32
    %dma_start3A_1672 = tpu.memref_slice %arg3[%dma_start3A_1671, %multiple_of3A_1659] : memref<32x1000000xf32, #tpu.memory_space<hbm>> -> memref<32x128xf32, #tpu.memory_space<hbm>>
    tpu.enqueue_dma source(%dma_start3A_1672 : memref<32x128xf32, #tpu.memory_space<hbm>>) target(%dma_start3A_1670 : memref<32x128xf32, #tpu.memory_space<vmem>>) target_semaphore(%arg20 : memref<!tpu.dma_semaphore, #tpu.memory_space<semaphore_mem>>)
    %dma_wait3A_1673 = arith.constant 5 : i32
    %dma_wait3A_1674 = arith.constant 0 : i32
    %dma_wait3A_1675 = arith.constant 0 : i32
    %dma_wait3A_1676 = tpu.memref_slice %arg11[%dma_wait3A_1673, %dma_wait3A_1674, %dma_wait3A_1675] : memref<8x32x128xf32, #tpu.memory_space<vmem>> -> memref<1x32x128xf32, #tpu.memory_space<vmem>>
    %dma_wait3A_1677 = tpu.memref_squeeze %dma_wait3A_1676 : memref<1x32x128xf32, #tpu.memory_space<vmem>> -> memref<32x128xf32, #tpu.memory_space<vmem>>
    %dma_wait3A_1678 = arith.constant 0 : i32
    %dma_wait3A_1679 = tpu.memref_slice %arg3[%dma_wait3A_1678, %multiple_of3A_1280] : memref<32x1000000xf32, #tpu.memory_space<hbm>> -> memref<32x128xf32, #tpu.memory_space<hbm>>
    %dma_wait3A_1680 = arith.constant 0 : i32
    %dma_wait3A_1681 = arith.constant 0 : i32
    %dma_wait3A_1682 = tpu.memref_slice %arg11[%dma_wait3A_1673, %dma_wait3A_1680, %dma_wait3A_1681] : memref<8x32x128xf32, #tpu.memory_space<vmem>> -> memref<1x32x128xf32, #tpu.memory_space<vmem>>
    %dma_wait3A_1683 = tpu.memref_squeeze %dma_wait3A_1682 : memref<1x32x128xf32, #tpu.memory_space<vmem>> -> memref<32x128xf32, #tpu.memory_space<vmem>>
    %dma_wait3A_1684 = arith.constant 0 : i32
    %dma_wait3A_1685 = tpu.memref_slice %arg3[%dma_wait3A_1684, %multiple_of3A_1280] : memref<32x1000000xf32, #tpu.memory_space<hbm>> -> memref<32x128xf32, #tpu.memory_space<hbm>>
    tpu.wait_dma2 semaphore(%arg21 : memref<!tpu.dma_semaphore, #tpu.memory_space<semaphore_mem>>) src(%dma_wait3A_1685 : memref<32x128xf32, #tpu.memory_space<hbm>>) dst(%dma_wait3A_1683 : memref<32x128xf32, #tpu.memory_space<vmem>>)
    %sub3A_1686 = arith.subi %reduce_sum3A_61, %min3A_482 : i32
    %and3A_1687 = arith.constant 127 : i32
    %and3A_1688 = arith.andi %sub3A_1686, %and3A_1687 : i32
    %broadcast_in_dim3A_1689 = vector.broadcast %and3A_1688 : i32 to vector<16xi32>
    %sub3A_1690 = arith.constant 999936 : i32
    %sub3A_1691 = arith.subi %reduce_sum3A_61, %sub3A_1690 : i32
    %jit3A_1692 = arith.constant 0 : i32
    %jit3A_1693 = arith.constant 63 : i32
    %max3A_1694 = arith.maxsi %jit3A_1692, %sub3A_1691 : i32
    %min3A_1695 = arith.minsi %jit3A_1693, %max3A_1694 : i32
    %broadcast_in_dim3A_1696 = vector.broadcast %min3A_1695 : i32 to vector<16xi32>
    %broadcast_in_dim3A_1697 = arith.constant 5 : i32
    %broadcast_in_dim3A_1698 = vector.broadcast %broadcast_in_dim3A_1697 : i32 to vector<16xi32>
    %gather3A_1699 = arith.constant 5 : i32
    %gather3A_1700 = arith.constant 0 : i32
    %gather3A_1701 = arith.constant 0 : i32
    %gather3A_1702 = tpu.memref_slice %arg11[%gather3A_1699, %gather3A_1700, %gather3A_1701] : memref<8x32x128xf32, #tpu.memory_space<vmem>> -> memref<1x32x128xf32, #tpu.memory_space<vmem>>
    %gather3A_1703 = tpu.memref_squeeze %gather3A_1702 : memref<1x32x128xf32, #tpu.memory_space<vmem>> -> memref<32x128xf32, #tpu.memory_space<vmem>>
    %gather3A_1704 = tpu.vector_load_idx %gather3A_1703[%iota3A, %broadcast_in_dim3A_1689] : memref<32x128xf32, #tpu.memory_space<vmem>>[vector<16xi32>, vector<16xi32>], vector<16xf32>,
    %add3A_1705 = arith.constant 16 : i32
    %add3A_1706 = vector.broadcast %add3A_1705 : i32 to vector<16xi32>
    %add3A_1707 = arith.addi %iota3A, %add3A_1706 : vector<16xi32>
    %gather3A_1708 = arith.constant 5 : i32
    %gather3A_1709 = arith.constant 0 : i32
    %gather3A_1710 = arith.constant 0 : i32
    %gather3A_1711 = tpu.memref_slice %arg11[%gather3A_1708, %gather3A_1709, %gather3A_1710] : memref<8x32x128xf32, #tpu.memory_space<vmem>> -> memref<1x32x128xf32, #tpu.memory_space<vmem>>
    %gather3A_1712 = tpu.memref_squeeze %gather3A_1711 : memref<1x32x128xf32, #tpu.memory_space<vmem>> -> memref<32x128xf32, #tpu.memory_space<vmem>>
    %gather3A_1713 = tpu.vector_load_idx %gather3A_1712[%add3A_1707, %broadcast_in_dim3A_1689] : memref<32x128xf32, #tpu.memory_space<vmem>>[vector<16xi32>, vector<16xi32>], vector<16xf32>,
    %gather3A_1714 = tpu.vector_load_idx %arg10[%iota3A, %broadcast_in_dim3A_1696] : memref<32x64xf32, #tpu.memory_space<vmem>>[vector<16xi32>, vector<16xi32>], vector<16xf32>,
    %add3A_1715 = arith.constant 16 : i32
    %add3A_1716 = vector.broadcast %add3A_1715 : i32 to vector<16xi32>
    %add3A_1717 = arith.addi %iota3A, %add3A_1716 : vector<16xi32>
    %gather3A_1718 = tpu.vector_load_idx %arg10[%add3A_1717, %broadcast_in_dim3A_1696] : memref<32x64xf32, #tpu.memory_space<vmem>>[vector<16xi32>, vector<16xi32>], vector<16xf32>,
    %lt3A_1719 = arith.constant 999936 : i32
    %lt3A_1720 = arith.cmpi slt, %reduce_sum3A_61, %lt3A_1719 : i32
    %select_n3A_1721 = arith.select %lt3A_1720, %gather3A_1704, %gather3A_1714 : vector<16xf32>
    %select_n3A_1722 = arith.select %lt3A_1720, %gather3A_1713, %gather3A_1718 : vector<16xf32>
    tpu.vector_store_idx %arg12[%iota3A, %broadcast_in_dim3A_1698], %select_n3A_1721 : memref<32x32xf32, #tpu.memory_space<vmem>>[vector<16xi32>, vector<16xi32>], vector<16xf32>,
    %add3A_1723 = arith.constant 16 : i32
    %add3A_1724 = vector.broadcast %add3A_1723 : i32 to vector<16xi32>
    %add3A_1725 = arith.addi %iota3A, %add3A_1724 : vector<16xi32>
    tpu.vector_store_idx %arg12[%add3A_1725, %broadcast_in_dim3A_1698], %select_n3A_1722 : memref<32x32xf32, #tpu.memory_space<vmem>>[vector<16xi32>, vector<16xi32>], vector<16xf32>,
    tpu.vector_store_idx %arg13[%broadcast_in_dim3A_1698, %iota3A], %select_n3A_1721 : memref<32x32xf32, #tpu.memory_space<vmem>>[vector<16xi32>, vector<16xi32>], vector<16xf32>,
    %add3A_1726 = arith.constant 16 : i32
    %add3A_1727 = vector.broadcast %add3A_1726 : i32 to vector<16xi32>
    %add3A_1728 = arith.addi %iota3A, %add3A_1727 : vector<16xi32>
    tpu.vector_store_idx %arg13[%broadcast_in_dim3A_1698, %add3A_1728], %select_n3A_1722 : memref<32x32xf32, #tpu.memory_space<vmem>>[vector<16xi32>, vector<16xi32>], vector<16xf32>,
    %multiple_of3A_1729 = tpu.assume_multiple %min3A_706, 128 : i32
    %dma_start3A_1730 = arith.constant 5 : i32
    %dma_start3A_1731 = arith.constant 0 : i32
    %dma_start3A_1732 = arith.constant 0 : i32
    %dma_start3A_1733 = tpu.memref_slice %arg11[%dma_start3A_1730, %dma_start3A_1731, %dma_start3A_1732] : memref<8x32x128xf32, #tpu.memory_space<vmem>> -> memref<1x32x128xf32, #tpu.memory_space<vmem>>
    %dma_start3A_1734 = tpu.memref_squeeze %dma_start3A_1733 : memref<1x32x128xf32, #tpu.memory_space<vmem>> -> memref<32x128xf32, #tpu.memory_space<vmem>>
    %dma_start3A_1735 = arith.constant 0 : i32
    %dma_start3A_1736 = tpu.memref_slice %arg3[%dma_start3A_1735, %multiple_of3A_1729] : memref<32x1000000xf32, #tpu.memory_space<hbm>> -> memref<32x128xf32, #tpu.memory_space<hbm>>
    %dma_start3A_1737 = arith.constant 0 : i32
    %dma_start3A_1738 = arith.constant 0 : i32
    %dma_start3A_1739 = tpu.memref_slice %arg11[%dma_start3A_1730, %dma_start3A_1737, %dma_start3A_1738] : memref<8x32x128xf32, #tpu.memory_space<vmem>> -> memref<1x32x128xf32, #tpu.memory_space<vmem>>
    %dma_start3A_1740 = tpu.memref_squeeze %dma_start3A_1739 : memref<1x32x128xf32, #tpu.memory_space<vmem>> -> memref<32x128xf32, #tpu.memory_space<vmem>>
    %dma_start3A_1741 = arith.constant 0 : i32
    %dma_start3A_1742 = tpu.memref_slice %arg3[%dma_start3A_1741, %multiple_of3A_1729] : memref<32x1000000xf32, #tpu.memory_space<hbm>> -> memref<32x128xf32, #tpu.memory_space<hbm>>
    tpu.enqueue_dma source(%dma_start3A_1742 : memref<32x128xf32, #tpu.memory_space<hbm>>) target(%dma_start3A_1740 : memref<32x128xf32, #tpu.memory_space<vmem>>) target_semaphore(%arg21 : memref<!tpu.dma_semaphore, #tpu.memory_space<semaphore_mem>>)
    %dma_wait3A_1743 = arith.constant 6 : i32
    %dma_wait3A_1744 = arith.constant 0 : i32
    %dma_wait3A_1745 = arith.constant 0 : i32
    %dma_wait3A_1746 = tpu.memref_slice %arg11[%dma_wait3A_1743, %dma_wait3A_1744, %dma_wait3A_1745] : memref<8x32x128xf32, #tpu.memory_space<vmem>> -> memref<1x32x128xf32, #tpu.memory_space<vmem>>
    %dma_wait3A_1747 = tpu.memref_squeeze %dma_wait3A_1746 : memref<1x32x128xf32, #tpu.memory_space<vmem>> -> memref<32x128xf32, #tpu.memory_space<vmem>>
    %dma_wait3A_1748 = arith.constant 0 : i32
    %dma_wait3A_1749 = tpu.memref_slice %arg3[%dma_wait3A_1748, %multiple_of3A_1294] : memref<32x1000000xf32, #tpu.memory_space<hbm>> -> memref<32x128xf32, #tpu.memory_space<hbm>>
    %dma_wait3A_1750 = arith.constant 0 : i32
    %dma_wait3A_1751 = arith.constant 0 : i32
    %dma_wait3A_1752 = tpu.memref_slice %arg11[%dma_wait3A_1743, %dma_wait3A_1750, %dma_wait3A_1751] : memref<8x32x128xf32, #tpu.memory_space<vmem>> -> memref<1x32x128xf32, #tpu.memory_space<vmem>>
    %dma_wait3A_1753 = tpu.memref_squeeze %dma_wait3A_1752 : memref<1x32x128xf32, #tpu.memory_space<vmem>> -> memref<32x128xf32, #tpu.memory_space<vmem>>
    %dma_wait3A_1754 = arith.constant 0 : i32
    %dma_wait3A_1755 = tpu.memref_slice %arg3[%dma_wait3A_1754, %multiple_of3A_1294] : memref<32x1000000xf32, #tpu.memory_space<hbm>> -> memref<32x128xf32, #tpu.memory_space<hbm>>
    tpu.wait_dma2 semaphore(%arg22 : memref<!tpu.dma_semaphore, #tpu.memory_space<semaphore_mem>>) src(%dma_wait3A_1755 : memref<32x128xf32, #tpu.memory_space<hbm>>) dst(%dma_wait3A_1753 : memref<32x128xf32, #tpu.memory_space<vmem>>)
    %sub3A_1756 = arith.subi %reduce_sum3A_71, %min3A_510 : i32
    %and3A_1757 = arith.constant 127 : i32
    %and3A_1758 = arith.andi %sub3A_1756, %and3A_1757 : i32
    %broadcast_in_dim3A_1759 = vector.broadcast %and3A_1758 : i32 to vector<16xi32>
    %sub3A_1760 = arith.constant 999936 : i32
    %sub3A_1761 = arith.subi %reduce_sum3A_71, %sub3A_1760 : i32
    %jit3A_1762 = arith.constant 0 : i32
    %jit3A_1763 = arith.constant 63 : i32
    %max3A_1764 = arith.maxsi %jit3A_1762, %sub3A_1761 : i32
    %min3A_1765 = arith.minsi %jit3A_1763, %max3A_1764 : i32
    %broadcast_in_dim3A_1766 = vector.broadcast %min3A_1765 : i32 to vector<16xi32>
    %broadcast_in_dim3A_1767 = arith.constant 6 : i32
    %broadcast_in_dim3A_1768 = vector.broadcast %broadcast_in_dim3A_1767 : i32 to vector<16xi32>
    %gather3A_1769 = arith.constant 6 : i32
    %gather3A_1770 = arith.constant 0 : i32
    %gather3A_1771 = arith.constant 0 : i32
    %gather3A_1772 = tpu.memref_slice %arg11[%gather3A_1769, %gather3A_1770, %gather3A_1771] : memref<8x32x128xf32, #tpu.memory_space<vmem>> -> memref<1x32x128xf32, #tpu.memory_space<vmem>>
    %gather3A_1773 = tpu.memref_squeeze %gather3A_1772 : memref<1x32x128xf32, #tpu.memory_space<vmem>> -> memref<32x128xf32, #tpu.memory_space<vmem>>
    %gather3A_1774 = tpu.vector_load_idx %gather3A_1773[%iota3A, %broadcast_in_dim3A_1759] : memref<32x128xf32, #tpu.memory_space<vmem>>[vector<16xi32>, vector<16xi32>], vector<16xf32>,
    %add3A_1775 = arith.constant 16 : i32
    %add3A_1776 = vector.broadcast %add3A_1775 : i32 to vector<16xi32>
    %add3A_1777 = arith.addi %iota3A, %add3A_1776 : vector<16xi32>
    %gather3A_1778 = arith.constant 6 : i32
    %gather3A_1779 = arith.constant 0 : i32
    %gather3A_1780 = arith.constant 0 : i32
    %gather3A_1781 = tpu.memref_slice %arg11[%gather3A_1778, %gather3A_1779, %gather3A_1780] : memref<8x32x128xf32, #tpu.memory_space<vmem>> -> memref<1x32x128xf32, #tpu.memory_space<vmem>>
    %gather3A_1782 = tpu.memref_squeeze %gather3A_1781 : memref<1x32x128xf32, #tpu.memory_space<vmem>> -> memref<32x128xf32, #tpu.memory_space<vmem>>
    %gather3A_1783 = tpu.vector_load_idx %gather3A_1782[%add3A_1777, %broadcast_in_dim3A_1759] : memref<32x128xf32, #tpu.memory_space<vmem>>[vector<16xi32>, vector<16xi32>], vector<16xf32>,
    %gather3A_1784 = tpu.vector_load_idx %arg10[%iota3A, %broadcast_in_dim3A_1766] : memref<32x64xf32, #tpu.memory_space<vmem>>[vector<16xi32>, vector<16xi32>], vector<16xf32>,
    %add3A_1785 = arith.constant 16 : i32
    %add3A_1786 = vector.broadcast %add3A_1785 : i32 to vector<16xi32>
    %add3A_1787 = arith.addi %iota3A, %add3A_1786 : vector<16xi32>
    %gather3A_1788 = tpu.vector_load_idx %arg10[%add3A_1787, %broadcast_in_dim3A_1766] : memref<32x64xf32, #tpu.memory_space<vmem>>[vector<16xi32>, vector<16xi32>], vector<16xf32>,
    %lt3A_1789 = arith.constant 999936 : i32
    %lt3A_1790 = arith.cmpi slt, %reduce_sum3A_71, %lt3A_1789 : i32
    %select_n3A_1791 = arith.select %lt3A_1790, %gather3A_1774, %gather3A_1784 : vector<16xf32>
    %select_n3A_1792 = arith.select %lt3A_1790, %gather3A_1783, %gather3A_1788 : vector<16xf32>
    tpu.vector_store_idx %arg12[%iota3A, %broadcast_in_dim3A_1768], %select_n3A_1791 : memref<32x32xf32, #tpu.memory_space<vmem>>[vector<16xi32>, vector<16xi32>], vector<16xf32>,
    %add3A_1793 = arith.constant 16 : i32
    %add3A_1794 = vector.broadcast %add3A_1793 : i32 to vector<16xi32>
    %add3A_1795 = arith.addi %iota3A, %add3A_1794 : vector<16xi32>
    tpu.vector_store_idx %arg12[%add3A_1795, %broadcast_in_dim3A_1768], %select_n3A_1792 : memref<32x32xf32, #tpu.memory_space<vmem>>[vector<16xi32>, vector<16xi32>], vector<16xf32>,
    tpu.vector_store_idx %arg13[%broadcast_in_dim3A_1768, %iota3A], %select_n3A_1791 : memref<32x32xf32, #tpu.memory_space<vmem>>[vector<16xi32>, vector<16xi32>], vector<16xf32>,
    %add3A_1796 = arith.constant 16 : i32
    %add3A_1797 = vector.broadcast %add3A_1796 : i32 to vector<16xi32>
    %add3A_1798 = arith.addi %iota3A, %add3A_1797 : vector<16xi32>
    tpu.vector_store_idx %arg13[%broadcast_in_dim3A_1768, %add3A_1798], %select_n3A_1792 : memref<32x32xf32, #tpu.memory_space<vmem>>[vector<16xi32>, vector<16xi32>], vector<16xf32>,
    %multiple_of3A_1799 = tpu.assume_multiple %min3A_734, 128 : i32
    %dma_start3A_1800 = arith.constant 6 : i32
    %dma_start3A_1801 = arith.constant 0 : i32
    %dma_start3A_1802 = arith.constant 0 : i32
    %dma_start3A_1803 = tpu.memref_slice %arg11[%dma_start3A_1800, %dma_start3A_1801, %dma_start3A_1802] : memref<8x32x128xf32, #tpu.memory_space<vmem>> -> memref<1x32x128xf32, #tpu.memory_space<vmem>>
    %dma_start3A_1804 = tpu.memref_squeeze %dma_start3A_1803 : memref<1x32x128xf32, #tpu.memory_space<vmem>> -> memref<32x128xf32, #tpu.memory_space<vmem>>
    %dma_start3A_1805 = arith.constant 0 : i32
    %dma_start3A_1806 = tpu.memref_slice %arg3[%dma_start3A_1805, %multiple_of3A_1799] : memref<32x1000000xf32, #tpu.memory_space<hbm>> -> memref<32x128xf32, #tpu.memory_space<hbm>>
    %dma_start3A_1807 = arith.constant 0 : i32
    %dma_start3A_1808 = arith.constant 0 : i32
    %dma_start3A_1809 = tpu.memref_slice %arg11[%dma_start3A_1800, %dma_start3A_1807, %dma_start3A_1808] : memref<8x32x128xf32, #tpu.memory_space<vmem>> -> memref<1x32x128xf32, #tpu.memory_space<vmem>>
    %dma_start3A_1810 = tpu.memref_squeeze %dma_start3A_1809 : memref<1x32x128xf32, #tpu.memory_space<vmem>> -> memref<32x128xf32, #tpu.memory_space<vmem>>
    %dma_start3A_1811 = arith.constant 0 : i32
    %dma_start3A_1812 = tpu.memref_slice %arg3[%dma_start3A_1811, %multiple_of3A_1799] : memref<32x1000000xf32, #tpu.memory_space<hbm>> -> memref<32x128xf32, #tpu.memory_space<hbm>>
    tpu.enqueue_dma source(%dma_start3A_1812 : memref<32x128xf32, #tpu.memory_space<hbm>>) target(%dma_start3A_1810 : memref<32x128xf32, #tpu.memory_space<vmem>>) target_semaphore(%arg22 : memref<!tpu.dma_semaphore, #tpu.memory_space<semaphore_mem>>)
    %dma_wait3A_1813 = arith.constant 7 : i32
    %dma_wait3A_1814 = arith.constant 0 : i32
    %dma_wait3A_1815 = arith.constant 0 : i32
    %dma_wait3A_1816 = tpu.memref_slice %arg11[%dma_wait3A_1813, %dma_wait3A_1814, %dma_wait3A_1815] : memref<8x32x128xf32, #tpu.memory_space<vmem>> -> memref<1x32x128xf32, #tpu.memory_space<vmem>>
    %dma_wait3A_1817 = tpu.memref_squeeze %dma_wait3A_1816 : memref<1x32x128xf32, #tpu.memory_space<vmem>> -> memref<32x128xf32, #tpu.memory_space<vmem>>
    %dma_wait3A_1818 = arith.constant 0 : i32
    %dma_wait3A_1819 = tpu.memref_slice %arg3[%dma_wait3A_1818, %multiple_of3A_1308] : memref<32x1000000xf32, #tpu.memory_space<hbm>> -> memref<32x128xf32, #tpu.memory_space<hbm>>
    %dma_wait3A_1820 = arith.constant 0 : i32
    %dma_wait3A_1821 = arith.constant 0 : i32
    %dma_wait3A_1822 = tpu.memref_slice %arg11[%dma_wait3A_1813, %dma_wait3A_1820, %dma_wait3A_1821] : memref<8x32x128xf32, #tpu.memory_space<vmem>> -> memref<1x32x128xf32, #tpu.memory_space<vmem>>
    %dma_wait3A_1823 = tpu.memref_squeeze %dma_wait3A_1822 : memref<1x32x128xf32, #tpu.memory_space<vmem>> -> memref<32x128xf32, #tpu.memory_space<vmem>>
    %dma_wait3A_1824 = arith.constant 0 : i32
    %dma_wait3A_1825 = tpu.memref_slice %arg3[%dma_wait3A_1824, %multiple_of3A_1308] : memref<32x1000000xf32, #tpu.memory_space<hbm>> -> memref<32x128xf32, #tpu.memory_space<hbm>>
    tpu.wait_dma2 semaphore(%arg23 : memref<!tpu.dma_semaphore, #tpu.memory_space<semaphore_mem>>) src(%dma_wait3A_1825 : memref<32x128xf32, #tpu.memory_space<hbm>>) dst(%dma_wait3A_1823 : memref<32x128xf32, #tpu.memory_space<vmem>>)
    %sub3A_1826 = arith.subi %reduce_sum3A_81, %min3A_538 : i32
    %and3A_1827 = arith.constant 127 : i32
    %and3A_1828 = arith.andi %sub3A_1826, %and3A_1827 : i32
    %broadcast_in_dim3A_1829 = vector.broadcast %and3A_1828 : i32 to vector<16xi32>
    %sub3A_1830 = arith.constant 999936 : i32
    %sub3A_1831 = arith.subi %reduce_sum3A_81, %sub3A_1830 : i32
    %jit3A_1832 = arith.constant 0 : i32
    %jit3A_1833 = arith.constant 63 : i32
    %max3A_1834 = arith.maxsi %jit3A_1832, %sub3A_1831 : i32
    %min3A_1835 = arith.minsi %jit3A_1833, %max3A_1834 : i32
    %broadcast_in_dim3A_1836 = vector.broadcast %min3A_1835 : i32 to vector<16xi32>
    %broadcast_in_dim3A_1837 = arith.constant 7 : i32
    %broadcast_in_dim3A_1838 = vector.broadcast %broadcast_in_dim3A_1837 : i32 to vector<16xi32>
    %gather3A_1839 = arith.constant 7 : i32
    %gather3A_1840 = arith.constant 0 : i32
    %gather3A_1841 = arith.constant 0 : i32
    %gather3A_1842 = tpu.memref_slice %arg11[%gather3A_1839, %gather3A_1840, %gather3A_1841] : memref<8x32x128xf32, #tpu.memory_space<vmem>> -> memref<1x32x128xf32, #tpu.memory_space<vmem>>
    %gather3A_1843 = tpu.memref_squeeze %gather3A_1842 : memref<1x32x128xf32, #tpu.memory_space<vmem>> -> memref<32x128xf32, #tpu.memory_space<vmem>>
    %gather3A_1844 = tpu.vector_load_idx %gather3A_1843[%iota3A, %broadcast_in_dim3A_1829] : memref<32x128xf32, #tpu.memory_space<vmem>>[vector<16xi32>, vector<16xi32>], vector<16xf32>,
    %add3A_1845 = arith.constant 16 : i32
    %add3A_1846 = vector.broadcast %add3A_1845 : i32 to vector<16xi32>
    %add3A_1847 = arith.addi %iota3A, %add3A_1846 : vector<16xi32>
    %gather3A_1848 = arith.constant 7 : i32
    %gather3A_1849 = arith.constant 0 : i32
    %gather3A_1850 = arith.constant 0 : i32
    %gather3A_1851 = tpu.memref_slice %arg11[%gather3A_1848, %gather3A_1849, %gather3A_1850] : memref<8x32x128xf32, #tpu.memory_space<vmem>> -> memref<1x32x128xf32, #tpu.memory_space<vmem>>
    %gather3A_1852 = tpu.memref_squeeze %gather3A_1851 : memref<1x32x128xf32, #tpu.memory_space<vmem>> -> memref<32x128xf32, #tpu.memory_space<vmem>>
    %gather3A_1853 = tpu.vector_load_idx %gather3A_1852[%add3A_1847, %broadcast_in_dim3A_1829] : memref<32x128xf32, #tpu.memory_space<vmem>>[vector<16xi32>, vector<16xi32>], vector<16xf32>,
    %gather3A_1854 = tpu.vector_load_idx %arg10[%iota3A, %broadcast_in_dim3A_1836] : memref<32x64xf32, #tpu.memory_space<vmem>>[vector<16xi32>, vector<16xi32>], vector<16xf32>,
    %add3A_1855 = arith.constant 16 : i32
    %add3A_1856 = vector.broadcast %add3A_1855 : i32 to vector<16xi32>
    %add3A_1857 = arith.addi %iota3A, %add3A_1856 : vector<16xi32>
    %gather3A_1858 = tpu.vector_load_idx %arg10[%add3A_1857, %broadcast_in_dim3A_1836] : memref<32x64xf32, #tpu.memory_space<vmem>>[vector<16xi32>, vector<16xi32>], vector<16xf32>,
    %lt3A_1859 = arith.constant 999936 : i32
    %lt3A_1860 = arith.cmpi slt, %reduce_sum3A_81, %lt3A_1859 : i32
    %select_n3A_1861 = arith.select %lt3A_1860, %gather3A_1844, %gather3A_1854 : vector<16xf32>
    %select_n3A_1862 = arith.select %lt3A_1860, %gather3A_1853, %gather3A_1858 : vector<16xf32>
    tpu.vector_store_idx %arg12[%iota3A, %broadcast_in_dim3A_1838], %select_n3A_1861 : memref<32x32xf32, #tpu.memory_space<vmem>>[vector<16xi32>, vector<16xi32>], vector<16xf32>,
    %add3A_1863 = arith.constant 16 : i32
    %add3A_1864 = vector.broadcast %add3A_1863 : i32 to vector<16xi32>
    %add3A_1865 = arith.addi %iota3A, %add3A_1864 : vector<16xi32>
    tpu.vector_store_idx %arg12[%add3A_1865, %broadcast_in_dim3A_1838], %select_n3A_1862 : memref<32x32xf32, #tpu.memory_space<vmem>>[vector<16xi32>, vector<16xi32>], vector<16xf32>,
    tpu.vector_store_idx %arg13[%broadcast_in_dim3A_1838, %iota3A], %select_n3A_1861 : memref<32x32xf32, #tpu.memory_space<vmem>>[vector<16xi32>, vector<16xi32>], vector<16xf32>,
    %add3A_1866 = arith.constant 16 : i32
    %add3A_1867 = vector.broadcast %add3A_1866 : i32 to vector<16xi32>
    %add3A_1868 = arith.addi %iota3A, %add3A_1867 : vector<16xi32>
    tpu.vector_store_idx %arg13[%broadcast_in_dim3A_1838, %add3A_1868], %select_n3A_1862 : memref<32x32xf32, #tpu.memory_space<vmem>>[vector<16xi32>, vector<16xi32>], vector<16xf32>,
    %multiple_of3A_1869 = tpu.assume_multiple %min3A_762, 128 : i32
    %dma_start3A_1870 = arith.constant 7 : i32
    %dma_start3A_1871 = arith.constant 0 : i32
    %dma_start3A_1872 = arith.constant 0 : i32
    %dma_start3A_1873 = tpu.memref_slice %arg11[%dma_start3A_1870, %dma_start3A_1871, %dma_start3A_1872] : memref<8x32x128xf32, #tpu.memory_space<vmem>> -> memref<1x32x128xf32, #tpu.memory_space<vmem>>
    %dma_start3A_1874 = tpu.memref_squeeze %dma_start3A_1873 : memref<1x32x128xf32, #tpu.memory_space<vmem>> -> memref<32x128xf32, #tpu.memory_space<vmem>>
    %dma_start3A_1875 = arith.constant 0 : i32
    %dma_start3A_1876 = tpu.memref_slice %arg3[%dma_start3A_1875, %multiple_of3A_1869] : memref<32x1000000xf32, #tpu.memory_space<hbm>> -> memref<32x128xf32, #tpu.memory_space<hbm>>
    %dma_start3A_1877 = arith.constant 0 : i32
    %dma_start3A_1878 = arith.constant 0 : i32
    %dma_start3A_1879 = tpu.memref_slice %arg11[%dma_start3A_1870, %dma_start3A_1877, %dma_start3A_1878] : memref<8x32x128xf32, #tpu.memory_space<vmem>> -> memref<1x32x128xf32, #tpu.memory_space<vmem>>
    %dma_start3A_1880 = tpu.memref_squeeze %dma_start3A_1879 : memref<1x32x128xf32, #tpu.memory_space<vmem>> -> memref<32x128xf32, #tpu.memory_space<vmem>>
    %dma_start3A_1881 = arith.constant 0 : i32
    %dma_start3A_1882 = tpu.memref_slice %arg3[%dma_start3A_1881, %multiple_of3A_1869] : memref<32x1000000xf32, #tpu.memory_space<hbm>> -> memref<32x128xf32, #tpu.memory_space<hbm>>
    tpu.enqueue_dma source(%dma_start3A_1882 : memref<32x128xf32, #tpu.memory_space<hbm>>) target(%dma_start3A_1880 : memref<32x128xf32, #tpu.memory_space<vmem>>) target_semaphore(%arg23 : memref<!tpu.dma_semaphore, #tpu.memory_space<semaphore_mem>>)
    %dma_wait3A_1883 = arith.constant 0 : i32
    %dma_wait3A_1884 = arith.constant 0 : i32
    %dma_wait3A_1885 = arith.constant 0 : i32
    %dma_wait3A_1886 = tpu.memref_slice %arg11[%dma_wait3A_1883, %dma_wait3A_1884, %dma_wait3A_1885] : memref<8x32x128xf32, #tpu.memory_space<vmem>> -> memref<1x32x128xf32, #tpu.memory_space<vmem>>
    %dma_wait3A_1887 = tpu.memref_squeeze %dma_wait3A_1886 : memref<1x32x128xf32, #tpu.memory_space<vmem>> -> memref<32x128xf32, #tpu.memory_space<vmem>>
    %dma_wait3A_1888 = arith.constant 0 : i32
    %dma_wait3A_1889 = tpu.memref_slice %arg3[%dma_wait3A_1888, %multiple_of3A_1379] : memref<32x1000000xf32, #tpu.memory_space<hbm>> -> memref<32x128xf32, #tpu.memory_space<hbm>>
    %dma_wait3A_1890 = arith.constant 0 : i32
    %dma_wait3A_1891 = arith.constant 0 : i32
    %dma_wait3A_1892 = tpu.memref_slice %arg11[%dma_wait3A_1883, %dma_wait3A_1890, %dma_wait3A_1891] : memref<8x32x128xf32, #tpu.memory_space<vmem>> -> memref<1x32x128xf32, #tpu.memory_space<vmem>>
    %dma_wait3A_1893 = tpu.memref_squeeze %dma_wait3A_1892 : memref<1x32x128xf32, #tpu.memory_space<vmem>> -> memref<32x128xf32, #tpu.memory_space<vmem>>
    %dma_wait3A_1894 = arith.constant 0 : i32
    %dma_wait3A_1895 = tpu.memref_slice %arg3[%dma_wait3A_1894, %multiple_of3A_1379] : memref<32x1000000xf32, #tpu.memory_space<hbm>> -> memref<32x128xf32, #tpu.memory_space<hbm>>
    tpu.wait_dma2 semaphore(%arg16 : memref<!tpu.dma_semaphore, #tpu.memory_space<semaphore_mem>>) src(%dma_wait3A_1895 : memref<32x128xf32, #tpu.memory_space<hbm>>) dst(%dma_wait3A_1893 : memref<32x128xf32, #tpu.memory_space<vmem>>)
    %sub3A_1896 = arith.subi %reduce_sum3A_91, %min3A_566 : i32
    %and3A_1897 = arith.constant 127 : i32
    %and3A_1898 = arith.andi %sub3A_1896, %and3A_1897 : i32
    %broadcast_in_dim3A_1899 = vector.broadcast %and3A_1898 : i32 to vector<16xi32>
    %sub3A_1900 = arith.constant 999936 : i32
    %sub3A_1901 = arith.subi %reduce_sum3A_91, %sub3A_1900 : i32
    %jit3A_1902 = arith.constant 0 : i32
    %jit3A_1903 = arith.constant 63 : i32
    %max3A_1904 = arith.maxsi %jit3A_1902, %sub3A_1901 : i32
    %min3A_1905 = arith.minsi %jit3A_1903, %max3A_1904 : i32
    %broadcast_in_dim3A_1906 = vector.broadcast %min3A_1905 : i32 to vector<16xi32>
    %broadcast_in_dim3A_1907 = arith.constant 8 : i32
    %broadcast_in_dim3A_1908 = vector.broadcast %broadcast_in_dim3A_1907 : i32 to vector<16xi32>
    %gather3A_1909 = arith.constant 0 : i32
    %gather3A_1910 = arith.constant 0 : i32
    %gather3A_1911 = arith.constant 0 : i32
    %gather3A_1912 = tpu.memref_slice %arg11[%gather3A_1909, %gather3A_1910, %gather3A_1911] : memref<8x32x128xf32, #tpu.memory_space<vmem>> -> memref<1x32x128xf32, #tpu.memory_space<vmem>>
    %gather3A_1913 = tpu.memref_squeeze %gather3A_1912 : memref<1x32x128xf32, #tpu.memory_space<vmem>> -> memref<32x128xf32, #tpu.memory_space<vmem>>
    %gather3A_1914 = tpu.vector_load_idx %gather3A_1913[%iota3A, %broadcast_in_dim3A_1899] : memref<32x128xf32, #tpu.memory_space<vmem>>[vector<16xi32>, vector<16xi32>], vector<16xf32>,
    %add3A_1915 = arith.constant 16 : i32
    %add3A_1916 = vector.broadcast %add3A_1915 : i32 to vector<16xi32>
    %add3A_1917 = arith.addi %iota3A, %add3A_1916 : vector<16xi32>
    %gather3A_1918 = arith.constant 0 : i32
    %gather3A_1919 = arith.constant 0 : i32
    %gather3A_1920 = arith.constant 0 : i32
    %gather3A_1921 = tpu.memref_slice %arg11[%gather3A_1918, %gather3A_1919, %gather3A_1920] : memref<8x32x128xf32, #tpu.memory_space<vmem>> -> memref<1x32x128xf32, #tpu.memory_space<vmem>>
    %gather3A_1922 = tpu.memref_squeeze %gather3A_1921 : memref<1x32x128xf32, #tpu.memory_space<vmem>> -> memref<32x128xf32, #tpu.memory_space<vmem>>
    %gather3A_1923 = tpu.vector_load_idx %gather3A_1922[%add3A_1917, %broadcast_in_dim3A_1899] : memref<32x128xf32, #tpu.memory_space<vmem>>[vector<16xi32>, vector<16xi32>], vector<16xf32>,
    %gather3A_1924 = tpu.vector_load_idx %arg10[%iota3A, %broadcast_in_dim3A_1906] : memref<32x64xf32, #tpu.memory_space<vmem>>[vector<16xi32>, vector<16xi32>], vector<16xf32>,
    %add3A_1925 = arith.constant 16 : i32
    %add3A_1926 = vector.broadcast %add3A_1925 : i32 to vector<16xi32>
    %add3A_1927 = arith.addi %iota3A, %add3A_1926 : vector<16xi32>
    %gather3A_1928 = tpu.vector_load_idx %arg10[%add3A_1927, %broadcast_in_dim3A_1906] : memref<32x64xf32, #tpu.memory_space<vmem>>[vector<16xi32>, vector<16xi32>], vector<16xf32>,
    %lt3A_1929 = arith.constant 999936 : i32
    %lt3A_1930 = arith.cmpi slt, %reduce_sum3A_91, %lt3A_1929 : i32
    %select_n3A_1931 = arith.select %lt3A_1930, %gather3A_1914, %gather3A_1924 : vector<16xf32>
    %select_n3A_1932 = arith.select %lt3A_1930, %gather3A_1923, %gather3A_1928 : vector<16xf32>
    tpu.vector_store_idx %arg12[%iota3A, %broadcast_in_dim3A_1908], %select_n3A_1931 : memref<32x32xf32, #tpu.memory_space<vmem>>[vector<16xi32>, vector<16xi32>], vector<16xf32>,
    %add3A_1933 = arith.constant 16 : i32
    %add3A_1934 = vector.broadcast %add3A_1933 : i32 to vector<16xi32>
    %add3A_1935 = arith.addi %iota3A, %add3A_1934 : vector<16xi32>
    tpu.vector_store_idx %arg12[%add3A_1935, %broadcast_in_dim3A_1908], %select_n3A_1932 : memref<32x32xf32, #tpu.memory_space<vmem>>[vector<16xi32>, vector<16xi32>], vector<16xf32>,
    tpu.vector_store_idx %arg13[%broadcast_in_dim3A_1908, %iota3A], %select_n3A_1931 : memref<32x32xf32, #tpu.memory_space<vmem>>[vector<16xi32>, vector<16xi32>], vector<16xf32>,
    %add3A_1936 = arith.constant 16 : i32
    %add3A_1937 = vector.broadcast %add3A_1936 : i32 to vector<16xi32>
    %add3A_1938 = arith.addi %iota3A, %add3A_1937 : vector<16xi32>
    tpu.vector_store_idx %arg13[%broadcast_in_dim3A_1908, %add3A_1938], %select_n3A_1932 : memref<32x32xf32, #tpu.memory_space<vmem>>[vector<16xi32>, vector<16xi32>], vector<16xf32>,
    %multiple_of3A_1939 = tpu.assume_multiple %min3A_790, 128 : i32
    %dma_start3A_1940 = arith.constant 0 : i32
    %dma_start3A_1941 = arith.constant 0 : i32
    %dma_start3A_1942 = arith.constant 0 : i32
    %dma_start3A_1943 = tpu.memref_slice %arg11[%dma_start3A_1940, %dma_start3A_1941, %dma_start3A_1942] : memref<8x32x128xf32, #tpu.memory_space<vmem>> -> memref<1x32x128xf32, #tpu.memory_space<vmem>>
    %dma_start3A_1944 = tpu.memref_squeeze %dma_start3A_1943 : memref<1x32x128xf32, #tpu.memory_space<vmem>> -> memref<32x128xf32, #tpu.memory_space<vmem>>
    %dma_start3A_1945 = arith.constant 0 : i32
    %dma_start3A_1946 = tpu.memref_slice %arg3[%dma_start3A_1945, %multiple_of3A_1939] : memref<32x1000000xf32, #tpu.memory_space<hbm>> -> memref<32x128xf32, #tpu.memory_space<hbm>>
    %dma_start3A_1947 = arith.constant 0 : i32
    %dma_start3A_1948 = arith.constant 0 : i32
    %dma_start3A_1949 = tpu.memref_slice %arg11[%dma_start3A_1940, %dma_start3A_1947, %dma_start3A_1948] : memref<8x32x128xf32, #tpu.memory_space<vmem>> -> memref<1x32x128xf32, #tpu.memory_space<vmem>>
    %dma_start3A_1950 = tpu.memref_squeeze %dma_start3A_1949 : memref<1x32x128xf32, #tpu.memory_space<vmem>> -> memref<32x128xf32, #tpu.memory_space<vmem>>
    %dma_start3A_1951 = arith.constant 0 : i32
    %dma_start3A_1952 = tpu.memref_slice %arg3[%dma_start3A_1951, %multiple_of3A_1939] : memref<32x1000000xf32, #tpu.memory_space<hbm>> -> memref<32x128xf32, #tpu.memory_space<hbm>>
    tpu.enqueue_dma source(%dma_start3A_1952 : memref<32x128xf32, #tpu.memory_space<hbm>>) target(%dma_start3A_1950 : memref<32x128xf32, #tpu.memory_space<vmem>>) target_semaphore(%arg16 : memref<!tpu.dma_semaphore, #tpu.memory_space<semaphore_mem>>)
    %dma_wait3A_1953 = arith.constant 1 : i32
    %dma_wait3A_1954 = arith.constant 0 : i32
    %dma_wait3A_1955 = arith.constant 0 : i32
    %dma_wait3A_1956 = tpu.memref_slice %arg11[%dma_wait3A_1953, %dma_wait3A_1954, %dma_wait3A_1955] : memref<8x32x128xf32, #tpu.memory_space<vmem>> -> memref<1x32x128xf32, #tpu.memory_space<vmem>>
    %dma_wait3A_1957 = tpu.memref_squeeze %dma_wait3A_1956 : memref<1x32x128xf32, #tpu.memory_space<vmem>> -> memref<32x128xf32, #tpu.memory_space<vmem>>
    %dma_wait3A_1958 = arith.constant 0 : i32
    %dma_wait3A_1959 = tpu.memref_slice %arg3[%dma_wait3A_1958, %multiple_of3A_1449] : memref<32x1000000xf32, #tpu.memory_space<hbm>> -> memref<32x128xf32, #tpu.memory_space<hbm>>
    %dma_wait3A_1960 = arith.constant 0 : i32
    %dma_wait3A_1961 = arith.constant 0 : i32
    %dma_wait3A_1962 = tpu.memref_slice %arg11[%dma_wait3A_1953, %dma_wait3A_1960, %dma_wait3A_1961] : memref<8x32x128xf32, #tpu.memory_space<vmem>> -> memref<1x32x128xf32, #tpu.memory_space<vmem>>
    %dma_wait3A_1963 = tpu.memref_squeeze %dma_wait3A_1962 : memref<1x32x128xf32, #tpu.memory_space<vmem>> -> memref<32x128xf32, #tpu.memory_space<vmem>>
    %dma_wait3A_1964 = arith.constant 0 : i32
    %dma_wait3A_1965 = tpu.memref_slice %arg3[%dma_wait3A_1964, %multiple_of3A_1449] : memref<32x1000000xf32, #tpu.memory_space<hbm>> -> memref<32x128xf32, #tpu.memory_space<hbm>>
    tpu.wait_dma2 semaphore(%arg17 : memref<!tpu.dma_semaphore, #tpu.memory_space<semaphore_mem>>) src(%dma_wait3A_1965 : memref<32x128xf32, #tpu.memory_space<hbm>>) dst(%dma_wait3A_1963 : memref<32x128xf32, #tpu.memory_space<vmem>>)
    %sub3A_1966 = arith.subi %reduce_sum3A_101, %min3A_594 : i32
    %and3A_1967 = arith.constant 127 : i32
    %and3A_1968 = arith.andi %sub3A_1966, %and3A_1967 : i32
    %broadcast_in_dim3A_1969 = vector.broadcast %and3A_1968 : i32 to vector<16xi32>
    %sub3A_1970 = arith.constant 999936 : i32
    %sub3A_1971 = arith.subi %reduce_sum3A_101, %sub3A_1970 : i32
    %jit3A_1972 = arith.constant 0 : i32
    %jit3A_1973 = arith.constant 63 : i32
    %max3A_1974 = arith.maxsi %jit3A_1972, %sub3A_1971 : i32
    %min3A_1975 = arith.minsi %jit3A_1973, %max3A_1974 : i32
    %broadcast_in_dim3A_1976 = vector.broadcast %min3A_1975 : i32 to vector<16xi32>
    %broadcast_in_dim3A_1977 = arith.constant 9 : i32
    %broadcast_in_dim3A_1978 = vector.broadcast %broadcast_in_dim3A_1977 : i32 to vector<16xi32>
    %gather3A_1979 = arith.constant 1 : i32
    %gather3A_1980 = arith.constant 0 : i32
    %gather3A_1981 = arith.constant 0 : i32
    %gather3A_1982 = tpu.memref_slice %arg11[%gather3A_1979, %gather3A_1980, %gather3A_1981] : memref<8x32x128xf32, #tpu.memory_space<vmem>> -> memref<1x32x128xf32, #tpu.memory_space<vmem>>
    %gather3A_1983 = tpu.memref_squeeze %gather3A_1982 : memref<1x32x128xf32, #tpu.memory_space<vmem>> -> memref<32x128xf32, #tpu.memory_space<vmem>>
    %gather3A_1984 = tpu.vector_load_idx %gather3A_1983[%iota3A, %broadcast_in_dim3A_1969] : memref<32x128xf32, #tpu.memory_space<vmem>>[vector<16xi32>, vector<16xi32>], vector<16xf32>,
    %add3A_1985 = arith.constant 16 : i32
    %add3A_1986 = vector.broadcast %add3A_1985 : i32 to vector<16xi32>
    %add3A_1987 = arith.addi %iota3A, %add3A_1986 : vector<16xi32>
    %gather3A_1988 = arith.constant 1 : i32
    %gather3A_1989 = arith.constant 0 : i32
    %gather3A_1990 = arith.constant 0 : i32
    %gather3A_1991 = tpu.memref_slice %arg11[%gather3A_1988, %gather3A_1989, %gather3A_1990] : memref<8x32x128xf32, #tpu.memory_space<vmem>> -> memref<1x32x128xf32, #tpu.memory_space<vmem>>
    %gather3A_1992 = tpu.memref_squeeze %gather3A_1991 : memref<1x32x128xf32, #tpu.memory_space<vmem>> -> memref<32x128xf32, #tpu.memory_space<vmem>>
    %gather3A_1993 = tpu.vector_load_idx %gather3A_1992[%add3A_1987, %broadcast_in_dim3A_1969] : memref<32x128xf32, #tpu.memory_space<vmem>>[vector<16xi32>, vector<16xi32>], vector<16xf32>,
    %gather3A_1994 = tpu.vector_load_idx %arg10[%iota3A, %broadcast_in_dim3A_1976] : memref<32x64xf32, #tpu.memory_space<vmem>>[vector<16xi32>, vector<16xi32>], vector<16xf32>,
    %add3A_1995 = arith.constant 16 : i32
    %add3A_1996 = vector.broadcast %add3A_1995 : i32 to vector<16xi32>
    %add3A_1997 = arith.addi %iota3A, %add3A_1996 : vector<16xi32>
    %gather3A_1998 = tpu.vector_load_idx %arg10[%add3A_1997, %broadcast_in_dim3A_1976] : memref<32x64xf32, #tpu.memory_space<vmem>>[vector<16xi32>, vector<16xi32>], vector<16xf32>,
    %lt3A_1999 = arith.constant 999936 : i32
    %lt3A_2000 = arith.cmpi slt, %reduce_sum3A_101, %lt3A_1999 : i32
    %select_n3A_2001 = arith.select %lt3A_2000, %gather3A_1984, %gather3A_1994 : vector<16xf32>
    %select_n3A_2002 = arith.select %lt3A_2000, %gather3A_1993, %gather3A_1998 : vector<16xf32>
    tpu.vector_store_idx %arg12[%iota3A, %broadcast_in_dim3A_1978], %select_n3A_2001 : memref<32x32xf32, #tpu.memory_space<vmem>>[vector<16xi32>, vector<16xi32>], vector<16xf32>,
    %add3A_2003 = arith.constant 16 : i32
    %add3A_2004 = vector.broadcast %add3A_2003 : i32 to vector<16xi32>
    %add3A_2005 = arith.addi %iota3A, %add3A_2004 : vector<16xi32>
    tpu.vector_store_idx %arg12[%add3A_2005, %broadcast_in_dim3A_1978], %select_n3A_2002 : memref<32x32xf32, #tpu.memory_space<vmem>>[vector<16xi32>, vector<16xi32>], vector<16xf32>,
    tpu.vector_store_idx %arg13[%broadcast_in_dim3A_1978, %iota3A], %select_n3A_2001 : memref<32x32xf32, #tpu.memory_space<vmem>>[vector<16xi32>, vector<16xi32>], vector<16xf32>,
    %add3A_2006 = arith.constant 16 : i32
    %add3A_2007 = vector.broadcast %add3A_2006 : i32 to vector<16xi32>
    %add3A_2008 = arith.addi %iota3A, %add3A_2007 : vector<16xi32>
    tpu.vector_store_idx %arg13[%broadcast_in_dim3A_1978, %add3A_2008], %select_n3A_2002 : memref<32x32xf32, #tpu.memory_space<vmem>>[vector<16xi32>, vector<16xi32>], vector<16xf32>,
    %multiple_of3A_2009 = tpu.assume_multiple %min3A_818, 128 : i32
    %dma_start3A_2010 = arith.constant 1 : i32
    %dma_start3A_2011 = arith.constant 0 : i32
    %dma_start3A_2012 = arith.constant 0 : i32
    %dma_start3A_2013 = tpu.memref_slice %arg11[%dma_start3A_2010, %dma_start3A_2011, %dma_start3A_2012] : memref<8x32x128xf32, #tpu.memory_space<vmem>> -> memref<1x32x128xf32, #tpu.memory_space<vmem>>
    %dma_start3A_2014 = tpu.memref_squeeze %dma_start3A_2013 : memref<1x32x128xf32, #tpu.memory_space<vmem>> -> memref<32x128xf32, #tpu.memory_space<vmem>>
    %dma_start3A_2015 = arith.constant 0 : i32
    %dma_start3A_2016 = tpu.memref_slice %arg3[%dma_start3A_2015, %multiple_of3A_2009] : memref<32x1000000xf32, #tpu.memory_space<hbm>> -> memref<32x128xf32, #tpu.memory_space<hbm>>
    %dma_start3A_2017 = arith.constant 0 : i32
    %dma_start3A_2018 = arith.constant 0 : i32
    %dma_start3A_2019 = tpu.memref_slice %arg11[%dma_start3A_2010, %dma_start3A_2017, %dma_start3A_2018] : memref<8x32x128xf32, #tpu.memory_space<vmem>> -> memref<1x32x128xf32, #tpu.memory_space<vmem>>
    %dma_start3A_2020 = tpu.memref_squeeze %dma_start3A_2019 : memref<1x32x128xf32, #tpu.memory_space<vmem>> -> memref<32x128xf32, #tpu.memory_space<vmem>>
    %dma_start3A_2021 = arith.constant 0 : i32
    %dma_start3A_2022 = tpu.memref_slice %arg3[%dma_start3A_2021, %multiple_of3A_2009] : memref<32x1000000xf32, #tpu.memory_space<hbm>> -> memref<32x128xf32, #tpu.memory_space<hbm>>
    tpu.enqueue_dma source(%dma_start3A_2022 : memref<32x128xf32, #tpu.memory_space<hbm>>) target(%dma_start3A_2020 : memref<32x128xf32, #tpu.memory_space<vmem>>) target_semaphore(%arg17 : memref<!tpu.dma_semaphore, #tpu.memory_space<semaphore_mem>>)
    %dma_wait3A_2023 = arith.constant 2 : i32
    %dma_wait3A_2024 = arith.constant 0 : i32
    %dma_wait3A_2025 = arith.constant 0 : i32
    %dma_wait3A_2026 = tpu.memref_slice %arg11[%dma_wait3A_2023, %dma_wait3A_2024, %dma_wait3A_2025] : memref<8x32x128xf32, #tpu.memory_space<vmem>> -> memref<1x32x128xf32, #tpu.memory_space<vmem>>
    %dma_wait3A_2027 = tpu.memref_squeeze %dma_wait3A_2026 : memref<1x32x128xf32, #tpu.memory_space<vmem>> -> memref<32x128xf32, #tpu.memory_space<vmem>>
    %dma_wait3A_2028 = arith.constant 0 : i32
    %dma_wait3A_2029 = tpu.memref_slice %arg3[%dma_wait3A_2028, %multiple_of3A_1519] : memref<32x1000000xf32, #tpu.memory_space<hbm>> -> memref<32x128xf32, #tpu.memory_space<hbm>>
    %dma_wait3A_2030 = arith.constant 0 : i32
    %dma_wait3A_2031 = arith.constant 0 : i32
    %dma_wait3A_2032 = tpu.memref_slice %arg11[%dma_wait3A_2023, %dma_wait3A_2030, %dma_wait3A_2031] : memref<8x32x128xf32, #tpu.memory_space<vmem>> -> memref<1x32x128xf32, #tpu.memory_space<vmem>>
    %dma_wait3A_2033 = tpu.memref_squeeze %dma_wait3A_2032 : memref<1x32x128xf32, #tpu.memory_space<vmem>> -> memref<32x128xf32, #tpu.memory_space<vmem>>
    %dma_wait3A_2034 = arith.constant 0 : i32
    %dma_wait3A_2035 = tpu.memref_slice %arg3[%dma_wait3A_2034, %multiple_of3A_1519] : memref<32x1000000xf32, #tpu.memory_space<hbm>> -> memref<32x128xf32, #tpu.memory_space<hbm>>
    tpu.wait_dma2 semaphore(%arg18 : memref<!tpu.dma_semaphore, #tpu.memory_space<semaphore_mem>>) src(%dma_wait3A_2035 : memref<32x128xf32, #tpu.memory_space<hbm>>) dst(%dma_wait3A_2033 : memref<32x128xf32, #tpu.memory_space<vmem>>)
    %sub3A_2036 = arith.subi %reduce_sum3A_111, %min3A_622 : i32
    %and3A_2037 = arith.constant 127 : i32
    %and3A_2038 = arith.andi %sub3A_2036, %and3A_2037 : i32
    %broadcast_in_dim3A_2039 = vector.broadcast %and3A_2038 : i32 to vector<16xi32>
    %sub3A_2040 = arith.constant 999936 : i32
    %sub3A_2041 = arith.subi %reduce_sum3A_111, %sub3A_2040 : i32
    %jit3A_2042 = arith.constant 0 : i32
    %jit3A_2043 = arith.constant 63 : i32
    %max3A_2044 = arith.maxsi %jit3A_2042, %sub3A_2041 : i32
    %min3A_2045 = arith.minsi %jit3A_2043, %max3A_2044 : i32
    %broadcast_in_dim3A_2046 = vector.broadcast %min3A_2045 : i32 to vector<16xi32>
    %broadcast_in_dim3A_2047 = arith.constant 10 : i32
    %broadcast_in_dim3A_2048 = vector.broadcast %broadcast_in_dim3A_2047 : i32 to vector<16xi32>
    %gather3A_2049 = arith.constant 2 : i32
    %gather3A_2050 = arith.constant 0 : i32
    %gather3A_2051 = arith.constant 0 : i32
    %gather3A_2052 = tpu.memref_slice %arg11[%gather3A_2049, %gather3A_2050, %gather3A_2051] : memref<8x32x128xf32, #tpu.memory_space<vmem>> -> memref<1x32x128xf32, #tpu.memory_space<vmem>>
    %gather3A_2053 = tpu.memref_squeeze %gather3A_2052 : memref<1x32x128xf32, #tpu.memory_space<vmem>> -> memref<32x128xf32, #tpu.memory_space<vmem>>
    %gather3A_2054 = tpu.vector_load_idx %gather3A_2053[%iota3A, %broadcast_in_dim3A_2039] : memref<32x128xf32, #tpu.memory_space<vmem>>[vector<16xi32>, vector<16xi32>], vector<16xf32>,
    %add3A_2055 = arith.constant 16 : i32
    %add3A_2056 = vector.broadcast %add3A_2055 : i32 to vector<16xi32>
    %add3A_2057 = arith.addi %iota3A, %add3A_2056 : vector<16xi32>
    %gather3A_2058 = arith.constant 2 : i32
    %gather3A_2059 = arith.constant 0 : i32
    %gather3A_2060 = arith.constant 0 : i32
    %gather3A_2061 = tpu.memref_slice %arg11[%gather3A_2058, %gather3A_2059, %gather3A_2060] : memref<8x32x128xf32, #tpu.memory_space<vmem>> -> memref<1x32x128xf32, #tpu.memory_space<vmem>>
    %gather3A_2062 = tpu.memref_squeeze %gather3A_2061 : memref<1x32x128xf32, #tpu.memory_space<vmem>> -> memref<32x128xf32, #tpu.memory_space<vmem>>
    %gather3A_2063 = tpu.vector_load_idx %gather3A_2062[%add3A_2057, %broadcast_in_dim3A_2039] : memref<32x128xf32, #tpu.memory_space<vmem>>[vector<16xi32>, vector<16xi32>], vector<16xf32>,
    %gather3A_2064 = tpu.vector_load_idx %arg10[%iota3A, %broadcast_in_dim3A_2046] : memref<32x64xf32, #tpu.memory_space<vmem>>[vector<16xi32>, vector<16xi32>], vector<16xf32>,
    %add3A_2065 = arith.constant 16 : i32
    %add3A_2066 = vector.broadcast %add3A_2065 : i32 to vector<16xi32>
    %add3A_2067 = arith.addi %iota3A, %add3A_2066 : vector<16xi32>
    %gather3A_2068 = tpu.vector_load_idx %arg10[%add3A_2067, %broadcast_in_dim3A_2046] : memref<32x64xf32, #tpu.memory_space<vmem>>[vector<16xi32>, vector<16xi32>], vector<16xf32>,
    %lt3A_2069 = arith.constant 999936 : i32
    %lt3A_2070 = arith.cmpi slt, %reduce_sum3A_111, %lt3A_2069 : i32
    %select_n3A_2071 = arith.select %lt3A_2070, %gather3A_2054, %gather3A_2064 : vector<16xf32>
    %select_n3A_2072 = arith.select %lt3A_2070, %gather3A_2063, %gather3A_2068 : vector<16xf32>
    tpu.vector_store_idx %arg12[%iota3A, %broadcast_in_dim3A_2048], %select_n3A_2071 : memref<32x32xf32, #tpu.memory_space<vmem>>[vector<16xi32>, vector<16xi32>], vector<16xf32>,
    %add3A_2073 = arith.constant 16 : i32
    %add3A_2074 = vector.broadcast %add3A_2073 : i32 to vector<16xi32>
    %add3A_2075 = arith.addi %iota3A, %add3A_2074 : vector<16xi32>
    tpu.vector_store_idx %arg12[%add3A_2075, %broadcast_in_dim3A_2048], %select_n3A_2072 : memref<32x32xf32, #tpu.memory_space<vmem>>[vector<16xi32>, vector<16xi32>], vector<16xf32>,
    tpu.vector_store_idx %arg13[%broadcast_in_dim3A_2048, %iota3A], %select_n3A_2071 : memref<32x32xf32, #tpu.memory_space<vmem>>[vector<16xi32>, vector<16xi32>], vector<16xf32>,
    %add3A_2076 = arith.constant 16 : i32
    %add3A_2077 = vector.broadcast %add3A_2076 : i32 to vector<16xi32>
    %add3A_2078 = arith.addi %iota3A, %add3A_2077 : vector<16xi32>
    tpu.vector_store_idx %arg13[%broadcast_in_dim3A_2048, %add3A_2078], %select_n3A_2072 : memref<32x32xf32, #tpu.memory_space<vmem>>[vector<16xi32>, vector<16xi32>], vector<16xf32>,
    %multiple_of3A_2079 = tpu.assume_multiple %min3A_846, 128 : i32
    %dma_start3A_2080 = arith.constant 2 : i32
    %dma_start3A_2081 = arith.constant 0 : i32
    %dma_start3A_2082 = arith.constant 0 : i32
    %dma_start3A_2083 = tpu.memref_slice %arg11[%dma_start3A_2080, %dma_start3A_2081, %dma_start3A_2082] : memref<8x32x128xf32, #tpu.memory_space<vmem>> -> memref<1x32x128xf32, #tpu.memory_space<vmem>>
    %dma_start3A_2084 = tpu.memref_squeeze %dma_start3A_2083 : memref<1x32x128xf32, #tpu.memory_space<vmem>> -> memref<32x128xf32, #tpu.memory_space<vmem>>
    %dma_start3A_2085 = arith.constant 0 : i32
    %dma_start3A_2086 = tpu.memref_slice %arg3[%dma_start3A_2085, %multiple_of3A_2079] : memref<32x1000000xf32, #tpu.memory_space<hbm>> -> memref<32x128xf32, #tpu.memory_space<hbm>>
    %dma_start3A_2087 = arith.constant 0 : i32
    %dma_start3A_2088 = arith.constant 0 : i32
    %dma_start3A_2089 = tpu.memref_slice %arg11[%dma_start3A_2080, %dma_start3A_2087, %dma_start3A_2088] : memref<8x32x128xf32, #tpu.memory_space<vmem>> -> memref<1x32x128xf32, #tpu.memory_space<vmem>>
    %dma_start3A_2090 = tpu.memref_squeeze %dma_start3A_2089 : memref<1x32x128xf32, #tpu.memory_space<vmem>> -> memref<32x128xf32, #tpu.memory_space<vmem>>
    %dma_start3A_2091 = arith.constant 0 : i32
    %dma_start3A_2092 = tpu.memref_slice %arg3[%dma_start3A_2091, %multiple_of3A_2079] : memref<32x1000000xf32, #tpu.memory_space<hbm>> -> memref<32x128xf32, #tpu.memory_space<hbm>>
    tpu.enqueue_dma source(%dma_start3A_2092 : memref<32x128xf32, #tpu.memory_space<hbm>>) target(%dma_start3A_2090 : memref<32x128xf32, #tpu.memory_space<vmem>>) target_semaphore(%arg18 : memref<!tpu.dma_semaphore, #tpu.memory_space<semaphore_mem>>)
    %dma_wait3A_2093 = arith.constant 3 : i32
    %dma_wait3A_2094 = arith.constant 0 : i32
    %dma_wait3A_2095 = arith.constant 0 : i32
    %dma_wait3A_2096 = tpu.memref_slice %arg11[%dma_wait3A_2093, %dma_wait3A_2094, %dma_wait3A_2095] : memref<8x32x128xf32, #tpu.memory_space<vmem>> -> memref<1x32x128xf32, #tpu.memory_space<vmem>>
    %dma_wait3A_2097 = tpu.memref_squeeze %dma_wait3A_2096 : memref<1x32x128xf32, #tpu.memory_space<vmem>> -> memref<32x128xf32, #tpu.memory_space<vmem>>
    %dma_wait3A_2098 = arith.constant 0 : i32
    %dma_wait3A_2099 = tpu.memref_slice %arg3[%dma_wait3A_2098, %multiple_of3A_1589] : memref<32x1000000xf32, #tpu.memory_space<hbm>> -> memref<32x128xf32, #tpu.memory_space<hbm>>
    %dma_wait3A_2100 = arith.constant 0 : i32
    %dma_wait3A_2101 = arith.constant 0 : i32
    %dma_wait3A_2102 = tpu.memref_slice %arg11[%dma_wait3A_2093, %dma_wait3A_2100, %dma_wait3A_2101] : memref<8x32x128xf32, #tpu.memory_space<vmem>> -> memref<1x32x128xf32, #tpu.memory_space<vmem>>
    %dma_wait3A_2103 = tpu.memref_squeeze %dma_wait3A_2102 : memref<1x32x128xf32, #tpu.memory_space<vmem>> -> memref<32x128xf32, #tpu.memory_space<vmem>>
    %dma_wait3A_2104 = arith.constant 0 : i32
    %dma_wait3A_2105 = tpu.memref_slice %arg3[%dma_wait3A_2104, %multiple_of3A_1589] : memref<32x1000000xf32, #tpu.memory_space<hbm>> -> memref<32x128xf32, #tpu.memory_space<hbm>>
    tpu.wait_dma2 semaphore(%arg19 : memref<!tpu.dma_semaphore, #tpu.memory_space<semaphore_mem>>) src(%dma_wait3A_2105 : memref<32x128xf32, #tpu.memory_space<hbm>>) dst(%dma_wait3A_2103 : memref<32x128xf32, #tpu.memory_space<vmem>>)
    %sub3A_2106 = arith.subi %reduce_sum3A_121, %min3A_650 : i32
    %and3A_2107 = arith.constant 127 : i32
    %and3A_2108 = arith.andi %sub3A_2106, %and3A_2107 : i32
    %broadcast_in_dim3A_2109 = vector.broadcast %and3A_2108 : i32 to vector<16xi32>
    %sub3A_2110 = arith.constant 999936 : i32
    %sub3A_2111 = arith.subi %reduce_sum3A_121, %sub3A_2110 : i32
    %jit3A_2112 = arith.constant 0 : i32
    %jit3A_2113 = arith.constant 63 : i32
    %max3A_2114 = arith.maxsi %jit3A_2112, %sub3A_2111 : i32
    %min3A_2115 = arith.minsi %jit3A_2113, %max3A_2114 : i32
    %broadcast_in_dim3A_2116 = vector.broadcast %min3A_2115 : i32 to vector<16xi32>
    %broadcast_in_dim3A_2117 = arith.constant 11 : i32
    %broadcast_in_dim3A_2118 = vector.broadcast %broadcast_in_dim3A_2117 : i32 to vector<16xi32>
    %gather3A_2119 = arith.constant 3 : i32
    %gather3A_2120 = arith.constant 0 : i32
    %gather3A_2121 = arith.constant 0 : i32
    %gather3A_2122 = tpu.memref_slice %arg11[%gather3A_2119, %gather3A_2120, %gather3A_2121] : memref<8x32x128xf32, #tpu.memory_space<vmem>> -> memref<1x32x128xf32, #tpu.memory_space<vmem>>
    %gather3A_2123 = tpu.memref_squeeze %gather3A_2122 : memref<1x32x128xf32, #tpu.memory_space<vmem>> -> memref<32x128xf32, #tpu.memory_space<vmem>>
    %gather3A_2124 = tpu.vector_load_idx %gather3A_2123[%iota3A, %broadcast_in_dim3A_2109] : memref<32x128xf32, #tpu.memory_space<vmem>>[vector<16xi32>, vector<16xi32>], vector<16xf32>,
    %add3A_2125 = arith.constant 16 : i32
    %add3A_2126 = vector.broadcast %add3A_2125 : i32 to vector<16xi32>
    %add3A_2127 = arith.addi %iota3A, %add3A_2126 : vector<16xi32>
    %gather3A_2128 = arith.constant 3 : i32
    %gather3A_2129 = arith.constant 0 : i32
    %gather3A_2130 = arith.constant 0 : i32
    %gather3A_2131 = tpu.memref_slice %arg11[%gather3A_2128, %gather3A_2129, %gather3A_2130] : memref<8x32x128xf32, #tpu.memory_space<vmem>> -> memref<1x32x128xf32, #tpu.memory_space<vmem>>
    %gather3A_2132 = tpu.memref_squeeze %gather3A_2131 : memref<1x32x128xf32, #tpu.memory_space<vmem>> -> memref<32x128xf32, #tpu.memory_space<vmem>>
    %gather3A_2133 = tpu.vector_load_idx %gather3A_2132[%add3A_2127, %broadcast_in_dim3A_2109] : memref<32x128xf32, #tpu.memory_space<vmem>>[vector<16xi32>, vector<16xi32>], vector<16xf32>,
    %gather3A_2134 = tpu.vector_load_idx %arg10[%iota3A, %broadcast_in_dim3A_2116] : memref<32x64xf32, #tpu.memory_space<vmem>>[vector<16xi32>, vector<16xi32>], vector<16xf32>,
    %add3A_2135 = arith.constant 16 : i32
    %add3A_2136 = vector.broadcast %add3A_2135 : i32 to vector<16xi32>
    %add3A_2137 = arith.addi %iota3A, %add3A_2136 : vector<16xi32>
    %gather3A_2138 = tpu.vector_load_idx %arg10[%add3A_2137, %broadcast_in_dim3A_2116] : memref<32x64xf32, #tpu.memory_space<vmem>>[vector<16xi32>, vector<16xi32>], vector<16xf32>,
    %lt3A_2139 = arith.constant 999936 : i32
    %lt3A_2140 = arith.cmpi slt, %reduce_sum3A_121, %lt3A_2139 : i32
    %select_n3A_2141 = arith.select %lt3A_2140, %gather3A_2124, %gather3A_2134 : vector<16xf32>
    %select_n3A_2142 = arith.select %lt3A_2140, %gather3A_2133, %gather3A_2138 : vector<16xf32>
    tpu.vector_store_idx %arg12[%iota3A, %broadcast_in_dim3A_2118], %select_n3A_2141 : memref<32x32xf32, #tpu.memory_space<vmem>>[vector<16xi32>, vector<16xi32>], vector<16xf32>,
    %add3A_2143 = arith.constant 16 : i32
    %add3A_2144 = vector.broadcast %add3A_2143 : i32 to vector<16xi32>
    %add3A_2145 = arith.addi %iota3A, %add3A_2144 : vector<16xi32>
    tpu.vector_store_idx %arg12[%add3A_2145, %broadcast_in_dim3A_2118], %select_n3A_2142 : memref<32x32xf32, #tpu.memory_space<vmem>>[vector<16xi32>, vector<16xi32>], vector<16xf32>,
    tpu.vector_store_idx %arg13[%broadcast_in_dim3A_2118, %iota3A], %select_n3A_2141 : memref<32x32xf32, #tpu.memory_space<vmem>>[vector<16xi32>, vector<16xi32>], vector<16xf32>,
    %add3A_2146 = arith.constant 16 : i32
    %add3A_2147 = vector.broadcast %add3A_2146 : i32 to vector<16xi32>
    %add3A_2148 = arith.addi %iota3A, %add3A_2147 : vector<16xi32>
    tpu.vector_store_idx %arg13[%broadcast_in_dim3A_2118, %add3A_2148], %select_n3A_2142 : memref<32x32xf32, #tpu.memory_space<vmem>>[vector<16xi32>, vector<16xi32>], vector<16xf32>,
    %multiple_of3A_2149 = tpu.assume_multiple %min3A_874, 128 : i32
    %dma_start3A_2150 = arith.constant 3 : i32
    %dma_start3A_2151 = arith.constant 0 : i32
    %dma_start3A_2152 = arith.constant 0 : i32
    %dma_start3A_2153 = tpu.memref_slice %arg11[%dma_start3A_2150, %dma_start3A_2151, %dma_start3A_2152] : memref<8x32x128xf32, #tpu.memory_space<vmem>> -> memref<1x32x128xf32, #tpu.memory_space<vmem>>
    %dma_start3A_2154 = tpu.memref_squeeze %dma_start3A_2153 : memref<1x32x128xf32, #tpu.memory_space<vmem>> -> memref<32x128xf32, #tpu.memory_space<vmem>>
    %dma_start3A_2155 = arith.constant 0 : i32
    %dma_start3A_2156 = tpu.memref_slice %arg3[%dma_start3A_2155, %multiple_of3A_2149] : memref<32x1000000xf32, #tpu.memory_space<hbm>> -> memref<32x128xf32, #tpu.memory_space<hbm>>
    %dma_start3A_2157 = arith.constant 0 : i32
    %dma_start3A_2158 = arith.constant 0 : i32
    %dma_start3A_2159 = tpu.memref_slice %arg11[%dma_start3A_2150, %dma_start3A_2157, %dma_start3A_2158] : memref<8x32x128xf32, #tpu.memory_space<vmem>> -> memref<1x32x128xf32, #tpu.memory_space<vmem>>
    %dma_start3A_2160 = tpu.memref_squeeze %dma_start3A_2159 : memref<1x32x128xf32, #tpu.memory_space<vmem>> -> memref<32x128xf32, #tpu.memory_space<vmem>>
    %dma_start3A_2161 = arith.constant 0 : i32
    %dma_start3A_2162 = tpu.memref_slice %arg3[%dma_start3A_2161, %multiple_of3A_2149] : memref<32x1000000xf32, #tpu.memory_space<hbm>> -> memref<32x128xf32, #tpu.memory_space<hbm>>
    tpu.enqueue_dma source(%dma_start3A_2162 : memref<32x128xf32, #tpu.memory_space<hbm>>) target(%dma_start3A_2160 : memref<32x128xf32, #tpu.memory_space<vmem>>) target_semaphore(%arg19 : memref<!tpu.dma_semaphore, #tpu.memory_space<semaphore_mem>>)
    %dma_wait3A_2163 = arith.constant 4 : i32
    %dma_wait3A_2164 = arith.constant 0 : i32
    %dma_wait3A_2165 = arith.constant 0 : i32
    %dma_wait3A_2166 = tpu.memref_slice %arg11[%dma_wait3A_2163, %dma_wait3A_2164, %dma_wait3A_2165] : memref<8x32x128xf32, #tpu.memory_space<vmem>> -> memref<1x32x128xf32, #tpu.memory_space<vmem>>
    %dma_wait3A_2167 = tpu.memref_squeeze %dma_wait3A_2166 : memref<1x32x128xf32, #tpu.memory_space<vmem>> -> memref<32x128xf32, #tpu.memory_space<vmem>>
    %dma_wait3A_2168 = arith.constant 0 : i32
    %dma_wait3A_2169 = tpu.memref_slice %arg3[%dma_wait3A_2168, %multiple_of3A_1659] : memref<32x1000000xf32, #tpu.memory_space<hbm>> -> memref<32x128xf32, #tpu.memory_space<hbm>>
    %dma_wait3A_2170 = arith.constant 0 : i32
    %dma_wait3A_2171 = arith.constant 0 : i32
    %dma_wait3A_2172 = tpu.memref_slice %arg11[%dma_wait3A_2163, %dma_wait3A_2170, %dma_wait3A_2171] : memref<8x32x128xf32, #tpu.memory_space<vmem>> -> memref<1x32x128xf32, #tpu.memory_space<vmem>>
    %dma_wait3A_2173 = tpu.memref_squeeze %dma_wait3A_2172 : memref<1x32x128xf32, #tpu.memory_space<vmem>> -> memref<32x128xf32, #tpu.memory_space<vmem>>
    %dma_wait3A_2174 = arith.constant 0 : i32
    %dma_wait3A_2175 = tpu.memref_slice %arg3[%dma_wait3A_2174, %multiple_of3A_1659] : memref<32x1000000xf32, #tpu.memory_space<hbm>> -> memref<32x128xf32, #tpu.memory_space<hbm>>
    tpu.wait_dma2 semaphore(%arg20 : memref<!tpu.dma_semaphore, #tpu.memory_space<semaphore_mem>>) src(%dma_wait3A_2175 : memref<32x128xf32, #tpu.memory_space<hbm>>) dst(%dma_wait3A_2173 : memref<32x128xf32, #tpu.memory_space<vmem>>)
    %sub3A_2176 = arith.subi %reduce_sum3A_131, %min3A_678 : i32
    %and3A_2177 = arith.constant 127 : i32
    %and3A_2178 = arith.andi %sub3A_2176, %and3A_2177 : i32
    %broadcast_in_dim3A_2179 = vector.broadcast %and3A_2178 : i32 to vector<16xi32>
    %sub3A_2180 = arith.constant 999936 : i32
    %sub3A_2181 = arith.subi %reduce_sum3A_131, %sub3A_2180 : i32
    %jit3A_2182 = arith.constant 0 : i32
    %jit3A_2183 = arith.constant 63 : i32
    %max3A_2184 = arith.maxsi %jit3A_2182, %sub3A_2181 : i32
    %min3A_2185 = arith.minsi %jit3A_2183, %max3A_2184 : i32
    %broadcast_in_dim3A_2186 = vector.broadcast %min3A_2185 : i32 to vector<16xi32>
    %broadcast_in_dim3A_2187 = arith.constant 12 : i32
    %broadcast_in_dim3A_2188 = vector.broadcast %broadcast_in_dim3A_2187 : i32 to vector<16xi32>
    %gather3A_2189 = arith.constant 4 : i32
    %gather3A_2190 = arith.constant 0 : i32
    %gather3A_2191 = arith.constant 0 : i32
    %gather3A_2192 = tpu.memref_slice %arg11[%gather3A_2189, %gather3A_2190, %gather3A_2191] : memref<8x32x128xf32, #tpu.memory_space<vmem>> -> memref<1x32x128xf32, #tpu.memory_space<vmem>>
    %gather3A_2193 = tpu.memref_squeeze %gather3A_2192 : memref<1x32x128xf32, #tpu.memory_space<vmem>> -> memref<32x128xf32, #tpu.memory_space<vmem>>
    %gather3A_2194 = tpu.vector_load_idx %gather3A_2193[%iota3A, %broadcast_in_dim3A_2179] : memref<32x128xf32, #tpu.memory_space<vmem>>[vector<16xi32>, vector<16xi32>], vector<16xf32>,
    %add3A_2195 = arith.constant 16 : i32
    %add3A_2196 = vector.broadcast %add3A_2195 : i32 to vector<16xi32>
    %add3A_2197 = arith.addi %iota3A, %add3A_2196 : vector<16xi32>
    %gather3A_2198 = arith.constant 4 : i32
    %gather3A_2199 = arith.constant 0 : i32
    %gather3A_2200 = arith.constant 0 : i32
    %gather3A_2201 = tpu.memref_slice %arg11[%gather3A_2198, %gather3A_2199, %gather3A_2200] : memref<8x32x128xf32, #tpu.memory_space<vmem>> -> memref<1x32x128xf32, #tpu.memory_space<vmem>>
    %gather3A_2202 = tpu.memref_squeeze %gather3A_2201 : memref<1x32x128xf32, #tpu.memory_space<vmem>> -> memref<32x128xf32, #tpu.memory_space<vmem>>
    %gather3A_2203 = tpu.vector_load_idx %gather3A_2202[%add3A_2197, %broadcast_in_dim3A_2179] : memref<32x128xf32, #tpu.memory_space<vmem>>[vector<16xi32>, vector<16xi32>], vector<16xf32>,
    %gather3A_2204 = tpu.vector_load_idx %arg10[%iota3A, %broadcast_in_dim3A_2186] : memref<32x64xf32, #tpu.memory_space<vmem>>[vector<16xi32>, vector<16xi32>], vector<16xf32>,
    %add3A_2205 = arith.constant 16 : i32
    %add3A_2206 = vector.broadcast %add3A_2205 : i32 to vector<16xi32>
    %add3A_2207 = arith.addi %iota3A, %add3A_2206 : vector<16xi32>
    %gather3A_2208 = tpu.vector_load_idx %arg10[%add3A_2207, %broadcast_in_dim3A_2186] : memref<32x64xf32, #tpu.memory_space<vmem>>[vector<16xi32>, vector<16xi32>], vector<16xf32>,
    %lt3A_2209 = arith.constant 999936 : i32
    %lt3A_2210 = arith.cmpi slt, %reduce_sum3A_131, %lt3A_2209 : i32
    %select_n3A_2211 = arith.select %lt3A_2210, %gather3A_2194, %gather3A_2204 : vector<16xf32>
    %select_n3A_2212 = arith.select %lt3A_2210, %gather3A_2203, %gather3A_2208 : vector<16xf32>
    tpu.vector_store_idx %arg12[%iota3A, %broadcast_in_dim3A_2188], %select_n3A_2211 : memref<32x32xf32, #tpu.memory_space<vmem>>[vector<16xi32>, vector<16xi32>], vector<16xf32>,
    %add3A_2213 = arith.constant 16 : i32
    %add3A_2214 = vector.broadcast %add3A_2213 : i32 to vector<16xi32>
    %add3A_2215 = arith.addi %iota3A, %add3A_2214 : vector<16xi32>
    tpu.vector_store_idx %arg12[%add3A_2215, %broadcast_in_dim3A_2188], %select_n3A_2212 : memref<32x32xf32, #tpu.memory_space<vmem>>[vector<16xi32>, vector<16xi32>], vector<16xf32>,
    tpu.vector_store_idx %arg13[%broadcast_in_dim3A_2188, %iota3A], %select_n3A_2211 : memref<32x32xf32, #tpu.memory_space<vmem>>[vector<16xi32>, vector<16xi32>], vector<16xf32>,
    %add3A_2216 = arith.constant 16 : i32
    %add3A_2217 = vector.broadcast %add3A_2216 : i32 to vector<16xi32>
    %add3A_2218 = arith.addi %iota3A, %add3A_2217 : vector<16xi32>
    tpu.vector_store_idx %arg13[%broadcast_in_dim3A_2188, %add3A_2218], %select_n3A_2212 : memref<32x32xf32, #tpu.memory_space<vmem>>[vector<16xi32>, vector<16xi32>], vector<16xf32>,
    %multiple_of3A_2219 = tpu.assume_multiple %min3A_902, 128 : i32
    %dma_start3A_2220 = arith.constant 4 : i32
    %dma_start3A_2221 = arith.constant 0 : i32
    %dma_start3A_2222 = arith.constant 0 : i32
    %dma_start3A_2223 = tpu.memref_slice %arg11[%dma_start3A_2220, %dma_start3A_2221, %dma_start3A_2222] : memref<8x32x128xf32, #tpu.memory_space<vmem>> -> memref<1x32x128xf32, #tpu.memory_space<vmem>>
    %dma_start3A_2224 = tpu.memref_squeeze %dma_start3A_2223 : memref<1x32x128xf32, #tpu.memory_space<vmem>> -> memref<32x128xf32, #tpu.memory_space<vmem>>
    %dma_start3A_2225 = arith.constant 0 : i32
    %dma_start3A_2226 = tpu.memref_slice %arg3[%dma_start3A_2225, %multiple_of3A_2219] : memref<32x1000000xf32, #tpu.memory_space<hbm>> -> memref<32x128xf32, #tpu.memory_space<hbm>>
    %dma_start3A_2227 = arith.constant 0 : i32
    %dma_start3A_2228 = arith.constant 0 : i32
    %dma_start3A_2229 = tpu.memref_slice %arg11[%dma_start3A_2220, %dma_start3A_2227, %dma_start3A_2228] : memref<8x32x128xf32, #tpu.memory_space<vmem>> -> memref<1x32x128xf32, #tpu.memory_space<vmem>>
    %dma_start3A_2230 = tpu.memref_squeeze %dma_start3A_2229 : memref<1x32x128xf32, #tpu.memory_space<vmem>> -> memref<32x128xf32, #tpu.memory_space<vmem>>
    %dma_start3A_2231 = arith.constant 0 : i32
    %dma_start3A_2232 = tpu.memref_slice %arg3[%dma_start3A_2231, %multiple_of3A_2219] : memref<32x1000000xf32, #tpu.memory_space<hbm>> -> memref<32x128xf32, #tpu.memory_space<hbm>>
    tpu.enqueue_dma source(%dma_start3A_2232 : memref<32x128xf32, #tpu.memory_space<hbm>>) target(%dma_start3A_2230 : memref<32x128xf32, #tpu.memory_space<vmem>>) target_semaphore(%arg20 : memref<!tpu.dma_semaphore, #tpu.memory_space<semaphore_mem>>)
    %dma_wait3A_2233 = arith.constant 5 : i32
    %dma_wait3A_2234 = arith.constant 0 : i32
    %dma_wait3A_2235 = arith.constant 0 : i32
    %dma_wait3A_2236 = tpu.memref_slice %arg11[%dma_wait3A_2233, %dma_wait3A_2234, %dma_wait3A_2235] : memref<8x32x128xf32, #tpu.memory_space<vmem>> -> memref<1x32x128xf32, #tpu.memory_space<vmem>>
    %dma_wait3A_2237 = tpu.memref_squeeze %dma_wait3A_2236 : memref<1x32x128xf32, #tpu.memory_space<vmem>> -> memref<32x128xf32, #tpu.memory_space<vmem>>
    %dma_wait3A_2238 = arith.constant 0 : i32
    %dma_wait3A_2239 = tpu.memref_slice %arg3[%dma_wait3A_2238, %multiple_of3A_1729] : memref<32x1000000xf32, #tpu.memory_space<hbm>> -> memref<32x128xf32, #tpu.memory_space<hbm>>
    %dma_wait3A_2240 = arith.constant 0 : i32
    %dma_wait3A_2241 = arith.constant 0 : i32
    %dma_wait3A_2242 = tpu.memref_slice %arg11[%dma_wait3A_2233, %dma_wait3A_2240, %dma_wait3A_2241] : memref<8x32x128xf32, #tpu.memory_space<vmem>> -> memref<1x32x128xf32, #tpu.memory_space<vmem>>
    %dma_wait3A_2243 = tpu.memref_squeeze %dma_wait3A_2242 : memref<1x32x128xf32, #tpu.memory_space<vmem>> -> memref<32x128xf32, #tpu.memory_space<vmem>>
    %dma_wait3A_2244 = arith.constant 0 : i32
    %dma_wait3A_2245 = tpu.memref_slice %arg3[%dma_wait3A_2244, %multiple_of3A_1729] : memref<32x1000000xf32, #tpu.memory_space<hbm>> -> memref<32x128xf32, #tpu.memory_space<hbm>>
    tpu.wait_dma2 semaphore(%arg21 : memref<!tpu.dma_semaphore, #tpu.memory_space<semaphore_mem>>) src(%dma_wait3A_2245 : memref<32x128xf32, #tpu.memory_space<hbm>>) dst(%dma_wait3A_2243 : memref<32x128xf32, #tpu.memory_space<vmem>>)
    %sub3A_2246 = arith.subi %reduce_sum3A_141, %min3A_706 : i32
    %and3A_2247 = arith.constant 127 : i32
    %and3A_2248 = arith.andi %sub3A_2246, %and3A_2247 : i32
    %broadcast_in_dim3A_2249 = vector.broadcast %and3A_2248 : i32 to vector<16xi32>
    %sub3A_2250 = arith.constant 999936 : i32
    %sub3A_2251 = arith.subi %reduce_sum3A_141, %sub3A_2250 : i32
    %jit3A_2252 = arith.constant 0 : i32
    %jit3A_2253 = arith.constant 63 : i32
    %max3A_2254 = arith.maxsi %jit3A_2252, %sub3A_2251 : i32
    %min3A_2255 = arith.minsi %jit3A_2253, %max3A_2254 : i32
    %broadcast_in_dim3A_2256 = vector.broadcast %min3A_2255 : i32 to vector<16xi32>
    %broadcast_in_dim3A_2257 = arith.constant 13 : i32
    %broadcast_in_dim3A_2258 = vector.broadcast %broadcast_in_dim3A_2257 : i32 to vector<16xi32>
    %gather3A_2259 = arith.constant 5 : i32
    %gather3A_2260 = arith.constant 0 : i32
    %gather3A_2261 = arith.constant 0 : i32
    %gather3A_2262 = tpu.memref_slice %arg11[%gather3A_2259, %gather3A_2260, %gather3A_2261] : memref<8x32x128xf32, #tpu.memory_space<vmem>> -> memref<1x32x128xf32, #tpu.memory_space<vmem>>
    %gather3A_2263 = tpu.memref_squeeze %gather3A_2262 : memref<1x32x128xf32, #tpu.memory_space<vmem>> -> memref<32x128xf32, #tpu.memory_space<vmem>>
    %gather3A_2264 = tpu.vector_load_idx %gather3A_2263[%iota3A, %broadcast_in_dim3A_2249] : memref<32x128xf32, #tpu.memory_space<vmem>>[vector<16xi32>, vector<16xi32>], vector<16xf32>,
    %add3A_2265 = arith.constant 16 : i32
    %add3A_2266 = vector.broadcast %add3A_2265 : i32 to vector<16xi32>
    %add3A_2267 = arith.addi %iota3A, %add3A_2266 : vector<16xi32>
    %gather3A_2268 = arith.constant 5 : i32
    %gather3A_2269 = arith.constant 0 : i32
    %gather3A_2270 = arith.constant 0 : i32
    %gather3A_2271 = tpu.memref_slice %arg11[%gather3A_2268, %gather3A_2269, %gather3A_2270] : memref<8x32x128xf32, #tpu.memory_space<vmem>> -> memref<1x32x128xf32, #tpu.memory_space<vmem>>
    %gather3A_2272 = tpu.memref_squeeze %gather3A_2271 : memref<1x32x128xf32, #tpu.memory_space<vmem>> -> memref<32x128xf32, #tpu.memory_space<vmem>>
    %gather3A_2273 = tpu.vector_load_idx %gather3A_2272[%add3A_2267, %broadcast_in_dim3A_2249] : memref<32x128xf32, #tpu.memory_space<vmem>>[vector<16xi32>, vector<16xi32>], vector<16xf32>,
    %gather3A_2274 = tpu.vector_load_idx %arg10[%iota3A, %broadcast_in_dim3A_2256] : memref<32x64xf32, #tpu.memory_space<vmem>>[vector<16xi32>, vector<16xi32>], vector<16xf32>,
    %add3A_2275 = arith.constant 16 : i32
    %add3A_2276 = vector.broadcast %add3A_2275 : i32 to vector<16xi32>
    %add3A_2277 = arith.addi %iota3A, %add3A_2276 : vector<16xi32>
    %gather3A_2278 = tpu.vector_load_idx %arg10[%add3A_2277, %broadcast_in_dim3A_2256] : memref<32x64xf32, #tpu.memory_space<vmem>>[vector<16xi32>, vector<16xi32>], vector<16xf32>,
    %lt3A_2279 = arith.constant 999936 : i32
    %lt3A_2280 = arith.cmpi slt, %reduce_sum3A_141, %lt3A_2279 : i32
    %select_n3A_2281 = arith.select %lt3A_2280, %gather3A_2264, %gather3A_2274 : vector<16xf32>
    %select_n3A_2282 = arith.select %lt3A_2280, %gather3A_2273, %gather3A_2278 : vector<16xf32>
    tpu.vector_store_idx %arg12[%iota3A, %broadcast_in_dim3A_2258], %select_n3A_2281 : memref<32x32xf32, #tpu.memory_space<vmem>>[vector<16xi32>, vector<16xi32>], vector<16xf32>,
    %add3A_2283 = arith.constant 16 : i32
    %add3A_2284 = vector.broadcast %add3A_2283 : i32 to vector<16xi32>
    %add3A_2285 = arith.addi %iota3A, %add3A_2284 : vector<16xi32>
    tpu.vector_store_idx %arg12[%add3A_2285, %broadcast_in_dim3A_2258], %select_n3A_2282 : memref<32x32xf32, #tpu.memory_space<vmem>>[vector<16xi32>, vector<16xi32>], vector<16xf32>,
    tpu.vector_store_idx %arg13[%broadcast_in_dim3A_2258, %iota3A], %select_n3A_2281 : memref<32x32xf32, #tpu.memory_space<vmem>>[vector<16xi32>, vector<16xi32>], vector<16xf32>,
    %add3A_2286 = arith.constant 16 : i32
    %add3A_2287 = vector.broadcast %add3A_2286 : i32 to vector<16xi32>
    %add3A_2288 = arith.addi %iota3A, %add3A_2287 : vector<16xi32>
    tpu.vector_store_idx %arg13[%broadcast_in_dim3A_2258, %add3A_2288], %select_n3A_2282 : memref<32x32xf32, #tpu.memory_space<vmem>>[vector<16xi32>, vector<16xi32>], vector<16xf32>,
    %multiple_of3A_2289 = tpu.assume_multiple %min3A_930, 128 : i32
    %dma_start3A_2290 = arith.constant 5 : i32
    %dma_start3A_2291 = arith.constant 0 : i32
    %dma_start3A_2292 = arith.constant 0 : i32
    %dma_start3A_2293 = tpu.memref_slice %arg11[%dma_start3A_2290, %dma_start3A_2291, %dma_start3A_2292] : memref<8x32x128xf32, #tpu.memory_space<vmem>> -> memref<1x32x128xf32, #tpu.memory_space<vmem>>
    %dma_start3A_2294 = tpu.memref_squeeze %dma_start3A_2293 : memref<1x32x128xf32, #tpu.memory_space<vmem>> -> memref<32x128xf32, #tpu.memory_space<vmem>>
    %dma_start3A_2295 = arith.constant 0 : i32
    %dma_start3A_2296 = tpu.memref_slice %arg3[%dma_start3A_2295, %multiple_of3A_2289] : memref<32x1000000xf32, #tpu.memory_space<hbm>> -> memref<32x128xf32, #tpu.memory_space<hbm>>
    %dma_start3A_2297 = arith.constant 0 : i32
    %dma_start3A_2298 = arith.constant 0 : i32
    %dma_start3A_2299 = tpu.memref_slice %arg11[%dma_start3A_2290, %dma_start3A_2297, %dma_start3A_2298] : memref<8x32x128xf32, #tpu.memory_space<vmem>> -> memref<1x32x128xf32, #tpu.memory_space<vmem>>
    %dma_start3A_2300 = tpu.memref_squeeze %dma_start3A_2299 : memref<1x32x128xf32, #tpu.memory_space<vmem>> -> memref<32x128xf32, #tpu.memory_space<vmem>>
    %dma_start3A_2301 = arith.constant 0 : i32
    %dma_start3A_2302 = tpu.memref_slice %arg3[%dma_start3A_2301, %multiple_of3A_2289] : memref<32x1000000xf32, #tpu.memory_space<hbm>> -> memref<32x128xf32, #tpu.memory_space<hbm>>
    tpu.enqueue_dma source(%dma_start3A_2302 : memref<32x128xf32, #tpu.memory_space<hbm>>) target(%dma_start3A_2300 : memref<32x128xf32, #tpu.memory_space<vmem>>) target_semaphore(%arg21 : memref<!tpu.dma_semaphore, #tpu.memory_space<semaphore_mem>>)
    %dma_wait3A_2303 = arith.constant 6 : i32
    %dma_wait3A_2304 = arith.constant 0 : i32
    %dma_wait3A_2305 = arith.constant 0 : i32
    %dma_wait3A_2306 = tpu.memref_slice %arg11[%dma_wait3A_2303, %dma_wait3A_2304, %dma_wait3A_2305] : memref<8x32x128xf32, #tpu.memory_space<vmem>> -> memref<1x32x128xf32, #tpu.memory_space<vmem>>
    %dma_wait3A_2307 = tpu.memref_squeeze %dma_wait3A_2306 : memref<1x32x128xf32, #tpu.memory_space<vmem>> -> memref<32x128xf32, #tpu.memory_space<vmem>>
    %dma_wait3A_2308 = arith.constant 0 : i32
    %dma_wait3A_2309 = tpu.memref_slice %arg3[%dma_wait3A_2308, %multiple_of3A_1799] : memref<32x1000000xf32, #tpu.memory_space<hbm>> -> memref<32x128xf32, #tpu.memory_space<hbm>>
    %dma_wait3A_2310 = arith.constant 0 : i32
    %dma_wait3A_2311 = arith.constant 0 : i32
    %dma_wait3A_2312 = tpu.memref_slice %arg11[%dma_wait3A_2303, %dma_wait3A_2310, %dma_wait3A_2311] : memref<8x32x128xf32, #tpu.memory_space<vmem>> -> memref<1x32x128xf32, #tpu.memory_space<vmem>>
    %dma_wait3A_2313 = tpu.memref_squeeze %dma_wait3A_2312 : memref<1x32x128xf32, #tpu.memory_space<vmem>> -> memref<32x128xf32, #tpu.memory_space<vmem>>
    %dma_wait3A_2314 = arith.constant 0 : i32
    %dma_wait3A_2315 = tpu.memref_slice %arg3[%dma_wait3A_2314, %multiple_of3A_1799] : memref<32x1000000xf32, #tpu.memory_space<hbm>> -> memref<32x128xf32, #tpu.memory_space<hbm>>
    tpu.wait_dma2 semaphore(%arg22 : memref<!tpu.dma_semaphore, #tpu.memory_space<semaphore_mem>>) src(%dma_wait3A_2315 : memref<32x128xf32, #tpu.memory_space<hbm>>) dst(%dma_wait3A_2313 : memref<32x128xf32, #tpu.memory_space<vmem>>)
    %sub3A_2316 = arith.subi %reduce_sum3A_151, %min3A_734 : i32
    %and3A_2317 = arith.constant 127 : i32
    %and3A_2318 = arith.andi %sub3A_2316, %and3A_2317 : i32
    %broadcast_in_dim3A_2319 = vector.broadcast %and3A_2318 : i32 to vector<16xi32>
    %sub3A_2320 = arith.constant 999936 : i32
    %sub3A_2321 = arith.subi %reduce_sum3A_151, %sub3A_2320 : i32
    %jit3A_2322 = arith.constant 0 : i32
    %jit3A_2323 = arith.constant 63 : i32
    %max3A_2324 = arith.maxsi %jit3A_2322, %sub3A_2321 : i32
    %min3A_2325 = arith.minsi %jit3A_2323, %max3A_2324 : i32
    %broadcast_in_dim3A_2326 = vector.broadcast %min3A_2325 : i32 to vector<16xi32>
    %broadcast_in_dim3A_2327 = arith.constant 14 : i32
    %broadcast_in_dim3A_2328 = vector.broadcast %broadcast_in_dim3A_2327 : i32 to vector<16xi32>
    %gather3A_2329 = arith.constant 6 : i32
    %gather3A_2330 = arith.constant 0 : i32
    %gather3A_2331 = arith.constant 0 : i32
    %gather3A_2332 = tpu.memref_slice %arg11[%gather3A_2329, %gather3A_2330, %gather3A_2331] : memref<8x32x128xf32, #tpu.memory_space<vmem>> -> memref<1x32x128xf32, #tpu.memory_space<vmem>>
    %gather3A_2333 = tpu.memref_squeeze %gather3A_2332 : memref<1x32x128xf32, #tpu.memory_space<vmem>> -> memref<32x128xf32, #tpu.memory_space<vmem>>
    %gather3A_2334 = tpu.vector_load_idx %gather3A_2333[%iota3A, %broadcast_in_dim3A_2319] : memref<32x128xf32, #tpu.memory_space<vmem>>[vector<16xi32>, vector<16xi32>], vector<16xf32>,
    %add3A_2335 = arith.constant 16 : i32
    %add3A_2336 = vector.broadcast %add3A_2335 : i32 to vector<16xi32>
    %add3A_2337 = arith.addi %iota3A, %add3A_2336 : vector<16xi32>
    %gather3A_2338 = arith.constant 6 : i32
    %gather3A_2339 = arith.constant 0 : i32
    %gather3A_2340 = arith.constant 0 : i32
    %gather3A_2341 = tpu.memref_slice %arg11[%gather3A_2338, %gather3A_2339, %gather3A_2340] : memref<8x32x128xf32, #tpu.memory_space<vmem>> -> memref<1x32x128xf32, #tpu.memory_space<vmem>>
    %gather3A_2342 = tpu.memref_squeeze %gather3A_2341 : memref<1x32x128xf32, #tpu.memory_space<vmem>> -> memref<32x128xf32, #tpu.memory_space<vmem>>
    %gather3A_2343 = tpu.vector_load_idx %gather3A_2342[%add3A_2337, %broadcast_in_dim3A_2319] : memref<32x128xf32, #tpu.memory_space<vmem>>[vector<16xi32>, vector<16xi32>], vector<16xf32>,
    %gather3A_2344 = tpu.vector_load_idx %arg10[%iota3A, %broadcast_in_dim3A_2326] : memref<32x64xf32, #tpu.memory_space<vmem>>[vector<16xi32>, vector<16xi32>], vector<16xf32>,
    %add3A_2345 = arith.constant 16 : i32
    %add3A_2346 = vector.broadcast %add3A_2345 : i32 to vector<16xi32>
    %add3A_2347 = arith.addi %iota3A, %add3A_2346 : vector<16xi32>
    %gather3A_2348 = tpu.vector_load_idx %arg10[%add3A_2347, %broadcast_in_dim3A_2326] : memref<32x64xf32, #tpu.memory_space<vmem>>[vector<16xi32>, vector<16xi32>], vector<16xf32>,
    %lt3A_2349 = arith.constant 999936 : i32
    %lt3A_2350 = arith.cmpi slt, %reduce_sum3A_151, %lt3A_2349 : i32
    %select_n3A_2351 = arith.select %lt3A_2350, %gather3A_2334, %gather3A_2344 : vector<16xf32>
    %select_n3A_2352 = arith.select %lt3A_2350, %gather3A_2343, %gather3A_2348 : vector<16xf32>
    tpu.vector_store_idx %arg12[%iota3A, %broadcast_in_dim3A_2328], %select_n3A_2351 : memref<32x32xf32, #tpu.memory_space<vmem>>[vector<16xi32>, vector<16xi32>], vector<16xf32>,
    %add3A_2353 = arith.constant 16 : i32
    %add3A_2354 = vector.broadcast %add3A_2353 : i32 to vector<16xi32>
    %add3A_2355 = arith.addi %iota3A, %add3A_2354 : vector<16xi32>
    tpu.vector_store_idx %arg12[%add3A_2355, %broadcast_in_dim3A_2328], %select_n3A_2352 : memref<32x32xf32, #tpu.memory_space<vmem>>[vector<16xi32>, vector<16xi32>], vector<16xf32>,
    tpu.vector_store_idx %arg13[%broadcast_in_dim3A_2328, %iota3A], %select_n3A_2351 : memref<32x32xf32, #tpu.memory_space<vmem>>[vector<16xi32>, vector<16xi32>], vector<16xf32>,
    %add3A_2356 = arith.constant 16 : i32
    %add3A_2357 = vector.broadcast %add3A_2356 : i32 to vector<16xi32>
    %add3A_2358 = arith.addi %iota3A, %add3A_2357 : vector<16xi32>
    tpu.vector_store_idx %arg13[%broadcast_in_dim3A_2328, %add3A_2358], %select_n3A_2352 : memref<32x32xf32, #tpu.memory_space<vmem>>[vector<16xi32>, vector<16xi32>], vector<16xf32>,
    %multiple_of3A_2359 = tpu.assume_multiple %min3A_958, 128 : i32
    %dma_start3A_2360 = arith.constant 6 : i32
    %dma_start3A_2361 = arith.constant 0 : i32
    %dma_start3A_2362 = arith.constant 0 : i32
    %dma_start3A_2363 = tpu.memref_slice %arg11[%dma_start3A_2360, %dma_start3A_2361, %dma_start3A_2362] : memref<8x32x128xf32, #tpu.memory_space<vmem>> -> memref<1x32x128xf32, #tpu.memory_space<vmem>>
    %dma_start3A_2364 = tpu.memref_squeeze %dma_start3A_2363 : memref<1x32x128xf32, #tpu.memory_space<vmem>> -> memref<32x128xf32, #tpu.memory_space<vmem>>
    %dma_start3A_2365 = arith.constant 0 : i32
    %dma_start3A_2366 = tpu.memref_slice %arg3[%dma_start3A_2365, %multiple_of3A_2359] : memref<32x1000000xf32, #tpu.memory_space<hbm>> -> memref<32x128xf32, #tpu.memory_space<hbm>>
    %dma_start3A_2367 = arith.constant 0 : i32
    %dma_start3A_2368 = arith.constant 0 : i32
    %dma_start3A_2369 = tpu.memref_slice %arg11[%dma_start3A_2360, %dma_start3A_2367, %dma_start3A_2368] : memref<8x32x128xf32, #tpu.memory_space<vmem>> -> memref<1x32x128xf32, #tpu.memory_space<vmem>>
    %dma_start3A_2370 = tpu.memref_squeeze %dma_start3A_2369 : memref<1x32x128xf32, #tpu.memory_space<vmem>> -> memref<32x128xf32, #tpu.memory_space<vmem>>
    %dma_start3A_2371 = arith.constant 0 : i32
    %dma_start3A_2372 = tpu.memref_slice %arg3[%dma_start3A_2371, %multiple_of3A_2359] : memref<32x1000000xf32, #tpu.memory_space<hbm>> -> memref<32x128xf32, #tpu.memory_space<hbm>>
    tpu.enqueue_dma source(%dma_start3A_2372 : memref<32x128xf32, #tpu.memory_space<hbm>>) target(%dma_start3A_2370 : memref<32x128xf32, #tpu.memory_space<vmem>>) target_semaphore(%arg22 : memref<!tpu.dma_semaphore, #tpu.memory_space<semaphore_mem>>)
    %dma_wait3A_2373 = arith.constant 7 : i32
    %dma_wait3A_2374 = arith.constant 0 : i32
    %dma_wait3A_2375 = arith.constant 0 : i32
    %dma_wait3A_2376 = tpu.memref_slice %arg11[%dma_wait3A_2373, %dma_wait3A_2374, %dma_wait3A_2375] : memref<8x32x128xf32, #tpu.memory_space<vmem>> -> memref<1x32x128xf32, #tpu.memory_space<vmem>>
    %dma_wait3A_2377 = tpu.memref_squeeze %dma_wait3A_2376 : memref<1x32x128xf32, #tpu.memory_space<vmem>> -> memref<32x128xf32, #tpu.memory_space<vmem>>
    %dma_wait3A_2378 = arith.constant 0 : i32
    %dma_wait3A_2379 = tpu.memref_slice %arg3[%dma_wait3A_2378, %multiple_of3A_1869] : memref<32x1000000xf32, #tpu.memory_space<hbm>> -> memref<32x128xf32, #tpu.memory_space<hbm>>
    %dma_wait3A_2380 = arith.constant 0 : i32
    %dma_wait3A_2381 = arith.constant 0 : i32
    %dma_wait3A_2382 = tpu.memref_slice %arg11[%dma_wait3A_2373, %dma_wait3A_2380, %dma_wait3A_2381] : memref<8x32x128xf32, #tpu.memory_space<vmem>> -> memref<1x32x128xf32, #tpu.memory_space<vmem>>
    %dma_wait3A_2383 = tpu.memref_squeeze %dma_wait3A_2382 : memref<1x32x128xf32, #tpu.memory_space<vmem>> -> memref<32x128xf32, #tpu.memory_space<vmem>>
    %dma_wait3A_2384 = arith.constant 0 : i32
    %dma_wait3A_2385 = tpu.memref_slice %arg3[%dma_wait3A_2384, %multiple_of3A_1869] : memref<32x1000000xf32, #tpu.memory_space<hbm>> -> memref<32x128xf32, #tpu.memory_space<hbm>>
    tpu.wait_dma2 semaphore(%arg23 : memref<!tpu.dma_semaphore, #tpu.memory_space<semaphore_mem>>) src(%dma_wait3A_2385 : memref<32x128xf32, #tpu.memory_space<hbm>>) dst(%dma_wait3A_2383 : memref<32x128xf32, #tpu.memory_space<vmem>>)
    %sub3A_2386 = arith.subi %reduce_sum3A_161, %min3A_762 : i32
    %and3A_2387 = arith.constant 127 : i32
    %and3A_2388 = arith.andi %sub3A_2386, %and3A_2387 : i32
    %broadcast_in_dim3A_2389 = vector.broadcast %and3A_2388 : i32 to vector<16xi32>
    %sub3A_2390 = arith.constant 999936 : i32
    %sub3A_2391 = arith.subi %reduce_sum3A_161, %sub3A_2390 : i32
    %jit3A_2392 = arith.constant 0 : i32
    %jit3A_2393 = arith.constant 63 : i32
    %max3A_2394 = arith.maxsi %jit3A_2392, %sub3A_2391 : i32
    %min3A_2395 = arith.minsi %jit3A_2393, %max3A_2394 : i32
    %broadcast_in_dim3A_2396 = vector.broadcast %min3A_2395 : i32 to vector<16xi32>
    %broadcast_in_dim3A_2397 = arith.constant 15 : i32
    %broadcast_in_dim3A_2398 = vector.broadcast %broadcast_in_dim3A_2397 : i32 to vector<16xi32>
    %gather3A_2399 = arith.constant 7 : i32
    %gather3A_2400 = arith.constant 0 : i32
    %gather3A_2401 = arith.constant 0 : i32
    %gather3A_2402 = tpu.memref_slice %arg11[%gather3A_2399, %gather3A_2400, %gather3A_2401] : memref<8x32x128xf32, #tpu.memory_space<vmem>> -> memref<1x32x128xf32, #tpu.memory_space<vmem>>
    %gather3A_2403 = tpu.memref_squeeze %gather3A_2402 : memref<1x32x128xf32, #tpu.memory_space<vmem>> -> memref<32x128xf32, #tpu.memory_space<vmem>>
    %gather3A_2404 = tpu.vector_load_idx %gather3A_2403[%iota3A, %broadcast_in_dim3A_2389] : memref<32x128xf32, #tpu.memory_space<vmem>>[vector<16xi32>, vector<16xi32>], vector<16xf32>,
    %add3A_2405 = arith.constant 16 : i32
    %add3A_2406 = vector.broadcast %add3A_2405 : i32 to vector<16xi32>
    %add3A_2407 = arith.addi %iota3A, %add3A_2406 : vector<16xi32>
    %gather3A_2408 = arith.constant 7 : i32
    %gather3A_2409 = arith.constant 0 : i32
    %gather3A_2410 = arith.constant 0 : i32
    %gather3A_2411 = tpu.memref_slice %arg11[%gather3A_2408, %gather3A_2409, %gather3A_2410] : memref<8x32x128xf32, #tpu.memory_space<vmem>> -> memref<1x32x128xf32, #tpu.memory_space<vmem>>
    %gather3A_2412 = tpu.memref_squeeze %gather3A_2411 : memref<1x32x128xf32, #tpu.memory_space<vmem>> -> memref<32x128xf32, #tpu.memory_space<vmem>>
    %gather3A_2413 = tpu.vector_load_idx %gather3A_2412[%add3A_2407, %broadcast_in_dim3A_2389] : memref<32x128xf32, #tpu.memory_space<vmem>>[vector<16xi32>, vector<16xi32>], vector<16xf32>,
    %gather3A_2414 = tpu.vector_load_idx %arg10[%iota3A, %broadcast_in_dim3A_2396] : memref<32x64xf32, #tpu.memory_space<vmem>>[vector<16xi32>, vector<16xi32>], vector<16xf32>,
    %add3A_2415 = arith.constant 16 : i32
    %add3A_2416 = vector.broadcast %add3A_2415 : i32 to vector<16xi32>
    %add3A_2417 = arith.addi %iota3A, %add3A_2416 : vector<16xi32>
    %gather3A_2418 = tpu.vector_load_idx %arg10[%add3A_2417, %broadcast_in_dim3A_2396] : memref<32x64xf32, #tpu.memory_space<vmem>>[vector<16xi32>, vector<16xi32>], vector<16xf32>,
    %lt3A_2419 = arith.constant 999936 : i32
    %lt3A_2420 = arith.cmpi slt, %reduce_sum3A_161, %lt3A_2419 : i32
    %select_n3A_2421 = arith.select %lt3A_2420, %gather3A_2404, %gather3A_2414 : vector<16xf32>
    %select_n3A_2422 = arith.select %lt3A_2420, %gather3A_2413, %gather3A_2418 : vector<16xf32>
    tpu.vector_store_idx %arg12[%iota3A, %broadcast_in_dim3A_2398], %select_n3A_2421 : memref<32x32xf32, #tpu.memory_space<vmem>>[vector<16xi32>, vector<16xi32>], vector<16xf32>,
    %add3A_2423 = arith.constant 16 : i32
    %add3A_2424 = vector.broadcast %add3A_2423 : i32 to vector<16xi32>
    %add3A_2425 = arith.addi %iota3A, %add3A_2424 : vector<16xi32>
    tpu.vector_store_idx %arg12[%add3A_2425, %broadcast_in_dim3A_2398], %select_n3A_2422 : memref<32x32xf32, #tpu.memory_space<vmem>>[vector<16xi32>, vector<16xi32>], vector<16xf32>,
    tpu.vector_store_idx %arg13[%broadcast_in_dim3A_2398, %iota3A], %select_n3A_2421 : memref<32x32xf32, #tpu.memory_space<vmem>>[vector<16xi32>, vector<16xi32>], vector<16xf32>,
    %add3A_2426 = arith.constant 16 : i32
    %add3A_2427 = vector.broadcast %add3A_2426 : i32 to vector<16xi32>
    %add3A_2428 = arith.addi %iota3A, %add3A_2427 : vector<16xi32>
    tpu.vector_store_idx %arg13[%broadcast_in_dim3A_2398, %add3A_2428], %select_n3A_2422 : memref<32x32xf32, #tpu.memory_space<vmem>>[vector<16xi32>, vector<16xi32>], vector<16xf32>,
    %multiple_of3A_2429 = tpu.assume_multiple %min3A_986, 128 : i32
    %dma_start3A_2430 = arith.constant 7 : i32
    %dma_start3A_2431 = arith.constant 0 : i32
    %dma_start3A_2432 = arith.constant 0 : i32
    %dma_start3A_2433 = tpu.memref_slice %arg11[%dma_start3A_2430, %dma_start3A_2431, %dma_start3A_2432] : memref<8x32x128xf32, #tpu.memory_space<vmem>> -> memref<1x32x128xf32, #tpu.memory_space<vmem>>
    %dma_start3A_2434 = tpu.memref_squeeze %dma_start3A_2433 : memref<1x32x128xf32, #tpu.memory_space<vmem>> -> memref<32x128xf32, #tpu.memory_space<vmem>>
    %dma_start3A_2435 = arith.constant 0 : i32
    %dma_start3A_2436 = tpu.memref_slice %arg3[%dma_start3A_2435, %multiple_of3A_2429] : memref<32x1000000xf32, #tpu.memory_space<hbm>> -> memref<32x128xf32, #tpu.memory_space<hbm>>
    %dma_start3A_2437 = arith.constant 0 : i32
    %dma_start3A_2438 = arith.constant 0 : i32
    %dma_start3A_2439 = tpu.memref_slice %arg11[%dma_start3A_2430, %dma_start3A_2437, %dma_start3A_2438] : memref<8x32x128xf32, #tpu.memory_space<vmem>> -> memref<1x32x128xf32, #tpu.memory_space<vmem>>
    %dma_start3A_2440 = tpu.memref_squeeze %dma_start3A_2439 : memref<1x32x128xf32, #tpu.memory_space<vmem>> -> memref<32x128xf32, #tpu.memory_space<vmem>>
    %dma_start3A_2441 = arith.constant 0 : i32
    %dma_start3A_2442 = tpu.memref_slice %arg3[%dma_start3A_2441, %multiple_of3A_2429] : memref<32x1000000xf32, #tpu.memory_space<hbm>> -> memref<32x128xf32, #tpu.memory_space<hbm>>
    tpu.enqueue_dma source(%dma_start3A_2442 : memref<32x128xf32, #tpu.memory_space<hbm>>) target(%dma_start3A_2440 : memref<32x128xf32, #tpu.memory_space<vmem>>) target_semaphore(%arg23 : memref<!tpu.dma_semaphore, #tpu.memory_space<semaphore_mem>>)
    %dma_wait3A_2443 = arith.constant 0 : i32
    %dma_wait3A_2444 = arith.constant 0 : i32
    %dma_wait3A_2445 = arith.constant 0 : i32
    %dma_wait3A_2446 = tpu.memref_slice %arg11[%dma_wait3A_2443, %dma_wait3A_2444, %dma_wait3A_2445] : memref<8x32x128xf32, #tpu.memory_space<vmem>> -> memref<1x32x128xf32, #tpu.memory_space<vmem>>
    %dma_wait3A_2447 = tpu.memref_squeeze %dma_wait3A_2446 : memref<1x32x128xf32, #tpu.memory_space<vmem>> -> memref<32x128xf32, #tpu.memory_space<vmem>>
    %dma_wait3A_2448 = arith.constant 0 : i32
    %dma_wait3A_2449 = tpu.memref_slice %arg3[%dma_wait3A_2448, %multiple_of3A_1939] : memref<32x1000000xf32, #tpu.memory_space<hbm>> -> memref<32x128xf32, #tpu.memory_space<hbm>>
    %dma_wait3A_2450 = arith.constant 0 : i32
    %dma_wait3A_2451 = arith.constant 0 : i32
    %dma_wait3A_2452 = tpu.memref_slice %arg11[%dma_wait3A_2443, %dma_wait3A_2450, %dma_wait3A_2451] : memref<8x32x128xf32, #tpu.memory_space<vmem>> -> memref<1x32x128xf32, #tpu.memory_space<vmem>>
    %dma_wait3A_2453 = tpu.memref_squeeze %dma_wait3A_2452 : memref<1x32x128xf32, #tpu.memory_space<vmem>> -> memref<32x128xf32, #tpu.memory_space<vmem>>
    %dma_wait3A_2454 = arith.constant 0 : i32
    %dma_wait3A_2455 = tpu.memref_slice %arg3[%dma_wait3A_2454, %multiple_of3A_1939] : memref<32x1000000xf32, #tpu.memory_space<hbm>> -> memref<32x128xf32, #tpu.memory_space<hbm>>
    tpu.wait_dma2 semaphore(%arg16 : memref<!tpu.dma_semaphore, #tpu.memory_space<semaphore_mem>>) src(%dma_wait3A_2455 : memref<32x128xf32, #tpu.memory_space<hbm>>) dst(%dma_wait3A_2453 : memref<32x128xf32, #tpu.memory_space<vmem>>)
    %sub3A_2456 = arith.subi %reduce_sum3A_171, %min3A_790 : i32
    %and3A_2457 = arith.constant 127 : i32
    %and3A_2458 = arith.andi %sub3A_2456, %and3A_2457 : i32
    %broadcast_in_dim3A_2459 = vector.broadcast %and3A_2458 : i32 to vector<16xi32>
    %sub3A_2460 = arith.constant 999936 : i32
    %sub3A_2461 = arith.subi %reduce_sum3A_171, %sub3A_2460 : i32
    %jit3A_2462 = arith.constant 0 : i32
    %jit3A_2463 = arith.constant 63 : i32
    %max3A_2464 = arith.maxsi %jit3A_2462, %sub3A_2461 : i32
    %min3A_2465 = arith.minsi %jit3A_2463, %max3A_2464 : i32
    %broadcast_in_dim3A_2466 = vector.broadcast %min3A_2465 : i32 to vector<16xi32>
    %broadcast_in_dim3A_2467 = arith.constant 16 : i32
    %broadcast_in_dim3A_2468 = vector.broadcast %broadcast_in_dim3A_2467 : i32 to vector<16xi32>
    %gather3A_2469 = arith.constant 0 : i32
    %gather3A_2470 = arith.constant 0 : i32
    %gather3A_2471 = arith.constant 0 : i32
    %gather3A_2472 = tpu.memref_slice %arg11[%gather3A_2469, %gather3A_2470, %gather3A_2471] : memref<8x32x128xf32, #tpu.memory_space<vmem>> -> memref<1x32x128xf32, #tpu.memory_space<vmem>>
    %gather3A_2473 = tpu.memref_squeeze %gather3A_2472 : memref<1x32x128xf32, #tpu.memory_space<vmem>> -> memref<32x128xf32, #tpu.memory_space<vmem>>
    %gather3A_2474 = tpu.vector_load_idx %gather3A_2473[%iota3A, %broadcast_in_dim3A_2459] : memref<32x128xf32, #tpu.memory_space<vmem>>[vector<16xi32>, vector<16xi32>], vector<16xf32>,
    %add3A_2475 = arith.constant 16 : i32
    %add3A_2476 = vector.broadcast %add3A_2475 : i32 to vector<16xi32>
    %add3A_2477 = arith.addi %iota3A, %add3A_2476 : vector<16xi32>
    %gather3A_2478 = arith.constant 0 : i32
    %gather3A_2479 = arith.constant 0 : i32
    %gather3A_2480 = arith.constant 0 : i32
    %gather3A_2481 = tpu.memref_slice %arg11[%gather3A_2478, %gather3A_2479, %gather3A_2480] : memref<8x32x128xf32, #tpu.memory_space<vmem>> -> memref<1x32x128xf32, #tpu.memory_space<vmem>>
    %gather3A_2482 = tpu.memref_squeeze %gather3A_2481 : memref<1x32x128xf32, #tpu.memory_space<vmem>> -> memref<32x128xf32, #tpu.memory_space<vmem>>
    %gather3A_2483 = tpu.vector_load_idx %gather3A_2482[%add3A_2477, %broadcast_in_dim3A_2459] : memref<32x128xf32, #tpu.memory_space<vmem>>[vector<16xi32>, vector<16xi32>], vector<16xf32>,
    %gather3A_2484 = tpu.vector_load_idx %arg10[%iota3A, %broadcast_in_dim3A_2466] : memref<32x64xf32, #tpu.memory_space<vmem>>[vector<16xi32>, vector<16xi32>], vector<16xf32>,
    %add3A_2485 = arith.constant 16 : i32
    %add3A_2486 = vector.broadcast %add3A_2485 : i32 to vector<16xi32>
    %add3A_2487 = arith.addi %iota3A, %add3A_2486 : vector<16xi32>
    %gather3A_2488 = tpu.vector_load_idx %arg10[%add3A_2487, %broadcast_in_dim3A_2466] : memref<32x64xf32, #tpu.memory_space<vmem>>[vector<16xi32>, vector<16xi32>], vector<16xf32>,
    %lt3A_2489 = arith.constant 999936 : i32
    %lt3A_2490 = arith.cmpi slt, %reduce_sum3A_171, %lt3A_2489 : i32
    %select_n3A_2491 = arith.select %lt3A_2490, %gather3A_2474, %gather3A_2484 : vector<16xf32>
    %select_n3A_2492 = arith.select %lt3A_2490, %gather3A_2483, %gather3A_2488 : vector<16xf32>
    tpu.vector_store_idx %arg12[%iota3A, %broadcast_in_dim3A_2468], %select_n3A_2491 : memref<32x32xf32, #tpu.memory_space<vmem>>[vector<16xi32>, vector<16xi32>], vector<16xf32>,
    %add3A_2493 = arith.constant 16 : i32
    %add3A_2494 = vector.broadcast %add3A_2493 : i32 to vector<16xi32>
    %add3A_2495 = arith.addi %iota3A, %add3A_2494 : vector<16xi32>
    tpu.vector_store_idx %arg12[%add3A_2495, %broadcast_in_dim3A_2468], %select_n3A_2492 : memref<32x32xf32, #tpu.memory_space<vmem>>[vector<16xi32>, vector<16xi32>], vector<16xf32>,
    tpu.vector_store_idx %arg13[%broadcast_in_dim3A_2468, %iota3A], %select_n3A_2491 : memref<32x32xf32, #tpu.memory_space<vmem>>[vector<16xi32>, vector<16xi32>], vector<16xf32>,
    %add3A_2496 = arith.constant 16 : i32
    %add3A_2497 = vector.broadcast %add3A_2496 : i32 to vector<16xi32>
    %add3A_2498 = arith.addi %iota3A, %add3A_2497 : vector<16xi32>
    tpu.vector_store_idx %arg13[%broadcast_in_dim3A_2468, %add3A_2498], %select_n3A_2492 : memref<32x32xf32, #tpu.memory_space<vmem>>[vector<16xi32>, vector<16xi32>], vector<16xf32>,
    %multiple_of3A_2499 = tpu.assume_multiple %min3A_1014, 128 : i32
    %dma_start3A_2500 = arith.constant 0 : i32
    %dma_start3A_2501 = arith.constant 0 : i32
    %dma_start3A_2502 = arith.constant 0 : i32
    %dma_start3A_2503 = tpu.memref_slice %arg11[%dma_start3A_2500, %dma_start3A_2501, %dma_start3A_2502] : memref<8x32x128xf32, #tpu.memory_space<vmem>> -> memref<1x32x128xf32, #tpu.memory_space<vmem>>
    %dma_start3A_2504 = tpu.memref_squeeze %dma_start3A_2503 : memref<1x32x128xf32, #tpu.memory_space<vmem>> -> memref<32x128xf32, #tpu.memory_space<vmem>>
    %dma_start3A_2505 = arith.constant 0 : i32
    %dma_start3A_2506 = tpu.memref_slice %arg3[%dma_start3A_2505, %multiple_of3A_2499] : memref<32x1000000xf32, #tpu.memory_space<hbm>> -> memref<32x128xf32, #tpu.memory_space<hbm>>
    %dma_start3A_2507 = arith.constant 0 : i32
    %dma_start3A_2508 = arith.constant 0 : i32
    %dma_start3A_2509 = tpu.memref_slice %arg11[%dma_start3A_2500, %dma_start3A_2507, %dma_start3A_2508] : memref<8x32x128xf32, #tpu.memory_space<vmem>> -> memref<1x32x128xf32, #tpu.memory_space<vmem>>
    %dma_start3A_2510 = tpu.memref_squeeze %dma_start3A_2509 : memref<1x32x128xf32, #tpu.memory_space<vmem>> -> memref<32x128xf32, #tpu.memory_space<vmem>>
    %dma_start3A_2511 = arith.constant 0 : i32
    %dma_start3A_2512 = tpu.memref_slice %arg3[%dma_start3A_2511, %multiple_of3A_2499] : memref<32x1000000xf32, #tpu.memory_space<hbm>> -> memref<32x128xf32, #tpu.memory_space<hbm>>
    tpu.enqueue_dma source(%dma_start3A_2512 : memref<32x128xf32, #tpu.memory_space<hbm>>) target(%dma_start3A_2510 : memref<32x128xf32, #tpu.memory_space<vmem>>) target_semaphore(%arg16 : memref<!tpu.dma_semaphore, #tpu.memory_space<semaphore_mem>>)
    %dma_wait3A_2513 = arith.constant 1 : i32
    %dma_wait3A_2514 = arith.constant 0 : i32
    %dma_wait3A_2515 = arith.constant 0 : i32
    %dma_wait3A_2516 = tpu.memref_slice %arg11[%dma_wait3A_2513, %dma_wait3A_2514, %dma_wait3A_2515] : memref<8x32x128xf32, #tpu.memory_space<vmem>> -> memref<1x32x128xf32, #tpu.memory_space<vmem>>
    %dma_wait3A_2517 = tpu.memref_squeeze %dma_wait3A_2516 : memref<1x32x128xf32, #tpu.memory_space<vmem>> -> memref<32x128xf32, #tpu.memory_space<vmem>>
    %dma_wait3A_2518 = arith.constant 0 : i32
    %dma_wait3A_2519 = tpu.memref_slice %arg3[%dma_wait3A_2518, %multiple_of3A_2009] : memref<32x1000000xf32, #tpu.memory_space<hbm>> -> memref<32x128xf32, #tpu.memory_space<hbm>>
    %dma_wait3A_2520 = arith.constant 0 : i32
    %dma_wait3A_2521 = arith.constant 0 : i32
    %dma_wait3A_2522 = tpu.memref_slice %arg11[%dma_wait3A_2513, %dma_wait3A_2520, %dma_wait3A_2521] : memref<8x32x128xf32, #tpu.memory_space<vmem>> -> memref<1x32x128xf32, #tpu.memory_space<vmem>>
    %dma_wait3A_2523 = tpu.memref_squeeze %dma_wait3A_2522 : memref<1x32x128xf32, #tpu.memory_space<vmem>> -> memref<32x128xf32, #tpu.memory_space<vmem>>
    %dma_wait3A_2524 = arith.constant 0 : i32
    %dma_wait3A_2525 = tpu.memref_slice %arg3[%dma_wait3A_2524, %multiple_of3A_2009] : memref<32x1000000xf32, #tpu.memory_space<hbm>> -> memref<32x128xf32, #tpu.memory_space<hbm>>
    tpu.wait_dma2 semaphore(%arg17 : memref<!tpu.dma_semaphore, #tpu.memory_space<semaphore_mem>>) src(%dma_wait3A_2525 : memref<32x128xf32, #tpu.memory_space<hbm>>) dst(%dma_wait3A_2523 : memref<32x128xf32, #tpu.memory_space<vmem>>)
    %sub3A_2526 = arith.subi %reduce_sum3A_181, %min3A_818 : i32
    %and3A_2527 = arith.constant 127 : i32
    %and3A_2528 = arith.andi %sub3A_2526, %and3A_2527 : i32
    %broadcast_in_dim3A_2529 = vector.broadcast %and3A_2528 : i32 to vector<16xi32>
    %sub3A_2530 = arith.constant 999936 : i32
    %sub3A_2531 = arith.subi %reduce_sum3A_181, %sub3A_2530 : i32
    %jit3A_2532 = arith.constant 0 : i32
    %jit3A_2533 = arith.constant 63 : i32
    %max3A_2534 = arith.maxsi %jit3A_2532, %sub3A_2531 : i32
    %min3A_2535 = arith.minsi %jit3A_2533, %max3A_2534 : i32
    %broadcast_in_dim3A_2536 = vector.broadcast %min3A_2535 : i32 to vector<16xi32>
    %broadcast_in_dim3A_2537 = arith.constant 17 : i32
    %broadcast_in_dim3A_2538 = vector.broadcast %broadcast_in_dim3A_2537 : i32 to vector<16xi32>
    %gather3A_2539 = arith.constant 1 : i32
    %gather3A_2540 = arith.constant 0 : i32
    %gather3A_2541 = arith.constant 0 : i32
    %gather3A_2542 = tpu.memref_slice %arg11[%gather3A_2539, %gather3A_2540, %gather3A_2541] : memref<8x32x128xf32, #tpu.memory_space<vmem>> -> memref<1x32x128xf32, #tpu.memory_space<vmem>>
    %gather3A_2543 = tpu.memref_squeeze %gather3A_2542 : memref<1x32x128xf32, #tpu.memory_space<vmem>> -> memref<32x128xf32, #tpu.memory_space<vmem>>
    %gather3A_2544 = tpu.vector_load_idx %gather3A_2543[%iota3A, %broadcast_in_dim3A_2529] : memref<32x128xf32, #tpu.memory_space<vmem>>[vector<16xi32>, vector<16xi32>], vector<16xf32>,
    %add3A_2545 = arith.constant 16 : i32
    %add3A_2546 = vector.broadcast %add3A_2545 : i32 to vector<16xi32>
    %add3A_2547 = arith.addi %iota3A, %add3A_2546 : vector<16xi32>
    %gather3A_2548 = arith.constant 1 : i32
    %gather3A_2549 = arith.constant 0 : i32
    %gather3A_2550 = arith.constant 0 : i32
    %gather3A_2551 = tpu.memref_slice %arg11[%gather3A_2548, %gather3A_2549, %gather3A_2550] : memref<8x32x128xf32, #tpu.memory_space<vmem>> -> memref<1x32x128xf32, #tpu.memory_space<vmem>>
    %gather3A_2552 = tpu.memref_squeeze %gather3A_2551 : memref<1x32x128xf32, #tpu.memory_space<vmem>> -> memref<32x128xf32, #tpu.memory_space<vmem>>
    %gather3A_2553 = tpu.vector_load_idx %gather3A_2552[%add3A_2547, %broadcast_in_dim3A_2529] : memref<32x128xf32, #tpu.memory_space<vmem>>[vector<16xi32>, vector<16xi32>], vector<16xf32>,
    %gather3A_2554 = tpu.vector_load_idx %arg10[%iota3A, %broadcast_in_dim3A_2536] : memref<32x64xf32, #tpu.memory_space<vmem>>[vector<16xi32>, vector<16xi32>], vector<16xf32>,
    %add3A_2555 = arith.constant 16 : i32
    %add3A_2556 = vector.broadcast %add3A_2555 : i32 to vector<16xi32>
    %add3A_2557 = arith.addi %iota3A, %add3A_2556 : vector<16xi32>
    %gather3A_2558 = tpu.vector_load_idx %arg10[%add3A_2557, %broadcast_in_dim3A_2536] : memref<32x64xf32, #tpu.memory_space<vmem>>[vector<16xi32>, vector<16xi32>], vector<16xf32>,
    %lt3A_2559 = arith.constant 999936 : i32
    %lt3A_2560 = arith.cmpi slt, %reduce_sum3A_181, %lt3A_2559 : i32
    %select_n3A_2561 = arith.select %lt3A_2560, %gather3A_2544, %gather3A_2554 : vector<16xf32>
    %select_n3A_2562 = arith.select %lt3A_2560, %gather3A_2553, %gather3A_2558 : vector<16xf32>
    tpu.vector_store_idx %arg12[%iota3A, %broadcast_in_dim3A_2538], %select_n3A_2561 : memref<32x32xf32, #tpu.memory_space<vmem>>[vector<16xi32>, vector<16xi32>], vector<16xf32>,
    %add3A_2563 = arith.constant 16 : i32
    %add3A_2564 = vector.broadcast %add3A_2563 : i32 to vector<16xi32>
    %add3A_2565 = arith.addi %iota3A, %add3A_2564 : vector<16xi32>
    tpu.vector_store_idx %arg12[%add3A_2565, %broadcast_in_dim3A_2538], %select_n3A_2562 : memref<32x32xf32, #tpu.memory_space<vmem>>[vector<16xi32>, vector<16xi32>], vector<16xf32>,
    tpu.vector_store_idx %arg13[%broadcast_in_dim3A_2538, %iota3A], %select_n3A_2561 : memref<32x32xf32, #tpu.memory_space<vmem>>[vector<16xi32>, vector<16xi32>], vector<16xf32>,
    %add3A_2566 = arith.constant 16 : i32
    %add3A_2567 = vector.broadcast %add3A_2566 : i32 to vector<16xi32>
    %add3A_2568 = arith.addi %iota3A, %add3A_2567 : vector<16xi32>
    tpu.vector_store_idx %arg13[%broadcast_in_dim3A_2538, %add3A_2568], %select_n3A_2562 : memref<32x32xf32, #tpu.memory_space<vmem>>[vector<16xi32>, vector<16xi32>], vector<16xf32>,
    %multiple_of3A_2569 = tpu.assume_multiple %min3A_1042, 128 : i32
    %dma_start3A_2570 = arith.constant 1 : i32
    %dma_start3A_2571 = arith.constant 0 : i32
    %dma_start3A_2572 = arith.constant 0 : i32
    %dma_start3A_2573 = tpu.memref_slice %arg11[%dma_start3A_2570, %dma_start3A_2571, %dma_start3A_2572] : memref<8x32x128xf32, #tpu.memory_space<vmem>> -> memref<1x32x128xf32, #tpu.memory_space<vmem>>
    %dma_start3A_2574 = tpu.memref_squeeze %dma_start3A_2573 : memref<1x32x128xf32, #tpu.memory_space<vmem>> -> memref<32x128xf32, #tpu.memory_space<vmem>>
    %dma_start3A_2575 = arith.constant 0 : i32
    %dma_start3A_2576 = tpu.memref_slice %arg3[%dma_start3A_2575, %multiple_of3A_2569] : memref<32x1000000xf32, #tpu.memory_space<hbm>> -> memref<32x128xf32, #tpu.memory_space<hbm>>
    %dma_start3A_2577 = arith.constant 0 : i32
    %dma_start3A_2578 = arith.constant 0 : i32
    %dma_start3A_2579 = tpu.memref_slice %arg11[%dma_start3A_2570, %dma_start3A_2577, %dma_start3A_2578] : memref<8x32x128xf32, #tpu.memory_space<vmem>> -> memref<1x32x128xf32, #tpu.memory_space<vmem>>
    %dma_start3A_2580 = tpu.memref_squeeze %dma_start3A_2579 : memref<1x32x128xf32, #tpu.memory_space<vmem>> -> memref<32x128xf32, #tpu.memory_space<vmem>>
    %dma_start3A_2581 = arith.constant 0 : i32
    %dma_start3A_2582 = tpu.memref_slice %arg3[%dma_start3A_2581, %multiple_of3A_2569] : memref<32x1000000xf32, #tpu.memory_space<hbm>> -> memref<32x128xf32, #tpu.memory_space<hbm>>
    tpu.enqueue_dma source(%dma_start3A_2582 : memref<32x128xf32, #tpu.memory_space<hbm>>) target(%dma_start3A_2580 : memref<32x128xf32, #tpu.memory_space<vmem>>) target_semaphore(%arg17 : memref<!tpu.dma_semaphore, #tpu.memory_space<semaphore_mem>>)
    %dma_wait3A_2583 = arith.constant 2 : i32
    %dma_wait3A_2584 = arith.constant 0 : i32
    %dma_wait3A_2585 = arith.constant 0 : i32
    %dma_wait3A_2586 = tpu.memref_slice %arg11[%dma_wait3A_2583, %dma_wait3A_2584, %dma_wait3A_2585] : memref<8x32x128xf32, #tpu.memory_space<vmem>> -> memref<1x32x128xf32, #tpu.memory_space<vmem>>
    %dma_wait3A_2587 = tpu.memref_squeeze %dma_wait3A_2586 : memref<1x32x128xf32, #tpu.memory_space<vmem>> -> memref<32x128xf32, #tpu.memory_space<vmem>>
    %dma_wait3A_2588 = arith.constant 0 : i32
    %dma_wait3A_2589 = tpu.memref_slice %arg3[%dma_wait3A_2588, %multiple_of3A_2079] : memref<32x1000000xf32, #tpu.memory_space<hbm>> -> memref<32x128xf32, #tpu.memory_space<hbm>>
    %dma_wait3A_2590 = arith.constant 0 : i32
    %dma_wait3A_2591 = arith.constant 0 : i32
    %dma_wait3A_2592 = tpu.memref_slice %arg11[%dma_wait3A_2583, %dma_wait3A_2590, %dma_wait3A_2591] : memref<8x32x128xf32, #tpu.memory_space<vmem>> -> memref<1x32x128xf32, #tpu.memory_space<vmem>>
    %dma_wait3A_2593 = tpu.memref_squeeze %dma_wait3A_2592 : memref<1x32x128xf32, #tpu.memory_space<vmem>> -> memref<32x128xf32, #tpu.memory_space<vmem>>
    %dma_wait3A_2594 = arith.constant 0 : i32
    %dma_wait3A_2595 = tpu.memref_slice %arg3[%dma_wait3A_2594, %multiple_of3A_2079] : memref<32x1000000xf32, #tpu.memory_space<hbm>> -> memref<32x128xf32, #tpu.memory_space<hbm>>
    tpu.wait_dma2 semaphore(%arg18 : memref<!tpu.dma_semaphore, #tpu.memory_space<semaphore_mem>>) src(%dma_wait3A_2595 : memref<32x128xf32, #tpu.memory_space<hbm>>) dst(%dma_wait3A_2593 : memref<32x128xf32, #tpu.memory_space<vmem>>)
    %sub3A_2596 = arith.subi %reduce_sum3A_191, %min3A_846 : i32
    %and3A_2597 = arith.constant 127 : i32
    %and3A_2598 = arith.andi %sub3A_2596, %and3A_2597 : i32
    %broadcast_in_dim3A_2599 = vector.broadcast %and3A_2598 : i32 to vector<16xi32>
    %sub3A_2600 = arith.constant 999936 : i32
    %sub3A_2601 = arith.subi %reduce_sum3A_191, %sub3A_2600 : i32
    %jit3A_2602 = arith.constant 0 : i32
    %jit3A_2603 = arith.constant 63 : i32
    %max3A_2604 = arith.maxsi %jit3A_2602, %sub3A_2601 : i32
    %min3A_2605 = arith.minsi %jit3A_2603, %max3A_2604 : i32
    %broadcast_in_dim3A_2606 = vector.broadcast %min3A_2605 : i32 to vector<16xi32>
    %broadcast_in_dim3A_2607 = arith.constant 18 : i32
    %broadcast_in_dim3A_2608 = vector.broadcast %broadcast_in_dim3A_2607 : i32 to vector<16xi32>
    %gather3A_2609 = arith.constant 2 : i32
    %gather3A_2610 = arith.constant 0 : i32
    %gather3A_2611 = arith.constant 0 : i32
    %gather3A_2612 = tpu.memref_slice %arg11[%gather3A_2609, %gather3A_2610, %gather3A_2611] : memref<8x32x128xf32, #tpu.memory_space<vmem>> -> memref<1x32x128xf32, #tpu.memory_space<vmem>>
    %gather3A_2613 = tpu.memref_squeeze %gather3A_2612 : memref<1x32x128xf32, #tpu.memory_space<vmem>> -> memref<32x128xf32, #tpu.memory_space<vmem>>
    %gather3A_2614 = tpu.vector_load_idx %gather3A_2613[%iota3A, %broadcast_in_dim3A_2599] : memref<32x128xf32, #tpu.memory_space<vmem>>[vector<16xi32>, vector<16xi32>], vector<16xf32>,
    %add3A_2615 = arith.constant 16 : i32
    %add3A_2616 = vector.broadcast %add3A_2615 : i32 to vector<16xi32>
    %add3A_2617 = arith.addi %iota3A, %add3A_2616 : vector<16xi32>
    %gather3A_2618 = arith.constant 2 : i32
    %gather3A_2619 = arith.constant 0 : i32
    %gather3A_2620 = arith.constant 0 : i32
    %gather3A_2621 = tpu.memref_slice %arg11[%gather3A_2618, %gather3A_2619, %gather3A_2620] : memref<8x32x128xf32, #tpu.memory_space<vmem>> -> memref<1x32x128xf32, #tpu.memory_space<vmem>>
    %gather3A_2622 = tpu.memref_squeeze %gather3A_2621 : memref<1x32x128xf32, #tpu.memory_space<vmem>> -> memref<32x128xf32, #tpu.memory_space<vmem>>
    %gather3A_2623 = tpu.vector_load_idx %gather3A_2622[%add3A_2617, %broadcast_in_dim3A_2599] : memref<32x128xf32, #tpu.memory_space<vmem>>[vector<16xi32>, vector<16xi32>], vector<16xf32>,
    %gather3A_2624 = tpu.vector_load_idx %arg10[%iota3A, %broadcast_in_dim3A_2606] : memref<32x64xf32, #tpu.memory_space<vmem>>[vector<16xi32>, vector<16xi32>], vector<16xf32>,
    %add3A_2625 = arith.constant 16 : i32
    %add3A_2626 = vector.broadcast %add3A_2625 : i32 to vector<16xi32>
    %add3A_2627 = arith.addi %iota3A, %add3A_2626 : vector<16xi32>
    %gather3A_2628 = tpu.vector_load_idx %arg10[%add3A_2627, %broadcast_in_dim3A_2606] : memref<32x64xf32, #tpu.memory_space<vmem>>[vector<16xi32>, vector<16xi32>], vector<16xf32>,
    %lt3A_2629 = arith.constant 999936 : i32
    %lt3A_2630 = arith.cmpi slt, %reduce_sum3A_191, %lt3A_2629 : i32
    %select_n3A_2631 = arith.select %lt3A_2630, %gather3A_2614, %gather3A_2624 : vector<16xf32>
    %select_n3A_2632 = arith.select %lt3A_2630, %gather3A_2623, %gather3A_2628 : vector<16xf32>
    tpu.vector_store_idx %arg12[%iota3A, %broadcast_in_dim3A_2608], %select_n3A_2631 : memref<32x32xf32, #tpu.memory_space<vmem>>[vector<16xi32>, vector<16xi32>], vector<16xf32>,
    %add3A_2633 = arith.constant 16 : i32
    %add3A_2634 = vector.broadcast %add3A_2633 : i32 to vector<16xi32>
    %add3A_2635 = arith.addi %iota3A, %add3A_2634 : vector<16xi32>
    tpu.vector_store_idx %arg12[%add3A_2635, %broadcast_in_dim3A_2608], %select_n3A_2632 : memref<32x32xf32, #tpu.memory_space<vmem>>[vector<16xi32>, vector<16xi32>], vector<16xf32>,
    tpu.vector_store_idx %arg13[%broadcast_in_dim3A_2608, %iota3A], %select_n3A_2631 : memref<32x32xf32, #tpu.memory_space<vmem>>[vector<16xi32>, vector<16xi32>], vector<16xf32>,
    %add3A_2636 = arith.constant 16 : i32
    %add3A_2637 = vector.broadcast %add3A_2636 : i32 to vector<16xi32>
    %add3A_2638 = arith.addi %iota3A, %add3A_2637 : vector<16xi32>
    tpu.vector_store_idx %arg13[%broadcast_in_dim3A_2608, %add3A_2638], %select_n3A_2632 : memref<32x32xf32, #tpu.memory_space<vmem>>[vector<16xi32>, vector<16xi32>], vector<16xf32>,
    %multiple_of3A_2639 = tpu.assume_multiple %min3A_1070, 128 : i32
    %dma_start3A_2640 = arith.constant 2 : i32
    %dma_start3A_2641 = arith.constant 0 : i32
    %dma_start3A_2642 = arith.constant 0 : i32
    %dma_start3A_2643 = tpu.memref_slice %arg11[%dma_start3A_2640, %dma_start3A_2641, %dma_start3A_2642] : memref<8x32x128xf32, #tpu.memory_space<vmem>> -> memref<1x32x128xf32, #tpu.memory_space<vmem>>
    %dma_start3A_2644 = tpu.memref_squeeze %dma_start3A_2643 : memref<1x32x128xf32, #tpu.memory_space<vmem>> -> memref<32x128xf32, #tpu.memory_space<vmem>>
    %dma_start3A_2645 = arith.constant 0 : i32
    %dma_start3A_2646 = tpu.memref_slice %arg3[%dma_start3A_2645, %multiple_of3A_2639] : memref<32x1000000xf32, #tpu.memory_space<hbm>> -> memref<32x128xf32, #tpu.memory_space<hbm>>
    %dma_start3A_2647 = arith.constant 0 : i32
    %dma_start3A_2648 = arith.constant 0 : i32
    %dma_start3A_2649 = tpu.memref_slice %arg11[%dma_start3A_2640, %dma_start3A_2647, %dma_start3A_2648] : memref<8x32x128xf32, #tpu.memory_space<vmem>> -> memref<1x32x128xf32, #tpu.memory_space<vmem>>
    %dma_start3A_2650 = tpu.memref_squeeze %dma_start3A_2649 : memref<1x32x128xf32, #tpu.memory_space<vmem>> -> memref<32x128xf32, #tpu.memory_space<vmem>>
    %dma_start3A_2651 = arith.constant 0 : i32
    %dma_start3A_2652 = tpu.memref_slice %arg3[%dma_start3A_2651, %multiple_of3A_2639] : memref<32x1000000xf32, #tpu.memory_space<hbm>> -> memref<32x128xf32, #tpu.memory_space<hbm>>
    tpu.enqueue_dma source(%dma_start3A_2652 : memref<32x128xf32, #tpu.memory_space<hbm>>) target(%dma_start3A_2650 : memref<32x128xf32, #tpu.memory_space<vmem>>) target_semaphore(%arg18 : memref<!tpu.dma_semaphore, #tpu.memory_space<semaphore_mem>>)
    %dma_wait3A_2653 = arith.constant 3 : i32
    %dma_wait3A_2654 = arith.constant 0 : i32
    %dma_wait3A_2655 = arith.constant 0 : i32
    %dma_wait3A_2656 = tpu.memref_slice %arg11[%dma_wait3A_2653, %dma_wait3A_2654, %dma_wait3A_2655] : memref<8x32x128xf32, #tpu.memory_space<vmem>> -> memref<1x32x128xf32, #tpu.memory_space<vmem>>
    %dma_wait3A_2657 = tpu.memref_squeeze %dma_wait3A_2656 : memref<1x32x128xf32, #tpu.memory_space<vmem>> -> memref<32x128xf32, #tpu.memory_space<vmem>>
    %dma_wait3A_2658 = arith.constant 0 : i32
    %dma_wait3A_2659 = tpu.memref_slice %arg3[%dma_wait3A_2658, %multiple_of3A_2149] : memref<32x1000000xf32, #tpu.memory_space<hbm>> -> memref<32x128xf32, #tpu.memory_space<hbm>>
    %dma_wait3A_2660 = arith.constant 0 : i32
    %dma_wait3A_2661 = arith.constant 0 : i32
    %dma_wait3A_2662 = tpu.memref_slice %arg11[%dma_wait3A_2653, %dma_wait3A_2660, %dma_wait3A_2661] : memref<8x32x128xf32, #tpu.memory_space<vmem>> -> memref<1x32x128xf32, #tpu.memory_space<vmem>>
    %dma_wait3A_2663 = tpu.memref_squeeze %dma_wait3A_2662 : memref<1x32x128xf32, #tpu.memory_space<vmem>> -> memref<32x128xf32, #tpu.memory_space<vmem>>
    %dma_wait3A_2664 = arith.constant 0 : i32
    %dma_wait3A_2665 = tpu.memref_slice %arg3[%dma_wait3A_2664, %multiple_of3A_2149] : memref<32x1000000xf32, #tpu.memory_space<hbm>> -> memref<32x128xf32, #tpu.memory_space<hbm>>
    tpu.wait_dma2 semaphore(%arg19 : memref<!tpu.dma_semaphore, #tpu.memory_space<semaphore_mem>>) src(%dma_wait3A_2665 : memref<32x128xf32, #tpu.memory_space<hbm>>) dst(%dma_wait3A_2663 : memref<32x128xf32, #tpu.memory_space<vmem>>)
    %sub3A_2666 = arith.subi %reduce_sum3A_201, %min3A_874 : i32
    %and3A_2667 = arith.constant 127 : i32
    %and3A_2668 = arith.andi %sub3A_2666, %and3A_2667 : i32
    %broadcast_in_dim3A_2669 = vector.broadcast %and3A_2668 : i32 to vector<16xi32>
    %sub3A_2670 = arith.constant 999936 : i32
    %sub3A_2671 = arith.subi %reduce_sum3A_201, %sub3A_2670 : i32
    %jit3A_2672 = arith.constant 0 : i32
    %jit3A_2673 = arith.constant 63 : i32
    %max3A_2674 = arith.maxsi %jit3A_2672, %sub3A_2671 : i32
    %min3A_2675 = arith.minsi %jit3A_2673, %max3A_2674 : i32
    %broadcast_in_dim3A_2676 = vector.broadcast %min3A_2675 : i32 to vector<16xi32>
    %broadcast_in_dim3A_2677 = arith.constant 19 : i32
    %broadcast_in_dim3A_2678 = vector.broadcast %broadcast_in_dim3A_2677 : i32 to vector<16xi32>
    %gather3A_2679 = arith.constant 3 : i32
    %gather3A_2680 = arith.constant 0 : i32
    %gather3A_2681 = arith.constant 0 : i32
    %gather3A_2682 = tpu.memref_slice %arg11[%gather3A_2679, %gather3A_2680, %gather3A_2681] : memref<8x32x128xf32, #tpu.memory_space<vmem>> -> memref<1x32x128xf32, #tpu.memory_space<vmem>>
    %gather3A_2683 = tpu.memref_squeeze %gather3A_2682 : memref<1x32x128xf32, #tpu.memory_space<vmem>> -> memref<32x128xf32, #tpu.memory_space<vmem>>
    %gather3A_2684 = tpu.vector_load_idx %gather3A_2683[%iota3A, %broadcast_in_dim3A_2669] : memref<32x128xf32, #tpu.memory_space<vmem>>[vector<16xi32>, vector<16xi32>], vector<16xf32>,
    %add3A_2685 = arith.constant 16 : i32
    %add3A_2686 = vector.broadcast %add3A_2685 : i32 to vector<16xi32>
    %add3A_2687 = arith.addi %iota3A, %add3A_2686 : vector<16xi32>
    %gather3A_2688 = arith.constant 3 : i32
    %gather3A_2689 = arith.constant 0 : i32
    %gather3A_2690 = arith.constant 0 : i32
    %gather3A_2691 = tpu.memref_slice %arg11[%gather3A_2688, %gather3A_2689, %gather3A_2690] : memref<8x32x128xf32, #tpu.memory_space<vmem>> -> memref<1x32x128xf32, #tpu.memory_space<vmem>>
    %gather3A_2692 = tpu.memref_squeeze %gather3A_2691 : memref<1x32x128xf32, #tpu.memory_space<vmem>> -> memref<32x128xf32, #tpu.memory_space<vmem>>
    %gather3A_2693 = tpu.vector_load_idx %gather3A_2692[%add3A_2687, %broadcast_in_dim3A_2669] : memref<32x128xf32, #tpu.memory_space<vmem>>[vector<16xi32>, vector<16xi32>], vector<16xf32>,
    %gather3A_2694 = tpu.vector_load_idx %arg10[%iota3A, %broadcast_in_dim3A_2676] : memref<32x64xf32, #tpu.memory_space<vmem>>[vector<16xi32>, vector<16xi32>], vector<16xf32>,
    %add3A_2695 = arith.constant 16 : i32
    %add3A_2696 = vector.broadcast %add3A_2695 : i32 to vector<16xi32>
    %add3A_2697 = arith.addi %iota3A, %add3A_2696 : vector<16xi32>
    %gather3A_2698 = tpu.vector_load_idx %arg10[%add3A_2697, %broadcast_in_dim3A_2676] : memref<32x64xf32, #tpu.memory_space<vmem>>[vector<16xi32>, vector<16xi32>], vector<16xf32>,
    %lt3A_2699 = arith.constant 999936 : i32
    %lt3A_2700 = arith.cmpi slt, %reduce_sum3A_201, %lt3A_2699 : i32
    %select_n3A_2701 = arith.select %lt3A_2700, %gather3A_2684, %gather3A_2694 : vector<16xf32>
    %select_n3A_2702 = arith.select %lt3A_2700, %gather3A_2693, %gather3A_2698 : vector<16xf32>
    tpu.vector_store_idx %arg12[%iota3A, %broadcast_in_dim3A_2678], %select_n3A_2701 : memref<32x32xf32, #tpu.memory_space<vmem>>[vector<16xi32>, vector<16xi32>], vector<16xf32>,
    %add3A_2703 = arith.constant 16 : i32
    %add3A_2704 = vector.broadcast %add3A_2703 : i32 to vector<16xi32>
    %add3A_2705 = arith.addi %iota3A, %add3A_2704 : vector<16xi32>
    tpu.vector_store_idx %arg12[%add3A_2705, %broadcast_in_dim3A_2678], %select_n3A_2702 : memref<32x32xf32, #tpu.memory_space<vmem>>[vector<16xi32>, vector<16xi32>], vector<16xf32>,
    tpu.vector_store_idx %arg13[%broadcast_in_dim3A_2678, %iota3A], %select_n3A_2701 : memref<32x32xf32, #tpu.memory_space<vmem>>[vector<16xi32>, vector<16xi32>], vector<16xf32>,
    %add3A_2706 = arith.constant 16 : i32
    %add3A_2707 = vector.broadcast %add3A_2706 : i32 to vector<16xi32>
    %add3A_2708 = arith.addi %iota3A, %add3A_2707 : vector<16xi32>
    tpu.vector_store_idx %arg13[%broadcast_in_dim3A_2678, %add3A_2708], %select_n3A_2702 : memref<32x32xf32, #tpu.memory_space<vmem>>[vector<16xi32>, vector<16xi32>], vector<16xf32>,
    %multiple_of3A_2709 = tpu.assume_multiple %min3A_1098, 128 : i32
    %dma_start3A_2710 = arith.constant 3 : i32
    %dma_start3A_2711 = arith.constant 0 : i32
    %dma_start3A_2712 = arith.constant 0 : i32
    %dma_start3A_2713 = tpu.memref_slice %arg11[%dma_start3A_2710, %dma_start3A_2711, %dma_start3A_2712] : memref<8x32x128xf32, #tpu.memory_space<vmem>> -> memref<1x32x128xf32, #tpu.memory_space<vmem>>
    %dma_start3A_2714 = tpu.memref_squeeze %dma_start3A_2713 : memref<1x32x128xf32, #tpu.memory_space<vmem>> -> memref<32x128xf32, #tpu.memory_space<vmem>>
    %dma_start3A_2715 = arith.constant 0 : i32
    %dma_start3A_2716 = tpu.memref_slice %arg3[%dma_start3A_2715, %multiple_of3A_2709] : memref<32x1000000xf32, #tpu.memory_space<hbm>> -> memref<32x128xf32, #tpu.memory_space<hbm>>
    %dma_start3A_2717 = arith.constant 0 : i32
    %dma_start3A_2718 = arith.constant 0 : i32
    %dma_start3A_2719 = tpu.memref_slice %arg11[%dma_start3A_2710, %dma_start3A_2717, %dma_start3A_2718] : memref<8x32x128xf32, #tpu.memory_space<vmem>> -> memref<1x32x128xf32, #tpu.memory_space<vmem>>
    %dma_start3A_2720 = tpu.memref_squeeze %dma_start3A_2719 : memref<1x32x128xf32, #tpu.memory_space<vmem>> -> memref<32x128xf32, #tpu.memory_space<vmem>>
    %dma_start3A_2721 = arith.constant 0 : i32
    %dma_start3A_2722 = tpu.memref_slice %arg3[%dma_start3A_2721, %multiple_of3A_2709] : memref<32x1000000xf32, #tpu.memory_space<hbm>> -> memref<32x128xf32, #tpu.memory_space<hbm>>
    tpu.enqueue_dma source(%dma_start3A_2722 : memref<32x128xf32, #tpu.memory_space<hbm>>) target(%dma_start3A_2720 : memref<32x128xf32, #tpu.memory_space<vmem>>) target_semaphore(%arg19 : memref<!tpu.dma_semaphore, #tpu.memory_space<semaphore_mem>>)
    %dma_wait3A_2723 = arith.constant 4 : i32
    %dma_wait3A_2724 = arith.constant 0 : i32
    %dma_wait3A_2725 = arith.constant 0 : i32
    %dma_wait3A_2726 = tpu.memref_slice %arg11[%dma_wait3A_2723, %dma_wait3A_2724, %dma_wait3A_2725] : memref<8x32x128xf32, #tpu.memory_space<vmem>> -> memref<1x32x128xf32, #tpu.memory_space<vmem>>
    %dma_wait3A_2727 = tpu.memref_squeeze %dma_wait3A_2726 : memref<1x32x128xf32, #tpu.memory_space<vmem>> -> memref<32x128xf32, #tpu.memory_space<vmem>>
    %dma_wait3A_2728 = arith.constant 0 : i32
    %dma_wait3A_2729 = tpu.memref_slice %arg3[%dma_wait3A_2728, %multiple_of3A_2219] : memref<32x1000000xf32, #tpu.memory_space<hbm>> -> memref<32x128xf32, #tpu.memory_space<hbm>>
    %dma_wait3A_2730 = arith.constant 0 : i32
    %dma_wait3A_2731 = arith.constant 0 : i32
    %dma_wait3A_2732 = tpu.memref_slice %arg11[%dma_wait3A_2723, %dma_wait3A_2730, %dma_wait3A_2731] : memref<8x32x128xf32, #tpu.memory_space<vmem>> -> memref<1x32x128xf32, #tpu.memory_space<vmem>>
    %dma_wait3A_2733 = tpu.memref_squeeze %dma_wait3A_2732 : memref<1x32x128xf32, #tpu.memory_space<vmem>> -> memref<32x128xf32, #tpu.memory_space<vmem>>
    %dma_wait3A_2734 = arith.constant 0 : i32
    %dma_wait3A_2735 = tpu.memref_slice %arg3[%dma_wait3A_2734, %multiple_of3A_2219] : memref<32x1000000xf32, #tpu.memory_space<hbm>> -> memref<32x128xf32, #tpu.memory_space<hbm>>
    tpu.wait_dma2 semaphore(%arg20 : memref<!tpu.dma_semaphore, #tpu.memory_space<semaphore_mem>>) src(%dma_wait3A_2735 : memref<32x128xf32, #tpu.memory_space<hbm>>) dst(%dma_wait3A_2733 : memref<32x128xf32, #tpu.memory_space<vmem>>)
    %sub3A_2736 = arith.subi %reduce_sum3A_211, %min3A_902 : i32
    %and3A_2737 = arith.constant 127 : i32
    %and3A_2738 = arith.andi %sub3A_2736, %and3A_2737 : i32
    %broadcast_in_dim3A_2739 = vector.broadcast %and3A_2738 : i32 to vector<16xi32>
    %sub3A_2740 = arith.constant 999936 : i32
    %sub3A_2741 = arith.subi %reduce_sum3A_211, %sub3A_2740 : i32
    %jit3A_2742 = arith.constant 0 : i32
    %jit3A_2743 = arith.constant 63 : i32
    %max3A_2744 = arith.maxsi %jit3A_2742, %sub3A_2741 : i32
    %min3A_2745 = arith.minsi %jit3A_2743, %max3A_2744 : i32
    %broadcast_in_dim3A_2746 = vector.broadcast %min3A_2745 : i32 to vector<16xi32>
    %broadcast_in_dim3A_2747 = arith.constant 20 : i32
    %broadcast_in_dim3A_2748 = vector.broadcast %broadcast_in_dim3A_2747 : i32 to vector<16xi32>
    %gather3A_2749 = arith.constant 4 : i32
    %gather3A_2750 = arith.constant 0 : i32
    %gather3A_2751 = arith.constant 0 : i32
    %gather3A_2752 = tpu.memref_slice %arg11[%gather3A_2749, %gather3A_2750, %gather3A_2751] : memref<8x32x128xf32, #tpu.memory_space<vmem>> -> memref<1x32x128xf32, #tpu.memory_space<vmem>>
    %gather3A_2753 = tpu.memref_squeeze %gather3A_2752 : memref<1x32x128xf32, #tpu.memory_space<vmem>> -> memref<32x128xf32, #tpu.memory_space<vmem>>
    %gather3A_2754 = tpu.vector_load_idx %gather3A_2753[%iota3A, %broadcast_in_dim3A_2739] : memref<32x128xf32, #tpu.memory_space<vmem>>[vector<16xi32>, vector<16xi32>], vector<16xf32>,
    %add3A_2755 = arith.constant 16 : i32
    %add3A_2756 = vector.broadcast %add3A_2755 : i32 to vector<16xi32>
    %add3A_2757 = arith.addi %iota3A, %add3A_2756 : vector<16xi32>
    %gather3A_2758 = arith.constant 4 : i32
    %gather3A_2759 = arith.constant 0 : i32
    %gather3A_2760 = arith.constant 0 : i32
    %gather3A_2761 = tpu.memref_slice %arg11[%gather3A_2758, %gather3A_2759, %gather3A_2760] : memref<8x32x128xf32, #tpu.memory_space<vmem>> -> memref<1x32x128xf32, #tpu.memory_space<vmem>>
    %gather3A_2762 = tpu.memref_squeeze %gather3A_2761 : memref<1x32x128xf32, #tpu.memory_space<vmem>> -> memref<32x128xf32, #tpu.memory_space<vmem>>
    %gather3A_2763 = tpu.vector_load_idx %gather3A_2762[%add3A_2757, %broadcast_in_dim3A_2739] : memref<32x128xf32, #tpu.memory_space<vmem>>[vector<16xi32>, vector<16xi32>], vector<16xf32>,
    %gather3A_2764 = tpu.vector_load_idx %arg10[%iota3A, %broadcast_in_dim3A_2746] : memref<32x64xf32, #tpu.memory_space<vmem>>[vector<16xi32>, vector<16xi32>], vector<16xf32>,
    %add3A_2765 = arith.constant 16 : i32
    %add3A_2766 = vector.broadcast %add3A_2765 : i32 to vector<16xi32>
    %add3A_2767 = arith.addi %iota3A, %add3A_2766 : vector<16xi32>
    %gather3A_2768 = tpu.vector_load_idx %arg10[%add3A_2767, %broadcast_in_dim3A_2746] : memref<32x64xf32, #tpu.memory_space<vmem>>[vector<16xi32>, vector<16xi32>], vector<16xf32>,
    %lt3A_2769 = arith.constant 999936 : i32
    %lt3A_2770 = arith.cmpi slt, %reduce_sum3A_211, %lt3A_2769 : i32
    %select_n3A_2771 = arith.select %lt3A_2770, %gather3A_2754, %gather3A_2764 : vector<16xf32>
    %select_n3A_2772 = arith.select %lt3A_2770, %gather3A_2763, %gather3A_2768 : vector<16xf32>
    tpu.vector_store_idx %arg12[%iota3A, %broadcast_in_dim3A_2748], %select_n3A_2771 : memref<32x32xf32, #tpu.memory_space<vmem>>[vector<16xi32>, vector<16xi32>], vector<16xf32>,
    %add3A_2773 = arith.constant 16 : i32
    %add3A_2774 = vector.broadcast %add3A_2773 : i32 to vector<16xi32>
    %add3A_2775 = arith.addi %iota3A, %add3A_2774 : vector<16xi32>
    tpu.vector_store_idx %arg12[%add3A_2775, %broadcast_in_dim3A_2748], %select_n3A_2772 : memref<32x32xf32, #tpu.memory_space<vmem>>[vector<16xi32>, vector<16xi32>], vector<16xf32>,
    tpu.vector_store_idx %arg13[%broadcast_in_dim3A_2748, %iota3A], %select_n3A_2771 : memref<32x32xf32, #tpu.memory_space<vmem>>[vector<16xi32>, vector<16xi32>], vector<16xf32>,
    %add3A_2776 = arith.constant 16 : i32
    %add3A_2777 = vector.broadcast %add3A_2776 : i32 to vector<16xi32>
    %add3A_2778 = arith.addi %iota3A, %add3A_2777 : vector<16xi32>
    tpu.vector_store_idx %arg13[%broadcast_in_dim3A_2748, %add3A_2778], %select_n3A_2772 : memref<32x32xf32, #tpu.memory_space<vmem>>[vector<16xi32>, vector<16xi32>], vector<16xf32>,
    %multiple_of3A_2779 = tpu.assume_multiple %min3A_1126, 128 : i32
    %dma_start3A_2780 = arith.constant 4 : i32
    %dma_start3A_2781 = arith.constant 0 : i32
    %dma_start3A_2782 = arith.constant 0 : i32
    %dma_start3A_2783 = tpu.memref_slice %arg11[%dma_start3A_2780, %dma_start3A_2781, %dma_start3A_2782] : memref<8x32x128xf32, #tpu.memory_space<vmem>> -> memref<1x32x128xf32, #tpu.memory_space<vmem>>
    %dma_start3A_2784 = tpu.memref_squeeze %dma_start3A_2783 : memref<1x32x128xf32, #tpu.memory_space<vmem>> -> memref<32x128xf32, #tpu.memory_space<vmem>>
    %dma_start3A_2785 = arith.constant 0 : i32
    %dma_start3A_2786 = tpu.memref_slice %arg3[%dma_start3A_2785, %multiple_of3A_2779] : memref<32x1000000xf32, #tpu.memory_space<hbm>> -> memref<32x128xf32, #tpu.memory_space<hbm>>
    %dma_start3A_2787 = arith.constant 0 : i32
    %dma_start3A_2788 = arith.constant 0 : i32
    %dma_start3A_2789 = tpu.memref_slice %arg11[%dma_start3A_2780, %dma_start3A_2787, %dma_start3A_2788] : memref<8x32x128xf32, #tpu.memory_space<vmem>> -> memref<1x32x128xf32, #tpu.memory_space<vmem>>
    %dma_start3A_2790 = tpu.memref_squeeze %dma_start3A_2789 : memref<1x32x128xf32, #tpu.memory_space<vmem>> -> memref<32x128xf32, #tpu.memory_space<vmem>>
    %dma_start3A_2791 = arith.constant 0 : i32
    %dma_start3A_2792 = tpu.memref_slice %arg3[%dma_start3A_2791, %multiple_of3A_2779] : memref<32x1000000xf32, #tpu.memory_space<hbm>> -> memref<32x128xf32, #tpu.memory_space<hbm>>
    tpu.enqueue_dma source(%dma_start3A_2792 : memref<32x128xf32, #tpu.memory_space<hbm>>) target(%dma_start3A_2790 : memref<32x128xf32, #tpu.memory_space<vmem>>) target_semaphore(%arg20 : memref<!tpu.dma_semaphore, #tpu.memory_space<semaphore_mem>>)
    %dma_wait3A_2793 = arith.constant 5 : i32
    %dma_wait3A_2794 = arith.constant 0 : i32
    %dma_wait3A_2795 = arith.constant 0 : i32
    %dma_wait3A_2796 = tpu.memref_slice %arg11[%dma_wait3A_2793, %dma_wait3A_2794, %dma_wait3A_2795] : memref<8x32x128xf32, #tpu.memory_space<vmem>> -> memref<1x32x128xf32, #tpu.memory_space<vmem>>
    %dma_wait3A_2797 = tpu.memref_squeeze %dma_wait3A_2796 : memref<1x32x128xf32, #tpu.memory_space<vmem>> -> memref<32x128xf32, #tpu.memory_space<vmem>>
    %dma_wait3A_2798 = arith.constant 0 : i32
    %dma_wait3A_2799 = tpu.memref_slice %arg3[%dma_wait3A_2798, %multiple_of3A_2289] : memref<32x1000000xf32, #tpu.memory_space<hbm>> -> memref<32x128xf32, #tpu.memory_space<hbm>>
    %dma_wait3A_2800 = arith.constant 0 : i32
    %dma_wait3A_2801 = arith.constant 0 : i32
    %dma_wait3A_2802 = tpu.memref_slice %arg11[%dma_wait3A_2793, %dma_wait3A_2800, %dma_wait3A_2801] : memref<8x32x128xf32, #tpu.memory_space<vmem>> -> memref<1x32x128xf32, #tpu.memory_space<vmem>>
    %dma_wait3A_2803 = tpu.memref_squeeze %dma_wait3A_2802 : memref<1x32x128xf32, #tpu.memory_space<vmem>> -> memref<32x128xf32, #tpu.memory_space<vmem>>
    %dma_wait3A_2804 = arith.constant 0 : i32
    %dma_wait3A_2805 = tpu.memref_slice %arg3[%dma_wait3A_2804, %multiple_of3A_2289] : memref<32x1000000xf32, #tpu.memory_space<hbm>> -> memref<32x128xf32, #tpu.memory_space<hbm>>
    tpu.wait_dma2 semaphore(%arg21 : memref<!tpu.dma_semaphore, #tpu.memory_space<semaphore_mem>>) src(%dma_wait3A_2805 : memref<32x128xf32, #tpu.memory_space<hbm>>) dst(%dma_wait3A_2803 : memref<32x128xf32, #tpu.memory_space<vmem>>)
    %sub3A_2806 = arith.subi %reduce_sum3A_221, %min3A_930 : i32
    %and3A_2807 = arith.constant 127 : i32
    %and3A_2808 = arith.andi %sub3A_2806, %and3A_2807 : i32
    %broadcast_in_dim3A_2809 = vector.broadcast %and3A_2808 : i32 to vector<16xi32>
    %sub3A_2810 = arith.constant 999936 : i32
    %sub3A_2811 = arith.subi %reduce_sum3A_221, %sub3A_2810 : i32
    %jit3A_2812 = arith.constant 0 : i32
    %jit3A_2813 = arith.constant 63 : i32
    %max3A_2814 = arith.maxsi %jit3A_2812, %sub3A_2811 : i32
    %min3A_2815 = arith.minsi %jit3A_2813, %max3A_2814 : i32
    %broadcast_in_dim3A_2816 = vector.broadcast %min3A_2815 : i32 to vector<16xi32>
    %broadcast_in_dim3A_2817 = arith.constant 21 : i32
    %broadcast_in_dim3A_2818 = vector.broadcast %broadcast_in_dim3A_2817 : i32 to vector<16xi32>
    %gather3A_2819 = arith.constant 5 : i32
    %gather3A_2820 = arith.constant 0 : i32
    %gather3A_2821 = arith.constant 0 : i32
    %gather3A_2822 = tpu.memref_slice %arg11[%gather3A_2819, %gather3A_2820, %gather3A_2821] : memref<8x32x128xf32, #tpu.memory_space<vmem>> -> memref<1x32x128xf32, #tpu.memory_space<vmem>>
    %gather3A_2823 = tpu.memref_squeeze %gather3A_2822 : memref<1x32x128xf32, #tpu.memory_space<vmem>> -> memref<32x128xf32, #tpu.memory_space<vmem>>
    %gather3A_2824 = tpu.vector_load_idx %gather3A_2823[%iota3A, %broadcast_in_dim3A_2809] : memref<32x128xf32, #tpu.memory_space<vmem>>[vector<16xi32>, vector<16xi32>], vector<16xf32>,
    %add3A_2825 = arith.constant 16 : i32
    %add3A_2826 = vector.broadcast %add3A_2825 : i32 to vector<16xi32>
    %add3A_2827 = arith.addi %iota3A, %add3A_2826 : vector<16xi32>
    %gather3A_2828 = arith.constant 5 : i32
    %gather3A_2829 = arith.constant 0 : i32
    %gather3A_2830 = arith.constant 0 : i32
    %gather3A_2831 = tpu.memref_slice %arg11[%gather3A_2828, %gather3A_2829, %gather3A_2830] : memref<8x32x128xf32, #tpu.memory_space<vmem>> -> memref<1x32x128xf32, #tpu.memory_space<vmem>>
    %gather3A_2832 = tpu.memref_squeeze %gather3A_2831 : memref<1x32x128xf32, #tpu.memory_space<vmem>> -> memref<32x128xf32, #tpu.memory_space<vmem>>
    %gather3A_2833 = tpu.vector_load_idx %gather3A_2832[%add3A_2827, %broadcast_in_dim3A_2809] : memref<32x128xf32, #tpu.memory_space<vmem>>[vector<16xi32>, vector<16xi32>], vector<16xf32>,
    %gather3A_2834 = tpu.vector_load_idx %arg10[%iota3A, %broadcast_in_dim3A_2816] : memref<32x64xf32, #tpu.memory_space<vmem>>[vector<16xi32>, vector<16xi32>], vector<16xf32>,
    %add3A_2835 = arith.constant 16 : i32
    %add3A_2836 = vector.broadcast %add3A_2835 : i32 to vector<16xi32>
    %add3A_2837 = arith.addi %iota3A, %add3A_2836 : vector<16xi32>
    %gather3A_2838 = tpu.vector_load_idx %arg10[%add3A_2837, %broadcast_in_dim3A_2816] : memref<32x64xf32, #tpu.memory_space<vmem>>[vector<16xi32>, vector<16xi32>], vector<16xf32>,
    %lt3A_2839 = arith.constant 999936 : i32
    %lt3A_2840 = arith.cmpi slt, %reduce_sum3A_221, %lt3A_2839 : i32
    %select_n3A_2841 = arith.select %lt3A_2840, %gather3A_2824, %gather3A_2834 : vector<16xf32>
    %select_n3A_2842 = arith.select %lt3A_2840, %gather3A_2833, %gather3A_2838 : vector<16xf32>
    tpu.vector_store_idx %arg12[%iota3A, %broadcast_in_dim3A_2818], %select_n3A_2841 : memref<32x32xf32, #tpu.memory_space<vmem>>[vector<16xi32>, vector<16xi32>], vector<16xf32>,
    %add3A_2843 = arith.constant 16 : i32
    %add3A_2844 = vector.broadcast %add3A_2843 : i32 to vector<16xi32>
    %add3A_2845 = arith.addi %iota3A, %add3A_2844 : vector<16xi32>
    tpu.vector_store_idx %arg12[%add3A_2845, %broadcast_in_dim3A_2818], %select_n3A_2842 : memref<32x32xf32, #tpu.memory_space<vmem>>[vector<16xi32>, vector<16xi32>], vector<16xf32>,
    tpu.vector_store_idx %arg13[%broadcast_in_dim3A_2818, %iota3A], %select_n3A_2841 : memref<32x32xf32, #tpu.memory_space<vmem>>[vector<16xi32>, vector<16xi32>], vector<16xf32>,
    %add3A_2846 = arith.constant 16 : i32
    %add3A_2847 = vector.broadcast %add3A_2846 : i32 to vector<16xi32>
    %add3A_2848 = arith.addi %iota3A, %add3A_2847 : vector<16xi32>
    tpu.vector_store_idx %arg13[%broadcast_in_dim3A_2818, %add3A_2848], %select_n3A_2842 : memref<32x32xf32, #tpu.memory_space<vmem>>[vector<16xi32>, vector<16xi32>], vector<16xf32>,
    %multiple_of3A_2849 = tpu.assume_multiple %min3A_1154, 128 : i32
    %dma_start3A_2850 = arith.constant 5 : i32
    %dma_start3A_2851 = arith.constant 0 : i32
    %dma_start3A_2852 = arith.constant 0 : i32
    %dma_start3A_2853 = tpu.memref_slice %arg11[%dma_start3A_2850, %dma_start3A_2851, %dma_start3A_2852] : memref<8x32x128xf32, #tpu.memory_space<vmem>> -> memref<1x32x128xf32, #tpu.memory_space<vmem>>
    %dma_start3A_2854 = tpu.memref_squeeze %dma_start3A_2853 : memref<1x32x128xf32, #tpu.memory_space<vmem>> -> memref<32x128xf32, #tpu.memory_space<vmem>>
    %dma_start3A_2855 = arith.constant 0 : i32
    %dma_start3A_2856 = tpu.memref_slice %arg3[%dma_start3A_2855, %multiple_of3A_2849] : memref<32x1000000xf32, #tpu.memory_space<hbm>> -> memref<32x128xf32, #tpu.memory_space<hbm>>
    %dma_start3A_2857 = arith.constant 0 : i32
    %dma_start3A_2858 = arith.constant 0 : i32
    %dma_start3A_2859 = tpu.memref_slice %arg11[%dma_start3A_2850, %dma_start3A_2857, %dma_start3A_2858] : memref<8x32x128xf32, #tpu.memory_space<vmem>> -> memref<1x32x128xf32, #tpu.memory_space<vmem>>
    %dma_start3A_2860 = tpu.memref_squeeze %dma_start3A_2859 : memref<1x32x128xf32, #tpu.memory_space<vmem>> -> memref<32x128xf32, #tpu.memory_space<vmem>>
    %dma_start3A_2861 = arith.constant 0 : i32
    %dma_start3A_2862 = tpu.memref_slice %arg3[%dma_start3A_2861, %multiple_of3A_2849] : memref<32x1000000xf32, #tpu.memory_space<hbm>> -> memref<32x128xf32, #tpu.memory_space<hbm>>
    tpu.enqueue_dma source(%dma_start3A_2862 : memref<32x128xf32, #tpu.memory_space<hbm>>) target(%dma_start3A_2860 : memref<32x128xf32, #tpu.memory_space<vmem>>) target_semaphore(%arg21 : memref<!tpu.dma_semaphore, #tpu.memory_space<semaphore_mem>>)
    %dma_wait3A_2863 = arith.constant 6 : i32
    %dma_wait3A_2864 = arith.constant 0 : i32
    %dma_wait3A_2865 = arith.constant 0 : i32
    %dma_wait3A_2866 = tpu.memref_slice %arg11[%dma_wait3A_2863, %dma_wait3A_2864, %dma_wait3A_2865] : memref<8x32x128xf32, #tpu.memory_space<vmem>> -> memref<1x32x128xf32, #tpu.memory_space<vmem>>
    %dma_wait3A_2867 = tpu.memref_squeeze %dma_wait3A_2866 : memref<1x32x128xf32, #tpu.memory_space<vmem>> -> memref<32x128xf32, #tpu.memory_space<vmem>>
    %dma_wait3A_2868 = arith.constant 0 : i32
    %dma_wait3A_2869 = tpu.memref_slice %arg3[%dma_wait3A_2868, %multiple_of3A_2359] : memref<32x1000000xf32, #tpu.memory_space<hbm>> -> memref<32x128xf32, #tpu.memory_space<hbm>>
    %dma_wait3A_2870 = arith.constant 0 : i32
    %dma_wait3A_2871 = arith.constant 0 : i32
    %dma_wait3A_2872 = tpu.memref_slice %arg11[%dma_wait3A_2863, %dma_wait3A_2870, %dma_wait3A_2871] : memref<8x32x128xf32, #tpu.memory_space<vmem>> -> memref<1x32x128xf32, #tpu.memory_space<vmem>>
    %dma_wait3A_2873 = tpu.memref_squeeze %dma_wait3A_2872 : memref<1x32x128xf32, #tpu.memory_space<vmem>> -> memref<32x128xf32, #tpu.memory_space<vmem>>
    %dma_wait3A_2874 = arith.constant 0 : i32
    %dma_wait3A_2875 = tpu.memref_slice %arg3[%dma_wait3A_2874, %multiple_of3A_2359] : memref<32x1000000xf32, #tpu.memory_space<hbm>> -> memref<32x128xf32, #tpu.memory_space<hbm>>
    tpu.wait_dma2 semaphore(%arg22 : memref<!tpu.dma_semaphore, #tpu.memory_space<semaphore_mem>>) src(%dma_wait3A_2875 : memref<32x128xf32, #tpu.memory_space<hbm>>) dst(%dma_wait3A_2873 : memref<32x128xf32, #tpu.memory_space<vmem>>)
    %sub3A_2876 = arith.subi %reduce_sum3A_231, %min3A_958 : i32
    %and3A_2877 = arith.constant 127 : i32
    %and3A_2878 = arith.andi %sub3A_2876, %and3A_2877 : i32
    %broadcast_in_dim3A_2879 = vector.broadcast %and3A_2878 : i32 to vector<16xi32>
    %sub3A_2880 = arith.constant 999936 : i32
    %sub3A_2881 = arith.subi %reduce_sum3A_231, %sub3A_2880 : i32
    %jit3A_2882 = arith.constant 0 : i32
    %jit3A_2883 = arith.constant 63 : i32
    %max3A_2884 = arith.maxsi %jit3A_2882, %sub3A_2881 : i32
    %min3A_2885 = arith.minsi %jit3A_2883, %max3A_2884 : i32
    %broadcast_in_dim3A_2886 = vector.broadcast %min3A_2885 : i32 to vector<16xi32>
    %broadcast_in_dim3A_2887 = arith.constant 22 : i32
    %broadcast_in_dim3A_2888 = vector.broadcast %broadcast_in_dim3A_2887 : i32 to vector<16xi32>
    %gather3A_2889 = arith.constant 6 : i32
    %gather3A_2890 = arith.constant 0 : i32
    %gather3A_2891 = arith.constant 0 : i32
    %gather3A_2892 = tpu.memref_slice %arg11[%gather3A_2889, %gather3A_2890, %gather3A_2891] : memref<8x32x128xf32, #tpu.memory_space<vmem>> -> memref<1x32x128xf32, #tpu.memory_space<vmem>>
    %gather3A_2893 = tpu.memref_squeeze %gather3A_2892 : memref<1x32x128xf32, #tpu.memory_space<vmem>> -> memref<32x128xf32, #tpu.memory_space<vmem>>
    %gather3A_2894 = tpu.vector_load_idx %gather3A_2893[%iota3A, %broadcast_in_dim3A_2879] : memref<32x128xf32, #tpu.memory_space<vmem>>[vector<16xi32>, vector<16xi32>], vector<16xf32>,
    %add3A_2895 = arith.constant 16 : i32
    %add3A_2896 = vector.broadcast %add3A_2895 : i32 to vector<16xi32>
    %add3A_2897 = arith.addi %iota3A, %add3A_2896 : vector<16xi32>
    %gather3A_2898 = arith.constant 6 : i32
    %gather3A_2899 = arith.constant 0 : i32
    %gather3A_2900 = arith.constant 0 : i32
    %gather3A_2901 = tpu.memref_slice %arg11[%gather3A_2898, %gather3A_2899, %gather3A_2900] : memref<8x32x128xf32, #tpu.memory_space<vmem>> -> memref<1x32x128xf32, #tpu.memory_space<vmem>>
    %gather3A_2902 = tpu.memref_squeeze %gather3A_2901 : memref<1x32x128xf32, #tpu.memory_space<vmem>> -> memref<32x128xf32, #tpu.memory_space<vmem>>
    %gather3A_2903 = tpu.vector_load_idx %gather3A_2902[%add3A_2897, %broadcast_in_dim3A_2879] : memref<32x128xf32, #tpu.memory_space<vmem>>[vector<16xi32>, vector<16xi32>], vector<16xf32>,
    %gather3A_2904 = tpu.vector_load_idx %arg10[%iota3A, %broadcast_in_dim3A_2886] : memref<32x64xf32, #tpu.memory_space<vmem>>[vector<16xi32>, vector<16xi32>], vector<16xf32>,
    %add3A_2905 = arith.constant 16 : i32
    %add3A_2906 = vector.broadcast %add3A_2905 : i32 to vector<16xi32>
    %add3A_2907 = arith.addi %iota3A, %add3A_2906 : vector<16xi32>
    %gather3A_2908 = tpu.vector_load_idx %arg10[%add3A_2907, %broadcast_in_dim3A_2886] : memref<32x64xf32, #tpu.memory_space<vmem>>[vector<16xi32>, vector<16xi32>], vector<16xf32>,
    %lt3A_2909 = arith.constant 999936 : i32
    %lt3A_2910 = arith.cmpi slt, %reduce_sum3A_231, %lt3A_2909 : i32
    %select_n3A_2911 = arith.select %lt3A_2910, %gather3A_2894, %gather3A_2904 : vector<16xf32>
    %select_n3A_2912 = arith.select %lt3A_2910, %gather3A_2903, %gather3A_2908 : vector<16xf32>
    tpu.vector_store_idx %arg12[%iota3A, %broadcast_in_dim3A_2888], %select_n3A_2911 : memref<32x32xf32, #tpu.memory_space<vmem>>[vector<16xi32>, vector<16xi32>], vector<16xf32>,
    %add3A_2913 = arith.constant 16 : i32
    %add3A_2914 = vector.broadcast %add3A_2913 : i32 to vector<16xi32>
    %add3A_2915 = arith.addi %iota3A, %add3A_2914 : vector<16xi32>
    tpu.vector_store_idx %arg12[%add3A_2915, %broadcast_in_dim3A_2888], %select_n3A_2912 : memref<32x32xf32, #tpu.memory_space<vmem>>[vector<16xi32>, vector<16xi32>], vector<16xf32>,
    tpu.vector_store_idx %arg13[%broadcast_in_dim3A_2888, %iota3A], %select_n3A_2911 : memref<32x32xf32, #tpu.memory_space<vmem>>[vector<16xi32>, vector<16xi32>], vector<16xf32>,
    %add3A_2916 = arith.constant 16 : i32
    %add3A_2917 = vector.broadcast %add3A_2916 : i32 to vector<16xi32>
    %add3A_2918 = arith.addi %iota3A, %add3A_2917 : vector<16xi32>
    tpu.vector_store_idx %arg13[%broadcast_in_dim3A_2888, %add3A_2918], %select_n3A_2912 : memref<32x32xf32, #tpu.memory_space<vmem>>[vector<16xi32>, vector<16xi32>], vector<16xf32>,
    %multiple_of3A_2919 = tpu.assume_multiple %min3A_1182, 128 : i32
    %dma_start3A_2920 = arith.constant 6 : i32
    %dma_start3A_2921 = arith.constant 0 : i32
    %dma_start3A_2922 = arith.constant 0 : i32
    %dma_start3A_2923 = tpu.memref_slice %arg11[%dma_start3A_2920, %dma_start3A_2921, %dma_start3A_2922] : memref<8x32x128xf32, #tpu.memory_space<vmem>> -> memref<1x32x128xf32, #tpu.memory_space<vmem>>
    %dma_start3A_2924 = tpu.memref_squeeze %dma_start3A_2923 : memref<1x32x128xf32, #tpu.memory_space<vmem>> -> memref<32x128xf32, #tpu.memory_space<vmem>>
    %dma_start3A_2925 = arith.constant 0 : i32
    %dma_start3A_2926 = tpu.memref_slice %arg3[%dma_start3A_2925, %multiple_of3A_2919] : memref<32x1000000xf32, #tpu.memory_space<hbm>> -> memref<32x128xf32, #tpu.memory_space<hbm>>
    %dma_start3A_2927 = arith.constant 0 : i32
    %dma_start3A_2928 = arith.constant 0 : i32
    %dma_start3A_2929 = tpu.memref_slice %arg11[%dma_start3A_2920, %dma_start3A_2927, %dma_start3A_2928] : memref<8x32x128xf32, #tpu.memory_space<vmem>> -> memref<1x32x128xf32, #tpu.memory_space<vmem>>
    %dma_start3A_2930 = tpu.memref_squeeze %dma_start3A_2929 : memref<1x32x128xf32, #tpu.memory_space<vmem>> -> memref<32x128xf32, #tpu.memory_space<vmem>>
    %dma_start3A_2931 = arith.constant 0 : i32
    %dma_start3A_2932 = tpu.memref_slice %arg3[%dma_start3A_2931, %multiple_of3A_2919] : memref<32x1000000xf32, #tpu.memory_space<hbm>> -> memref<32x128xf32, #tpu.memory_space<hbm>>
    tpu.enqueue_dma source(%dma_start3A_2932 : memref<32x128xf32, #tpu.memory_space<hbm>>) target(%dma_start3A_2930 : memref<32x128xf32, #tpu.memory_space<vmem>>) target_semaphore(%arg22 : memref<!tpu.dma_semaphore, #tpu.memory_space<semaphore_mem>>)
    %dma_wait3A_2933 = arith.constant 7 : i32
    %dma_wait3A_2934 = arith.constant 0 : i32
    %dma_wait3A_2935 = arith.constant 0 : i32
    %dma_wait3A_2936 = tpu.memref_slice %arg11[%dma_wait3A_2933, %dma_wait3A_2934, %dma_wait3A_2935] : memref<8x32x128xf32, #tpu.memory_space<vmem>> -> memref<1x32x128xf32, #tpu.memory_space<vmem>>
    %dma_wait3A_2937 = tpu.memref_squeeze %dma_wait3A_2936 : memref<1x32x128xf32, #tpu.memory_space<vmem>> -> memref<32x128xf32, #tpu.memory_space<vmem>>
    %dma_wait3A_2938 = arith.constant 0 : i32
    %dma_wait3A_2939 = tpu.memref_slice %arg3[%dma_wait3A_2938, %multiple_of3A_2429] : memref<32x1000000xf32, #tpu.memory_space<hbm>> -> memref<32x128xf32, #tpu.memory_space<hbm>>
    %dma_wait3A_2940 = arith.constant 0 : i32
    %dma_wait3A_2941 = arith.constant 0 : i32
    %dma_wait3A_2942 = tpu.memref_slice %arg11[%dma_wait3A_2933, %dma_wait3A_2940, %dma_wait3A_2941] : memref<8x32x128xf32, #tpu.memory_space<vmem>> -> memref<1x32x128xf32, #tpu.memory_space<vmem>>
    %dma_wait3A_2943 = tpu.memref_squeeze %dma_wait3A_2942 : memref<1x32x128xf32, #tpu.memory_space<vmem>> -> memref<32x128xf32, #tpu.memory_space<vmem>>
    %dma_wait3A_2944 = arith.constant 0 : i32
    %dma_wait3A_2945 = tpu.memref_slice %arg3[%dma_wait3A_2944, %multiple_of3A_2429] : memref<32x1000000xf32, #tpu.memory_space<hbm>> -> memref<32x128xf32, #tpu.memory_space<hbm>>
    tpu.wait_dma2 semaphore(%arg23 : memref<!tpu.dma_semaphore, #tpu.memory_space<semaphore_mem>>) src(%dma_wait3A_2945 : memref<32x128xf32, #tpu.memory_space<hbm>>) dst(%dma_wait3A_2943 : memref<32x128xf32, #tpu.memory_space<vmem>>)
    %sub3A_2946 = arith.subi %reduce_sum3A_241, %min3A_986 : i32
    %and3A_2947 = arith.constant 127 : i32
    %and3A_2948 = arith.andi %sub3A_2946, %and3A_2947 : i32
    %broadcast_in_dim3A_2949 = vector.broadcast %and3A_2948 : i32 to vector<16xi32>
    %sub3A_2950 = arith.constant 999936 : i32
    %sub3A_2951 = arith.subi %reduce_sum3A_241, %sub3A_2950 : i32
    %jit3A_2952 = arith.constant 0 : i32
    %jit3A_2953 = arith.constant 63 : i32
    %max3A_2954 = arith.maxsi %jit3A_2952, %sub3A_2951 : i32
    %min3A_2955 = arith.minsi %jit3A_2953, %max3A_2954 : i32
    %broadcast_in_dim3A_2956 = vector.broadcast %min3A_2955 : i32 to vector<16xi32>
    %broadcast_in_dim3A_2957 = arith.constant 23 : i32
    %broadcast_in_dim3A_2958 = vector.broadcast %broadcast_in_dim3A_2957 : i32 to vector<16xi32>
    %gather3A_2959 = arith.constant 7 : i32
    %gather3A_2960 = arith.constant 0 : i32
    %gather3A_2961 = arith.constant 0 : i32
    %gather3A_2962 = tpu.memref_slice %arg11[%gather3A_2959, %gather3A_2960, %gather3A_2961] : memref<8x32x128xf32, #tpu.memory_space<vmem>> -> memref<1x32x128xf32, #tpu.memory_space<vmem>>
    %gather3A_2963 = tpu.memref_squeeze %gather3A_2962 : memref<1x32x128xf32, #tpu.memory_space<vmem>> -> memref<32x128xf32, #tpu.memory_space<vmem>>
    %gather3A_2964 = tpu.vector_load_idx %gather3A_2963[%iota3A, %broadcast_in_dim3A_2949] : memref<32x128xf32, #tpu.memory_space<vmem>>[vector<16xi32>, vector<16xi32>], vector<16xf32>,
    %add3A_2965 = arith.constant 16 : i32
    %add3A_2966 = vector.broadcast %add3A_2965 : i32 to vector<16xi32>
    %add3A_2967 = arith.addi %iota3A, %add3A_2966 : vector<16xi32>
    %gather3A_2968 = arith.constant 7 : i32
    %gather3A_2969 = arith.constant 0 : i32
    %gather3A_2970 = arith.constant 0 : i32
    %gather3A_2971 = tpu.memref_slice %arg11[%gather3A_2968, %gather3A_2969, %gather3A_2970] : memref<8x32x128xf32, #tpu.memory_space<vmem>> -> memref<1x32x128xf32, #tpu.memory_space<vmem>>
    %gather3A_2972 = tpu.memref_squeeze %gather3A_2971 : memref<1x32x128xf32, #tpu.memory_space<vmem>> -> memref<32x128xf32, #tpu.memory_space<vmem>>
    %gather3A_2973 = tpu.vector_load_idx %gather3A_2972[%add3A_2967, %broadcast_in_dim3A_2949] : memref<32x128xf32, #tpu.memory_space<vmem>>[vector<16xi32>, vector<16xi32>], vector<16xf32>,
    %gather3A_2974 = tpu.vector_load_idx %arg10[%iota3A, %broadcast_in_dim3A_2956] : memref<32x64xf32, #tpu.memory_space<vmem>>[vector<16xi32>, vector<16xi32>], vector<16xf32>,
    %add3A_2975 = arith.constant 16 : i32
    %add3A_2976 = vector.broadcast %add3A_2975 : i32 to vector<16xi32>
    %add3A_2977 = arith.addi %iota3A, %add3A_2976 : vector<16xi32>
    %gather3A_2978 = tpu.vector_load_idx %arg10[%add3A_2977, %broadcast_in_dim3A_2956] : memref<32x64xf32, #tpu.memory_space<vmem>>[vector<16xi32>, vector<16xi32>], vector<16xf32>,
    %lt3A_2979 = arith.constant 999936 : i32
    %lt3A_2980 = arith.cmpi slt, %reduce_sum3A_241, %lt3A_2979 : i32
    %select_n3A_2981 = arith.select %lt3A_2980, %gather3A_2964, %gather3A_2974 : vector<16xf32>
    %select_n3A_2982 = arith.select %lt3A_2980, %gather3A_2973, %gather3A_2978 : vector<16xf32>
    tpu.vector_store_idx %arg12[%iota3A, %broadcast_in_dim3A_2958], %select_n3A_2981 : memref<32x32xf32, #tpu.memory_space<vmem>>[vector<16xi32>, vector<16xi32>], vector<16xf32>,
    %add3A_2983 = arith.constant 16 : i32
    %add3A_2984 = vector.broadcast %add3A_2983 : i32 to vector<16xi32>
    %add3A_2985 = arith.addi %iota3A, %add3A_2984 : vector<16xi32>
    tpu.vector_store_idx %arg12[%add3A_2985, %broadcast_in_dim3A_2958], %select_n3A_2982 : memref<32x32xf32, #tpu.memory_space<vmem>>[vector<16xi32>, vector<16xi32>], vector<16xf32>,
    tpu.vector_store_idx %arg13[%broadcast_in_dim3A_2958, %iota3A], %select_n3A_2981 : memref<32x32xf32, #tpu.memory_space<vmem>>[vector<16xi32>, vector<16xi32>], vector<16xf32>,
    %add3A_2986 = arith.constant 16 : i32
    %add3A_2987 = vector.broadcast %add3A_2986 : i32 to vector<16xi32>
    %add3A_2988 = arith.addi %iota3A, %add3A_2987 : vector<16xi32>
    tpu.vector_store_idx %arg13[%broadcast_in_dim3A_2958, %add3A_2988], %select_n3A_2982 : memref<32x32xf32, #tpu.memory_space<vmem>>[vector<16xi32>, vector<16xi32>], vector<16xf32>,
    %multiple_of3A_2989 = tpu.assume_multiple %min3A_1210, 128 : i32
    %dma_start3A_2990 = arith.constant 7 : i32
    %dma_start3A_2991 = arith.constant 0 : i32
    %dma_start3A_2992 = arith.constant 0 : i32
    %dma_start3A_2993 = tpu.memref_slice %arg11[%dma_start3A_2990, %dma_start3A_2991, %dma_start3A_2992] : memref<8x32x128xf32, #tpu.memory_space<vmem>> -> memref<1x32x128xf32, #tpu.memory_space<vmem>>
    %dma_start3A_2994 = tpu.memref_squeeze %dma_start3A_2993 : memref<1x32x128xf32, #tpu.memory_space<vmem>> -> memref<32x128xf32, #tpu.memory_space<vmem>>
    %dma_start3A_2995 = arith.constant 0 : i32
    %dma_start3A_2996 = tpu.memref_slice %arg3[%dma_start3A_2995, %multiple_of3A_2989] : memref<32x1000000xf32, #tpu.memory_space<hbm>> -> memref<32x128xf32, #tpu.memory_space<hbm>>
    %dma_start3A_2997 = arith.constant 0 : i32
    %dma_start3A_2998 = arith.constant 0 : i32
    %dma_start3A_2999 = tpu.memref_slice %arg11[%dma_start3A_2990, %dma_start3A_2997, %dma_start3A_2998] : memref<8x32x128xf32, #tpu.memory_space<vmem>> -> memref<1x32x128xf32, #tpu.memory_space<vmem>>
    %dma_start3A_3000 = tpu.memref_squeeze %dma_start3A_2999 : memref<1x32x128xf32, #tpu.memory_space<vmem>> -> memref<32x128xf32, #tpu.memory_space<vmem>>
    %dma_start3A_3001 = arith.constant 0 : i32
    %dma_start3A_3002 = tpu.memref_slice %arg3[%dma_start3A_3001, %multiple_of3A_2989] : memref<32x1000000xf32, #tpu.memory_space<hbm>> -> memref<32x128xf32, #tpu.memory_space<hbm>>
    tpu.enqueue_dma source(%dma_start3A_3002 : memref<32x128xf32, #tpu.memory_space<hbm>>) target(%dma_start3A_3000 : memref<32x128xf32, #tpu.memory_space<vmem>>) target_semaphore(%arg23 : memref<!tpu.dma_semaphore, #tpu.memory_space<semaphore_mem>>)
    %dma_wait3A_3003 = arith.constant 0 : i32
    %dma_wait3A_3004 = arith.constant 0 : i32
    %dma_wait3A_3005 = arith.constant 0 : i32
    %dma_wait3A_3006 = tpu.memref_slice %arg11[%dma_wait3A_3003, %dma_wait3A_3004, %dma_wait3A_3005] : memref<8x32x128xf32, #tpu.memory_space<vmem>> -> memref<1x32x128xf32, #tpu.memory_space<vmem>>
    %dma_wait3A_3007 = tpu.memref_squeeze %dma_wait3A_3006 : memref<1x32x128xf32, #tpu.memory_space<vmem>> -> memref<32x128xf32, #tpu.memory_space<vmem>>
    %dma_wait3A_3008 = arith.constant 0 : i32
    %dma_wait3A_3009 = tpu.memref_slice %arg3[%dma_wait3A_3008, %multiple_of3A_2499] : memref<32x1000000xf32, #tpu.memory_space<hbm>> -> memref<32x128xf32, #tpu.memory_space<hbm>>
    %dma_wait3A_3010 = arith.constant 0 : i32
    %dma_wait3A_3011 = arith.constant 0 : i32
    %dma_wait3A_3012 = tpu.memref_slice %arg11[%dma_wait3A_3003, %dma_wait3A_3010, %dma_wait3A_3011] : memref<8x32x128xf32, #tpu.memory_space<vmem>> -> memref<1x32x128xf32, #tpu.memory_space<vmem>>
    %dma_wait3A_3013 = tpu.memref_squeeze %dma_wait3A_3012 : memref<1x32x128xf32, #tpu.memory_space<vmem>> -> memref<32x128xf32, #tpu.memory_space<vmem>>
    %dma_wait3A_3014 = arith.constant 0 : i32
    %dma_wait3A_3015 = tpu.memref_slice %arg3[%dma_wait3A_3014, %multiple_of3A_2499] : memref<32x1000000xf32, #tpu.memory_space<hbm>> -> memref<32x128xf32, #tpu.memory_space<hbm>>
    tpu.wait_dma2 semaphore(%arg16 : memref<!tpu.dma_semaphore, #tpu.memory_space<semaphore_mem>>) src(%dma_wait3A_3015 : memref<32x128xf32, #tpu.memory_space<hbm>>) dst(%dma_wait3A_3013 : memref<32x128xf32, #tpu.memory_space<vmem>>)
    %sub3A_3016 = arith.subi %reduce_sum3A_251, %min3A_1014 : i32
    %and3A_3017 = arith.constant 127 : i32
    %and3A_3018 = arith.andi %sub3A_3016, %and3A_3017 : i32
    %broadcast_in_dim3A_3019 = vector.broadcast %and3A_3018 : i32 to vector<16xi32>
    %sub3A_3020 = arith.constant 999936 : i32
    %sub3A_3021 = arith.subi %reduce_sum3A_251, %sub3A_3020 : i32
    %jit3A_3022 = arith.constant 0 : i32
    %jit3A_3023 = arith.constant 63 : i32
    %max3A_3024 = arith.maxsi %jit3A_3022, %sub3A_3021 : i32
    %min3A_3025 = arith.minsi %jit3A_3023, %max3A_3024 : i32
    %broadcast_in_dim3A_3026 = vector.broadcast %min3A_3025 : i32 to vector<16xi32>
    %broadcast_in_dim3A_3027 = arith.constant 24 : i32
    %broadcast_in_dim3A_3028 = vector.broadcast %broadcast_in_dim3A_3027 : i32 to vector<16xi32>
    %gather3A_3029 = arith.constant 0 : i32
    %gather3A_3030 = arith.constant 0 : i32
    %gather3A_3031 = arith.constant 0 : i32
    %gather3A_3032 = tpu.memref_slice %arg11[%gather3A_3029, %gather3A_3030, %gather3A_3031] : memref<8x32x128xf32, #tpu.memory_space<vmem>> -> memref<1x32x128xf32, #tpu.memory_space<vmem>>
    %gather3A_3033 = tpu.memref_squeeze %gather3A_3032 : memref<1x32x128xf32, #tpu.memory_space<vmem>> -> memref<32x128xf32, #tpu.memory_space<vmem>>
    %gather3A_3034 = tpu.vector_load_idx %gather3A_3033[%iota3A, %broadcast_in_dim3A_3019] : memref<32x128xf32, #tpu.memory_space<vmem>>[vector<16xi32>, vector<16xi32>], vector<16xf32>,
    %add3A_3035 = arith.constant 16 : i32
    %add3A_3036 = vector.broadcast %add3A_3035 : i32 to vector<16xi32>
    %add3A_3037 = arith.addi %iota3A, %add3A_3036 : vector<16xi32>
    %gather3A_3038 = arith.constant 0 : i32
    %gather3A_3039 = arith.constant 0 : i32
    %gather3A_3040 = arith.constant 0 : i32
    %gather3A_3041 = tpu.memref_slice %arg11[%gather3A_3038, %gather3A_3039, %gather3A_3040] : memref<8x32x128xf32, #tpu.memory_space<vmem>> -> memref<1x32x128xf32, #tpu.memory_space<vmem>>
    %gather3A_3042 = tpu.memref_squeeze %gather3A_3041 : memref<1x32x128xf32, #tpu.memory_space<vmem>> -> memref<32x128xf32, #tpu.memory_space<vmem>>
    %gather3A_3043 = tpu.vector_load_idx %gather3A_3042[%add3A_3037, %broadcast_in_dim3A_3019] : memref<32x128xf32, #tpu.memory_space<vmem>>[vector<16xi32>, vector<16xi32>], vector<16xf32>,
    %gather3A_3044 = tpu.vector_load_idx %arg10[%iota3A, %broadcast_in_dim3A_3026] : memref<32x64xf32, #tpu.memory_space<vmem>>[vector<16xi32>, vector<16xi32>], vector<16xf32>,
    %add3A_3045 = arith.constant 16 : i32
    %add3A_3046 = vector.broadcast %add3A_3045 : i32 to vector<16xi32>
    %add3A_3047 = arith.addi %iota3A, %add3A_3046 : vector<16xi32>
    %gather3A_3048 = tpu.vector_load_idx %arg10[%add3A_3047, %broadcast_in_dim3A_3026] : memref<32x64xf32, #tpu.memory_space<vmem>>[vector<16xi32>, vector<16xi32>], vector<16xf32>,
    %lt3A_3049 = arith.constant 999936 : i32
    %lt3A_3050 = arith.cmpi slt, %reduce_sum3A_251, %lt3A_3049 : i32
    %select_n3A_3051 = arith.select %lt3A_3050, %gather3A_3034, %gather3A_3044 : vector<16xf32>
    %select_n3A_3052 = arith.select %lt3A_3050, %gather3A_3043, %gather3A_3048 : vector<16xf32>
    tpu.vector_store_idx %arg12[%iota3A, %broadcast_in_dim3A_3028], %select_n3A_3051 : memref<32x32xf32, #tpu.memory_space<vmem>>[vector<16xi32>, vector<16xi32>], vector<16xf32>,
    %add3A_3053 = arith.constant 16 : i32
    %add3A_3054 = vector.broadcast %add3A_3053 : i32 to vector<16xi32>
    %add3A_3055 = arith.addi %iota3A, %add3A_3054 : vector<16xi32>
    tpu.vector_store_idx %arg12[%add3A_3055, %broadcast_in_dim3A_3028], %select_n3A_3052 : memref<32x32xf32, #tpu.memory_space<vmem>>[vector<16xi32>, vector<16xi32>], vector<16xf32>,
    tpu.vector_store_idx %arg13[%broadcast_in_dim3A_3028, %iota3A], %select_n3A_3051 : memref<32x32xf32, #tpu.memory_space<vmem>>[vector<16xi32>, vector<16xi32>], vector<16xf32>,
    %add3A_3056 = arith.constant 16 : i32
    %add3A_3057 = vector.broadcast %add3A_3056 : i32 to vector<16xi32>
    %add3A_3058 = arith.addi %iota3A, %add3A_3057 : vector<16xi32>
    tpu.vector_store_idx %arg13[%broadcast_in_dim3A_3028, %add3A_3058], %select_n3A_3052 : memref<32x32xf32, #tpu.memory_space<vmem>>[vector<16xi32>, vector<16xi32>], vector<16xf32>,
    %dma_wait3A_3059 = arith.constant 1 : i32
    %dma_wait3A_3060 = arith.constant 0 : i32
    %dma_wait3A_3061 = arith.constant 0 : i32
    %dma_wait3A_3062 = tpu.memref_slice %arg11[%dma_wait3A_3059, %dma_wait3A_3060, %dma_wait3A_3061] : memref<8x32x128xf32, #tpu.memory_space<vmem>> -> memref<1x32x128xf32, #tpu.memory_space<vmem>>
    %dma_wait3A_3063 = tpu.memref_squeeze %dma_wait3A_3062 : memref<1x32x128xf32, #tpu.memory_space<vmem>> -> memref<32x128xf32, #tpu.memory_space<vmem>>
    %dma_wait3A_3064 = arith.constant 0 : i32
    %dma_wait3A_3065 = tpu.memref_slice %arg3[%dma_wait3A_3064, %multiple_of3A_2569] : memref<32x1000000xf32, #tpu.memory_space<hbm>> -> memref<32x128xf32, #tpu.memory_space<hbm>>
    %dma_wait3A_3066 = arith.constant 0 : i32
    %dma_wait3A_3067 = arith.constant 0 : i32
    %dma_wait3A_3068 = tpu.memref_slice %arg11[%dma_wait3A_3059, %dma_wait3A_3066, %dma_wait3A_3067] : memref<8x32x128xf32, #tpu.memory_space<vmem>> -> memref<1x32x128xf32, #tpu.memory_space<vmem>>
    %dma_wait3A_3069 = tpu.memref_squeeze %dma_wait3A_3068 : memref<1x32x128xf32, #tpu.memory_space<vmem>> -> memref<32x128xf32, #tpu.memory_space<vmem>>
    %dma_wait3A_3070 = arith.constant 0 : i32
    %dma_wait3A_3071 = tpu.memref_slice %arg3[%dma_wait3A_3070, %multiple_of3A_2569] : memref<32x1000000xf32, #tpu.memory_space<hbm>> -> memref<32x128xf32, #tpu.memory_space<hbm>>
    tpu.wait_dma2 semaphore(%arg17 : memref<!tpu.dma_semaphore, #tpu.memory_space<semaphore_mem>>) src(%dma_wait3A_3071 : memref<32x128xf32, #tpu.memory_space<hbm>>) dst(%dma_wait3A_3069 : memref<32x128xf32, #tpu.memory_space<vmem>>)
    %sub3A_3072 = arith.subi %reduce_sum3A_261, %min3A_1042 : i32
    %and3A_3073 = arith.constant 127 : i32
    %and3A_3074 = arith.andi %sub3A_3072, %and3A_3073 : i32
    %broadcast_in_dim3A_3075 = vector.broadcast %and3A_3074 : i32 to vector<16xi32>
    %sub3A_3076 = arith.constant 999936 : i32
    %sub3A_3077 = arith.subi %reduce_sum3A_261, %sub3A_3076 : i32
    %jit3A_3078 = arith.constant 0 : i32
    %jit3A_3079 = arith.constant 63 : i32
    %max3A_3080 = arith.maxsi %jit3A_3078, %sub3A_3077 : i32
    %min3A_3081 = arith.minsi %jit3A_3079, %max3A_3080 : i32
    %broadcast_in_dim3A_3082 = vector.broadcast %min3A_3081 : i32 to vector<16xi32>
    %broadcast_in_dim3A_3083 = arith.constant 25 : i32
    %broadcast_in_dim3A_3084 = vector.broadcast %broadcast_in_dim3A_3083 : i32 to vector<16xi32>
    %gather3A_3085 = arith.constant 1 : i32
    %gather3A_3086 = arith.constant 0 : i32
    %gather3A_3087 = arith.constant 0 : i32
    %gather3A_3088 = tpu.memref_slice %arg11[%gather3A_3085, %gather3A_3086, %gather3A_3087] : memref<8x32x128xf32, #tpu.memory_space<vmem>> -> memref<1x32x128xf32, #tpu.memory_space<vmem>>
    %gather3A_3089 = tpu.memref_squeeze %gather3A_3088 : memref<1x32x128xf32, #tpu.memory_space<vmem>> -> memref<32x128xf32, #tpu.memory_space<vmem>>
    %gather3A_3090 = tpu.vector_load_idx %gather3A_3089[%iota3A, %broadcast_in_dim3A_3075] : memref<32x128xf32, #tpu.memory_space<vmem>>[vector<16xi32>, vector<16xi32>], vector<16xf32>,
    %add3A_3091 = arith.constant 16 : i32
    %add3A_3092 = vector.broadcast %add3A_3091 : i32 to vector<16xi32>
    %add3A_3093 = arith.addi %iota3A, %add3A_3092 : vector<16xi32>
    %gather3A_3094 = arith.constant 1 : i32
    %gather3A_3095 = arith.constant 0 : i32
    %gather3A_3096 = arith.constant 0 : i32
    %gather3A_3097 = tpu.memref_slice %arg11[%gather3A_3094, %gather3A_3095, %gather3A_3096] : memref<8x32x128xf32, #tpu.memory_space<vmem>> -> memref<1x32x128xf32, #tpu.memory_space<vmem>>
    %gather3A_3098 = tpu.memref_squeeze %gather3A_3097 : memref<1x32x128xf32, #tpu.memory_space<vmem>> -> memref<32x128xf32, #tpu.memory_space<vmem>>
    %gather3A_3099 = tpu.vector_load_idx %gather3A_3098[%add3A_3093, %broadcast_in_dim3A_3075] : memref<32x128xf32, #tpu.memory_space<vmem>>[vector<16xi32>, vector<16xi32>], vector<16xf32>,
    %gather3A_3100 = tpu.vector_load_idx %arg10[%iota3A, %broadcast_in_dim3A_3082] : memref<32x64xf32, #tpu.memory_space<vmem>>[vector<16xi32>, vector<16xi32>], vector<16xf32>,
    %add3A_3101 = arith.constant 16 : i32
    %add3A_3102 = vector.broadcast %add3A_3101 : i32 to vector<16xi32>
    %add3A_3103 = arith.addi %iota3A, %add3A_3102 : vector<16xi32>
    %gather3A_3104 = tpu.vector_load_idx %arg10[%add3A_3103, %broadcast_in_dim3A_3082] : memref<32x64xf32, #tpu.memory_space<vmem>>[vector<16xi32>, vector<16xi32>], vector<16xf32>,
    %lt3A_3105 = arith.constant 999936 : i32
    %lt3A_3106 = arith.cmpi slt, %reduce_sum3A_261, %lt3A_3105 : i32
    %select_n3A_3107 = arith.select %lt3A_3106, %gather3A_3090, %gather3A_3100 : vector<16xf32>
    %select_n3A_3108 = arith.select %lt3A_3106, %gather3A_3099, %gather3A_3104 : vector<16xf32>
    tpu.vector_store_idx %arg12[%iota3A, %broadcast_in_dim3A_3084], %select_n3A_3107 : memref<32x32xf32, #tpu.memory_space<vmem>>[vector<16xi32>, vector<16xi32>], vector<16xf32>,
    %add3A_3109 = arith.constant 16 : i32
    %add3A_3110 = vector.broadcast %add3A_3109 : i32 to vector<16xi32>
    %add3A_3111 = arith.addi %iota3A, %add3A_3110 : vector<16xi32>
    tpu.vector_store_idx %arg12[%add3A_3111, %broadcast_in_dim3A_3084], %select_n3A_3108 : memref<32x32xf32, #tpu.memory_space<vmem>>[vector<16xi32>, vector<16xi32>], vector<16xf32>,
    tpu.vector_store_idx %arg13[%broadcast_in_dim3A_3084, %iota3A], %select_n3A_3107 : memref<32x32xf32, #tpu.memory_space<vmem>>[vector<16xi32>, vector<16xi32>], vector<16xf32>,
    %add3A_3112 = arith.constant 16 : i32
    %add3A_3113 = vector.broadcast %add3A_3112 : i32 to vector<16xi32>
    %add3A_3114 = arith.addi %iota3A, %add3A_3113 : vector<16xi32>
    tpu.vector_store_idx %arg13[%broadcast_in_dim3A_3084, %add3A_3114], %select_n3A_3108 : memref<32x32xf32, #tpu.memory_space<vmem>>[vector<16xi32>, vector<16xi32>], vector<16xf32>,
    %dma_wait3A_3115 = arith.constant 2 : i32
    %dma_wait3A_3116 = arith.constant 0 : i32
    %dma_wait3A_3117 = arith.constant 0 : i32
    %dma_wait3A_3118 = tpu.memref_slice %arg11[%dma_wait3A_3115, %dma_wait3A_3116, %dma_wait3A_3117] : memref<8x32x128xf32, #tpu.memory_space<vmem>> -> memref<1x32x128xf32, #tpu.memory_space<vmem>>
    %dma_wait3A_3119 = tpu.memref_squeeze %dma_wait3A_3118 : memref<1x32x128xf32, #tpu.memory_space<vmem>> -> memref<32x128xf32, #tpu.memory_space<vmem>>
    %dma_wait3A_3120 = arith.constant 0 : i32
    %dma_wait3A_3121 = tpu.memref_slice %arg3[%dma_wait3A_3120, %multiple_of3A_2639] : memref<32x1000000xf32, #tpu.memory_space<hbm>> -> memref<32x128xf32, #tpu.memory_space<hbm>>
    %dma_wait3A_3122 = arith.constant 0 : i32
    %dma_wait3A_3123 = arith.constant 0 : i32
    %dma_wait3A_3124 = tpu.memref_slice %arg11[%dma_wait3A_3115, %dma_wait3A_3122, %dma_wait3A_3123] : memref<8x32x128xf32, #tpu.memory_space<vmem>> -> memref<1x32x128xf32, #tpu.memory_space<vmem>>
    %dma_wait3A_3125 = tpu.memref_squeeze %dma_wait3A_3124 : memref<1x32x128xf32, #tpu.memory_space<vmem>> -> memref<32x128xf32, #tpu.memory_space<vmem>>
    %dma_wait3A_3126 = arith.constant 0 : i32
    %dma_wait3A_3127 = tpu.memref_slice %arg3[%dma_wait3A_3126, %multiple_of3A_2639] : memref<32x1000000xf32, #tpu.memory_space<hbm>> -> memref<32x128xf32, #tpu.memory_space<hbm>>
    tpu.wait_dma2 semaphore(%arg18 : memref<!tpu.dma_semaphore, #tpu.memory_space<semaphore_mem>>) src(%dma_wait3A_3127 : memref<32x128xf32, #tpu.memory_space<hbm>>) dst(%dma_wait3A_3125 : memref<32x128xf32, #tpu.memory_space<vmem>>)
    %sub3A_3128 = arith.subi %reduce_sum3A_271, %min3A_1070 : i32
    %and3A_3129 = arith.constant 127 : i32
    %and3A_3130 = arith.andi %sub3A_3128, %and3A_3129 : i32
    %broadcast_in_dim3A_3131 = vector.broadcast %and3A_3130 : i32 to vector<16xi32>
    %sub3A_3132 = arith.constant 999936 : i32
    %sub3A_3133 = arith.subi %reduce_sum3A_271, %sub3A_3132 : i32
    %jit3A_3134 = arith.constant 0 : i32
    %jit3A_3135 = arith.constant 63 : i32
    %max3A_3136 = arith.maxsi %jit3A_3134, %sub3A_3133 : i32
    %min3A_3137 = arith.minsi %jit3A_3135, %max3A_3136 : i32
    %broadcast_in_dim3A_3138 = vector.broadcast %min3A_3137 : i32 to vector<16xi32>
    %broadcast_in_dim3A_3139 = arith.constant 26 : i32
    %broadcast_in_dim3A_3140 = vector.broadcast %broadcast_in_dim3A_3139 : i32 to vector<16xi32>
    %gather3A_3141 = arith.constant 2 : i32
    %gather3A_3142 = arith.constant 0 : i32
    %gather3A_3143 = arith.constant 0 : i32
    %gather3A_3144 = tpu.memref_slice %arg11[%gather3A_3141, %gather3A_3142, %gather3A_3143] : memref<8x32x128xf32, #tpu.memory_space<vmem>> -> memref<1x32x128xf32, #tpu.memory_space<vmem>>
    %gather3A_3145 = tpu.memref_squeeze %gather3A_3144 : memref<1x32x128xf32, #tpu.memory_space<vmem>> -> memref<32x128xf32, #tpu.memory_space<vmem>>
    %gather3A_3146 = tpu.vector_load_idx %gather3A_3145[%iota3A, %broadcast_in_dim3A_3131] : memref<32x128xf32, #tpu.memory_space<vmem>>[vector<16xi32>, vector<16xi32>], vector<16xf32>,
    %add3A_3147 = arith.constant 16 : i32
    %add3A_3148 = vector.broadcast %add3A_3147 : i32 to vector<16xi32>
    %add3A_3149 = arith.addi %iota3A, %add3A_3148 : vector<16xi32>
    %gather3A_3150 = arith.constant 2 : i32
    %gather3A_3151 = arith.constant 0 : i32
    %gather3A_3152 = arith.constant 0 : i32
    %gather3A_3153 = tpu.memref_slice %arg11[%gather3A_3150, %gather3A_3151, %gather3A_3152] : memref<8x32x128xf32, #tpu.memory_space<vmem>> -> memref<1x32x128xf32, #tpu.memory_space<vmem>>
    %gather3A_3154 = tpu.memref_squeeze %gather3A_3153 : memref<1x32x128xf32, #tpu.memory_space<vmem>> -> memref<32x128xf32, #tpu.memory_space<vmem>>
    %gather3A_3155 = tpu.vector_load_idx %gather3A_3154[%add3A_3149, %broadcast_in_dim3A_3131] : memref<32x128xf32, #tpu.memory_space<vmem>>[vector<16xi32>, vector<16xi32>], vector<16xf32>,
    %gather3A_3156 = tpu.vector_load_idx %arg10[%iota3A, %broadcast_in_dim3A_3138] : memref<32x64xf32, #tpu.memory_space<vmem>>[vector<16xi32>, vector<16xi32>], vector<16xf32>,
    %add3A_3157 = arith.constant 16 : i32
    %add3A_3158 = vector.broadcast %add3A_3157 : i32 to vector<16xi32>
    %add3A_3159 = arith.addi %iota3A, %add3A_3158 : vector<16xi32>
    %gather3A_3160 = tpu.vector_load_idx %arg10[%add3A_3159, %broadcast_in_dim3A_3138] : memref<32x64xf32, #tpu.memory_space<vmem>>[vector<16xi32>, vector<16xi32>], vector<16xf32>,
    %lt3A_3161 = arith.constant 999936 : i32
    %lt3A_3162 = arith.cmpi slt, %reduce_sum3A_271, %lt3A_3161 : i32
    %select_n3A_3163 = arith.select %lt3A_3162, %gather3A_3146, %gather3A_3156 : vector<16xf32>
    %select_n3A_3164 = arith.select %lt3A_3162, %gather3A_3155, %gather3A_3160 : vector<16xf32>
    tpu.vector_store_idx %arg12[%iota3A, %broadcast_in_dim3A_3140], %select_n3A_3163 : memref<32x32xf32, #tpu.memory_space<vmem>>[vector<16xi32>, vector<16xi32>], vector<16xf32>,
    %add3A_3165 = arith.constant 16 : i32
    %add3A_3166 = vector.broadcast %add3A_3165 : i32 to vector<16xi32>
    %add3A_3167 = arith.addi %iota3A, %add3A_3166 : vector<16xi32>
    tpu.vector_store_idx %arg12[%add3A_3167, %broadcast_in_dim3A_3140], %select_n3A_3164 : memref<32x32xf32, #tpu.memory_space<vmem>>[vector<16xi32>, vector<16xi32>], vector<16xf32>,
    tpu.vector_store_idx %arg13[%broadcast_in_dim3A_3140, %iota3A], %select_n3A_3163 : memref<32x32xf32, #tpu.memory_space<vmem>>[vector<16xi32>, vector<16xi32>], vector<16xf32>,
    %add3A_3168 = arith.constant 16 : i32
    %add3A_3169 = vector.broadcast %add3A_3168 : i32 to vector<16xi32>
    %add3A_3170 = arith.addi %iota3A, %add3A_3169 : vector<16xi32>
    tpu.vector_store_idx %arg13[%broadcast_in_dim3A_3140, %add3A_3170], %select_n3A_3164 : memref<32x32xf32, #tpu.memory_space<vmem>>[vector<16xi32>, vector<16xi32>], vector<16xf32>,
    %dma_wait3A_3171 = arith.constant 3 : i32
    %dma_wait3A_3172 = arith.constant 0 : i32
    %dma_wait3A_3173 = arith.constant 0 : i32
    %dma_wait3A_3174 = tpu.memref_slice %arg11[%dma_wait3A_3171, %dma_wait3A_3172, %dma_wait3A_3173] : memref<8x32x128xf32, #tpu.memory_space<vmem>> -> memref<1x32x128xf32, #tpu.memory_space<vmem>>
    %dma_wait3A_3175 = tpu.memref_squeeze %dma_wait3A_3174 : memref<1x32x128xf32, #tpu.memory_space<vmem>> -> memref<32x128xf32, #tpu.memory_space<vmem>>
    %dma_wait3A_3176 = arith.constant 0 : i32
    %dma_wait3A_3177 = tpu.memref_slice %arg3[%dma_wait3A_3176, %multiple_of3A_2709] : memref<32x1000000xf32, #tpu.memory_space<hbm>> -> memref<32x128xf32, #tpu.memory_space<hbm>>
    %dma_wait3A_3178 = arith.constant 0 : i32
    %dma_wait3A_3179 = arith.constant 0 : i32
    %dma_wait3A_3180 = tpu.memref_slice %arg11[%dma_wait3A_3171, %dma_wait3A_3178, %dma_wait3A_3179] : memref<8x32x128xf32, #tpu.memory_space<vmem>> -> memref<1x32x128xf32, #tpu.memory_space<vmem>>
    %dma_wait3A_3181 = tpu.memref_squeeze %dma_wait3A_3180 : memref<1x32x128xf32, #tpu.memory_space<vmem>> -> memref<32x128xf32, #tpu.memory_space<vmem>>
    %dma_wait3A_3182 = arith.constant 0 : i32
    %dma_wait3A_3183 = tpu.memref_slice %arg3[%dma_wait3A_3182, %multiple_of3A_2709] : memref<32x1000000xf32, #tpu.memory_space<hbm>> -> memref<32x128xf32, #tpu.memory_space<hbm>>
    tpu.wait_dma2 semaphore(%arg19 : memref<!tpu.dma_semaphore, #tpu.memory_space<semaphore_mem>>) src(%dma_wait3A_3183 : memref<32x128xf32, #tpu.memory_space<hbm>>) dst(%dma_wait3A_3181 : memref<32x128xf32, #tpu.memory_space<vmem>>)
    %sub3A_3184 = arith.subi %reduce_sum3A_281, %min3A_1098 : i32
    %and3A_3185 = arith.constant 127 : i32
    %and3A_3186 = arith.andi %sub3A_3184, %and3A_3185 : i32
    %broadcast_in_dim3A_3187 = vector.broadcast %and3A_3186 : i32 to vector<16xi32>
    %sub3A_3188 = arith.constant 999936 : i32
    %sub3A_3189 = arith.subi %reduce_sum3A_281, %sub3A_3188 : i32
    %jit3A_3190 = arith.constant 0 : i32
    %jit3A_3191 = arith.constant 63 : i32
    %max3A_3192 = arith.maxsi %jit3A_3190, %sub3A_3189 : i32
    %min3A_3193 = arith.minsi %jit3A_3191, %max3A_3192 : i32
    %broadcast_in_dim3A_3194 = vector.broadcast %min3A_3193 : i32 to vector<16xi32>
    %broadcast_in_dim3A_3195 = arith.constant 27 : i32
    %broadcast_in_dim3A_3196 = vector.broadcast %broadcast_in_dim3A_3195 : i32 to vector<16xi32>
    %gather3A_3197 = arith.constant 3 : i32
    %gather3A_3198 = arith.constant 0 : i32
    %gather3A_3199 = arith.constant 0 : i32
    %gather3A_3200 = tpu.memref_slice %arg11[%gather3A_3197, %gather3A_3198, %gather3A_3199] : memref<8x32x128xf32, #tpu.memory_space<vmem>> -> memref<1x32x128xf32, #tpu.memory_space<vmem>>
    %gather3A_3201 = tpu.memref_squeeze %gather3A_3200 : memref<1x32x128xf32, #tpu.memory_space<vmem>> -> memref<32x128xf32, #tpu.memory_space<vmem>>
    %gather3A_3202 = tpu.vector_load_idx %gather3A_3201[%iota3A, %broadcast_in_dim3A_3187] : memref<32x128xf32, #tpu.memory_space<vmem>>[vector<16xi32>, vector<16xi32>], vector<16xf32>,
    %add3A_3203 = arith.constant 16 : i32
    %add3A_3204 = vector.broadcast %add3A_3203 : i32 to vector<16xi32>
    %add3A_3205 = arith.addi %iota3A, %add3A_3204 : vector<16xi32>
    %gather3A_3206 = arith.constant 3 : i32
    %gather3A_3207 = arith.constant 0 : i32
    %gather3A_3208 = arith.constant 0 : i32
    %gather3A_3209 = tpu.memref_slice %arg11[%gather3A_3206, %gather3A_3207, %gather3A_3208] : memref<8x32x128xf32, #tpu.memory_space<vmem>> -> memref<1x32x128xf32, #tpu.memory_space<vmem>>
    %gather3A_3210 = tpu.memref_squeeze %gather3A_3209 : memref<1x32x128xf32, #tpu.memory_space<vmem>> -> memref<32x128xf32, #tpu.memory_space<vmem>>
    %gather3A_3211 = tpu.vector_load_idx %gather3A_3210[%add3A_3205, %broadcast_in_dim3A_3187] : memref<32x128xf32, #tpu.memory_space<vmem>>[vector<16xi32>, vector<16xi32>], vector<16xf32>,
    %gather3A_3212 = tpu.vector_load_idx %arg10[%iota3A, %broadcast_in_dim3A_3194] : memref<32x64xf32, #tpu.memory_space<vmem>>[vector<16xi32>, vector<16xi32>], vector<16xf32>,
    %add3A_3213 = arith.constant 16 : i32
    %add3A_3214 = vector.broadcast %add3A_3213 : i32 to vector<16xi32>
    %add3A_3215 = arith.addi %iota3A, %add3A_3214 : vector<16xi32>
    %gather3A_3216 = tpu.vector_load_idx %arg10[%add3A_3215, %broadcast_in_dim3A_3194] : memref<32x64xf32, #tpu.memory_space<vmem>>[vector<16xi32>, vector<16xi32>], vector<16xf32>,
    %lt3A_3217 = arith.constant 999936 : i32
    %lt3A_3218 = arith.cmpi slt, %reduce_sum3A_281, %lt3A_3217 : i32
    %select_n3A_3219 = arith.select %lt3A_3218, %gather3A_3202, %gather3A_3212 : vector<16xf32>
    %select_n3A_3220 = arith.select %lt3A_3218, %gather3A_3211, %gather3A_3216 : vector<16xf32>
    tpu.vector_store_idx %arg12[%iota3A, %broadcast_in_dim3A_3196], %select_n3A_3219 : memref<32x32xf32, #tpu.memory_space<vmem>>[vector<16xi32>, vector<16xi32>], vector<16xf32>,
    %add3A_3221 = arith.constant 16 : i32
    %add3A_3222 = vector.broadcast %add3A_3221 : i32 to vector<16xi32>
    %add3A_3223 = arith.addi %iota3A, %add3A_3222 : vector<16xi32>
    tpu.vector_store_idx %arg12[%add3A_3223, %broadcast_in_dim3A_3196], %select_n3A_3220 : memref<32x32xf32, #tpu.memory_space<vmem>>[vector<16xi32>, vector<16xi32>], vector<16xf32>,
    tpu.vector_store_idx %arg13[%broadcast_in_dim3A_3196, %iota3A], %select_n3A_3219 : memref<32x32xf32, #tpu.memory_space<vmem>>[vector<16xi32>, vector<16xi32>], vector<16xf32>,
    %add3A_3224 = arith.constant 16 : i32
    %add3A_3225 = vector.broadcast %add3A_3224 : i32 to vector<16xi32>
    %add3A_3226 = arith.addi %iota3A, %add3A_3225 : vector<16xi32>
    tpu.vector_store_idx %arg13[%broadcast_in_dim3A_3196, %add3A_3226], %select_n3A_3220 : memref<32x32xf32, #tpu.memory_space<vmem>>[vector<16xi32>, vector<16xi32>], vector<16xf32>,
    %dma_wait3A_3227 = arith.constant 4 : i32
    %dma_wait3A_3228 = arith.constant 0 : i32
    %dma_wait3A_3229 = arith.constant 0 : i32
    %dma_wait3A_3230 = tpu.memref_slice %arg11[%dma_wait3A_3227, %dma_wait3A_3228, %dma_wait3A_3229] : memref<8x32x128xf32, #tpu.memory_space<vmem>> -> memref<1x32x128xf32, #tpu.memory_space<vmem>>
    %dma_wait3A_3231 = tpu.memref_squeeze %dma_wait3A_3230 : memref<1x32x128xf32, #tpu.memory_space<vmem>> -> memref<32x128xf32, #tpu.memory_space<vmem>>
    %dma_wait3A_3232 = arith.constant 0 : i32
    %dma_wait3A_3233 = tpu.memref_slice %arg3[%dma_wait3A_3232, %multiple_of3A_2779] : memref<32x1000000xf32, #tpu.memory_space<hbm>> -> memref<32x128xf32, #tpu.memory_space<hbm>>
    %dma_wait3A_3234 = arith.constant 0 : i32
    %dma_wait3A_3235 = arith.constant 0 : i32
    %dma_wait3A_3236 = tpu.memref_slice %arg11[%dma_wait3A_3227, %dma_wait3A_3234, %dma_wait3A_3235] : memref<8x32x128xf32, #tpu.memory_space<vmem>> -> memref<1x32x128xf32, #tpu.memory_space<vmem>>
    %dma_wait3A_3237 = tpu.memref_squeeze %dma_wait3A_3236 : memref<1x32x128xf32, #tpu.memory_space<vmem>> -> memref<32x128xf32, #tpu.memory_space<vmem>>
    %dma_wait3A_3238 = arith.constant 0 : i32
    %dma_wait3A_3239 = tpu.memref_slice %arg3[%dma_wait3A_3238, %multiple_of3A_2779] : memref<32x1000000xf32, #tpu.memory_space<hbm>> -> memref<32x128xf32, #tpu.memory_space<hbm>>
    tpu.wait_dma2 semaphore(%arg20 : memref<!tpu.dma_semaphore, #tpu.memory_space<semaphore_mem>>) src(%dma_wait3A_3239 : memref<32x128xf32, #tpu.memory_space<hbm>>) dst(%dma_wait3A_3237 : memref<32x128xf32, #tpu.memory_space<vmem>>)
    %sub3A_3240 = arith.subi %reduce_sum3A_291, %min3A_1126 : i32
    %and3A_3241 = arith.constant 127 : i32
    %and3A_3242 = arith.andi %sub3A_3240, %and3A_3241 : i32
    %broadcast_in_dim3A_3243 = vector.broadcast %and3A_3242 : i32 to vector<16xi32>
    %sub3A_3244 = arith.constant 999936 : i32
    %sub3A_3245 = arith.subi %reduce_sum3A_291, %sub3A_3244 : i32
    %jit3A_3246 = arith.constant 0 : i32
    %jit3A_3247 = arith.constant 63 : i32
    %max3A_3248 = arith.maxsi %jit3A_3246, %sub3A_3245 : i32
    %min3A_3249 = arith.minsi %jit3A_3247, %max3A_3248 : i32
    %broadcast_in_dim3A_3250 = vector.broadcast %min3A_3249 : i32 to vector<16xi32>
    %broadcast_in_dim3A_3251 = arith.constant 28 : i32
    %broadcast_in_dim3A_3252 = vector.broadcast %broadcast_in_dim3A_3251 : i32 to vector<16xi32>
    %gather3A_3253 = arith.constant 4 : i32
    %gather3A_3254 = arith.constant 0 : i32
    %gather3A_3255 = arith.constant 0 : i32
    %gather3A_3256 = tpu.memref_slice %arg11[%gather3A_3253, %gather3A_3254, %gather3A_3255] : memref<8x32x128xf32, #tpu.memory_space<vmem>> -> memref<1x32x128xf32, #tpu.memory_space<vmem>>
    %gather3A_3257 = tpu.memref_squeeze %gather3A_3256 : memref<1x32x128xf32, #tpu.memory_space<vmem>> -> memref<32x128xf32, #tpu.memory_space<vmem>>
    %gather3A_3258 = tpu.vector_load_idx %gather3A_3257[%iota3A, %broadcast_in_dim3A_3243] : memref<32x128xf32, #tpu.memory_space<vmem>>[vector<16xi32>, vector<16xi32>], vector<16xf32>,
    %add3A_3259 = arith.constant 16 : i32
    %add3A_3260 = vector.broadcast %add3A_3259 : i32 to vector<16xi32>
    %add3A_3261 = arith.addi %iota3A, %add3A_3260 : vector<16xi32>
    %gather3A_3262 = arith.constant 4 : i32
    %gather3A_3263 = arith.constant 0 : i32
    %gather3A_3264 = arith.constant 0 : i32
    %gather3A_3265 = tpu.memref_slice %arg11[%gather3A_3262, %gather3A_3263, %gather3A_3264] : memref<8x32x128xf32, #tpu.memory_space<vmem>> -> memref<1x32x128xf32, #tpu.memory_space<vmem>>
    %gather3A_3266 = tpu.memref_squeeze %gather3A_3265 : memref<1x32x128xf32, #tpu.memory_space<vmem>> -> memref<32x128xf32, #tpu.memory_space<vmem>>
    %gather3A_3267 = tpu.vector_load_idx %gather3A_3266[%add3A_3261, %broadcast_in_dim3A_3243] : memref<32x128xf32, #tpu.memory_space<vmem>>[vector<16xi32>, vector<16xi32>], vector<16xf32>,
    %gather3A_3268 = tpu.vector_load_idx %arg10[%iota3A, %broadcast_in_dim3A_3250] : memref<32x64xf32, #tpu.memory_space<vmem>>[vector<16xi32>, vector<16xi32>], vector<16xf32>,
    %add3A_3269 = arith.constant 16 : i32
    %add3A_3270 = vector.broadcast %add3A_3269 : i32 to vector<16xi32>
    %add3A_3271 = arith.addi %iota3A, %add3A_3270 : vector<16xi32>
    %gather3A_3272 = tpu.vector_load_idx %arg10[%add3A_3271, %broadcast_in_dim3A_3250] : memref<32x64xf32, #tpu.memory_space<vmem>>[vector<16xi32>, vector<16xi32>], vector<16xf32>,
    %lt3A_3273 = arith.constant 999936 : i32
    %lt3A_3274 = arith.cmpi slt, %reduce_sum3A_291, %lt3A_3273 : i32
    %select_n3A_3275 = arith.select %lt3A_3274, %gather3A_3258, %gather3A_3268 : vector<16xf32>
    %select_n3A_3276 = arith.select %lt3A_3274, %gather3A_3267, %gather3A_3272 : vector<16xf32>
    tpu.vector_store_idx %arg12[%iota3A, %broadcast_in_dim3A_3252], %select_n3A_3275 : memref<32x32xf32, #tpu.memory_space<vmem>>[vector<16xi32>, vector<16xi32>], vector<16xf32>,
    %add3A_3277 = arith.constant 16 : i32
    %add3A_3278 = vector.broadcast %add3A_3277 : i32 to vector<16xi32>
    %add3A_3279 = arith.addi %iota3A, %add3A_3278 : vector<16xi32>
    tpu.vector_store_idx %arg12[%add3A_3279, %broadcast_in_dim3A_3252], %select_n3A_3276 : memref<32x32xf32, #tpu.memory_space<vmem>>[vector<16xi32>, vector<16xi32>], vector<16xf32>,
    tpu.vector_store_idx %arg13[%broadcast_in_dim3A_3252, %iota3A], %select_n3A_3275 : memref<32x32xf32, #tpu.memory_space<vmem>>[vector<16xi32>, vector<16xi32>], vector<16xf32>,
    %add3A_3280 = arith.constant 16 : i32
    %add3A_3281 = vector.broadcast %add3A_3280 : i32 to vector<16xi32>
    %add3A_3282 = arith.addi %iota3A, %add3A_3281 : vector<16xi32>
    tpu.vector_store_idx %arg13[%broadcast_in_dim3A_3252, %add3A_3282], %select_n3A_3276 : memref<32x32xf32, #tpu.memory_space<vmem>>[vector<16xi32>, vector<16xi32>], vector<16xf32>,
    %dma_wait3A_3283 = arith.constant 5 : i32
    %dma_wait3A_3284 = arith.constant 0 : i32
    %dma_wait3A_3285 = arith.constant 0 : i32
    %dma_wait3A_3286 = tpu.memref_slice %arg11[%dma_wait3A_3283, %dma_wait3A_3284, %dma_wait3A_3285] : memref<8x32x128xf32, #tpu.memory_space<vmem>> -> memref<1x32x128xf32, #tpu.memory_space<vmem>>
    %dma_wait3A_3287 = tpu.memref_squeeze %dma_wait3A_3286 : memref<1x32x128xf32, #tpu.memory_space<vmem>> -> memref<32x128xf32, #tpu.memory_space<vmem>>
    %dma_wait3A_3288 = arith.constant 0 : i32
    %dma_wait3A_3289 = tpu.memref_slice %arg3[%dma_wait3A_3288, %multiple_of3A_2849] : memref<32x1000000xf32, #tpu.memory_space<hbm>> -> memref<32x128xf32, #tpu.memory_space<hbm>>
    %dma_wait3A_3290 = arith.constant 0 : i32
    %dma_wait3A_3291 = arith.constant 0 : i32
    %dma_wait3A_3292 = tpu.memref_slice %arg11[%dma_wait3A_3283, %dma_wait3A_3290, %dma_wait3A_3291] : memref<8x32x128xf32, #tpu.memory_space<vmem>> -> memref<1x32x128xf32, #tpu.memory_space<vmem>>
    %dma_wait3A_3293 = tpu.memref_squeeze %dma_wait3A_3292 : memref<1x32x128xf32, #tpu.memory_space<vmem>> -> memref<32x128xf32, #tpu.memory_space<vmem>>
    %dma_wait3A_3294 = arith.constant 0 : i32
    %dma_wait3A_3295 = tpu.memref_slice %arg3[%dma_wait3A_3294, %multiple_of3A_2849] : memref<32x1000000xf32, #tpu.memory_space<hbm>> -> memref<32x128xf32, #tpu.memory_space<hbm>>
    tpu.wait_dma2 semaphore(%arg21 : memref<!tpu.dma_semaphore, #tpu.memory_space<semaphore_mem>>) src(%dma_wait3A_3295 : memref<32x128xf32, #tpu.memory_space<hbm>>) dst(%dma_wait3A_3293 : memref<32x128xf32, #tpu.memory_space<vmem>>)
    %sub3A_3296 = arith.subi %reduce_sum3A_301, %min3A_1154 : i32
    %and3A_3297 = arith.constant 127 : i32
    %and3A_3298 = arith.andi %sub3A_3296, %and3A_3297 : i32
    %broadcast_in_dim3A_3299 = vector.broadcast %and3A_3298 : i32 to vector<16xi32>
    %sub3A_3300 = arith.constant 999936 : i32
    %sub3A_3301 = arith.subi %reduce_sum3A_301, %sub3A_3300 : i32
    %jit3A_3302 = arith.constant 0 : i32
    %jit3A_3303 = arith.constant 63 : i32
    %max3A_3304 = arith.maxsi %jit3A_3302, %sub3A_3301 : i32
    %min3A_3305 = arith.minsi %jit3A_3303, %max3A_3304 : i32
    %broadcast_in_dim3A_3306 = vector.broadcast %min3A_3305 : i32 to vector<16xi32>
    %broadcast_in_dim3A_3307 = arith.constant 29 : i32
    %broadcast_in_dim3A_3308 = vector.broadcast %broadcast_in_dim3A_3307 : i32 to vector<16xi32>
    %gather3A_3309 = arith.constant 5 : i32
    %gather3A_3310 = arith.constant 0 : i32
    %gather3A_3311 = arith.constant 0 : i32
    %gather3A_3312 = tpu.memref_slice %arg11[%gather3A_3309, %gather3A_3310, %gather3A_3311] : memref<8x32x128xf32, #tpu.memory_space<vmem>> -> memref<1x32x128xf32, #tpu.memory_space<vmem>>
    %gather3A_3313 = tpu.memref_squeeze %gather3A_3312 : memref<1x32x128xf32, #tpu.memory_space<vmem>> -> memref<32x128xf32, #tpu.memory_space<vmem>>
    %gather3A_3314 = tpu.vector_load_idx %gather3A_3313[%iota3A, %broadcast_in_dim3A_3299] : memref<32x128xf32, #tpu.memory_space<vmem>>[vector<16xi32>, vector<16xi32>], vector<16xf32>,
    %add3A_3315 = arith.constant 16 : i32
    %add3A_3316 = vector.broadcast %add3A_3315 : i32 to vector<16xi32>
    %add3A_3317 = arith.addi %iota3A, %add3A_3316 : vector<16xi32>
    %gather3A_3318 = arith.constant 5 : i32
    %gather3A_3319 = arith.constant 0 : i32
    %gather3A_3320 = arith.constant 0 : i32
    %gather3A_3321 = tpu.memref_slice %arg11[%gather3A_3318, %gather3A_3319, %gather3A_3320] : memref<8x32x128xf32, #tpu.memory_space<vmem>> -> memref<1x32x128xf32, #tpu.memory_space<vmem>>
    %gather3A_3322 = tpu.memref_squeeze %gather3A_3321 : memref<1x32x128xf32, #tpu.memory_space<vmem>> -> memref<32x128xf32, #tpu.memory_space<vmem>>
    %gather3A_3323 = tpu.vector_load_idx %gather3A_3322[%add3A_3317, %broadcast_in_dim3A_3299] : memref<32x128xf32, #tpu.memory_space<vmem>>[vector<16xi32>, vector<16xi32>], vector<16xf32>,
    %gather3A_3324 = tpu.vector_load_idx %arg10[%iota3A, %broadcast_in_dim3A_3306] : memref<32x64xf32, #tpu.memory_space<vmem>>[vector<16xi32>, vector<16xi32>], vector<16xf32>,
    %add3A_3325 = arith.constant 16 : i32
    %add3A_3326 = vector.broadcast %add3A_3325 : i32 to vector<16xi32>
    %add3A_3327 = arith.addi %iota3A, %add3A_3326 : vector<16xi32>
    %gather3A_3328 = tpu.vector_load_idx %arg10[%add3A_3327, %broadcast_in_dim3A_3306] : memref<32x64xf32, #tpu.memory_space<vmem>>[vector<16xi32>, vector<16xi32>], vector<16xf32>,
    %lt3A_3329 = arith.constant 999936 : i32
    %lt3A_3330 = arith.cmpi slt, %reduce_sum3A_301, %lt3A_3329 : i32
    %select_n3A_3331 = arith.select %lt3A_3330, %gather3A_3314, %gather3A_3324 : vector<16xf32>
    %select_n3A_3332 = arith.select %lt3A_3330, %gather3A_3323, %gather3A_3328 : vector<16xf32>
    tpu.vector_store_idx %arg12[%iota3A, %broadcast_in_dim3A_3308], %select_n3A_3331 : memref<32x32xf32, #tpu.memory_space<vmem>>[vector<16xi32>, vector<16xi32>], vector<16xf32>,
    %add3A_3333 = arith.constant 16 : i32
    %add3A_3334 = vector.broadcast %add3A_3333 : i32 to vector<16xi32>
    %add3A_3335 = arith.addi %iota3A, %add3A_3334 : vector<16xi32>
    tpu.vector_store_idx %arg12[%add3A_3335, %broadcast_in_dim3A_3308], %select_n3A_3332 : memref<32x32xf32, #tpu.memory_space<vmem>>[vector<16xi32>, vector<16xi32>], vector<16xf32>,
    tpu.vector_store_idx %arg13[%broadcast_in_dim3A_3308, %iota3A], %select_n3A_3331 : memref<32x32xf32, #tpu.memory_space<vmem>>[vector<16xi32>, vector<16xi32>], vector<16xf32>,
    %add3A_3336 = arith.constant 16 : i32
    %add3A_3337 = vector.broadcast %add3A_3336 : i32 to vector<16xi32>
    %add3A_3338 = arith.addi %iota3A, %add3A_3337 : vector<16xi32>
    tpu.vector_store_idx %arg13[%broadcast_in_dim3A_3308, %add3A_3338], %select_n3A_3332 : memref<32x32xf32, #tpu.memory_space<vmem>>[vector<16xi32>, vector<16xi32>], vector<16xf32>,
    %dma_wait3A_3339 = arith.constant 6 : i32
    %dma_wait3A_3340 = arith.constant 0 : i32
    %dma_wait3A_3341 = arith.constant 0 : i32
    %dma_wait3A_3342 = tpu.memref_slice %arg11[%dma_wait3A_3339, %dma_wait3A_3340, %dma_wait3A_3341] : memref<8x32x128xf32, #tpu.memory_space<vmem>> -> memref<1x32x128xf32, #tpu.memory_space<vmem>>
    %dma_wait3A_3343 = tpu.memref_squeeze %dma_wait3A_3342 : memref<1x32x128xf32, #tpu.memory_space<vmem>> -> memref<32x128xf32, #tpu.memory_space<vmem>>
    %dma_wait3A_3344 = arith.constant 0 : i32
    %dma_wait3A_3345 = tpu.memref_slice %arg3[%dma_wait3A_3344, %multiple_of3A_2919] : memref<32x1000000xf32, #tpu.memory_space<hbm>> -> memref<32x128xf32, #tpu.memory_space<hbm>>
    %dma_wait3A_3346 = arith.constant 0 : i32
    %dma_wait3A_3347 = arith.constant 0 : i32
    %dma_wait3A_3348 = tpu.memref_slice %arg11[%dma_wait3A_3339, %dma_wait3A_3346, %dma_wait3A_3347] : memref<8x32x128xf32, #tpu.memory_space<vmem>> -> memref<1x32x128xf32, #tpu.memory_space<vmem>>
    %dma_wait3A_3349 = tpu.memref_squeeze %dma_wait3A_3348 : memref<1x32x128xf32, #tpu.memory_space<vmem>> -> memref<32x128xf32, #tpu.memory_space<vmem>>
    %dma_wait3A_3350 = arith.constant 0 : i32
    %dma_wait3A_3351 = tpu.memref_slice %arg3[%dma_wait3A_3350, %multiple_of3A_2919] : memref<32x1000000xf32, #tpu.memory_space<hbm>> -> memref<32x128xf32, #tpu.memory_space<hbm>>
    tpu.wait_dma2 semaphore(%arg22 : memref<!tpu.dma_semaphore, #tpu.memory_space<semaphore_mem>>) src(%dma_wait3A_3351 : memref<32x128xf32, #tpu.memory_space<hbm>>) dst(%dma_wait3A_3349 : memref<32x128xf32, #tpu.memory_space<vmem>>)
    %sub3A_3352 = arith.subi %reduce_sum3A_311, %min3A_1182 : i32
    %and3A_3353 = arith.constant 127 : i32
    %and3A_3354 = arith.andi %sub3A_3352, %and3A_3353 : i32
    %broadcast_in_dim3A_3355 = vector.broadcast %and3A_3354 : i32 to vector<16xi32>
    %sub3A_3356 = arith.constant 999936 : i32
    %sub3A_3357 = arith.subi %reduce_sum3A_311, %sub3A_3356 : i32
    %jit3A_3358 = arith.constant 0 : i32
    %jit3A_3359 = arith.constant 63 : i32
    %max3A_3360 = arith.maxsi %jit3A_3358, %sub3A_3357 : i32
    %min3A_3361 = arith.minsi %jit3A_3359, %max3A_3360 : i32
    %broadcast_in_dim3A_3362 = vector.broadcast %min3A_3361 : i32 to vector<16xi32>
    %broadcast_in_dim3A_3363 = arith.constant 30 : i32
    %broadcast_in_dim3A_3364 = vector.broadcast %broadcast_in_dim3A_3363 : i32 to vector<16xi32>
    %gather3A_3365 = arith.constant 6 : i32
    %gather3A_3366 = arith.constant 0 : i32
    %gather3A_3367 = arith.constant 0 : i32
    %gather3A_3368 = tpu.memref_slice %arg11[%gather3A_3365, %gather3A_3366, %gather3A_3367] : memref<8x32x128xf32, #tpu.memory_space<vmem>> -> memref<1x32x128xf32, #tpu.memory_space<vmem>>
    %gather3A_3369 = tpu.memref_squeeze %gather3A_3368 : memref<1x32x128xf32, #tpu.memory_space<vmem>> -> memref<32x128xf32, #tpu.memory_space<vmem>>
    %gather3A_3370 = tpu.vector_load_idx %gather3A_3369[%iota3A, %broadcast_in_dim3A_3355] : memref<32x128xf32, #tpu.memory_space<vmem>>[vector<16xi32>, vector<16xi32>], vector<16xf32>,
    %add3A_3371 = arith.constant 16 : i32
    %add3A_3372 = vector.broadcast %add3A_3371 : i32 to vector<16xi32>
    %add3A_3373 = arith.addi %iota3A, %add3A_3372 : vector<16xi32>
    %gather3A_3374 = arith.constant 6 : i32
    %gather3A_3375 = arith.constant 0 : i32
    %gather3A_3376 = arith.constant 0 : i32
    %gather3A_3377 = tpu.memref_slice %arg11[%gather3A_3374, %gather3A_3375, %gather3A_3376] : memref<8x32x128xf32, #tpu.memory_space<vmem>> -> memref<1x32x128xf32, #tpu.memory_space<vmem>>
    %gather3A_3378 = tpu.memref_squeeze %gather3A_3377 : memref<1x32x128xf32, #tpu.memory_space<vmem>> -> memref<32x128xf32, #tpu.memory_space<vmem>>
    %gather3A_3379 = tpu.vector_load_idx %gather3A_3378[%add3A_3373, %broadcast_in_dim3A_3355] : memref<32x128xf32, #tpu.memory_space<vmem>>[vector<16xi32>, vector<16xi32>], vector<16xf32>,
    %gather3A_3380 = tpu.vector_load_idx %arg10[%iota3A, %broadcast_in_dim3A_3362] : memref<32x64xf32, #tpu.memory_space<vmem>>[vector<16xi32>, vector<16xi32>], vector<16xf32>,
    %add3A_3381 = arith.constant 16 : i32
    %add3A_3382 = vector.broadcast %add3A_3381 : i32 to vector<16xi32>
    %add3A_3383 = arith.addi %iota3A, %add3A_3382 : vector<16xi32>
    %gather3A_3384 = tpu.vector_load_idx %arg10[%add3A_3383, %broadcast_in_dim3A_3362] : memref<32x64xf32, #tpu.memory_space<vmem>>[vector<16xi32>, vector<16xi32>], vector<16xf32>,
    %lt3A_3385 = arith.constant 999936 : i32
    %lt3A_3386 = arith.cmpi slt, %reduce_sum3A_311, %lt3A_3385 : i32
    %select_n3A_3387 = arith.select %lt3A_3386, %gather3A_3370, %gather3A_3380 : vector<16xf32>
    %select_n3A_3388 = arith.select %lt3A_3386, %gather3A_3379, %gather3A_3384 : vector<16xf32>
    tpu.vector_store_idx %arg12[%iota3A, %broadcast_in_dim3A_3364], %select_n3A_3387 : memref<32x32xf32, #tpu.memory_space<vmem>>[vector<16xi32>, vector<16xi32>], vector<16xf32>,
    %add3A_3389 = arith.constant 16 : i32
    %add3A_3390 = vector.broadcast %add3A_3389 : i32 to vector<16xi32>
    %add3A_3391 = arith.addi %iota3A, %add3A_3390 : vector<16xi32>
    tpu.vector_store_idx %arg12[%add3A_3391, %broadcast_in_dim3A_3364], %select_n3A_3388 : memref<32x32xf32, #tpu.memory_space<vmem>>[vector<16xi32>, vector<16xi32>], vector<16xf32>,
    tpu.vector_store_idx %arg13[%broadcast_in_dim3A_3364, %iota3A], %select_n3A_3387 : memref<32x32xf32, #tpu.memory_space<vmem>>[vector<16xi32>, vector<16xi32>], vector<16xf32>,
    %add3A_3392 = arith.constant 16 : i32
    %add3A_3393 = vector.broadcast %add3A_3392 : i32 to vector<16xi32>
    %add3A_3394 = arith.addi %iota3A, %add3A_3393 : vector<16xi32>
    tpu.vector_store_idx %arg13[%broadcast_in_dim3A_3364, %add3A_3394], %select_n3A_3388 : memref<32x32xf32, #tpu.memory_space<vmem>>[vector<16xi32>, vector<16xi32>], vector<16xf32>,
    %dma_wait3A_3395 = arith.constant 7 : i32
    %dma_wait3A_3396 = arith.constant 0 : i32
    %dma_wait3A_3397 = arith.constant 0 : i32
    %dma_wait3A_3398 = tpu.memref_slice %arg11[%dma_wait3A_3395, %dma_wait3A_3396, %dma_wait3A_3397] : memref<8x32x128xf32, #tpu.memory_space<vmem>> -> memref<1x32x128xf32, #tpu.memory_space<vmem>>
    %dma_wait3A_3399 = tpu.memref_squeeze %dma_wait3A_3398 : memref<1x32x128xf32, #tpu.memory_space<vmem>> -> memref<32x128xf32, #tpu.memory_space<vmem>>
    %dma_wait3A_3400 = arith.constant 0 : i32
    %dma_wait3A_3401 = tpu.memref_slice %arg3[%dma_wait3A_3400, %multiple_of3A_2989] : memref<32x1000000xf32, #tpu.memory_space<hbm>> -> memref<32x128xf32, #tpu.memory_space<hbm>>
    %dma_wait3A_3402 = arith.constant 0 : i32
    %dma_wait3A_3403 = arith.constant 0 : i32
    %dma_wait3A_3404 = tpu.memref_slice %arg11[%dma_wait3A_3395, %dma_wait3A_3402, %dma_wait3A_3403] : memref<8x32x128xf32, #tpu.memory_space<vmem>> -> memref<1x32x128xf32, #tpu.memory_space<vmem>>
    %dma_wait3A_3405 = tpu.memref_squeeze %dma_wait3A_3404 : memref<1x32x128xf32, #tpu.memory_space<vmem>> -> memref<32x128xf32, #tpu.memory_space<vmem>>
    %dma_wait3A_3406 = arith.constant 0 : i32
    %dma_wait3A_3407 = tpu.memref_slice %arg3[%dma_wait3A_3406, %multiple_of3A_2989] : memref<32x1000000xf32, #tpu.memory_space<hbm>> -> memref<32x128xf32, #tpu.memory_space<hbm>>
    tpu.wait_dma2 semaphore(%arg23 : memref<!tpu.dma_semaphore, #tpu.memory_space<semaphore_mem>>) src(%dma_wait3A_3407 : memref<32x128xf32, #tpu.memory_space<hbm>>) dst(%dma_wait3A_3405 : memref<32x128xf32, #tpu.memory_space<vmem>>)
    %sub3A_3408 = arith.subi %reduce_sum3A_321, %min3A_1210 : i32
    %and3A_3409 = arith.constant 127 : i32
    %and3A_3410 = arith.andi %sub3A_3408, %and3A_3409 : i32
    %broadcast_in_dim3A_3411 = vector.broadcast %and3A_3410 : i32 to vector<16xi32>
    %sub3A_3412 = arith.constant 999936 : i32
    %sub3A_3413 = arith.subi %reduce_sum3A_321, %sub3A_3412 : i32
    %jit3A_3414 = arith.constant 0 : i32
    %jit3A_3415 = arith.constant 63 : i32
    %max3A_3416 = arith.maxsi %jit3A_3414, %sub3A_3413 : i32
    %min3A_3417 = arith.minsi %jit3A_3415, %max3A_3416 : i32
    %broadcast_in_dim3A_3418 = vector.broadcast %min3A_3417 : i32 to vector<16xi32>
    %broadcast_in_dim3A_3419 = arith.constant 31 : i32
    %broadcast_in_dim3A_3420 = vector.broadcast %broadcast_in_dim3A_3419 : i32 to vector<16xi32>
    %gather3A_3421 = arith.constant 7 : i32
    %gather3A_3422 = arith.constant 0 : i32
    %gather3A_3423 = arith.constant 0 : i32
    %gather3A_3424 = tpu.memref_slice %arg11[%gather3A_3421, %gather3A_3422, %gather3A_3423] : memref<8x32x128xf32, #tpu.memory_space<vmem>> -> memref<1x32x128xf32, #tpu.memory_space<vmem>>
    %gather3A_3425 = tpu.memref_squeeze %gather3A_3424 : memref<1x32x128xf32, #tpu.memory_space<vmem>> -> memref<32x128xf32, #tpu.memory_space<vmem>>
    %gather3A_3426 = tpu.vector_load_idx %gather3A_3425[%iota3A, %broadcast_in_dim3A_3411] : memref<32x128xf32, #tpu.memory_space<vmem>>[vector<16xi32>, vector<16xi32>], vector<16xf32>,
    %add3A_3427 = arith.constant 16 : i32
    %add3A_3428 = vector.broadcast %add3A_3427 : i32 to vector<16xi32>
    %add3A_3429 = arith.addi %iota3A, %add3A_3428 : vector<16xi32>
    %gather3A_3430 = arith.constant 7 : i32
    %gather3A_3431 = arith.constant 0 : i32
    %gather3A_3432 = arith.constant 0 : i32
    %gather3A_3433 = tpu.memref_slice %arg11[%gather3A_3430, %gather3A_3431, %gather3A_3432] : memref<8x32x128xf32, #tpu.memory_space<vmem>> -> memref<1x32x128xf32, #tpu.memory_space<vmem>>
    %gather3A_3434 = tpu.memref_squeeze %gather3A_3433 : memref<1x32x128xf32, #tpu.memory_space<vmem>> -> memref<32x128xf32, #tpu.memory_space<vmem>>
    %gather3A_3435 = tpu.vector_load_idx %gather3A_3434[%add3A_3429, %broadcast_in_dim3A_3411] : memref<32x128xf32, #tpu.memory_space<vmem>>[vector<16xi32>, vector<16xi32>], vector<16xf32>,
    %gather3A_3436 = tpu.vector_load_idx %arg10[%iota3A, %broadcast_in_dim3A_3418] : memref<32x64xf32, #tpu.memory_space<vmem>>[vector<16xi32>, vector<16xi32>], vector<16xf32>,
    %add3A_3437 = arith.constant 16 : i32
    %add3A_3438 = vector.broadcast %add3A_3437 : i32 to vector<16xi32>
    %add3A_3439 = arith.addi %iota3A, %add3A_3438 : vector<16xi32>
    %gather3A_3440 = tpu.vector_load_idx %arg10[%add3A_3439, %broadcast_in_dim3A_3418] : memref<32x64xf32, #tpu.memory_space<vmem>>[vector<16xi32>, vector<16xi32>], vector<16xf32>,
    %lt3A_3441 = arith.constant 999936 : i32
    %lt3A_3442 = arith.cmpi slt, %reduce_sum3A_321, %lt3A_3441 : i32
    %select_n3A_3443 = arith.select %lt3A_3442, %gather3A_3426, %gather3A_3436 : vector<16xf32>
    %select_n3A_3444 = arith.select %lt3A_3442, %gather3A_3435, %gather3A_3440 : vector<16xf32>
    tpu.vector_store_idx %arg12[%iota3A, %broadcast_in_dim3A_3420], %select_n3A_3443 : memref<32x32xf32, #tpu.memory_space<vmem>>[vector<16xi32>, vector<16xi32>], vector<16xf32>,
    %add3A_3445 = arith.constant 16 : i32
    %add3A_3446 = vector.broadcast %add3A_3445 : i32 to vector<16xi32>
    %add3A_3447 = arith.addi %iota3A, %add3A_3446 : vector<16xi32>
    tpu.vector_store_idx %arg12[%add3A_3447, %broadcast_in_dim3A_3420], %select_n3A_3444 : memref<32x32xf32, #tpu.memory_space<vmem>>[vector<16xi32>, vector<16xi32>], vector<16xf32>,
    tpu.vector_store_idx %arg13[%broadcast_in_dim3A_3420, %iota3A], %select_n3A_3443 : memref<32x32xf32, #tpu.memory_space<vmem>>[vector<16xi32>, vector<16xi32>], vector<16xf32>,
    %add3A_3448 = arith.constant 16 : i32
    %add3A_3449 = vector.broadcast %add3A_3448 : i32 to vector<16xi32>
    %add3A_3450 = arith.addi %iota3A, %add3A_3449 : vector<16xi32>
    tpu.vector_store_idx %arg13[%broadcast_in_dim3A_3420, %add3A_3450], %select_n3A_3444 : memref<32x32xf32, #tpu.memory_space<vmem>>[vector<16xi32>, vector<16xi32>], vector<16xf32>,
    "tpu.region"() ({
      %run_scoped3A = tpu.sem_alloc : memref<!tpu.dma_semaphore, #tpu.memory_space<semaphore_mem>>
      %dma_start3A_3454 = arith.constant 0 : i32
      %dma_start3A_3455 = arith.constant 0 : i32
      %dma_start3A_3456 = tpu.memref_slice %arg6[%add3A, %dma_start3A_3454, %dma_start3A_3455] : memref<32x32x32xf32, #tpu.memory_space<hbm>> -> memref<1x32x32xf32, #tpu.memory_space<hbm>>
      %dma_start3A_3457 = tpu.memref_squeeze %dma_start3A_3456 : memref<1x32x32xf32, #tpu.memory_space<hbm>> -> memref<32x32xf32, #tpu.memory_space<hbm>>
      %dma_start3A_3458 = arith.constant 0 : i32
      %dma_start3A_3459 = arith.constant 0 : i32
      %dma_start3A_3460 = tpu.memref_slice %arg6[%add3A, %dma_start3A_3458, %dma_start3A_3459] : memref<32x32x32xf32, #tpu.memory_space<hbm>> -> memref<1x32x32xf32, #tpu.memory_space<hbm>>
      %dma_start3A_3461 = tpu.memref_squeeze %dma_start3A_3460 : memref<1x32x32xf32, #tpu.memory_space<hbm>> -> memref<32x32xf32, #tpu.memory_space<hbm>>
      tpu.enqueue_dma source(%arg12 : memref<32x32xf32, #tpu.memory_space<vmem>>) target(%dma_start3A_3461 : memref<32x32xf32, #tpu.memory_space<hbm>>) target_semaphore(%run_scoped3A : memref<!tpu.dma_semaphore, #tpu.memory_space<semaphore_mem>>)
      %dma_wait3A_3462 = arith.constant 0 : i32
      %dma_wait3A_3463 = arith.constant 0 : i32
      %dma_wait3A_3464 = tpu.memref_slice %arg6[%add3A, %dma_wait3A_3462, %dma_wait3A_3463] : memref<32x32x32xf32, #tpu.memory_space<hbm>> -> memref<1x32x32xf32, #tpu.memory_space<hbm>>
      %dma_wait3A_3465 = tpu.memref_squeeze %dma_wait3A_3464 : memref<1x32x32xf32, #tpu.memory_space<hbm>> -> memref<32x32xf32, #tpu.memory_space<hbm>>
      %dma_wait3A_3466 = arith.constant 0 : i32
      %dma_wait3A_3467 = arith.constant 0 : i32
      %dma_wait3A_3468 = tpu.memref_slice %arg6[%add3A, %dma_wait3A_3466, %dma_wait3A_3467] : memref<32x32x32xf32, #tpu.memory_space<hbm>> -> memref<1x32x32xf32, #tpu.memory_space<hbm>>
      %dma_wait3A_3469 = tpu.memref_squeeze %dma_wait3A_3468 : memref<1x32x32xf32, #tpu.memory_space<hbm>> -> memref<32x32xf32, #tpu.memory_space<hbm>>
      tpu.wait_dma2 semaphore(%run_scoped3A : memref<!tpu.dma_semaphore, #tpu.memory_space<semaphore_mem>>) src(%arg12 : memref<32x32xf32, #tpu.memory_space<vmem>>) dst(%dma_wait3A_3469 : memref<32x32xf32, #tpu.memory_space<hbm>>)
      tpu.yield
    }) : () -> ()
    "tpu.region"() ({
      %run_scoped3A = tpu.sem_alloc : memref<!tpu.dma_semaphore, #tpu.memory_space<semaphore_mem>>
      %dma_start3A_3454 = arith.constant 0 : i32
      %dma_start3A_3455 = tpu.memref_slice %arg7[%mul3A_2, %dma_start3A_3454] : memref<1024x32xf32, #tpu.memory_space<hbm>> -> memref<32x32xf32, #tpu.memory_space<hbm>>
      %dma_start3A_3456 = arith.constant 0 : i32
      %dma_start3A_3457 = tpu.memref_slice %arg7[%mul3A_2, %dma_start3A_3456] : memref<1024x32xf32, #tpu.memory_space<hbm>> -> memref<32x32xf32, #tpu.memory_space<hbm>>
      tpu.enqueue_dma source(%arg13 : memref<32x32xf32, #tpu.memory_space<vmem>>) target(%dma_start3A_3457 : memref<32x32xf32, #tpu.memory_space<hbm>>) target_semaphore(%run_scoped3A : memref<!tpu.dma_semaphore, #tpu.memory_space<semaphore_mem>>)
      %dma_wait3A_3458 = arith.constant 0 : i32
      %dma_wait3A_3459 = tpu.memref_slice %arg7[%mul3A_2, %dma_wait3A_3458] : memref<1024x32xf32, #tpu.memory_space<hbm>> -> memref<32x32xf32, #tpu.memory_space<hbm>>
      %dma_wait3A_3460 = arith.constant 0 : i32
      %dma_wait3A_3461 = tpu.memref_slice %arg7[%mul3A_2, %dma_wait3A_3460] : memref<1024x32xf32, #tpu.memory_space<hbm>> -> memref<32x32xf32, #tpu.memory_space<hbm>>
      tpu.wait_dma2 semaphore(%run_scoped3A : memref<!tpu.dma_semaphore, #tpu.memory_space<semaphore_mem>>) src(%arg13 : memref<32x32xf32, #tpu.memory_space<vmem>>) dst(%dma_wait3A_3461 : memref<32x32xf32, #tpu.memory_space<hbm>>)
      tpu.yield
    }) : () -> ()
    %dma_wait3A_3451 = arith.constant 0 : i32
    %dma_wait3A_3452 = arith.constant 0 : i32
    %dma_wait3A_3453 = tpu.memref_slice %arg5[%dma_wait3A_3451, %dma_wait3A_3452] : memref<10000x128xf32, #tpu.memory_space<hbm>> -> memref<10000x128xf32, #tpu.memory_space<hbm>>
    tpu.wait_indirect_dma semaphore(%arg25 : memref<!tpu.dma_semaphore, #tpu.memory_space<semaphore_mem>>) src(%dma_wait3A_3453 : memref<10000x128xf32, #tpu.memory_space<hbm>>) dst(%arg15 : memref<32x128xf32, #tpu.memory_space<vmem>>)
    "tpu.region"() ({
      %run_scoped3A = tpu.sem_alloc : memref<!tpu.dma_semaphore, #tpu.memory_space<semaphore_mem>>
      %dma_start3A_3454 = arith.constant 0 : i32
      %dma_start3A_3455 = tpu.memref_slice %arg8[%mul3A_2, %dma_start3A_3454] : memref<1024x128xf32, #tpu.memory_space<hbm>> -> memref<32x128xf32, #tpu.memory_space<hbm>>
      %dma_start3A_3456 = arith.constant 0 : i32
      %dma_start3A_3457 = tpu.memref_slice %arg8[%mul3A_2, %dma_start3A_3456] : memref<1024x128xf32, #tpu.memory_space<hbm>> -> memref<32x128xf32, #tpu.memory_space<hbm>>
      tpu.enqueue_dma source(%arg15 : memref<32x128xf32, #tpu.memory_space<vmem>>) target(%dma_start3A_3457 : memref<32x128xf32, #tpu.memory_space<hbm>>) target_semaphore(%run_scoped3A : memref<!tpu.dma_semaphore, #tpu.memory_space<semaphore_mem>>)
      %dma_wait3A_3458 = arith.constant 0 : i32
      %dma_wait3A_3459 = tpu.memref_slice %arg8[%mul3A_2, %dma_wait3A_3458] : memref<1024x128xf32, #tpu.memory_space<hbm>> -> memref<32x128xf32, #tpu.memory_space<hbm>>
      %dma_wait3A_3460 = arith.constant 0 : i32
      %dma_wait3A_3461 = tpu.memref_slice %arg8[%mul3A_2, %dma_wait3A_3460] : memref<1024x128xf32, #tpu.memory_space<hbm>> -> memref<32x128xf32, #tpu.memory_space<hbm>>
      tpu.wait_dma2 semaphore(%run_scoped3A : memref<!tpu.dma_semaphore, #tpu.memory_space<semaphore_mem>>) src(%arg15 : memref<32x128xf32, #tpu.memory_space<vmem>>) dst(%dma_wait3A_3461 : memref<32x128xf32, #tpu.memory_space<hbm>>)
      tpu.yield
    }) : () -> ()
    return
  }
}

module attributes {stable_mosaic.version = 14 : i64} {
  func.func @_tc_dist_body(%arg0: i32, %arg1: memref<512x32xf32, #tpu.memory_space<vmem>>, %arg2: memref<32x32x32xf32, #tpu.memory_space<vmem>>, %arg3: memref<512x128xf32, #tpu.memory_space<vmem>>, %arg4: memref<1x1xf32, #tpu.memory_space<smem>>, %arg5: memref<512x1024xf32, #tpu.memory_space<vmem>>, %arg6: memref<512x1024xf32, #tpu.memory_space<vmem>>, %arg7: memref<32x1024xf32, #tpu.memory_space<vmem>>) attributes {dimension_semantics = [#tpu.dimension_semantics<arbitrary>], iteration_bounds = array<i64: 2>, scalar_prefetch = 0 : i64, scratch_operands = 1 : i64, tpu.core_type = #tpu.core_type<tc>, window_params = [{transform_indices = @transform_0, window_bounds = array<i64: 512, 32>}, {pipeline_mode = #tpu.pipeline_mode<synchronous>, transform_indices = @transform_1, window_bounds = array<i64: 32, 32, 32>}, {transform_indices = @transform_2, window_bounds = array<i64: 512, 128>}, {transform_indices = @transform_3, window_bounds = array<i64: 1, 1>}, {transform_indices = @transform_4, window_bounds = array<i64: 512, 1024>}, {transform_indices = @transform_5, window_bounds = array<i64: 512, 1024>}]} {
    %eq3A = arith.constant 0 : i32
    %eq3A_0 = arith.cmpi eq, %arg0, %eq3A : i32
    %convert_element_type3A = arith.extui %eq3A_0 : i1 to i32
    %cond3A = arith.constant 0 : i32
    %cond3A_1 = arith.cmpi ne, %convert_element_type3A, %cond3A : i32
    scf.if %cond3A_1 {
      %get3A_360 = arith.constant 0 : index
      %get3A_361 = arith.constant 0 : index
      %get3A_362 = arith.constant 0 : index
      %get3A_363 = vector.load %arg2[%get3A_360, %get3A_361, %get3A_362] : memref<32x32x32xf32, #tpu.memory_space<vmem>>, vector<1x32x32xf32>
      %get3A_364 = vector.shape_cast %get3A_363 : vector<1x32x32xf32> to vector<32x32xf32>
      %swap3A_365 = arith.constant 0 : index
      %swap3A_366 = arith.constant 0 : index
      %swap3A_367 = vector.load %arg7[%swap3A_365, %swap3A_366] : memref<32x1024xf32, #tpu.memory_space<vmem>>, vector<32x32xf32>
      tpu.vector_store %arg7[%swap3A_365, %swap3A_366], %get3A_364 {strides = array<i32>} : memref<32x1024xf32, #tpu.memory_space<vmem>>, vector<32x32xf32>,
      %get3A_368 = arith.constant 1 : index
      %get3A_369 = arith.constant 0 : index
      %get3A_370 = arith.constant 0 : index
      %get3A_371 = vector.load %arg2[%get3A_368, %get3A_369, %get3A_370] : memref<32x32x32xf32, #tpu.memory_space<vmem>>, vector<1x32x32xf32>
      %get3A_372 = vector.shape_cast %get3A_371 : vector<1x32x32xf32> to vector<32x32xf32>
      %swap3A_373 = arith.constant 0 : index
      %swap3A_374 = arith.constant 32 : index
      %swap3A_375 = vector.load %arg7[%swap3A_373, %swap3A_374] : memref<32x1024xf32, #tpu.memory_space<vmem>>, vector<32x32xf32>
      tpu.vector_store %arg7[%swap3A_373, %swap3A_374], %get3A_372 {strides = array<i32>} : memref<32x1024xf32, #tpu.memory_space<vmem>>, vector<32x32xf32>,
      %get3A_376 = arith.constant 2 : index
      %get3A_377 = arith.constant 0 : index
      %get3A_378 = arith.constant 0 : index
      %get3A_379 = vector.load %arg2[%get3A_376, %get3A_377, %get3A_378] : memref<32x32x32xf32, #tpu.memory_space<vmem>>, vector<1x32x32xf32>
      %get3A_380 = vector.shape_cast %get3A_379 : vector<1x32x32xf32> to vector<32x32xf32>
      %swap3A_381 = arith.constant 0 : index
      %swap3A_382 = arith.constant 64 : index
      %swap3A_383 = vector.load %arg7[%swap3A_381, %swap3A_382] : memref<32x1024xf32, #tpu.memory_space<vmem>>, vector<32x32xf32>
      tpu.vector_store %arg7[%swap3A_381, %swap3A_382], %get3A_380 {strides = array<i32>} : memref<32x1024xf32, #tpu.memory_space<vmem>>, vector<32x32xf32>,
      %get3A_384 = arith.constant 3 : index
      %get3A_385 = arith.constant 0 : index
      %get3A_386 = arith.constant 0 : index
      %get3A_387 = vector.load %arg2[%get3A_384, %get3A_385, %get3A_386] : memref<32x32x32xf32, #tpu.memory_space<vmem>>, vector<1x32x32xf32>
      %get3A_388 = vector.shape_cast %get3A_387 : vector<1x32x32xf32> to vector<32x32xf32>
      %swap3A_389 = arith.constant 0 : index
      %swap3A_390 = arith.constant 96 : index
      %swap3A_391 = vector.load %arg7[%swap3A_389, %swap3A_390] : memref<32x1024xf32, #tpu.memory_space<vmem>>, vector<32x32xf32>
      tpu.vector_store %arg7[%swap3A_389, %swap3A_390], %get3A_388 {strides = array<i32>} : memref<32x1024xf32, #tpu.memory_space<vmem>>, vector<32x32xf32>,
      %get3A_392 = arith.constant 4 : index
      %get3A_393 = arith.constant 0 : index
      %get3A_394 = arith.constant 0 : index
      %get3A_395 = vector.load %arg2[%get3A_392, %get3A_393, %get3A_394] : memref<32x32x32xf32, #tpu.memory_space<vmem>>, vector<1x32x32xf32>
      %get3A_396 = vector.shape_cast %get3A_395 : vector<1x32x32xf32> to vector<32x32xf32>
      %swap3A_397 = arith.constant 0 : index
      %swap3A_398 = arith.constant 128 : index
      %swap3A_399 = vector.load %arg7[%swap3A_397, %swap3A_398] : memref<32x1024xf32, #tpu.memory_space<vmem>>, vector<32x32xf32>
      tpu.vector_store %arg7[%swap3A_397, %swap3A_398], %get3A_396 {strides = array<i32>} : memref<32x1024xf32, #tpu.memory_space<vmem>>, vector<32x32xf32>,
      %get3A_400 = arith.constant 5 : index
      %get3A_401 = arith.constant 0 : index
      %get3A_402 = arith.constant 0 : index
      %get3A_403 = vector.load %arg2[%get3A_400, %get3A_401, %get3A_402] : memref<32x32x32xf32, #tpu.memory_space<vmem>>, vector<1x32x32xf32>
      %get3A_404 = vector.shape_cast %get3A_403 : vector<1x32x32xf32> to vector<32x32xf32>
      %swap3A_405 = arith.constant 0 : index
      %swap3A_406 = arith.constant 160 : index
      %swap3A_407 = vector.load %arg7[%swap3A_405, %swap3A_406] : memref<32x1024xf32, #tpu.memory_space<vmem>>, vector<32x32xf32>
      tpu.vector_store %arg7[%swap3A_405, %swap3A_406], %get3A_404 {strides = array<i32>} : memref<32x1024xf32, #tpu.memory_space<vmem>>, vector<32x32xf32>,
      %get3A_408 = arith.constant 6 : index
      %get3A_409 = arith.constant 0 : index
      %get3A_410 = arith.constant 0 : index
      %get3A_411 = vector.load %arg2[%get3A_408, %get3A_409, %get3A_410] : memref<32x32x32xf32, #tpu.memory_space<vmem>>, vector<1x32x32xf32>
      %get3A_412 = vector.shape_cast %get3A_411 : vector<1x32x32xf32> to vector<32x32xf32>
      %swap3A_413 = arith.constant 0 : index
      %swap3A_414 = arith.constant 192 : index
      %swap3A_415 = vector.load %arg7[%swap3A_413, %swap3A_414] : memref<32x1024xf32, #tpu.memory_space<vmem>>, vector<32x32xf32>
      tpu.vector_store %arg7[%swap3A_413, %swap3A_414], %get3A_412 {strides = array<i32>} : memref<32x1024xf32, #tpu.memory_space<vmem>>, vector<32x32xf32>,
      %get3A_416 = arith.constant 7 : index
      %get3A_417 = arith.constant 0 : index
      %get3A_418 = arith.constant 0 : index
      %get3A_419 = vector.load %arg2[%get3A_416, %get3A_417, %get3A_418] : memref<32x32x32xf32, #tpu.memory_space<vmem>>, vector<1x32x32xf32>
      %get3A_420 = vector.shape_cast %get3A_419 : vector<1x32x32xf32> to vector<32x32xf32>
      %swap3A_421 = arith.constant 0 : index
      %swap3A_422 = arith.constant 224 : index
      %swap3A_423 = vector.load %arg7[%swap3A_421, %swap3A_422] : memref<32x1024xf32, #tpu.memory_space<vmem>>, vector<32x32xf32>
      tpu.vector_store %arg7[%swap3A_421, %swap3A_422], %get3A_420 {strides = array<i32>} : memref<32x1024xf32, #tpu.memory_space<vmem>>, vector<32x32xf32>,
      %get3A_424 = arith.constant 8 : index
      %get3A_425 = arith.constant 0 : index
      %get3A_426 = arith.constant 0 : index
      %get3A_427 = vector.load %arg2[%get3A_424, %get3A_425, %get3A_426] : memref<32x32x32xf32, #tpu.memory_space<vmem>>, vector<1x32x32xf32>
      %get3A_428 = vector.shape_cast %get3A_427 : vector<1x32x32xf32> to vector<32x32xf32>
      %swap3A_429 = arith.constant 0 : index
      %swap3A_430 = arith.constant 256 : index
      %swap3A_431 = vector.load %arg7[%swap3A_429, %swap3A_430] : memref<32x1024xf32, #tpu.memory_space<vmem>>, vector<32x32xf32>
      tpu.vector_store %arg7[%swap3A_429, %swap3A_430], %get3A_428 {strides = array<i32>} : memref<32x1024xf32, #tpu.memory_space<vmem>>, vector<32x32xf32>,
      %get3A_432 = arith.constant 9 : index
      %get3A_433 = arith.constant 0 : index
      %get3A_434 = arith.constant 0 : index
      %get3A_435 = vector.load %arg2[%get3A_432, %get3A_433, %get3A_434] : memref<32x32x32xf32, #tpu.memory_space<vmem>>, vector<1x32x32xf32>
      %get3A_436 = vector.shape_cast %get3A_435 : vector<1x32x32xf32> to vector<32x32xf32>
      %swap3A_437 = arith.constant 0 : index
      %swap3A_438 = arith.constant 288 : index
      %swap3A_439 = vector.load %arg7[%swap3A_437, %swap3A_438] : memref<32x1024xf32, #tpu.memory_space<vmem>>, vector<32x32xf32>
      tpu.vector_store %arg7[%swap3A_437, %swap3A_438], %get3A_436 {strides = array<i32>} : memref<32x1024xf32, #tpu.memory_space<vmem>>, vector<32x32xf32>,
      %get3A_440 = arith.constant 10 : index
      %get3A_441 = arith.constant 0 : index
      %get3A_442 = arith.constant 0 : index
      %get3A_443 = vector.load %arg2[%get3A_440, %get3A_441, %get3A_442] : memref<32x32x32xf32, #tpu.memory_space<vmem>>, vector<1x32x32xf32>
      %get3A_444 = vector.shape_cast %get3A_443 : vector<1x32x32xf32> to vector<32x32xf32>
      %swap3A_445 = arith.constant 0 : index
      %swap3A_446 = arith.constant 320 : index
      %swap3A_447 = vector.load %arg7[%swap3A_445, %swap3A_446] : memref<32x1024xf32, #tpu.memory_space<vmem>>, vector<32x32xf32>
      tpu.vector_store %arg7[%swap3A_445, %swap3A_446], %get3A_444 {strides = array<i32>} : memref<32x1024xf32, #tpu.memory_space<vmem>>, vector<32x32xf32>,
      %get3A_448 = arith.constant 11 : index
      %get3A_449 = arith.constant 0 : index
      %get3A_450 = arith.constant 0 : index
      %get3A_451 = vector.load %arg2[%get3A_448, %get3A_449, %get3A_450] : memref<32x32x32xf32, #tpu.memory_space<vmem>>, vector<1x32x32xf32>
      %get3A_452 = vector.shape_cast %get3A_451 : vector<1x32x32xf32> to vector<32x32xf32>
      %swap3A_453 = arith.constant 0 : index
      %swap3A_454 = arith.constant 352 : index
      %swap3A_455 = vector.load %arg7[%swap3A_453, %swap3A_454] : memref<32x1024xf32, #tpu.memory_space<vmem>>, vector<32x32xf32>
      tpu.vector_store %arg7[%swap3A_453, %swap3A_454], %get3A_452 {strides = array<i32>} : memref<32x1024xf32, #tpu.memory_space<vmem>>, vector<32x32xf32>,
      %get3A_456 = arith.constant 12 : index
      %get3A_457 = arith.constant 0 : index
      %get3A_458 = arith.constant 0 : index
      %get3A_459 = vector.load %arg2[%get3A_456, %get3A_457, %get3A_458] : memref<32x32x32xf32, #tpu.memory_space<vmem>>, vector<1x32x32xf32>
      %get3A_460 = vector.shape_cast %get3A_459 : vector<1x32x32xf32> to vector<32x32xf32>
      %swap3A_461 = arith.constant 0 : index
      %swap3A_462 = arith.constant 384 : index
      %swap3A_463 = vector.load %arg7[%swap3A_461, %swap3A_462] : memref<32x1024xf32, #tpu.memory_space<vmem>>, vector<32x32xf32>
      tpu.vector_store %arg7[%swap3A_461, %swap3A_462], %get3A_460 {strides = array<i32>} : memref<32x1024xf32, #tpu.memory_space<vmem>>, vector<32x32xf32>,
      %get3A_464 = arith.constant 13 : index
      %get3A_465 = arith.constant 0 : index
      %get3A_466 = arith.constant 0 : index
      %get3A_467 = vector.load %arg2[%get3A_464, %get3A_465, %get3A_466] : memref<32x32x32xf32, #tpu.memory_space<vmem>>, vector<1x32x32xf32>
      %get3A_468 = vector.shape_cast %get3A_467 : vector<1x32x32xf32> to vector<32x32xf32>
      %swap3A_469 = arith.constant 0 : index
      %swap3A_470 = arith.constant 416 : index
      %swap3A_471 = vector.load %arg7[%swap3A_469, %swap3A_470] : memref<32x1024xf32, #tpu.memory_space<vmem>>, vector<32x32xf32>
      tpu.vector_store %arg7[%swap3A_469, %swap3A_470], %get3A_468 {strides = array<i32>} : memref<32x1024xf32, #tpu.memory_space<vmem>>, vector<32x32xf32>,
      %get3A_472 = arith.constant 14 : index
      %get3A_473 = arith.constant 0 : index
      %get3A_474 = arith.constant 0 : index
      %get3A_475 = vector.load %arg2[%get3A_472, %get3A_473, %get3A_474] : memref<32x32x32xf32, #tpu.memory_space<vmem>>, vector<1x32x32xf32>
      %get3A_476 = vector.shape_cast %get3A_475 : vector<1x32x32xf32> to vector<32x32xf32>
      %swap3A_477 = arith.constant 0 : index
      %swap3A_478 = arith.constant 448 : index
      %swap3A_479 = vector.load %arg7[%swap3A_477, %swap3A_478] : memref<32x1024xf32, #tpu.memory_space<vmem>>, vector<32x32xf32>
      tpu.vector_store %arg7[%swap3A_477, %swap3A_478], %get3A_476 {strides = array<i32>} : memref<32x1024xf32, #tpu.memory_space<vmem>>, vector<32x32xf32>,
      %get3A_480 = arith.constant 15 : index
      %get3A_481 = arith.constant 0 : index
      %get3A_482 = arith.constant 0 : index
      %get3A_483 = vector.load %arg2[%get3A_480, %get3A_481, %get3A_482] : memref<32x32x32xf32, #tpu.memory_space<vmem>>, vector<1x32x32xf32>
      %get3A_484 = vector.shape_cast %get3A_483 : vector<1x32x32xf32> to vector<32x32xf32>
      %swap3A_485 = arith.constant 0 : index
      %swap3A_486 = arith.constant 480 : index
      %swap3A_487 = vector.load %arg7[%swap3A_485, %swap3A_486] : memref<32x1024xf32, #tpu.memory_space<vmem>>, vector<32x32xf32>
      tpu.vector_store %arg7[%swap3A_485, %swap3A_486], %get3A_484 {strides = array<i32>} : memref<32x1024xf32, #tpu.memory_space<vmem>>, vector<32x32xf32>,
      %get3A_488 = arith.constant 16 : index
      %get3A_489 = arith.constant 0 : index
      %get3A_490 = arith.constant 0 : index
      %get3A_491 = vector.load %arg2[%get3A_488, %get3A_489, %get3A_490] : memref<32x32x32xf32, #tpu.memory_space<vmem>>, vector<1x32x32xf32>
      %get3A_492 = vector.shape_cast %get3A_491 : vector<1x32x32xf32> to vector<32x32xf32>
      %swap3A_493 = arith.constant 0 : index
      %swap3A_494 = arith.constant 512 : index
      %swap3A_495 = vector.load %arg7[%swap3A_493, %swap3A_494] : memref<32x1024xf32, #tpu.memory_space<vmem>>, vector<32x32xf32>
      tpu.vector_store %arg7[%swap3A_493, %swap3A_494], %get3A_492 {strides = array<i32>} : memref<32x1024xf32, #tpu.memory_space<vmem>>, vector<32x32xf32>,
      %get3A_496 = arith.constant 17 : index
      %get3A_497 = arith.constant 0 : index
      %get3A_498 = arith.constant 0 : index
      %get3A_499 = vector.load %arg2[%get3A_496, %get3A_497, %get3A_498] : memref<32x32x32xf32, #tpu.memory_space<vmem>>, vector<1x32x32xf32>
      %get3A_500 = vector.shape_cast %get3A_499 : vector<1x32x32xf32> to vector<32x32xf32>
      %swap3A_501 = arith.constant 0 : index
      %swap3A_502 = arith.constant 544 : index
      %swap3A_503 = vector.load %arg7[%swap3A_501, %swap3A_502] : memref<32x1024xf32, #tpu.memory_space<vmem>>, vector<32x32xf32>
      tpu.vector_store %arg7[%swap3A_501, %swap3A_502], %get3A_500 {strides = array<i32>} : memref<32x1024xf32, #tpu.memory_space<vmem>>, vector<32x32xf32>,
      %get3A_504 = arith.constant 18 : index
      %get3A_505 = arith.constant 0 : index
      %get3A_506 = arith.constant 0 : index
      %get3A_507 = vector.load %arg2[%get3A_504, %get3A_505, %get3A_506] : memref<32x32x32xf32, #tpu.memory_space<vmem>>, vector<1x32x32xf32>
      %get3A_508 = vector.shape_cast %get3A_507 : vector<1x32x32xf32> to vector<32x32xf32>
      %swap3A_509 = arith.constant 0 : index
      %swap3A_510 = arith.constant 576 : index
      %swap3A_511 = vector.load %arg7[%swap3A_509, %swap3A_510] : memref<32x1024xf32, #tpu.memory_space<vmem>>, vector<32x32xf32>
      tpu.vector_store %arg7[%swap3A_509, %swap3A_510], %get3A_508 {strides = array<i32>} : memref<32x1024xf32, #tpu.memory_space<vmem>>, vector<32x32xf32>,
      %get3A_512 = arith.constant 19 : index
      %get3A_513 = arith.constant 0 : index
      %get3A_514 = arith.constant 0 : index
      %get3A_515 = vector.load %arg2[%get3A_512, %get3A_513, %get3A_514] : memref<32x32x32xf32, #tpu.memory_space<vmem>>, vector<1x32x32xf32>
      %get3A_516 = vector.shape_cast %get3A_515 : vector<1x32x32xf32> to vector<32x32xf32>
      %swap3A_517 = arith.constant 0 : index
      %swap3A_518 = arith.constant 608 : index
      %swap3A_519 = vector.load %arg7[%swap3A_517, %swap3A_518] : memref<32x1024xf32, #tpu.memory_space<vmem>>, vector<32x32xf32>
      tpu.vector_store %arg7[%swap3A_517, %swap3A_518], %get3A_516 {strides = array<i32>} : memref<32x1024xf32, #tpu.memory_space<vmem>>, vector<32x32xf32>,
      %get3A_520 = arith.constant 20 : index
      %get3A_521 = arith.constant 0 : index
      %get3A_522 = arith.constant 0 : index
      %get3A_523 = vector.load %arg2[%get3A_520, %get3A_521, %get3A_522] : memref<32x32x32xf32, #tpu.memory_space<vmem>>, vector<1x32x32xf32>
      %get3A_524 = vector.shape_cast %get3A_523 : vector<1x32x32xf32> to vector<32x32xf32>
      %swap3A_525 = arith.constant 0 : index
      %swap3A_526 = arith.constant 640 : index
      %swap3A_527 = vector.load %arg7[%swap3A_525, %swap3A_526] : memref<32x1024xf32, #tpu.memory_space<vmem>>, vector<32x32xf32>
      tpu.vector_store %arg7[%swap3A_525, %swap3A_526], %get3A_524 {strides = array<i32>} : memref<32x1024xf32, #tpu.memory_space<vmem>>, vector<32x32xf32>,
      %get3A_528 = arith.constant 21 : index
      %get3A_529 = arith.constant 0 : index
      %get3A_530 = arith.constant 0 : index
      %get3A_531 = vector.load %arg2[%get3A_528, %get3A_529, %get3A_530] : memref<32x32x32xf32, #tpu.memory_space<vmem>>, vector<1x32x32xf32>
      %get3A_532 = vector.shape_cast %get3A_531 : vector<1x32x32xf32> to vector<32x32xf32>
      %swap3A_533 = arith.constant 0 : index
      %swap3A_534 = arith.constant 672 : index
      %swap3A_535 = vector.load %arg7[%swap3A_533, %swap3A_534] : memref<32x1024xf32, #tpu.memory_space<vmem>>, vector<32x32xf32>
      tpu.vector_store %arg7[%swap3A_533, %swap3A_534], %get3A_532 {strides = array<i32>} : memref<32x1024xf32, #tpu.memory_space<vmem>>, vector<32x32xf32>,
      %get3A_536 = arith.constant 22 : index
      %get3A_537 = arith.constant 0 : index
      %get3A_538 = arith.constant 0 : index
      %get3A_539 = vector.load %arg2[%get3A_536, %get3A_537, %get3A_538] : memref<32x32x32xf32, #tpu.memory_space<vmem>>, vector<1x32x32xf32>
      %get3A_540 = vector.shape_cast %get3A_539 : vector<1x32x32xf32> to vector<32x32xf32>
      %swap3A_541 = arith.constant 0 : index
      %swap3A_542 = arith.constant 704 : index
      %swap3A_543 = vector.load %arg7[%swap3A_541, %swap3A_542] : memref<32x1024xf32, #tpu.memory_space<vmem>>, vector<32x32xf32>
      tpu.vector_store %arg7[%swap3A_541, %swap3A_542], %get3A_540 {strides = array<i32>} : memref<32x1024xf32, #tpu.memory_space<vmem>>, vector<32x32xf32>,
      %get3A_544 = arith.constant 23 : index
      %get3A_545 = arith.constant 0 : index
      %get3A_546 = arith.constant 0 : index
      %get3A_547 = vector.load %arg2[%get3A_544, %get3A_545, %get3A_546] : memref<32x32x32xf32, #tpu.memory_space<vmem>>, vector<1x32x32xf32>
      %get3A_548 = vector.shape_cast %get3A_547 : vector<1x32x32xf32> to vector<32x32xf32>
      %swap3A_549 = arith.constant 0 : index
      %swap3A_550 = arith.constant 736 : index
      %swap3A_551 = vector.load %arg7[%swap3A_549, %swap3A_550] : memref<32x1024xf32, #tpu.memory_space<vmem>>, vector<32x32xf32>
      tpu.vector_store %arg7[%swap3A_549, %swap3A_550], %get3A_548 {strides = array<i32>} : memref<32x1024xf32, #tpu.memory_space<vmem>>, vector<32x32xf32>,
      %get3A_552 = arith.constant 24 : index
      %get3A_553 = arith.constant 0 : index
      %get3A_554 = arith.constant 0 : index
      %get3A_555 = vector.load %arg2[%get3A_552, %get3A_553, %get3A_554] : memref<32x32x32xf32, #tpu.memory_space<vmem>>, vector<1x32x32xf32>
      %get3A_556 = vector.shape_cast %get3A_555 : vector<1x32x32xf32> to vector<32x32xf32>
      %swap3A_557 = arith.constant 0 : index
      %swap3A_558 = arith.constant 768 : index
      %swap3A_559 = vector.load %arg7[%swap3A_557, %swap3A_558] : memref<32x1024xf32, #tpu.memory_space<vmem>>, vector<32x32xf32>
      tpu.vector_store %arg7[%swap3A_557, %swap3A_558], %get3A_556 {strides = array<i32>} : memref<32x1024xf32, #tpu.memory_space<vmem>>, vector<32x32xf32>,
      %get3A_560 = arith.constant 25 : index
      %get3A_561 = arith.constant 0 : index
      %get3A_562 = arith.constant 0 : index
      %get3A_563 = vector.load %arg2[%get3A_560, %get3A_561, %get3A_562] : memref<32x32x32xf32, #tpu.memory_space<vmem>>, vector<1x32x32xf32>
      %get3A_564 = vector.shape_cast %get3A_563 : vector<1x32x32xf32> to vector<32x32xf32>
      %swap3A_565 = arith.constant 0 : index
      %swap3A_566 = arith.constant 800 : index
      %swap3A_567 = vector.load %arg7[%swap3A_565, %swap3A_566] : memref<32x1024xf32, #tpu.memory_space<vmem>>, vector<32x32xf32>
      tpu.vector_store %arg7[%swap3A_565, %swap3A_566], %get3A_564 {strides = array<i32>} : memref<32x1024xf32, #tpu.memory_space<vmem>>, vector<32x32xf32>,
      %get3A_568 = arith.constant 26 : index
      %get3A_569 = arith.constant 0 : index
      %get3A_570 = arith.constant 0 : index
      %get3A_571 = vector.load %arg2[%get3A_568, %get3A_569, %get3A_570] : memref<32x32x32xf32, #tpu.memory_space<vmem>>, vector<1x32x32xf32>
      %get3A_572 = vector.shape_cast %get3A_571 : vector<1x32x32xf32> to vector<32x32xf32>
      %swap3A_573 = arith.constant 0 : index
      %swap3A_574 = arith.constant 832 : index
      %swap3A_575 = vector.load %arg7[%swap3A_573, %swap3A_574] : memref<32x1024xf32, #tpu.memory_space<vmem>>, vector<32x32xf32>
      tpu.vector_store %arg7[%swap3A_573, %swap3A_574], %get3A_572 {strides = array<i32>} : memref<32x1024xf32, #tpu.memory_space<vmem>>, vector<32x32xf32>,
      %get3A_576 = arith.constant 27 : index
      %get3A_577 = arith.constant 0 : index
      %get3A_578 = arith.constant 0 : index
      %get3A_579 = vector.load %arg2[%get3A_576, %get3A_577, %get3A_578] : memref<32x32x32xf32, #tpu.memory_space<vmem>>, vector<1x32x32xf32>
      %get3A_580 = vector.shape_cast %get3A_579 : vector<1x32x32xf32> to vector<32x32xf32>
      %swap3A_581 = arith.constant 0 : index
      %swap3A_582 = arith.constant 864 : index
      %swap3A_583 = vector.load %arg7[%swap3A_581, %swap3A_582] : memref<32x1024xf32, #tpu.memory_space<vmem>>, vector<32x32xf32>
      tpu.vector_store %arg7[%swap3A_581, %swap3A_582], %get3A_580 {strides = array<i32>} : memref<32x1024xf32, #tpu.memory_space<vmem>>, vector<32x32xf32>,
      %get3A_584 = arith.constant 28 : index
      %get3A_585 = arith.constant 0 : index
      %get3A_586 = arith.constant 0 : index
      %get3A_587 = vector.load %arg2[%get3A_584, %get3A_585, %get3A_586] : memref<32x32x32xf32, #tpu.memory_space<vmem>>, vector<1x32x32xf32>
      %get3A_588 = vector.shape_cast %get3A_587 : vector<1x32x32xf32> to vector<32x32xf32>
      %swap3A_589 = arith.constant 0 : index
      %swap3A_590 = arith.constant 896 : index
      %swap3A_591 = vector.load %arg7[%swap3A_589, %swap3A_590] : memref<32x1024xf32, #tpu.memory_space<vmem>>, vector<32x32xf32>
      tpu.vector_store %arg7[%swap3A_589, %swap3A_590], %get3A_588 {strides = array<i32>} : memref<32x1024xf32, #tpu.memory_space<vmem>>, vector<32x32xf32>,
      %get3A_592 = arith.constant 29 : index
      %get3A_593 = arith.constant 0 : index
      %get3A_594 = arith.constant 0 : index
      %get3A_595 = vector.load %arg2[%get3A_592, %get3A_593, %get3A_594] : memref<32x32x32xf32, #tpu.memory_space<vmem>>, vector<1x32x32xf32>
      %get3A_596 = vector.shape_cast %get3A_595 : vector<1x32x32xf32> to vector<32x32xf32>
      %swap3A_597 = arith.constant 0 : index
      %swap3A_598 = arith.constant 928 : index
      %swap3A_599 = vector.load %arg7[%swap3A_597, %swap3A_598] : memref<32x1024xf32, #tpu.memory_space<vmem>>, vector<32x32xf32>
      tpu.vector_store %arg7[%swap3A_597, %swap3A_598], %get3A_596 {strides = array<i32>} : memref<32x1024xf32, #tpu.memory_space<vmem>>, vector<32x32xf32>,
      %get3A_600 = arith.constant 30 : index
      %get3A_601 = arith.constant 0 : index
      %get3A_602 = arith.constant 0 : index
      %get3A_603 = vector.load %arg2[%get3A_600, %get3A_601, %get3A_602] : memref<32x32x32xf32, #tpu.memory_space<vmem>>, vector<1x32x32xf32>
      %get3A_604 = vector.shape_cast %get3A_603 : vector<1x32x32xf32> to vector<32x32xf32>
      %swap3A_605 = arith.constant 0 : index
      %swap3A_606 = arith.constant 960 : index
      %swap3A_607 = vector.load %arg7[%swap3A_605, %swap3A_606] : memref<32x1024xf32, #tpu.memory_space<vmem>>, vector<32x32xf32>
      tpu.vector_store %arg7[%swap3A_605, %swap3A_606], %get3A_604 {strides = array<i32>} : memref<32x1024xf32, #tpu.memory_space<vmem>>, vector<32x32xf32>,
      %get3A_608 = arith.constant 31 : index
      %get3A_609 = arith.constant 0 : index
      %get3A_610 = arith.constant 0 : index
      %get3A_611 = vector.load %arg2[%get3A_608, %get3A_609, %get3A_610] : memref<32x32x32xf32, #tpu.memory_space<vmem>>, vector<1x32x32xf32>
      %get3A_612 = vector.shape_cast %get3A_611 : vector<1x32x32xf32> to vector<32x32xf32>
      %swap3A_613 = arith.constant 0 : index
      %swap3A_614 = arith.constant 992 : index
      %swap3A_615 = vector.load %arg7[%swap3A_613, %swap3A_614] : memref<32x1024xf32, #tpu.memory_space<vmem>>, vector<32x32xf32>
      tpu.vector_store %arg7[%swap3A_613, %swap3A_614], %get3A_612 {strides = array<i32>} : memref<32x1024xf32, #tpu.memory_space<vmem>>, vector<32x32xf32>,
    } else {
    }
    %get3A = arith.constant 0 : index
    %get3A_2 = arith.constant 0 : index
    %get3A_3 = vector.load %arg1[%get3A, %get3A_2] : memref<512x32xf32, #tpu.memory_space<vmem>>, vector<512x16xf32>
    %get3A_4 = arith.constant 0 : index
    %get3A_5 = arith.constant 16 : index
    %get3A_6 = vector.load %arg1[%get3A_4, %get3A_5] : memref<512x32xf32, #tpu.memory_space<vmem>>, vector<512x16xf32>
    %broadcast_in_dim3A = arith.constant 0.000000e+00 : f32
    %broadcast_in_dim3A_7 = vector.broadcast %broadcast_in_dim3A : f32 to vector<512x1024xf32>
    %broadcast_in_dim3A_8 = arith.constant 0.000000e+00 : f32
    %broadcast_in_dim3A_9 = vector.broadcast %broadcast_in_dim3A_8 : f32 to vector<512x1024xf32>
    %slice3A = vector.extract_strided_slice %get3A_3 {offsets = [0, 0], sizes = [512, 1], strides = [1, 1]} : vector<512x16xf32> to vector<512x1xf32>
    %get3A_10 = arith.constant 0 : index
    %get3A_11 = arith.constant 0 : index
    %get3A_12 = vector.load %arg7[%get3A_10, %get3A_11] : memref<32x1024xf32, #tpu.memory_space<vmem>>, vector<1x1024xf32>
    %sub3A = vector.broadcast %slice3A : vector<512x1xf32> to vector<512x1024xf32>
    %sub3A_13 = vector.broadcast %get3A_12 : vector<1x1024xf32> to vector<512x1024xf32>
    %sub3A_14 = arith.subf %sub3A, %sub3A_13 : vector<512x1024xf32>
    %abs3A = math.absf %sub3A_14 : vector<512x1024xf32>
    %add3A = arith.addf %broadcast_in_dim3A_7, %abs3A : vector<512x1024xf32>
    %slice3A_15 = vector.extract_strided_slice %get3A_6 {offsets = [0, 0], sizes = [512, 1], strides = [1, 1]} : vector<512x16xf32> to vector<512x1xf32>
    %get3A_16 = arith.constant 16 : index
    %get3A_17 = arith.constant 0 : index
    %get3A_18 = vector.load %arg7[%get3A_16, %get3A_17] : memref<32x1024xf32, #tpu.memory_space<vmem>>, vector<1x1024xf32>
    %sub3A_19 = vector.broadcast %slice3A_15 : vector<512x1xf32> to vector<512x1024xf32>
    %sub3A_20 = vector.broadcast %get3A_18 : vector<1x1024xf32> to vector<512x1024xf32>
    %sub3A_21 = arith.subf %sub3A_19, %sub3A_20 : vector<512x1024xf32>
    %abs3A_22 = math.absf %sub3A_21 : vector<512x1024xf32>
    %add3A_23 = arith.addf %broadcast_in_dim3A_9, %abs3A_22 : vector<512x1024xf32>
    %slice3A_24 = vector.extract_strided_slice %get3A_3 {offsets = [0, 1], sizes = [512, 1], strides = [1, 1]} : vector<512x16xf32> to vector<512x1xf32>
    %get3A_25 = arith.constant 1 : index
    %get3A_26 = arith.constant 0 : index
    %get3A_27 = vector.load %arg7[%get3A_25, %get3A_26] : memref<32x1024xf32, #tpu.memory_space<vmem>>, vector<1x1024xf32>
    %sub3A_28 = vector.broadcast %slice3A_24 : vector<512x1xf32> to vector<512x1024xf32>
    %sub3A_29 = vector.broadcast %get3A_27 : vector<1x1024xf32> to vector<512x1024xf32>
    %sub3A_30 = arith.subf %sub3A_28, %sub3A_29 : vector<512x1024xf32>
    %abs3A_31 = math.absf %sub3A_30 : vector<512x1024xf32>
    %add3A_32 = arith.addf %add3A, %abs3A_31 : vector<512x1024xf32>
    %slice3A_33 = vector.extract_strided_slice %get3A_6 {offsets = [0, 1], sizes = [512, 1], strides = [1, 1]} : vector<512x16xf32> to vector<512x1xf32>
    %get3A_34 = arith.constant 17 : index
    %get3A_35 = arith.constant 0 : index
    %get3A_36 = vector.load %arg7[%get3A_34, %get3A_35] : memref<32x1024xf32, #tpu.memory_space<vmem>>, vector<1x1024xf32>
    %sub3A_37 = vector.broadcast %slice3A_33 : vector<512x1xf32> to vector<512x1024xf32>
    %sub3A_38 = vector.broadcast %get3A_36 : vector<1x1024xf32> to vector<512x1024xf32>
    %sub3A_39 = arith.subf %sub3A_37, %sub3A_38 : vector<512x1024xf32>
    %abs3A_40 = math.absf %sub3A_39 : vector<512x1024xf32>
    %add3A_41 = arith.addf %add3A_23, %abs3A_40 : vector<512x1024xf32>
    %slice3A_42 = vector.extract_strided_slice %get3A_3 {offsets = [0, 2], sizes = [512, 1], strides = [1, 1]} : vector<512x16xf32> to vector<512x1xf32>
    %get3A_43 = arith.constant 2 : index
    %get3A_44 = arith.constant 0 : index
    %get3A_45 = vector.load %arg7[%get3A_43, %get3A_44] : memref<32x1024xf32, #tpu.memory_space<vmem>>, vector<1x1024xf32>
    %sub3A_46 = vector.broadcast %slice3A_42 : vector<512x1xf32> to vector<512x1024xf32>
    %sub3A_47 = vector.broadcast %get3A_45 : vector<1x1024xf32> to vector<512x1024xf32>
    %sub3A_48 = arith.subf %sub3A_46, %sub3A_47 : vector<512x1024xf32>
    %abs3A_49 = math.absf %sub3A_48 : vector<512x1024xf32>
    %add3A_50 = arith.addf %add3A_32, %abs3A_49 : vector<512x1024xf32>
    %slice3A_51 = vector.extract_strided_slice %get3A_6 {offsets = [0, 2], sizes = [512, 1], strides = [1, 1]} : vector<512x16xf32> to vector<512x1xf32>
    %get3A_52 = arith.constant 18 : index
    %get3A_53 = arith.constant 0 : index
    %get3A_54 = vector.load %arg7[%get3A_52, %get3A_53] : memref<32x1024xf32, #tpu.memory_space<vmem>>, vector<1x1024xf32>
    %sub3A_55 = vector.broadcast %slice3A_51 : vector<512x1xf32> to vector<512x1024xf32>
    %sub3A_56 = vector.broadcast %get3A_54 : vector<1x1024xf32> to vector<512x1024xf32>
    %sub3A_57 = arith.subf %sub3A_55, %sub3A_56 : vector<512x1024xf32>
    %abs3A_58 = math.absf %sub3A_57 : vector<512x1024xf32>
    %add3A_59 = arith.addf %add3A_41, %abs3A_58 : vector<512x1024xf32>
    %slice3A_60 = vector.extract_strided_slice %get3A_3 {offsets = [0, 3], sizes = [512, 1], strides = [1, 1]} : vector<512x16xf32> to vector<512x1xf32>
    %get3A_61 = arith.constant 3 : index
    %get3A_62 = arith.constant 0 : index
    %get3A_63 = vector.load %arg7[%get3A_61, %get3A_62] : memref<32x1024xf32, #tpu.memory_space<vmem>>, vector<1x1024xf32>
    %sub3A_64 = vector.broadcast %slice3A_60 : vector<512x1xf32> to vector<512x1024xf32>
    %sub3A_65 = vector.broadcast %get3A_63 : vector<1x1024xf32> to vector<512x1024xf32>
    %sub3A_66 = arith.subf %sub3A_64, %sub3A_65 : vector<512x1024xf32>
    %abs3A_67 = math.absf %sub3A_66 : vector<512x1024xf32>
    %add3A_68 = arith.addf %add3A_50, %abs3A_67 : vector<512x1024xf32>
    %slice3A_69 = vector.extract_strided_slice %get3A_6 {offsets = [0, 3], sizes = [512, 1], strides = [1, 1]} : vector<512x16xf32> to vector<512x1xf32>
    %get3A_70 = arith.constant 19 : index
    %get3A_71 = arith.constant 0 : index
    %get3A_72 = vector.load %arg7[%get3A_70, %get3A_71] : memref<32x1024xf32, #tpu.memory_space<vmem>>, vector<1x1024xf32>
    %sub3A_73 = vector.broadcast %slice3A_69 : vector<512x1xf32> to vector<512x1024xf32>
    %sub3A_74 = vector.broadcast %get3A_72 : vector<1x1024xf32> to vector<512x1024xf32>
    %sub3A_75 = arith.subf %sub3A_73, %sub3A_74 : vector<512x1024xf32>
    %abs3A_76 = math.absf %sub3A_75 : vector<512x1024xf32>
    %add3A_77 = arith.addf %add3A_59, %abs3A_76 : vector<512x1024xf32>
    %slice3A_78 = vector.extract_strided_slice %get3A_3 {offsets = [0, 4], sizes = [512, 1], strides = [1, 1]} : vector<512x16xf32> to vector<512x1xf32>
    %get3A_79 = arith.constant 4 : index
    %get3A_80 = arith.constant 0 : index
    %get3A_81 = vector.load %arg7[%get3A_79, %get3A_80] : memref<32x1024xf32, #tpu.memory_space<vmem>>, vector<1x1024xf32>
    %sub3A_82 = vector.broadcast %slice3A_78 : vector<512x1xf32> to vector<512x1024xf32>
    %sub3A_83 = vector.broadcast %get3A_81 : vector<1x1024xf32> to vector<512x1024xf32>
    %sub3A_84 = arith.subf %sub3A_82, %sub3A_83 : vector<512x1024xf32>
    %abs3A_85 = math.absf %sub3A_84 : vector<512x1024xf32>
    %add3A_86 = arith.addf %add3A_68, %abs3A_85 : vector<512x1024xf32>
    %slice3A_87 = vector.extract_strided_slice %get3A_6 {offsets = [0, 4], sizes = [512, 1], strides = [1, 1]} : vector<512x16xf32> to vector<512x1xf32>
    %get3A_88 = arith.constant 20 : index
    %get3A_89 = arith.constant 0 : index
    %get3A_90 = vector.load %arg7[%get3A_88, %get3A_89] : memref<32x1024xf32, #tpu.memory_space<vmem>>, vector<1x1024xf32>
    %sub3A_91 = vector.broadcast %slice3A_87 : vector<512x1xf32> to vector<512x1024xf32>
    %sub3A_92 = vector.broadcast %get3A_90 : vector<1x1024xf32> to vector<512x1024xf32>
    %sub3A_93 = arith.subf %sub3A_91, %sub3A_92 : vector<512x1024xf32>
    %abs3A_94 = math.absf %sub3A_93 : vector<512x1024xf32>
    %add3A_95 = arith.addf %add3A_77, %abs3A_94 : vector<512x1024xf32>
    %slice3A_96 = vector.extract_strided_slice %get3A_3 {offsets = [0, 5], sizes = [512, 1], strides = [1, 1]} : vector<512x16xf32> to vector<512x1xf32>
    %get3A_97 = arith.constant 5 : index
    %get3A_98 = arith.constant 0 : index
    %get3A_99 = vector.load %arg7[%get3A_97, %get3A_98] : memref<32x1024xf32, #tpu.memory_space<vmem>>, vector<1x1024xf32>
    %sub3A_100 = vector.broadcast %slice3A_96 : vector<512x1xf32> to vector<512x1024xf32>
    %sub3A_101 = vector.broadcast %get3A_99 : vector<1x1024xf32> to vector<512x1024xf32>
    %sub3A_102 = arith.subf %sub3A_100, %sub3A_101 : vector<512x1024xf32>
    %abs3A_103 = math.absf %sub3A_102 : vector<512x1024xf32>
    %add3A_104 = arith.addf %add3A_86, %abs3A_103 : vector<512x1024xf32>
    %slice3A_105 = vector.extract_strided_slice %get3A_6 {offsets = [0, 5], sizes = [512, 1], strides = [1, 1]} : vector<512x16xf32> to vector<512x1xf32>
    %get3A_106 = arith.constant 21 : index
    %get3A_107 = arith.constant 0 : index
    %get3A_108 = vector.load %arg7[%get3A_106, %get3A_107] : memref<32x1024xf32, #tpu.memory_space<vmem>>, vector<1x1024xf32>
    %sub3A_109 = vector.broadcast %slice3A_105 : vector<512x1xf32> to vector<512x1024xf32>
    %sub3A_110 = vector.broadcast %get3A_108 : vector<1x1024xf32> to vector<512x1024xf32>
    %sub3A_111 = arith.subf %sub3A_109, %sub3A_110 : vector<512x1024xf32>
    %abs3A_112 = math.absf %sub3A_111 : vector<512x1024xf32>
    %add3A_113 = arith.addf %add3A_95, %abs3A_112 : vector<512x1024xf32>
    %slice3A_114 = vector.extract_strided_slice %get3A_3 {offsets = [0, 6], sizes = [512, 1], strides = [1, 1]} : vector<512x16xf32> to vector<512x1xf32>
    %get3A_115 = arith.constant 6 : index
    %get3A_116 = arith.constant 0 : index
    %get3A_117 = vector.load %arg7[%get3A_115, %get3A_116] : memref<32x1024xf32, #tpu.memory_space<vmem>>, vector<1x1024xf32>
    %sub3A_118 = vector.broadcast %slice3A_114 : vector<512x1xf32> to vector<512x1024xf32>
    %sub3A_119 = vector.broadcast %get3A_117 : vector<1x1024xf32> to vector<512x1024xf32>
    %sub3A_120 = arith.subf %sub3A_118, %sub3A_119 : vector<512x1024xf32>
    %abs3A_121 = math.absf %sub3A_120 : vector<512x1024xf32>
    %add3A_122 = arith.addf %add3A_104, %abs3A_121 : vector<512x1024xf32>
    %slice3A_123 = vector.extract_strided_slice %get3A_6 {offsets = [0, 6], sizes = [512, 1], strides = [1, 1]} : vector<512x16xf32> to vector<512x1xf32>
    %get3A_124 = arith.constant 22 : index
    %get3A_125 = arith.constant 0 : index
    %get3A_126 = vector.load %arg7[%get3A_124, %get3A_125] : memref<32x1024xf32, #tpu.memory_space<vmem>>, vector<1x1024xf32>
    %sub3A_127 = vector.broadcast %slice3A_123 : vector<512x1xf32> to vector<512x1024xf32>
    %sub3A_128 = vector.broadcast %get3A_126 : vector<1x1024xf32> to vector<512x1024xf32>
    %sub3A_129 = arith.subf %sub3A_127, %sub3A_128 : vector<512x1024xf32>
    %abs3A_130 = math.absf %sub3A_129 : vector<512x1024xf32>
    %add3A_131 = arith.addf %add3A_113, %abs3A_130 : vector<512x1024xf32>
    %slice3A_132 = vector.extract_strided_slice %get3A_3 {offsets = [0, 7], sizes = [512, 1], strides = [1, 1]} : vector<512x16xf32> to vector<512x1xf32>
    %get3A_133 = arith.constant 7 : index
    %get3A_134 = arith.constant 0 : index
    %get3A_135 = vector.load %arg7[%get3A_133, %get3A_134] : memref<32x1024xf32, #tpu.memory_space<vmem>>, vector<1x1024xf32>
    %sub3A_136 = vector.broadcast %slice3A_132 : vector<512x1xf32> to vector<512x1024xf32>
    %sub3A_137 = vector.broadcast %get3A_135 : vector<1x1024xf32> to vector<512x1024xf32>
    %sub3A_138 = arith.subf %sub3A_136, %sub3A_137 : vector<512x1024xf32>
    %abs3A_139 = math.absf %sub3A_138 : vector<512x1024xf32>
    %add3A_140 = arith.addf %add3A_122, %abs3A_139 : vector<512x1024xf32>
    %slice3A_141 = vector.extract_strided_slice %get3A_6 {offsets = [0, 7], sizes = [512, 1], strides = [1, 1]} : vector<512x16xf32> to vector<512x1xf32>
    %get3A_142 = arith.constant 23 : index
    %get3A_143 = arith.constant 0 : index
    %get3A_144 = vector.load %arg7[%get3A_142, %get3A_143] : memref<32x1024xf32, #tpu.memory_space<vmem>>, vector<1x1024xf32>
    %sub3A_145 = vector.broadcast %slice3A_141 : vector<512x1xf32> to vector<512x1024xf32>
    %sub3A_146 = vector.broadcast %get3A_144 : vector<1x1024xf32> to vector<512x1024xf32>
    %sub3A_147 = arith.subf %sub3A_145, %sub3A_146 : vector<512x1024xf32>
    %abs3A_148 = math.absf %sub3A_147 : vector<512x1024xf32>
    %add3A_149 = arith.addf %add3A_131, %abs3A_148 : vector<512x1024xf32>
    %slice3A_150 = vector.extract_strided_slice %get3A_3 {offsets = [0, 8], sizes = [512, 1], strides = [1, 1]} : vector<512x16xf32> to vector<512x1xf32>
    %get3A_151 = arith.constant 8 : index
    %get3A_152 = arith.constant 0 : index
    %get3A_153 = vector.load %arg7[%get3A_151, %get3A_152] : memref<32x1024xf32, #tpu.memory_space<vmem>>, vector<1x1024xf32>
    %sub3A_154 = vector.broadcast %slice3A_150 : vector<512x1xf32> to vector<512x1024xf32>
    %sub3A_155 = vector.broadcast %get3A_153 : vector<1x1024xf32> to vector<512x1024xf32>
    %sub3A_156 = arith.subf %sub3A_154, %sub3A_155 : vector<512x1024xf32>
    %abs3A_157 = math.absf %sub3A_156 : vector<512x1024xf32>
    %add3A_158 = arith.addf %add3A_140, %abs3A_157 : vector<512x1024xf32>
    %slice3A_159 = vector.extract_strided_slice %get3A_6 {offsets = [0, 8], sizes = [512, 1], strides = [1, 1]} : vector<512x16xf32> to vector<512x1xf32>
    %get3A_160 = arith.constant 24 : index
    %get3A_161 = arith.constant 0 : index
    %get3A_162 = vector.load %arg7[%get3A_160, %get3A_161] : memref<32x1024xf32, #tpu.memory_space<vmem>>, vector<1x1024xf32>
    %sub3A_163 = vector.broadcast %slice3A_159 : vector<512x1xf32> to vector<512x1024xf32>
    %sub3A_164 = vector.broadcast %get3A_162 : vector<1x1024xf32> to vector<512x1024xf32>
    %sub3A_165 = arith.subf %sub3A_163, %sub3A_164 : vector<512x1024xf32>
    %abs3A_166 = math.absf %sub3A_165 : vector<512x1024xf32>
    %add3A_167 = arith.addf %add3A_149, %abs3A_166 : vector<512x1024xf32>
    %slice3A_168 = vector.extract_strided_slice %get3A_3 {offsets = [0, 9], sizes = [512, 1], strides = [1, 1]} : vector<512x16xf32> to vector<512x1xf32>
    %get3A_169 = arith.constant 9 : index
    %get3A_170 = arith.constant 0 : index
    %get3A_171 = vector.load %arg7[%get3A_169, %get3A_170] : memref<32x1024xf32, #tpu.memory_space<vmem>>, vector<1x1024xf32>
    %sub3A_172 = vector.broadcast %slice3A_168 : vector<512x1xf32> to vector<512x1024xf32>
    %sub3A_173 = vector.broadcast %get3A_171 : vector<1x1024xf32> to vector<512x1024xf32>
    %sub3A_174 = arith.subf %sub3A_172, %sub3A_173 : vector<512x1024xf32>
    %abs3A_175 = math.absf %sub3A_174 : vector<512x1024xf32>
    %add3A_176 = arith.addf %add3A_158, %abs3A_175 : vector<512x1024xf32>
    %slice3A_177 = vector.extract_strided_slice %get3A_6 {offsets = [0, 9], sizes = [512, 1], strides = [1, 1]} : vector<512x16xf32> to vector<512x1xf32>
    %get3A_178 = arith.constant 25 : index
    %get3A_179 = arith.constant 0 : index
    %get3A_180 = vector.load %arg7[%get3A_178, %get3A_179] : memref<32x1024xf32, #tpu.memory_space<vmem>>, vector<1x1024xf32>
    %sub3A_181 = vector.broadcast %slice3A_177 : vector<512x1xf32> to vector<512x1024xf32>
    %sub3A_182 = vector.broadcast %get3A_180 : vector<1x1024xf32> to vector<512x1024xf32>
    %sub3A_183 = arith.subf %sub3A_181, %sub3A_182 : vector<512x1024xf32>
    %abs3A_184 = math.absf %sub3A_183 : vector<512x1024xf32>
    %add3A_185 = arith.addf %add3A_167, %abs3A_184 : vector<512x1024xf32>
    %slice3A_186 = vector.extract_strided_slice %get3A_3 {offsets = [0, 10], sizes = [512, 1], strides = [1, 1]} : vector<512x16xf32> to vector<512x1xf32>
    %get3A_187 = arith.constant 10 : index
    %get3A_188 = arith.constant 0 : index
    %get3A_189 = vector.load %arg7[%get3A_187, %get3A_188] : memref<32x1024xf32, #tpu.memory_space<vmem>>, vector<1x1024xf32>
    %sub3A_190 = vector.broadcast %slice3A_186 : vector<512x1xf32> to vector<512x1024xf32>
    %sub3A_191 = vector.broadcast %get3A_189 : vector<1x1024xf32> to vector<512x1024xf32>
    %sub3A_192 = arith.subf %sub3A_190, %sub3A_191 : vector<512x1024xf32>
    %abs3A_193 = math.absf %sub3A_192 : vector<512x1024xf32>
    %add3A_194 = arith.addf %add3A_176, %abs3A_193 : vector<512x1024xf32>
    %slice3A_195 = vector.extract_strided_slice %get3A_6 {offsets = [0, 10], sizes = [512, 1], strides = [1, 1]} : vector<512x16xf32> to vector<512x1xf32>
    %get3A_196 = arith.constant 26 : index
    %get3A_197 = arith.constant 0 : index
    %get3A_198 = vector.load %arg7[%get3A_196, %get3A_197] : memref<32x1024xf32, #tpu.memory_space<vmem>>, vector<1x1024xf32>
    %sub3A_199 = vector.broadcast %slice3A_195 : vector<512x1xf32> to vector<512x1024xf32>
    %sub3A_200 = vector.broadcast %get3A_198 : vector<1x1024xf32> to vector<512x1024xf32>
    %sub3A_201 = arith.subf %sub3A_199, %sub3A_200 : vector<512x1024xf32>
    %abs3A_202 = math.absf %sub3A_201 : vector<512x1024xf32>
    %add3A_203 = arith.addf %add3A_185, %abs3A_202 : vector<512x1024xf32>
    %slice3A_204 = vector.extract_strided_slice %get3A_3 {offsets = [0, 11], sizes = [512, 1], strides = [1, 1]} : vector<512x16xf32> to vector<512x1xf32>
    %get3A_205 = arith.constant 11 : index
    %get3A_206 = arith.constant 0 : index
    %get3A_207 = vector.load %arg7[%get3A_205, %get3A_206] : memref<32x1024xf32, #tpu.memory_space<vmem>>, vector<1x1024xf32>
    %sub3A_208 = vector.broadcast %slice3A_204 : vector<512x1xf32> to vector<512x1024xf32>
    %sub3A_209 = vector.broadcast %get3A_207 : vector<1x1024xf32> to vector<512x1024xf32>
    %sub3A_210 = arith.subf %sub3A_208, %sub3A_209 : vector<512x1024xf32>
    %abs3A_211 = math.absf %sub3A_210 : vector<512x1024xf32>
    %add3A_212 = arith.addf %add3A_194, %abs3A_211 : vector<512x1024xf32>
    %slice3A_213 = vector.extract_strided_slice %get3A_6 {offsets = [0, 11], sizes = [512, 1], strides = [1, 1]} : vector<512x16xf32> to vector<512x1xf32>
    %get3A_214 = arith.constant 27 : index
    %get3A_215 = arith.constant 0 : index
    %get3A_216 = vector.load %arg7[%get3A_214, %get3A_215] : memref<32x1024xf32, #tpu.memory_space<vmem>>, vector<1x1024xf32>
    %sub3A_217 = vector.broadcast %slice3A_213 : vector<512x1xf32> to vector<512x1024xf32>
    %sub3A_218 = vector.broadcast %get3A_216 : vector<1x1024xf32> to vector<512x1024xf32>
    %sub3A_219 = arith.subf %sub3A_217, %sub3A_218 : vector<512x1024xf32>
    %abs3A_220 = math.absf %sub3A_219 : vector<512x1024xf32>
    %add3A_221 = arith.addf %add3A_203, %abs3A_220 : vector<512x1024xf32>
    %slice3A_222 = vector.extract_strided_slice %get3A_3 {offsets = [0, 12], sizes = [512, 1], strides = [1, 1]} : vector<512x16xf32> to vector<512x1xf32>
    %get3A_223 = arith.constant 12 : index
    %get3A_224 = arith.constant 0 : index
    %get3A_225 = vector.load %arg7[%get3A_223, %get3A_224] : memref<32x1024xf32, #tpu.memory_space<vmem>>, vector<1x1024xf32>
    %sub3A_226 = vector.broadcast %slice3A_222 : vector<512x1xf32> to vector<512x1024xf32>
    %sub3A_227 = vector.broadcast %get3A_225 : vector<1x1024xf32> to vector<512x1024xf32>
    %sub3A_228 = arith.subf %sub3A_226, %sub3A_227 : vector<512x1024xf32>
    %abs3A_229 = math.absf %sub3A_228 : vector<512x1024xf32>
    %add3A_230 = arith.addf %add3A_212, %abs3A_229 : vector<512x1024xf32>
    %slice3A_231 = vector.extract_strided_slice %get3A_6 {offsets = [0, 12], sizes = [512, 1], strides = [1, 1]} : vector<512x16xf32> to vector<512x1xf32>
    %get3A_232 = arith.constant 28 : index
    %get3A_233 = arith.constant 0 : index
    %get3A_234 = vector.load %arg7[%get3A_232, %get3A_233] : memref<32x1024xf32, #tpu.memory_space<vmem>>, vector<1x1024xf32>
    %sub3A_235 = vector.broadcast %slice3A_231 : vector<512x1xf32> to vector<512x1024xf32>
    %sub3A_236 = vector.broadcast %get3A_234 : vector<1x1024xf32> to vector<512x1024xf32>
    %sub3A_237 = arith.subf %sub3A_235, %sub3A_236 : vector<512x1024xf32>
    %abs3A_238 = math.absf %sub3A_237 : vector<512x1024xf32>
    %add3A_239 = arith.addf %add3A_221, %abs3A_238 : vector<512x1024xf32>
    %slice3A_240 = vector.extract_strided_slice %get3A_3 {offsets = [0, 13], sizes = [512, 1], strides = [1, 1]} : vector<512x16xf32> to vector<512x1xf32>
    %get3A_241 = arith.constant 13 : index
    %get3A_242 = arith.constant 0 : index
    %get3A_243 = vector.load %arg7[%get3A_241, %get3A_242] : memref<32x1024xf32, #tpu.memory_space<vmem>>, vector<1x1024xf32>
    %sub3A_244 = vector.broadcast %slice3A_240 : vector<512x1xf32> to vector<512x1024xf32>
    %sub3A_245 = vector.broadcast %get3A_243 : vector<1x1024xf32> to vector<512x1024xf32>
    %sub3A_246 = arith.subf %sub3A_244, %sub3A_245 : vector<512x1024xf32>
    %abs3A_247 = math.absf %sub3A_246 : vector<512x1024xf32>
    %add3A_248 = arith.addf %add3A_230, %abs3A_247 : vector<512x1024xf32>
    %slice3A_249 = vector.extract_strided_slice %get3A_6 {offsets = [0, 13], sizes = [512, 1], strides = [1, 1]} : vector<512x16xf32> to vector<512x1xf32>
    %get3A_250 = arith.constant 29 : index
    %get3A_251 = arith.constant 0 : index
    %get3A_252 = vector.load %arg7[%get3A_250, %get3A_251] : memref<32x1024xf32, #tpu.memory_space<vmem>>, vector<1x1024xf32>
    %sub3A_253 = vector.broadcast %slice3A_249 : vector<512x1xf32> to vector<512x1024xf32>
    %sub3A_254 = vector.broadcast %get3A_252 : vector<1x1024xf32> to vector<512x1024xf32>
    %sub3A_255 = arith.subf %sub3A_253, %sub3A_254 : vector<512x1024xf32>
    %abs3A_256 = math.absf %sub3A_255 : vector<512x1024xf32>
    %add3A_257 = arith.addf %add3A_239, %abs3A_256 : vector<512x1024xf32>
    %slice3A_258 = vector.extract_strided_slice %get3A_3 {offsets = [0, 14], sizes = [512, 1], strides = [1, 1]} : vector<512x16xf32> to vector<512x1xf32>
    %get3A_259 = arith.constant 14 : index
    %get3A_260 = arith.constant 0 : index
    %get3A_261 = vector.load %arg7[%get3A_259, %get3A_260] : memref<32x1024xf32, #tpu.memory_space<vmem>>, vector<1x1024xf32>
    %sub3A_262 = vector.broadcast %slice3A_258 : vector<512x1xf32> to vector<512x1024xf32>
    %sub3A_263 = vector.broadcast %get3A_261 : vector<1x1024xf32> to vector<512x1024xf32>
    %sub3A_264 = arith.subf %sub3A_262, %sub3A_263 : vector<512x1024xf32>
    %abs3A_265 = math.absf %sub3A_264 : vector<512x1024xf32>
    %add3A_266 = arith.addf %add3A_248, %abs3A_265 : vector<512x1024xf32>
    %slice3A_267 = vector.extract_strided_slice %get3A_6 {offsets = [0, 14], sizes = [512, 1], strides = [1, 1]} : vector<512x16xf32> to vector<512x1xf32>
    %get3A_268 = arith.constant 30 : index
    %get3A_269 = arith.constant 0 : index
    %get3A_270 = vector.load %arg7[%get3A_268, %get3A_269] : memref<32x1024xf32, #tpu.memory_space<vmem>>, vector<1x1024xf32>
    %sub3A_271 = vector.broadcast %slice3A_267 : vector<512x1xf32> to vector<512x1024xf32>
    %sub3A_272 = vector.broadcast %get3A_270 : vector<1x1024xf32> to vector<512x1024xf32>
    %sub3A_273 = arith.subf %sub3A_271, %sub3A_272 : vector<512x1024xf32>
    %abs3A_274 = math.absf %sub3A_273 : vector<512x1024xf32>
    %add3A_275 = arith.addf %add3A_257, %abs3A_274 : vector<512x1024xf32>
    %slice3A_276 = vector.extract_strided_slice %get3A_3 {offsets = [0, 15], sizes = [512, 1], strides = [1, 1]} : vector<512x16xf32> to vector<512x1xf32>
    %get3A_277 = arith.constant 15 : index
    %get3A_278 = arith.constant 0 : index
    %get3A_279 = vector.load %arg7[%get3A_277, %get3A_278] : memref<32x1024xf32, #tpu.memory_space<vmem>>, vector<1x1024xf32>
    %sub3A_280 = vector.broadcast %slice3A_276 : vector<512x1xf32> to vector<512x1024xf32>
    %sub3A_281 = vector.broadcast %get3A_279 : vector<1x1024xf32> to vector<512x1024xf32>
    %sub3A_282 = arith.subf %sub3A_280, %sub3A_281 : vector<512x1024xf32>
    %abs3A_283 = math.absf %sub3A_282 : vector<512x1024xf32>
    %add3A_284 = arith.addf %add3A_266, %abs3A_283 : vector<512x1024xf32>
    %slice3A_285 = vector.extract_strided_slice %get3A_6 {offsets = [0, 15], sizes = [512, 1], strides = [1, 1]} : vector<512x16xf32> to vector<512x1xf32>
    %get3A_286 = arith.constant 31 : index
    %get3A_287 = arith.constant 0 : index
    %get3A_288 = vector.load %arg7[%get3A_286, %get3A_287] : memref<32x1024xf32, #tpu.memory_space<vmem>>, vector<1x1024xf32>
    %sub3A_289 = vector.broadcast %slice3A_285 : vector<512x1xf32> to vector<512x1024xf32>
    %sub3A_290 = vector.broadcast %get3A_288 : vector<1x1024xf32> to vector<512x1024xf32>
    %sub3A_291 = arith.subf %sub3A_289, %sub3A_290 : vector<512x1024xf32>
    %abs3A_292 = math.absf %sub3A_291 : vector<512x1024xf32>
    %add3A_293 = arith.addf %add3A_275, %abs3A_292 : vector<512x1024xf32>
    %swap3A = arith.constant 0 : index
    %swap3A_294 = arith.constant 0 : index
    %swap3A_295 = vector.load %arg5[%swap3A, %swap3A_294] : memref<512x1024xf32, #tpu.memory_space<vmem>>, vector<512x1024xf32>
    tpu.vector_store %arg5[%swap3A, %swap3A_294], %add3A_284 {strides = array<i32>} : memref<512x1024xf32, #tpu.memory_space<vmem>>, vector<512x1024xf32>,
    %swap3A_296 = arith.constant 0 : index
    %swap3A_297 = arith.constant 0 : index
    %swap3A_298 = vector.load %arg6[%swap3A_296, %swap3A_297] : memref<512x1024xf32, #tpu.memory_space<vmem>>, vector<512x1024xf32>
    tpu.vector_store %arg6[%swap3A_296, %swap3A_297], %add3A_293 {strides = array<i32>} : memref<512x1024xf32, #tpu.memory_space<vmem>>, vector<512x1024xf32>,
    %get3A_299 = arith.constant 0 : index
    %get3A_300 = arith.constant 0 : index
    %get3A_301 = vector.load %arg3[%get3A_299, %get3A_300] : memref<512x128xf32, #tpu.memory_space<vmem>>, vector<512x16xf32>
    %add3A_302 = arith.constant 1.000000e+00 : f32
    %add3A_303 = vector.broadcast %add3A_302 : f32 to vector<512x16xf32>
    %add3A_304 = arith.addf %get3A_301, %add3A_303 : vector<512x16xf32>
    %get3A_305 = arith.constant 0 : index
    %get3A_306 = arith.constant 16 : index
    %get3A_307 = vector.load %arg3[%get3A_305, %get3A_306] : memref<512x128xf32, #tpu.memory_space<vmem>>, vector<512x16xf32>
    %add3A_308 = arith.constant 1.000000e+00 : f32
    %add3A_309 = vector.broadcast %add3A_308 : f32 to vector<512x16xf32>
    %add3A_310 = arith.addf %get3A_307, %add3A_309 : vector<512x16xf32>
    %sub3A_311 = arith.subf %add3A_304, %get3A_3 : vector<512x16xf32>
    %max3A = arith.constant 0.000000e+00 : f32
    %max3A_312 = vector.broadcast %max3A : f32 to vector<512x16xf32>
    %max3A_313 = arith.maximumf %sub3A_311, %max3A_312 : vector<512x16xf32>
    %reduce_sum3A = vector.shape_cast %max3A_313 : vector<512x16xf32> to vector<1x512x16xf32>
    %reduce_sum3A_314 = arith.constant dense<0.000000e+00> : vector<1xf32>
    %reduce_sum3A_315 = vector.multi_reduction <add>, %reduce_sum3A, %reduce_sum3A_314 [1, 2] : vector<1x512x16xf32> to vector<1xf32>
    %reduce_sum3A_316 = vector.shape_cast %reduce_sum3A_315 : vector<1xf32> to vector<1x1x1xf32>
    %reduce_sum3A_317 = vector.extract %reduce_sum3A_316[0, 0, 0] : f32 from vector<1x1x1xf32>
    %sub3A_318 = arith.subf %get3A_6, %add3A_310 : vector<512x16xf32>
    %max3A_319 = arith.constant 0.000000e+00 : f32
    %max3A_320 = vector.broadcast %max3A_319 : f32 to vector<512x16xf32>
    %max3A_321 = arith.maximumf %sub3A_318, %max3A_320 : vector<512x16xf32>
    %reduce_sum3A_322 = vector.shape_cast %max3A_321 : vector<512x16xf32> to vector<1x512x16xf32>
    %reduce_sum3A_323 = arith.constant dense<0.000000e+00> : vector<1xf32>
    %reduce_sum3A_324 = vector.multi_reduction <add>, %reduce_sum3A_322, %reduce_sum3A_323 [1, 2] : vector<1x512x16xf32> to vector<1xf32>
    %reduce_sum3A_325 = vector.shape_cast %reduce_sum3A_324 : vector<1xf32> to vector<1x1x1xf32>
    %reduce_sum3A_326 = vector.extract %reduce_sum3A_325[0, 0, 0] : f32 from vector<1x1x1xf32>
    %add3A_327 = arith.addf %reduce_sum3A_317, %reduce_sum3A_326 : f32
    %sub3A_328 = arith.subf %add3A_304, %get3A_6 : vector<512x16xf32>
    %max3A_329 = arith.constant 0.000000e+00 : f32
    %max3A_330 = vector.broadcast %max3A_329 : f32 to vector<512x16xf32>
    %max3A_331 = arith.maximumf %sub3A_328, %max3A_330 : vector<512x16xf32>
    %reduce_sum3A_332 = vector.shape_cast %max3A_331 : vector<512x16xf32> to vector<1x512x16xf32>
    %reduce_sum3A_333 = arith.constant dense<0.000000e+00> : vector<1xf32>
    %reduce_sum3A_334 = vector.multi_reduction <add>, %reduce_sum3A_332, %reduce_sum3A_333 [1, 2] : vector<1x512x16xf32> to vector<1xf32>
    %reduce_sum3A_335 = vector.shape_cast %reduce_sum3A_334 : vector<1xf32> to vector<1x1x1xf32>
    %reduce_sum3A_336 = vector.extract %reduce_sum3A_335[0, 0, 0] : f32 from vector<1x1x1xf32>
    %add3A_337 = arith.addf %add3A_327, %reduce_sum3A_336 : f32
    %sub3A_338 = arith.subf %get3A_3, %add3A_310 : vector<512x16xf32>
    %max3A_339 = arith.constant 0.000000e+00 : f32
    %max3A_340 = vector.broadcast %max3A_339 : f32 to vector<512x16xf32>
    %max3A_341 = arith.maximumf %sub3A_338, %max3A_340 : vector<512x16xf32>
    %reduce_sum3A_342 = vector.shape_cast %max3A_341 : vector<512x16xf32> to vector<1x512x16xf32>
    %reduce_sum3A_343 = arith.constant dense<0.000000e+00> : vector<1xf32>
    %reduce_sum3A_344 = vector.multi_reduction <add>, %reduce_sum3A_342, %reduce_sum3A_343 [1, 2] : vector<1x512x16xf32> to vector<1xf32>
    %reduce_sum3A_345 = vector.shape_cast %reduce_sum3A_344 : vector<1xf32> to vector<1x1x1xf32>
    %reduce_sum3A_346 = vector.extract %reduce_sum3A_345[0, 0, 0] : f32 from vector<1x1x1xf32>
    %add3A_347 = arith.addf %add3A_337, %reduce_sum3A_346 : f32
    %eq3A_348 = arith.constant 0 : i32
    %eq3A_349 = arith.cmpi eq, %arg0, %eq3A_348 : i32
    %convert_element_type3A_350 = arith.extui %eq3A_349 : i1 to i32
    %cond3A_351 = arith.constant 0 : i32
    %cond3A_352 = arith.cmpi ne, %convert_element_type3A_350, %cond3A_351 : i32
    scf.if %cond3A_352 {
      %swap3A_360 = arith.constant 0.000000e+00 : f32
      %swap3A_361 = arith.constant 0 : index
      %swap3A_362 = arith.constant 0 : index
      %swap3A_363 = memref.load %arg4[%swap3A_361, %swap3A_362] : memref<1x1xf32, #tpu.memory_space<smem>>
      memref.store %swap3A_360, %arg4[%swap3A_361, %swap3A_362] : memref<1x1xf32, #tpu.memory_space<smem>>
    } else {
    }
    %get3A_353 = arith.constant 0 : index
    %get3A_354 = arith.constant 0 : index
    %get3A_355 = memref.load %arg4[%get3A_353, %get3A_354] : memref<1x1xf32, #tpu.memory_space<smem>>
    %add3A_356 = arith.addf %get3A_355, %add3A_347 : f32
    %swap3A_357 = arith.constant 0 : index
    %swap3A_358 = arith.constant 0 : index
    %swap3A_359 = memref.load %arg4[%swap3A_357, %swap3A_358] : memref<1x1xf32, #tpu.memory_space<smem>>
    memref.store %add3A_356, %arg4[%swap3A_357, %swap3A_358] : memref<1x1xf32, #tpu.memory_space<smem>>
    return
  }
  func.func @transform_0(%arg0: i32) -> (i32, i32) {
    %c0_i32 = arith.constant 0 : i32
    %c0_i32_0 = arith.constant 0 : i32
    return %arg0, %c0_i32 : i32, i32
  }
  func.func @transform_1(%arg0: i32) -> (i32, i32, i32) {
    %c0_i32 = arith.constant 0 : i32
    %c0_i32_0 = arith.constant 0 : i32
    %c0_i32_1 = arith.constant 0 : i32
    %c0_i32_2 = arith.constant 0 : i32
    return %c0_i32, %c0_i32_0, %c0_i32_1 : i32, i32, i32
  }
  func.func @transform_2(%arg0: i32) -> (i32, i32) {
    %c0_i32 = arith.constant 0 : i32
    %c0_i32_0 = arith.constant 0 : i32
    return %arg0, %c0_i32 : i32, i32
  }
  func.func @transform_3(%arg0: i32) -> (i32, i32) {
    %c0_i32 = arith.constant 0 : i32
    %c0_i32_0 = arith.constant 0 : i32
    %c0_i32_1 = arith.constant 0 : i32
    return %c0_i32, %c0_i32_0 : i32, i32
  }
  func.func @transform_4(%arg0: i32) -> (i32, i32) {
    %c0_i32 = arith.constant 0 : i32
    %c0_i32_0 = arith.constant 0 : i32
    return %arg0, %c0_i32 : i32, i32
  }
  func.func @transform_5(%arg0: i32) -> (i32, i32) {
    %c0_i32 = arith.constant 0 : i32
    %c0_i32_0 = arith.constant 0 : i32
    return %arg0, %c0_i32 : i32, i32
  }
}

</mosaic_0001>

<sc_bundles>
// kernel: kernel.4.cloned.1.call-start
scs
__scs_entry_jumppad:
0x0: {  	(pc) =	sbr.rel $0x88, $3  }
0x1: {  	(tag) =	ssettag $0x0;
	lr =	simm.s32 $0x1  }
0x2: {  	[smem:$0x3F9D] =	sst lr;
	_ =	strace $0xD0000000  }
0x3: {  	_ = 	snop  }
0x4: {  	_ = 	snop  }
0x5: {  	_ = 	snop  }
0x6: {  	_ = 	snop  }
0x7: {  	_ = 	snop  }
__scs_overlays_trampoline_lowered:
0x8: {  	[smem:$0x3FAC] =	sst s0  }
0x9: {  	[smem:$0x3FAD] =	sst s1  }
0xa: {  	[smem:$0x3FAE] =	sst s2  }
0xb: {  	[smem:$0x3FAF] =	sst s3  }
0xc: {  	[smem:$0x3FB0] =	sst s4  }
0xd: {  	[smem:$0x3FB1] =	sst s5  }
0xe: {  	[smem:$0x3FB2] =	sst s6  }
0xf: {  	[smem:$0x3FB3] =	sst s7  }
0x10: {  	[smem:$0x3FB4] =	sst s8  }
0x11: {  	[smem:$0x3FB5] =	sst s9;
	s0 =	simm.s32 @!p0 $0x0  }
0x12: {  	s1 =	sld [smem:$0x3F9B];
	s0 =	simm.s32 @p0 $0x1  }
0x13: {  	[smem:$0x3FB6] =	sst s0;
	s0 =	simm.s32 @!p1 $0x0  }
0x14: {  	s2 =	sld [smem:$0x3F9A];
	s0 =	simm.s32 @p1 $0x1  }
0x15: {  	[smem:$0x3FB7] =	sst s0;
	s0 =	simm.s32 @!p2 $0x0  }
0x16: {  	s3 =	sld [smem:$0x3FDB];
	s0 =	simm.s32 @p2 $0x1  }
0x17: {  	s4 =	simm.s32 $0x1BF5;
	[smem:$0x3FB9] =	sst s0  }
0x18: {  	s0 =	sld [smem:$0x3F9C];
	_ =	swait.ge [sflag:s4], $0x0  }
0x19: {  	s7 =	sld [smem:$0x3F9D]  }
0x1a: {  	s8 =	sadd.s32 $0xFFFFE003, lr  }
0x1b: {  	s9 =	sadd.s32 $0xFFFFFEF7, lr;
	s5 =	simm.s32 $0xFFFFFFFF;
	p2 =	slt.u32 s8, $0xFFFFF086  }
0x1c: {  	p1 =	slt.u32 s9, $0xF7A;
	s5 =	simm.s32 @!p2 $0x0  }
0x1d: {  	s5 =	simm.s32 @p1 $0x1;
	p0 =	seq.s32 s7, s2  }
0x1e: {  	s7 =	smul.u32 @!p0 $0xF7A, s2;
	p2 =	seq.s32 @!p0 s5, $0x0  }
0x1f: {  	s9 =	smul.u32 $0xF7A, s1;
	s8 =	simm.s32 @!p0 $0x1BF5;
	p2 =	por !p2, p0  }
0x20: {  	[sflag:s8] =	ssyncset.s32 @!p0 $0xFFFFF086;
	s6 =	sadd.s32 @!p0 s3, s7;
	s7 =	simm.s32 @!p0 $0x108  }
0x21: {  	s3 =	sadd.s32 s3, s9;
	s6 =	sadd.s32 @!p0 $0x88, s6;
	s7 =	simm.s32 @p2 $0x1082  }
0x22: {  	[simem:s7], [sflag:s8] =	dma.local @!p0 [hbm:s6], $0xF7A  }
0x23: {  	s9 =	sor.u32 $0xD0000000, s2;
	s6 =	simm.s32 $0x108;
	_ =	swait.ge @!p0 [sflag:s8], $0x0  }
0x24: {  	s3 =	sadd.s32 $0x88, s3;
	s6 =	simm.s32 @!p1 $0x1082;
	[sflag:s4] =	ssyncset.s32 $0xFFFFF086  }
0x25: {  	[simem:s6], [sflag:s4] =	dma.local [hbm:s3], $0xF7A  }
0x26: {  	[smem:$0x3F9D] =	sst s1;
	(tag) =	ssettag s2;
	_ =	strace s9  }
0x27: {  	s1 =	sld [smem:$0x3FAD]  }
0x28: {  	s2 =	sld [smem:$0x3FAE]  }
0x29: {  	s4 =	sld [smem:$0x3FB0]  }
0x2a: {  	p0 =	seq.s32 s5, $0x0;
	s5 =	sld [smem:$0x3FB1]  }
0x2b: {  	s6 =	sld [smem:$0x3FB2]  }
0x2c: {  	s7 =	sld [smem:$0x3FB3]  }
0x2d: {  	s3 =	simm.s32 $0x108;
	s8 =	sld [smem:$0x3FB4]  }
0x2e: {  	s3 =	simm.s32 @!p0 $0x1082;
	s9 =	sld [smem:$0x3FB5]  }
0x2f: {  	lr =	sadd.s32 s0, s3;
	s0 =	sld [smem:$0x3FAC]  }
0x30: {  	s3 =	sld [smem:$0x3FAF]  }
0x31: {  	[smem:$0x3FB8] =	sst s10  }
0x32: {  	s10 =	sld [smem:$0x3FB6];
	_ =	sdelay $0x3  }
0x33: {  	p0 =	seq.s32 s10, $0x1;
	s10 =	sld [smem:$0x3FB8];
	_ =	sdelay $0x3  }
0x34: {  	[smem:$0x3FB8] =	sst s10  }
0x35: {  	s10 =	sld [smem:$0x3FB7];
	_ =	sdelay $0x3  }
0x36: {  	p1 =	seq.s32 s10, $0x1;
	s10 =	sld [smem:$0x3FB8];
	_ =	sdelay $0x3  }
0x37: {  	[smem:$0x3FB8] =	sst s10  }
0x38: {  	s10 =	sld [smem:$0x3FB9]  }
0x39: {  	_ = 	snop;
	(pc) =	sbr.ind lr, $3  }
0x3a: {  	_ = 	snop  }
0x3b: {  	_ = 	snop  }
0x3c: {  	p2 =	seq.s32 s10, $0x1;
	s10 =	sld [smem:$0x3FB8]  }
0x3d: {  	_ =	shalt  }
0x3e: {  	_ =	shalt  }
0x3f: {  	_ =	shalt  }
0x40: {  	_ =	shalt  }
0x41: {  	_ =	shalt  }
0x42: {  	_ =	shalt  }
0x43: {  	_ =	shalt  }
0x44: {  	_ =	shalt  }
0x45: {  	_ =	shalt  }
0x46: {  	_ =	shalt  }
0x47: {  	_ =	shalt  }
0x48: {  	_ =	shalt  }
0x49: {  	_ =	shalt  }
0x4a: {  	_ =	shalt  }
0x4b: {  	_ =	shalt  }
0x4c: {  	_ =	shalt  }
0x4d: {  	_ =	shalt  }
0x4e: {  	_ =	shalt  }
0x4f: {  	_ =	shalt  }
0x50: {  	_ =	shalt  }
0x51: {  	_ =	shalt  }
0x52: {  	_ =	shalt  }
0x53: {  	_ =	shalt  }
0x54: {  	_ =	shalt  }
0x55: {  	_ =	shalt  }
0x56: {  	_ =	shalt  }
0x57: {  	_ =	shalt  }
0x58: {  	_ =	shalt  }
0x59: {  	_ =	shalt  }
0x5a: {  	_ =	shalt  }
0x5b: {  	_ =	shalt  }
0x5c: {  	_ =	shalt  }
0x5d: {  	_ =	shalt  }
0x5e: {  	_ =	shalt  }
0x5f: {  	_ =	shalt  }
0x60: {  	_ =	shalt  }
0x61: {  	_ =	shalt  }
0x62: {  	_ =	shalt  }
0x63: {  	_ =	shalt  }
0x64: {  	_ =	shalt  }
0x65: {  	_ =	shalt  }
0x66: {  	_ =	shalt  }
0x67: {  	_ =	shalt  }
0x68: {  	_ =	shalt  }
0x69: {  	_ =	shalt  }
0x6a: {  	_ =	shalt  }
0x6b: {  	_ =	shalt  }
0x6c: {  	_ =	shalt  }
0x6d: {  	_ =	shalt  }
0x6e: {  	_ =	shalt  }
0x6f: {  	_ =	shalt  }
0x70: {  	_ =	shalt  }
0x71: {  	_ =	shalt  }
0x72: {  	_ =	shalt  }
0x73: {  	_ =	shalt  }
0x74: {  	_ =	shalt  }
0x75: {  	_ =	shalt  }
0x76: {  	_ =	shalt  }
0x77: {  	_ =	shalt  }
0x78: {  	_ =	shalt  }
0x79: {  	_ =	shalt  }
0x7a: {  	_ =	shalt  }
0x7b: {  	_ =	shalt  }
0x7c: {  	_ =	shalt  }
0x7d: {  	_ =	shalt  }
0x7e: {  	_ =	shalt  }
0x7f: {  	_ =	shalt  }
0x80: {  	_ =	shalt  }
0x81: {  	_ =	shalt  }
0x82: {  	_ =	shalt  }
0x83: {  	_ =	shalt  }
0x84: {  	_ =	shalt  }
0x85: {  	_ =	shalt  }
0x86: {  	_ =	shalt  }
0x87: {  	_ =	shalt  }
.Lfunc_end0:
.L_simem_size_0:
called_computation_lowered:
.L_overlay_start_0:
0x88: {  	s2 =	sld [smem:$0x3FD9]  }
0x89: {  	s3 =	sld [smem:$0x3FFE];
	_ =	sdelay $0x1  }
0x8a: {  	s1 =	srdreg.scid  }
0x8b: {  	s0 =	sand.u32 $0x1, s1  }
0x8c: {  	s14 =	sshll.u32 s0, $0xA;
	s2 =	sadd.s32 s3, s2  }
0x8d: {  	s2 =	sadd.s32 s2, s14  }
0x8e: {  	[smem:$0x3FC4] =	sst s2  }
0x8f: {  	_ = 	snop  }
0x90: {  	s2 =	sld [smem:$0x3FD0]  }
0x91: {  	s15 =	sld [smem:$0x3FC9]  }
0x92: {  	s4 =	sld [smem:$0x3FC8]  }
0x93: {  	s6 =	simm.s32 $0xA;
	s7 =	simm.s32 $0x10;
	s5 =	sld [smem:$0x3FC6]  }
0x94: {  	[smem:s7], [sflag:s6] =	dma.local [hbm:s2], $0x1  }
0x95: {  	_ =	swait.eq [sflag:s6], $0x1  }
0x96: {  	[sflag:s6] =	ssyncset.done $0x0  }
0x97: {  	s16 =	sld [smem:$0x11];
	[sflag:s6] =	ssyncadd.s32 $0xFFFFFFFF  }
0x98: {  	s17 =	sld [smem:$0x12];
	(tm) =	ssettm $0x1  }
0x99: {  	s18 =	sld [smem:$0x3FFB];
	_ =	sdelay $0x3  }
0x9a: {  	_ =	strace s18  }
0x9b: {  	s7 =	sld [smem:$0x3FFC];
	_ =	sdelay $0x3  }
0x9c: {  	_ =	strace s7  }
0x9d: {  	s7 =	sld [smem:$0x3FFD];
	_ =	sdelay $0x3  }
0x9e: {  	_ =	strace s7  }
0x9f: {  	_ =	strace $0x8FFFFFFF  }
0xa0: {  	s19 =	sld [smem:$0x3FDB];
	_ =	sdelay $0x1  }
0xa1: {  	s8 =	simm.s32 $_scs_section_size  }
0xa2: {  	s9 =	simm.s32 $_size__tile_overlayer_lowered;
	s10 =	simm.s32 $_tile_overlayer_lowered  }
0xa3: {  	s22 =	simm.s32 $0x1BFF;
	s21 =	sshll.u32 s10, $0x1;
	s7 =	sadd.s32 s8, s19  }
0xa4: {  	s11 =	simm.s32 $0x0;
	s20 =	sshll.u32 s9, $0x1;
	s9 =	sadd.s32 s21, s7  }
0xa5: {  	[timem:s11], [sflag:s22] =	dma.local [hbm:s9], s20  }
0xa6: {  	_ =	swait.ge [sflag:s22], s20  }
0xa7: {  	s8 =	ssub.s32 $0x0, s20;
	[sflag:s22] =	ssyncset.done $0x0  }
0xa8: {  	[sflag:s22] =	ssyncadd.s32 s8;
	_ =	sdelay $0x1  }
0xa9: {  	s23 =	simm.s32 $0x1B8B  }
0xaa: {  	_ =	swait.ge [sflag:s23], $0x1  }
0xab: {  	[sflag:s23] =	ssyncset.done $0x0  }
0xac: {  	s25 =	simm.s32 $0x1B8E;
	s24 =	sld [smem:$0x3FFE];
	[sflag:s23] =	ssyncadd.s32 $0xFFFFFFFF  }
0xad: {  	s26 =	simm.s32 $execute0_lowered;
	[smem:$0x3FD2] =	sst s25  }
0xae: {  	s9 =	sshll.u32 s26, $0x1;
	_ =	strace $0x80000046;
	[dreg:$0x1] =	wrdreg $0xFFFFFFFF  }
0xaf: {  	s28 =	simm.s32 $_size_execute0_lowered;
	s7 =	sadd.s32 s7, s9;
	[dreg:$0x0] =	wrdreg $0x0  }
0xb0: {  	s9 =	sshll.u32 s28, $0x1;
	[dreg:$0x2] =	wrdreg s7  }
0xb1: {  	[dreg:$0x3] =	wrdreg s9  }
0xb2: {  	[dreg:$0x4] =	wrdreg $0xC0  }
0xb3: {  	_ =	task [dreg:s11], $0x5FFFF  }
0xb4: {  	[dreg:$0x1] =	wrdreg $0xFFFFFFFF  }
0xb5: {  	[dreg:$0x0] =	wrdreg $0x60  }
0xb6: {  	[dreg:$0x2] =	wrdreg s15  }
0xb7: {  	[dreg:$0x3] =	wrdreg s4  }
0xb8: {  	[dreg:$0x4] =	wrdreg s5  }
0xb9: {  	[dreg:$0x5] =	wrdreg s24  }
0xba: {  	[dreg:$0x6] =	wrdreg s17  }
0xbb: {  	[dreg:$0x7] =	wrdreg s16  }
0xbc: {  	[dreg:$0x8] =	wrdreg $0x9  }
0xbd: {  	_ =	task.clear_ibuf [dreg:s11], $0x9FFFF;
	_ =	strace $0x90000046  }
0xbe: {  	s29 =	simm.s32 $0x9;
	_ =	strace $0x80000048  }
0xbf: {  	_ =	swait.ge [sflag:s29], $0x1  }
0xc0: {  	[sflag:s29] =	ssyncadd.s32 $0xFFFFFFFF  }
0xc1: {  	_ =	strace $0x90000048  }
0xc2: {  	_ =	sfence  }
0xc3: {  	s30 =	sld [smem:$0x0];
	_ =	sdelay $0x2  }
0xc4: {  	s31 =	sshll.u32 s1, $0xD;
	s1 =	sshrl.u32 s1, $0x2  }
0xc5: {  	s3 =	sand.u32 $0x4000, s31;
	s1 =	sadd.s32 s1, s30  }
0xc6: {  	s0 =	sor.u32 s3, s0;
	s1 =	sshll.u32 s1, $0x11  }
0xc7: {  	s0 =	sor.u32 s1, s0  }
0xc8: {  	s0 =	sadd.s32 $0x8F2B, s0  }
0xc9: {  	[sflag:s0] =	ssyncadd.remote.s32 $0x1  }
0xca: {  	_ =	sfence.sel $0xFFFF  }
0xcb: {  	[dreg:$0x0] =	wrdreg $0xFFFFFFFF;
	(pc) =	sbr.abs _section_cstart, $3  }
0xcc: {  	[dreg:$0x1] =	wrdreg $0xFFFFFFFF  }
0xcd: {  	_ =	task.clear_ibuf [dreg:s11], $0x2FFFF;
	_ =	strace $0x9FFFFFFF  }
0xce: {  	(tm) =	ssettm $0x7FFFFFFF  }
0xcf: {  	_ =	shalt  }
tec
execute0_lowered:
.L_overlay_start_1:
0x0: {  	(tag) =	ssettag $0x1  }
0x1: {  	vm0 =	vmmov $0x1;
	vm1 =	vcmask $0x308  }
0x2: {  	vm2 =	vcmask $0x70C;
	vm3 =	vcmask $0xB10;
	vm4 =	vcmask $0xF14  }
0x3: {  	vm5 =	vcmask $0x1318;
	vm6 =	vcmask $0x171C;
	vm7 =	vcmask $0x1B20  }
0x4: {  	vm8 =	vcmask $0x1F24;
	vm9 =	vcmask $0x2328;
	v0 =	vlaneseq.u32  }
0x5: {  	vm10 =	vcmask $0x272C;
	vm11 =	vcmask $0x2B30;
	vm12 =	vcmask $0x2F34  }
0x6: {  	vm13 =	vcmask $0x3338;
	vm14 =	vcmask $0x373C;
	vm15 =	vmmov $0x7fff  }
0x7: {  	v1 =	vmul.u32 $0x80, v0;
	v3 =	vor.u32 $0x10, v0;
	v11 =	vor.u32 $0x110, v0  }
0x8: {  	v14 =	vor.u32 $0x180, v0;
	v15 =	vor.u32 $0x190, v0;
	v18 =	vor.u32 $0x200, v0  }
0x9: {  	v19 =	vor.u32 $0x210, v0;
	v22 =	vor.u32 $0x280, v0;
	v23 =	vor.u32 $0x290, v0  }
0xa: {  	v26 =	vor.u32 $0x300, v0;
	v27 =	vor.u32 $0x310, v0;
	v30 =	vor.u32 $0x380, v0  }
0xb: {  	s0 =	rddreg [dreg:$0x0];
	v31 =	vor.u32 $0x390, v0;
	v34 =	vor.u32 $0x400, v0;
	v35 =	vor.u32 $0x410, v0  }
0xc: {  	s8 =	rddreg [dreg:$0x1];
	v38 =	vor.u32 $0x480, v0;
	v39 =	vor.u32 $0x490, v0;
	v42 =	vor.u32 $0x500, v0  }
0xd: {  	s1 =	rddreg [dreg:$0x2];
	v43 =	vor.u32 $0x510, v0;
	v46 =	vor.u32 $0x580, v0;
	v47 =	vor.u32 $0x590, v0  }
0xe: {  	s24 =	rddreg [dreg:$0x3];
	v50 =	vor.u32 $0x600, v0;
	v51 =	vor.u32 $0x610, v0;
	[tilespmem:$0x1FF80] =	vst v3;
	v3 =	vor.u32 $0x1, v1  }
0xf: {  	s2 =	rddreg [dreg:$0x4];
	v54 =	vor.u32 $0x680, v0;
	v55 =	vor.u32 $0x690, v0;
	[tilespmem:$0x1FF90] =	vst v3;
	v3 =	vor.u32 $0x801, v1  }
0x10: {  	s3 =	rddreg [dreg:$0x5];
	v58 =	vor.u32 $0x700, v0;
	v59 =	vor.u32 $0x710, v0;
	[tilespmem:$0x1FFA0] =	vst v3;
	v3 =	vor.u32 $0x80, v0  }
0x11: {  	s4 =	srdreg.scid;
	s5 =	stileid.u32;
	s6 =	simm.s32 $0x0;
	v62 =	vor.u32 $0x780, v0;
	v63 =	vor.u32 $0x790, v0;
	[tilespmem:$0x1FFB0] =	vst v3;
	v3 =	vor.u32 $0x90, v0  }
0x12: {  	s10 =	simm.s32 $0x80;
	s22 =	simm.s32 $0x9080;
	s23 =	simm.s32 $0xA080;
	v2 =	vor.u32 $0x800, v1;
	v12 =	vor.u32 $0x3, v1;
	[tilespmem:$0x1FFC0] =	vst v3;
	v3 =	vor.u32 $0x2, v1  }
0x13: {  	[dreg:$0x7] =	wrdreg s1;
	s4 =	sand.u32 $0x1, s4;
	s5 =	sshll.u32 s5, $0x1;
	v13 =	vor.u32 $0x803, v1;
	v16 =	vor.u32 $0x4, v1;
	[tilespmem:$0x1FFD0] =	vst v3;
	v3 =	vor.u32 $0x802, v1  }
0x14: {  	s15 =	simm.s32 $0x400;
	[smem:$0x7FF] =	sst s6;
	s5 =	sor.u32 s4, s5;
	v17 =	vor.u32 $0x804, v1;
	v20 =	vor.u32 $0x5, v1;
	[tilespmem:$0x1FFE0] =	vst v3;
	v3 =	vor.u32 $0x100, v0  }
0x15: {  	s25 =	sadd.s32 $0x1000, s24;
	s26 =	sadd.s32 $0xF4200, s8;
	s7 =	sshll.u32 s5, $0x2;
	v21 =	vor.u32 $0x805, v1;
	v24 =	vor.u32 $0x6, v1;
	v25 =	vor.u32 $0x806, v1;
	[tilespmem:$0x1FFF0] =	vst v3  }
0x16: {  	v28 =	vor.u32 $0x7, v1;
	v29 =	vor.u32 $0x807, v1;
	v32 =	vor.u32 $0x8, v1;
	s0 =	sadd.s32 s0, s7;
	_ =	strace $0x80000047;
	[dreg:$0x8] =	wrdreg s25  }
0x17: {  	s4 =	ssub.s32 $0x2, s4;
	s5 =	sshll.u32 s5, $0x9;
	v33 =	vor.u32 $0x808, v1;
	v36 =	vor.u32 $0x9, v1;
	v37 =	vor.u32 $0x809, v1;
	[dreg:$0x9] =	wrdreg s0  }
0x18: {  	s29 =	sshrl.u32 s4, $0x1;
	v40 =	vor.u32 $0xA, v1;
	v41 =	vor.u32 $0x80A, v1;
	v44 =	vor.u32 $0xB, v1;
	s28 =	sadd.s32 s2, s5;
	[dreg:$0xa] =	wrdreg s26  }
0x19: {  	v45 =	vor.u32 $0x80B, v1;
	v48 =	vor.u32 $0xC, v1;
	v49 =	vor.u32 $0x80C, v1;
	s1 =	sadd.s32 s5, s24;
	s30 =	sadd.s32 s3, s5;
	[dreg:$0xb] =	wrdreg s28  }
0x1a: {  	v52 =	vor.u32 $0xD, v1;
	v53 =	vor.u32 $0x80D, v1;
	v56 =	vor.u32 $0xE, v1;
	s2 =	ssub.s32 s4, s29;
	s31 =	sadd.s32 $0x28200, s1;
	[dreg:$0xc] =	wrdreg s30  }
0x1b: {  	s12 =	simm.s32 $0x7A1400;
	v57 =	vor.u32 $0x80E, v1;
	v60 =	vor.u32 $0xF, v1;
	v61 =	vor.u32 $0x80F, v1;
	[dreg:$0xd] =	wrdreg s31;
	s0 =	smax.u32 s2, $0x1  }
.LBB2_1:
0x1c: {  	[dreg:$0xe] =	wrdreg s0  }
0x1d: {  	s25 =	rddreg [dreg:$0x9];
	s3 =	simm.s32 $0x0;
	s2 =	simm.s32 $0xB  }
0x1e: {  	[tilespmem:s3], [sflag:$0xB] =	stream.linear.gather [hbm4b:s25+s3], $0x20, $0x38;
	[tilespmem:$0xC100] =	vst v63  }
0x1f: {  	_ =	swait.ge [sflag:s2], $0x20  }
0x20: {  	s4 =	simm.s32 $0x20;
	[sflag:s2] =	ssyncset.done $0x0  }
0x21: {  	s5 =	simm.s32 $0xB080;
	s26 =	rddreg [dreg:$0x7];
	[sflag:s2] =	ssyncadd.s32 $0xFFFFFFE0  }
0x22: {  	[tilespmem:s5], [sflag:$0x9] =	stream.indirect.gather [hbm4b:s26+s4], $0x1, s3, s4, $0xb8;
	[tilespmem:$0xC100] =	vst v63  }
0x23: {  	s1 =	rddreg [dreg:$0xa]  }
0x24: {  	[tilespmem:s10], [sflag:$0xB] =	stream.strided.gather [hbm4b:s1+s15], $0x1000, s12, s15, $0x38;
	[tilespmem:$0xC100] =	vst v63  }
0x25: {  	_ =	swait.ge [sflag:s2], $0x1000  }
0x26: {  	[sflag:s2] =	ssyncset.done $0x0  }
0x27: {  	[sflag:s2] =	ssyncadd.s32 $0xFFFFF000  }
0x28: {  	v3 =	vld [tilespmem:$0x0];
	_ =	sdelay $0x4  }
0x29: {  	v4 =	vnsel vm0, $0x0, v3  }
0x2a: {  	(xrf0) =	vadd.scan.msk.s32 $0xffff, v4;
	v4 =	vsel vm1, $0x0, v3  }
0x2b: {  	(xrf0) =	vadd.scan.msk.s32 $0xffff, v4;
	v4 =	vsel vm2, $0x0, v3  }
0x2c: {  	(xrf0) =	vadd.scan.msk.s32 $0xffff, v4;
	v4 =	vsel vm3, $0x0, v3  }
0x2d: {  	(xrf0) =	vadd.scan.msk.s32 $0xffff, v4;
	v4 =	vsel vm4, $0x0, v3  }
0x2e: {  	(xrf0) =	vadd.scan.msk.s32 $0xffff, v4;
	v4 =	vsel vm5, $0x0, v3  }
0x2f: {  	(xrf0) =	vadd.scan.msk.s32 $0xffff, v4;
	v4 =	vsel vm6, $0x0, v3;
	_ =	sdelay $0x1  }
0x30: {  	v5, _, _ =	vpop (xrf0)  }
0x31: {  	(xrf0) =	vadd.scan.msk.s32 $0xffff, v4;
	(v2sf) =	vpush v5, $0xF;
	v4, _, _ =	vpop (xrf0)  }
0x32: {  	(v2sf) =	vpush v4, $0xF;
	v4, _, _ =	vpop (xrf0)  }
0x33: {  	(v2sf) =	vpush v4, $0xF  }
0x34: {  	v4, _, _ =	vpop (xrf0)  }
0x35: {  	(v2sf) =	vpush v4, $0xF  }
0x36: {  	v4, _, _ =	vpop (xrf0)  }
0x37: {  	(v2sf) =	vpush v4, $0xF  }
0x38: {  	v4, _, _ =	vpop (xrf0)  }
0x39: {  	(v2sf) =	vpush v4, $0xF;
	_ =	sdelay $0x2  }
0x3a: {  	v4, _, _ =	vpop (xrf0)  }
0x3b: {  	(v2sf) =	vpush v4, $0xF;
	_ =	sdelay $0x2  }
0x3c: {  	s16 =	spop (v2sf)  }
0x3d: {  	s7 =	simm.s32 $0x1;
	s13 =	simm.s32 $0x1;
	s14 =	spop (v2sf)  }
0x3e: {  	s17 =	simm.s32 $0x1;
	s4 =	simm.s32 $0x1;
	s20 =	spop (v2sf)  }
0x3f: {  	s1 =	sand.u32 $0x7F, s14;
	p0 =	slt.s32 s14, $0x1;
	s28 =	sshra.s32 s14, $0x1F  }
0x40: {  	s21 =	spop (v2sf);
	p1 =	sne.s32 s1, $0x0;
	s3 =	sand.u32 $0x7F, s20  }
0x41: {  	p6 =	slt.s32 s20, $0x1;
	s0 =	sshrl.u32 s28, $0x19;
	s18 =	sshra.s32 s20, $0x1F  }
0x42: {  	s6 =	spop (v2sf);
	p0 =	por !p0, !p1;
	p2 =	sne.s32 s3, $0x0  }
0x43: {  	v4 =	vsel vm7, $0x0, v3;
	s29 =	sand.u32 $0x7F, s21;
	p3 =	slt.s32 s21, $0x1;
	s0 =	sadd.s32 s0, s14  }
0x44: {  	(xrf0) =	vadd.scan.msk.s32 $0xffff, v4;
	v4 =	vsel vm8, $0x0, v3;
	s18 =	sshrl.u32 s18, $0x19;
	s24 =	sshra.s32 s21, $0x1F;
	s2 =	spop (v2sf)  }
0x45: {  	(xrf0) =	vadd.scan.msk.s32 $0xffff, v4;
	p0 =	por !p0, !p0;
	p1 =	por !p6, !p2;
	[smem:$0x7FC] =	sst s29  }
0x46: {  	p4 =	sne.s32 s29, $0x0;
	s30 =	sand.u32 $0x7F, s6;
	p5 =	slt.s32 s6, $0x1  }
0x47: {  	s0 =	sshrl.u32 s0, $0x7;
	s11 =	sadd.s32 s18, s20;
	s26 =	sshrl.u32 s24, $0x19  }
0x48: {  	s28 =	sshra.s32 s6, $0x1F;
	s31 =	spop (v2sf);
	p1 =	por !p1, !p1  }
0x49: {  	s4 =	simm.s32 @!p0 $0x0;
	[dreg:$0x1f] =	wrdreg s30;
	p0 =	por !p3, !p4  }
0x4a: {  	v4, _, _ =	vpop (xrf0);
	p6 =	sne.s32 s30, $0x0;
	s8 =	sand.u32 $0x7F, s2;
	s18 =	sshrl.u32 s11, $0x7  }
0x4b: {  	(v2sf) =	vpush v4, $0xF;
	v4, _, _ =	vpop (xrf0);
	s30 =	sshra.s32 s2, $0x1F;
	s7 =	simm.s32 @!p1 $0x0;
	p0 =	por !p0, !p0  }
0x4c: {  	(v2sf) =	vpush v4, $0xF;
	p1 =	por !p5, !p6;
	[dreg:$0x1d] =	wrdreg s8;
	p2 =	sne.s32 s8, $0x0  }
0x4d: {  	s9 =	sand.u32 $0x7F, s31;
	p3 =	slt.s32 s31, $0x1;
	s0 =	ssub.s32 s0, s4  }
0x4e: {  	s4 =	sshrl.u32 s28, $0x19;
	p5 =	slt.s32 s16, $0x1;
	p1 =	por !p1, !p1  }
0x4f: {  	s13 =	simm.s32 @!p0 $0x0;
	[dreg:$0x1c] =	wrdreg s9;
	p4 =	sne.s32 s9, $0x0  }
0x50: {  	s19 =	sshll.u32 s0, $0x7;
	s25 =	ssub.s32 s18, s7;
	s0 =	sadd.s32 s26, s21  }
0x51: {  	s4 =	sadd.s32 s4, s6;
	s7 =	sshrl.u32 s30, $0x19;
	s9 =	sshra.s32 s31, $0x1F  }
0x52: {  	s17 =	simm.s32 @!p1 $0x0;
	p1 =	slt.s32 s2, $0x1;
	p0 =	por !p3, !p4  }
0x53: {  	v4 =	vsel vm9, $0x0, v3;
	s0 =	sshrl.u32 s0, $0x7;
	s4 =	sshrl.u32 s4, $0x7;
	s7 =	sadd.s32 s7, s2  }
0x54: {  	(xrf0) =	vadd.scan.msk.s32 $0xffff, v4;
	v4 =	vsel vm10, $0x0, v3;
	p1 =	por !p1, !p2;
	s28 =	ssub.s32 s0, s13;
	s26 =	ssub.s32 s4, s17  }
0x55: {  	(xrf0) =	vadd.scan.msk.s32 $0xffff, v4;
	s8 =	sshrl.u32 s7, $0x7;
	s7 =	simm.s32 $0x1;
	s4 =	sshrl.u32 s9, $0x19  }
0x56: {  	p0 =	por !p0, !p0;
	s13 =	simm.s32 $0x1;
	p1 =	por !p1, !p1  }
0x57: {  	v4 =	vsel vm11, $0x0, v3;
	s17 =	sshra.s32 s16, $0x1F;
	s4 =	sadd.s32 s4, s31;
	s7 =	simm.s32 @!p1 $0x0  }
0x58: {  	s13 =	simm.s32 @!p0 $0x0;
	s4 =	sshrl.u32 s4, $0x7;
	s24 =	ssub.s32 s8, s7  }
0x59: {  	s18 =	ssub.s32 s4, s13;
	s13 =	sand.u32 $0x7F, s16;
	s4 =	sshrl.u32 s17, $0x19  }
0x5a: {  	(xrf0) =	vadd.scan.msk.s32 $0xffff, v4;
	v4, _, _ =	vpop (xrf0);
	s17 =	simm.s32 $0x1;
	p6 =	sne.s32 s13, $0x0;
	s5 =	spop (v2sf)  }
0x5b: {  	v5 =	vsel vm12, $0x0, v3;
	(v2sf) =	vpush v4, $0xF;
	v6, _, _ =	vpop (xrf0);
	s4 =	sadd.s32 s4, s16;
	p1 =	por !p5, !p6;
	s29 =	spop (v2sf)  }
0x5c: {  	v4 =	vld [tilespmem:$0x10];
	s4 =	sshrl.u32 s4, $0x7;
	p1 =	por !p1, !p1;
	s7 =	sand.u32 $0x7F, s5;
	(xrf0) =	vadd.scan.msk.s32 $0xffff, v5  }
0x5d: {  	s17 =	simm.s32 @!p1 $0x0;
	p2 =	slt.s32 s5, $0x1;
	p3 =	sne.s32 s7, $0x0  }
0x5e: {  	s30 =	simm.s32 $0x2080;
	s4 =	ssub.s32 s4, s17;
	v5 =	vsel vm13, $0x0, v3;
	p0 =	por !p2, !p3  }
0x5f: {  	s17 =	simm.s32 $0x1;
	s4 =	sshll.u32 s4, $0x7;
	(xrf0) =	vadd.scan.msk.s32 $0xffff, v5;
	v5 =	vsel vm14, $0x0, v3;
	p0 =	por !p0, !p0  }
0x60: {  	s8 =	simm.s32 $0x1080;
	v3 =	vsel vm15, $0x0, v3;
	(xrf0) =	vadd.scan.msk.s32 $0xffff, v5;
	s17 =	simm.s32 @!p0 $0x0;
	p0 =	slt.s32 s4, $0xF4180  }
0x61: {  	s11 =	sshra.s32 s5, $0x1F;
	(v2sf) =	vpush v6, $0xF;
	v6, _, _ =	vpop (xrf0);
	s9 =	rddreg [dreg:$0x1];
	(xrf0) =	vadd.scan.msk.s32 $0xffff, v3;
	v3 =	vnsel vm0, $0x0, v4;
	s4 =	simm.s32 @!p0 $0xF4180  }
0x62: {  	p1 =	slt.s32 s19, $0xF4180;
	s0 =	sshrl.u32 s11, $0x19;
	s4 =	sadd.s32 s9, s4;
	v5, _, _ =	vpop (xrf0);
	(xrf0) =	vadd.scan.msk.s32 $0xffff, v3  }
0x63: {  	v3 =	vsel vm1, $0x0, v4;
	[tilespmem:s8], [sflag:$0x1] =	stream.strided.gather [hbm4b:s4+s15], $0x1000, s12, s15, $0x38;
	[tilespmem:$0xC100] =	vst v63  }
0x64: {  	s25 =	sshll.u32 s25, $0x7;
	s19 =	simm.s32 @!p1 $0xF4180;
	s0 =	sadd.s32 s0, s5;
	(xrf0) =	vadd.scan.msk.s32 $0xffff, v3;
	v3 =	vsel vm2, $0x0, v4  }
0x65: {  	s0 =	sshrl.u32 s0, $0x7;
	s19 =	sadd.s32 s9, s19;
	p0 =	slt.s32 s25, $0xF4180;
	(xrf0) =	vadd.scan.msk.s32 $0xffff, v3  }
0x66: {  	(v2sf) =	vpush v6, $0xF;
	v3 =	vsel vm3, $0x0, v4;
	[tilespmem:s30], [sflag:$0x2] =	stream.strided.gather [hbm4b:s19+s15], $0x1000, s12, s15, $0x38;
	[tilespmem:$0xC100] =	vst v63  }
0x67: {  	s17 =	ssub.s32 s0, s17;
	s25 =	simm.s32 @!p0 $0xF4180;
	(v2sf) =	vpush v5, $0xF;
	v5, _, _ =	vpop (xrf0);
	s19 =	sshll.u32 s28, $0x7;
	(xrf0) =	vadd.scan.msk.s32 $0xffff, v3;
	v3 =	vsel vm4, $0x0, v4  }
0x68: {  	s0 =	simm.s32 $0x3080;
	s25 =	sadd.s32 s9, s25;
	(v2sf) =	vpush v5, $0xF;
	v5, _, _ =	vpop (xrf0);
	p0 =	slt.s32 s19, $0xF4180;
	(xrf0) =	vadd.scan.msk.s32 $0xffff, v3  }
0x69: {  	v3 =	vsel vm5, $0x0, v4;
	[tilespmem:s0], [sflag:$0x3] =	stream.strided.gather [hbm4b:s25+s15], $0x1000, s12, s15, $0x38;
	[tilespmem:$0xC100] =	vst v63  }
0x6a: {  	s19 =	simm.s32 @!p0 $0xF4180;
	(xrf0) =	vadd.scan.msk.s32 $0xffff, v3;
	v3 =	vsel vm6, $0x0, v4  }
0x6b: {  	s8 =	sshll.u32 s26, $0x7;
	s26 =	simm.s32 $0x4080;
	(v2sf) =	vpush v5, $0xF;
	v5, _, _ =	vpop (xrf0);
	s19 =	sadd.s32 s9, s19;
	(xrf0) =	vadd.scan.msk.s32 $0xffff, v3  }
0x6c: {  	v3 =	vsel vm7, $0x0, v4;
	[tilespmem:s26], [sflag:$0x4] =	stream.strided.gather [hbm4b:s19+s15], $0x1000, s12, s15, $0x38;
	[tilespmem:$0xC100] =	vst v63  }
0x6d: {  	p0 =	slt.s32 s8, $0xF4180;
	v6, _, _ =	vpop (xrf0);
	(xrf0) =	vadd.scan.msk.s32 $0xffff, v3;
	v3 =	vsel vm8, $0x0, v4  }
0x6e: {  	(v2sf) =	vpush v5, $0xF;
	v5 =	vsel vm9, $0x0, v4;
	s8 =	simm.s32 @!p0 $0xF4180;
	s19 =	sshll.u32 s24, $0x7  }
0x6f: {  	s0 =	simm.s32 $0x5080;
	s8 =	sadd.s32 s9, s8;
	p0 =	slt.s32 s19, $0xF4180;
	(xrf0) =	vadd.scan.msk.s32 $0xffff, v3  }
0x70: {  	(v2sf) =	vpush v6, $0xF;
	[tilespmem:s0], [sflag:$0x5] =	stream.strided.gather [hbm4b:s8+s15], $0x1000, s12, s15, $0x38;
	v3, _, _ =	vpop (xrf0);
	[tilespmem:$0xC100] =	vst v63  }
0x71: {  	s19 =	simm.s32 @!p0 $0xF4180;
	(xrf0) =	vadd.scan.msk.s32 $0xffff, v5;
	v5, _, _ =	vpop (xrf0);
	(v2sf) =	vpush v3, $0xF  }
0x72: {  	s11 =	spop (v2sf);
	s24 =	simm.s32 $0x6080;
	s19 =	sadd.s32 s9, s19;
	v7, _, _ =	vpop (xrf0);
	(v2sf) =	vpush v5, $0xF  }
0x73: {  	v6 =	vsel vm10, $0x0, v4;
	[tilespmem:s24], [sflag:$0x6] =	stream.strided.gather [hbm4b:s19+s15], $0x1000, s12, s15, $0x38;
	v3, _, _ =	vpop (xrf0);
	(v2sf) =	vpush v7, $0xF;
	[tilespmem:$0xC100] =	vst v63  }
0x74: {  	(xrf0) =	vadd.scan.msk.s32 $0xffff, v6;
	v6 =	vsel vm11, $0x0, v4;
	v5, _, _ =	vpop (xrf0);
	(v2sf) =	vpush v3, $0xF  }
0x75: {  	s4 =	spop (v2sf);
	(xrf0) =	vadd.scan.msk.s32 $0xffff, v6;
	v6 =	vsel vm12, $0x0, v4;
	v3, _, _ =	vpop (xrf0);
	(v2sf) =	vpush v5, $0xF;
	v5 =	vsel vm14, $0x0, v4  }
0x76: {  	(xrf0) =	vadd.scan.msk.s32 $0xffff, v6;
	v6 =	vsel vm13, $0x0, v4;
	(v2sf) =	vpush v3, $0xF;
	v3, _, _ =	vpop (xrf0)  }
0x77: {  	s30 =	spop (v2sf);
	(xrf0) =	vadd.scan.msk.s32 $0xffff, v6;
	(v2sf) =	vpush v3, $0xF;
	v3 =	vsel vm15, $0x0, v4  }
0x78: {  	(xrf0) =	vadd.scan.msk.s32 $0xffff, v5;
	v5, _, _ =	vpop (xrf0)  }
0x79: {  	s17 =	sshll.u32 s17, $0x7;
	s8 =	sshll.u32 s18, $0x7;
	(xrf0) =	vadd.scan.msk.s32 $0xffff, v3;
	(v2sf) =	vpush v5, $0xF;
	v4, _, _ =	vpop (xrf0)  }
0x7a: {  	s0 =	simm.s32 $0x7080;
	p0 =	slt.s32 s8, $0xF4180;
	s28 =	spop (v2sf);
	v3, _, _ =	vpop (xrf0);
	(v2sf) =	vpush v4, $0xF  }
0x7b: {  	s8 =	simm.s32 @!p0 $0xF4180;
	p0 =	slt.s32 s17, $0xF4180;
	s26 =	spop (v2sf);
	v4, _, _ =	vpop (xrf0);
	(v2sf) =	vpush v3, $0xF  }
0x7c: {  	s17 =	simm.s32 @!p0 $0xF4180;
	s8 =	sadd.s32 s9, s8;
	s25 =	spop (v2sf);
	v3, _, _ =	vpop (xrf0);
	(v2sf) =	vpush v4, $0xF  }
0x7d: {  	[tilespmem:s0], [sflag:$0x7] =	stream.strided.gather [hbm4b:s8+s15], $0x1000, s12, s15, $0x38;
	v4, _, _ =	vpop (xrf0);
	(v2sf) =	vpush v3, $0xF;
	[tilespmem:$0xC100] =	vst v63  }
0x7e: {  	s18 =	sadd.s32 s9, s17;
	s0 =	simm.s32 $0x8080;
	s24 =	spop (v2sf);
	v3, _, _ =	vpop (xrf0);
	(v2sf) =	vpush v4, $0xF  }
0x7f: {  	[tilespmem:s0], [sflag:$0x8] =	stream.strided.gather [hbm4b:s18+s15], $0x1000, s12, s15, $0x38;
	(v2sf) =	vpush v3, $0xF;
	v3, _, _ =	vpop (xrf0);
	[tilespmem:$0xC100] =	vst v63  }
0x80: {  	s19 =	spop (v2sf);
	(v2sf) =	vpush v3, $0xF  }
0x81: {  	s18 =	spop (v2sf)  }
0x82: {  	[smem:$0x7FD] =	sst s18;
	s0 =	spop (v2sf)  }
0x83: {  	[dreg:$0x1e] =	wrdreg s0;
	s17 =	spop (v2sf)  }
0x84: {  	[dreg:$0x1b] =	wrdreg s17;
	s18 =	spop (v2sf)  }
0x85: {  	[dreg:$0x1a] =	wrdreg s18;
	s0 =	spop (v2sf)  }
0x86: {  	[dreg:$0x19] =	wrdreg s0;
	s17 =	spop (v2sf)  }
0x87: {  	[dreg:$0x18] =	wrdreg s17;
	s18 =	spop (v2sf)  }
0x88: {  	[dreg:$0x17] =	wrdreg s18;
	s0 =	spop (v2sf)  }
0x89: {  	[dreg:$0x16] =	wrdreg s0;
	s17 =	spop (v2sf)  }
0x8a: {  	[dreg:$0x15] =	wrdreg s17;
	s18 =	spop (v2sf)  }
0x8b: {  	[dreg:$0x14] =	wrdreg s18;
	s0 =	spop (v2sf)  }
0x8c: {  	[dreg:$0x13] =	wrdreg s0;
	s17 =	spop (v2sf)  }
0x8d: {  	[dreg:$0x12] =	wrdreg s17;
	s18 =	spop (v2sf)  }
0x8e: {  	[dreg:$0x11] =	wrdreg s18;
	s0 =	spop (v2sf)  }
0x8f: {  	[dreg:$0x10] =	wrdreg s0;
	s17 =	spop (v2sf)  }
0x90: {  	s18 =	simm.s32 $0x9;
	[dreg:$0xf] =	wrdreg s17  }
0x91: {  	_ =	swait.ge [sflag:s18], $0x20  }
0x92: {  	s0 =	simm.s32 $0x20;
	s17 =	simm.s32 $0xB100;
	[sflag:s18] =	ssyncset.done $0x0  }
0x93: {  	s8 =	rddreg [dreg:$0x8];
	[sflag:s18] =	ssyncadd.s32 $0xFFFFFFE0;
	s18 =	simm.s32 $0xB080  }
0x94: {  	[tilespmem:s17], [sflag:$0xA] =	stream.indirect.gather [hbm4b:s8+s0], $0x80, s18, s0, $0xb8;
	[tilespmem:$0xC100] =	vst v63  }
0x95: {  	s8 =	sadd.s32 $0xFFF0BE00, s16  }
0x96: {  	p0 =	sgt.s32 s8, $0x0  }
0x97: {  	v3 =	vor.u32 s13, v1;
	s8 =	simm.s32 @!p0 $0x0  }
0x98: {  	v4 =	vor.u32 s13, v2;
	s0 =	simm.s32 $0x1;
	s8 =	smin.u32 s8, $0x3F  }
0x99: {  	_ =	swait.ge [sflag:s0], $0x1000;
	v5 =	vor.u32 s8, v1  }
0x9a: {  	[sflag:s0] =	ssyncset.done $0x0;
	v6 =	vor.u32 s8, v2  }
0x9b: {  	s17 =	simm.s32 $0x1080;
	[sflag:s0] =	ssyncadd.s32 $0xFFFFF000  }
0x9c: {  	v3 =	vld.idx.msk [tilespmem:v3+s17+$0x0], $0xffff  }
0x9d: {  	v4 =	vld.idx.msk [tilespmem:v4+s17+$0x0], $0xffff  }
0x9e: {  	v5 =	vld.idx.msk [tilespmem:v5+s10+$0x0], $0xffff  }
0x9f: {  	v6 =	vld.idx.msk [tilespmem:v6+s10+$0x0], $0xffff;
	_ =	sdelay $0x2  }
0xa0: {  	p6 =	slt.s32 s16, $0xF4200  }
0xa1: {  	v3 =	vpsel p6, v3, v5  }
0xa2: {  	v4 =	vpsel p6, v4, v6;
	[tilespmem:v1+s22+$0x0] =	vst.idx.msk $0xffff, v3  }
0xa3: {  	s13 =	sand.u32 $0x7F, s29;
	[tilespmem:v2+s22+$0x0] =	vst.idx.msk $0xffff, v4  }
0xa4: {  	p4 =	slt.s32 s29, $0x1;
	p5 =	sne.s32 s13, $0x0;
	s17 =	sshra.s32 s29, $0x1F;
	[tilespmem:v0+s23+$0x0] =	vst.idx.msk $0xffff, v3;
	v3 =	vld [tilespmem:$0x1FF80]  }
0xa5: {  	p0 =	por !p4, !p5;
	s8 =	sshrl.u32 s17, $0x19  }
0xa6: {  	p0 =	por !p0, !p0;
	s17 =	simm.s32 $0x1;
	s8 =	sadd.s32 s8, s29  }
0xa7: {  	s17 =	simm.s32 @!p0 $0x0;
	s8 =	sshrl.u32 s8, $0x7  }
0xa8: {  	s8 =	ssub.s32 s8, s17  }
0xa9: {  	s8 =	sshll.u32 s8, $0x7  }
0xaa: {  	p0 =	slt.s32 s8, $0xF4180  }
0xab: {  	s8 =	simm.s32 @!p0 $0xF4180  }
0xac: {  	s18 =	simm.s32 $0x1080;
	s8 =	sadd.s32 s9, s8;
	[tilespmem:v3+s23+$0x0] =	vst.idx.msk $0xffff, v4  }
0xad: {  	[tilespmem:s18], [sflag:$0x1] =	stream.strided.gather [hbm4b:s8+s15], $0x1000, s12, s15, $0x38;
	[tilespmem:$0xC100] =	vst v63  }
0xae: {  	s8 =	sadd.s32 $0xFFF0BE00, s14  }
0xaf: {  	p0 =	sgt.s32 s8, $0x0  }
0xb0: {  	s8 =	simm.s32 @!p0 $0x0  }
0xb1: {  	v3 =	vor.u32 s1, v1;
	s8 =	smin.u32 s8, $0x3F  }
0xb2: {  	s18 =	simm.s32 $0x2;
	v5 =	vor.u32 s8, v1  }
0xb3: {  	_ =	swait.ge [sflag:s18], $0x1000  }
0xb4: {  	[sflag:s18] =	ssyncset.done $0x0  }
0xb5: {  	s0 =	simm.s32 $0x2080;
	[sflag:s18] =	ssyncadd.s32 $0xFFFFF000  }
0xb6: {  	v3 =	vld.idx.msk [tilespmem:v3+s0+$0x0], $0xffff  }
0xb7: {  	v5 =	vld.idx.msk [tilespmem:v5+s10+$0x0], $0xffff;
	_ =	sdelay $0x3  }
0xb8: {  	p3 =	slt.s32 s14, $0xF4200  }
0xb9: {  	v3 =	vpsel p3, v3, v5;
	v5 =	vld [tilespmem:$0x1FF90]  }
0xba: {  	v4 =	vor.u32 s1, v2  }
0xbb: {  	v6 =	vor.u32 s8, v2;
	_ =	sdelay $0x3  }
0xbc: {  	v4 =	vld.idx.msk [tilespmem:v4+s0+$0x0], $0xffff  }
0xbd: {  	v6 =	vld.idx.msk [tilespmem:v6+s10+$0x0], $0xffff  }
0xbe: {  	[tilespmem:v5+s22+$0x0] =	vst.idx.msk $0xffff, v3;
	v5 =	vld [tilespmem:$0x1FFA0];
	_ =	sdelay $0x6  }
0xbf: {  	v4 =	vpsel p3, v4, v6  }
0xc0: {  	[tilespmem:v5+s22+$0x0] =	vst.idx.msk $0xffff, v4;
	v5 =	vld [tilespmem:$0x1FFB0];
	_ =	sdelay $0x6  }
0xc1: {  	s17 =	sand.u32 $0x7F, s11  }
0xc2: {  	p1 =	slt.s32 s11, $0x1;
	s16 =	sshra.s32 s11, $0x1F;
	p2 =	sne.s32 s17, $0x0;
	[tilespmem:v5+s23+$0x0] =	vst.idx.msk $0xffff, v3;
	v3 =	vld [tilespmem:$0x1FFC0]  }
0xc3: {  	p0 =	por !p1, !p2;
	s8 =	sshrl.u32 s16, $0x19  }
0xc4: {  	p0 =	por !p0, !p0;
	s16 =	simm.s32 $0x1;
	s8 =	sadd.s32 s8, s11  }
0xc5: {  	s16 =	simm.s32 @!p0 $0x0;
	s8 =	sshrl.u32 s8, $0x7  }
0xc6: {  	s8 =	ssub.s32 s8, s16  }
0xc7: {  	s8 =	sshll.u32 s8, $0x7  }
0xc8: {  	p0 =	slt.s32 s8, $0xF4180  }
0xc9: {  	s8 =	simm.s32 @!p0 $0xF4180  }
0xca: {  	s1 =	simm.s32 $0x2080;
	s8 =	sadd.s32 s9, s8;
	[tilespmem:v3+s23+$0x0] =	vst.idx.msk $0xffff, v4  }
0xcb: {  	[tilespmem:s1], [sflag:$0x2] =	stream.strided.gather [hbm4b:s8+s15], $0x1000, s12, s15, $0x38;
	[tilespmem:$0xC100] =	vst v63  }
0xcc: {  	s8 =	sadd.s32 $0xFFF0BE00, s20  }
0xcd: {  	p0 =	sgt.s32 s8, $0x0  }
0xce: {  	s8 =	simm.s32 @!p0 $0x0  }
0xcf: {  	v3 =	vor.u32 s3, v1;
	s8 =	smin.u32 s8, $0x3F  }
0xd0: {  	s18 =	simm.s32 $0x3;
	v5 =	vor.u32 s8, v1  }
0xd1: {  	_ =	swait.ge [sflag:s18], $0x1000  }
0xd2: {  	[sflag:s18] =	ssyncset.done $0x0  }
0xd3: {  	s0 =	simm.s32 $0x3080;
	[sflag:s18] =	ssyncadd.s32 $0xFFFFF000  }
0xd4: {  	v3 =	vld.idx.msk [tilespmem:v3+s0+$0x0], $0xffff  }
0xd5: {  	v5 =	vld.idx.msk [tilespmem:v5+s10+$0x0], $0xffff;
	_ =	sdelay $0x3  }
0xd6: {  	p6 =	slt.s32 s20, $0xF4200  }
0xd7: {  	v3 =	vpsel p6, v3, v5;
	v5 =	vld [tilespmem:$0x1FFD0]  }
0xd8: {  	v4 =	vor.u32 s3, v2  }
0xd9: {  	v6 =	vor.u32 s8, v2;
	_ =	sdelay $0x3  }
0xda: {  	v4 =	vld.idx.msk [tilespmem:v4+s0+$0x0], $0xffff  }
0xdb: {  	v6 =	vld.idx.msk [tilespmem:v6+s10+$0x0], $0xffff  }
0xdc: {  	[tilespmem:v5+s22+$0x0] =	vst.idx.msk $0xffff, v3;
	v5 =	vld [tilespmem:$0x1FFE0];
	_ =	sdelay $0x6  }
0xdd: {  	v4 =	vpsel p6, v4, v6  }
0xde: {  	s16 =	sand.u32 $0x7F, s4;
	[tilespmem:v5+s22+$0x0] =	vst.idx.msk $0xffff, v4;
	v5 =	vld [tilespmem:$0x1FFF0]  }
0xdf: {  	p4 =	slt.s32 s4, $0x1;
	p5 =	sne.s32 s16, $0x0;
	s18 =	sshra.s32 s4, $0x1F  }
0xe0: {  	p0 =	por !p4, !p5;
	s8 =	sshrl.u32 s18, $0x19  }
0xe1: {  	s14 =	simm.s32 $0x1;
	p0 =	por !p0, !p0;
	s8 =	sadd.s32 s8, s4  }
0xe2: {  	s14 =	simm.s32 @!p0 $0x0;
	s8 =	sshrl.u32 s8, $0x7  }
0xe3: {  	s8 =	ssub.s32 s8, s14  }
0xe4: {  	s8 =	sshll.u32 s8, $0x7  }
0xe5: {  	p0 =	slt.s32 s8, $0xF4180  }
0xe6: {  	s8 =	simm.s32 @!p0 $0xF4180;
	[tilespmem:v5+s23+$0x0] =	vst.idx.msk $0xffff, v3  }
0xe7: {  	s3 =	simm.s32 $0x3080;
	s1 =	sld [smem:$0x7FC];
	s8 =	sadd.s32 s9, s8;
	[tilespmem:v11+s23+$0x0] =	vst.idx.msk $0xffff, v4  }
0xe8: {  	[tilespmem:s3], [sflag:$0x3] =	stream.strided.gather [hbm4b:s8+s15], $0x1000, s12, s15, $0x38;
	[tilespmem:$0xC100] =	vst v63  }
0xe9: {  	s8 =	sadd.s32 $0xFFF0BE00, s21  }
0xea: {  	p0 =	sgt.s32 s8, $0x0  }
0xeb: {  	v3 =	vor.u32 s1, v1;
	s8 =	simm.s32 @!p0 $0x0  }
0xec: {  	v4 =	vor.u32 s1, v2;
	s3 =	smin.u32 s8, $0x3F;
	s8 =	simm.s32 $0x4  }
0xed: {  	_ =	swait.ge [sflag:s8], $0x1000;
	v5 =	vor.u32 s3, v1  }
0xee: {  	v6 =	vor.u32 s3, v2;
	[sflag:s8] =	ssyncset.done $0x0  }
0xef: {  	s14 =	simm.s32 $0x4080;
	[sflag:s8] =	ssyncadd.s32 $0xFFFFF000  }
0xf0: {  	v3 =	vld.idx.msk [tilespmem:v3+s14+$0x0], $0xffff  }
0xf1: {  	v4 =	vld.idx.msk [tilespmem:v4+s14+$0x0], $0xffff  }
0xf2: {  	s14 =	sand.u32 $0x7F, s30;
	v5 =	vld.idx.msk [tilespmem:v5+s10+$0x0], $0xffff  }
0xf3: {  	p1 =	slt.s32 s30, $0x1;
	s20 =	sshra.s32 s30, $0x1F;
	p2 =	sne.s32 s14, $0x0;
	v6 =	vld.idx.msk [tilespmem:v6+s10+$0x0], $0xffff  }
0xf4: {  	s1 =	sshrl.u32 s20, $0x19;
	p0 =	por !p1, !p2  }
0xf5: {  	s1 =	sadd.s32 s1, s30;
	s8 =	simm.s32 $0x1;
	p0 =	por !p0, !p0  }
0xf6: {  	p3 =	slt.s32 s21, $0xF4200;
	s1 =	sshrl.u32 s1, $0x7;
	s8 =	simm.s32 @!p0 $0x0  }
0xf7: {  	s1 =	ssub.s32 s1, s8;
	v3 =	vpsel p3, v3, v5  }
0xf8: {  	s1 =	sshll.u32 s1, $0x7;
	v4 =	vpsel p3, v4, v6;
	[tilespmem:v12+s22+$0x0] =	vst.idx.msk $0xffff, v3  }
0xf9: {  	p0 =	slt.s32 s1, $0xF4180;
	[tilespmem:v13+s22+$0x0] =	vst.idx.msk $0xffff, v4  }
0xfa: {  	s1 =	simm.s32 @!p0 $0xF4180;
	[tilespmem:v14+s23+$0x0] =	vst.idx.msk $0xffff, v3  }
0xfb: {  	s18 =	simm.s32 $0x4080;
	s1 =	sadd.s32 s9, s1;
	[tilespmem:v15+s23+$0x0] =	vst.idx.msk $0xffff, v4  }
0xfc: {  	[tilespmem:s18], [sflag:$0x4] =	stream.strided.gather [hbm4b:s1+s15], $0x1000, s12, s15, $0x38;
	[tilespmem:$0xC100] =	vst v63  }
0xfd: {  	s1 =	sadd.s32 $0xFFF0BE00, s6  }
0xfe: {  	s21 =	rddreg [dreg:$0x1f];
	p0 =	sgt.s32 s1, $0x0  }
0xff: {  	v3 =	vor.u32 s21, v1;
	s1 =	simm.s32 @!p0 $0x0  }
0x100: {  	s0 =	simm.s32 $0x5;
	v4 =	vor.u32 s21, v2;
	s1 =	smin.u32 s1, $0x3F  }
0x101: {  	_ =	swait.ge [sflag:s0], $0x1000;
	v5 =	vor.u32 s1, v1  }
0x102: {  	[sflag:s0] =	ssyncset.done $0x0;
	v6 =	vor.u32 s1, v2  }
0x103: {  	s8 =	simm.s32 $0x5080;
	[sflag:s0] =	ssyncadd.s32 $0xFFFFF000  }
0x104: {  	v3 =	vld.idx.msk [tilespmem:v3+s8+$0x0], $0xffff  }
0x105: {  	v4 =	vld.idx.msk [tilespmem:v4+s8+$0x0], $0xffff  }
0x106: {  	s3 =	sand.u32 $0x7F, s28;
	v5 =	vld.idx.msk [tilespmem:v5+s10+$0x0], $0xffff  }
0x107: {  	p4 =	slt.s32 s28, $0x1;
	s20 =	sshra.s32 s28, $0x1F;
	p5 =	sne.s32 s3, $0x0;
	v6 =	vld.idx.msk [tilespmem:v6+s10+$0x0], $0xffff  }
0x108: {  	p0 =	por !p4, !p5;
	s1 =	sshrl.u32 s20, $0x19  }
0x109: {  	p0 =	por !p0, !p0;
	s8 =	simm.s32 $0x1;
	s1 =	sadd.s32 s1, s28  }
0x10a: {  	p6 =	slt.s32 s6, $0xF4200;
	s8 =	simm.s32 @!p0 $0x0;
	s1 =	sshrl.u32 s1, $0x7  }
0x10b: {  	s1 =	ssub.s32 s1, s8;
	v3 =	vpsel p6, v3, v5  }
0x10c: {  	s1 =	sshll.u32 s1, $0x7;
	v4 =	vpsel p6, v4, v6;
	[tilespmem:v16+s22+$0x0] =	vst.idx.msk $0xffff, v3  }
0x10d: {  	p0 =	slt.s32 s1, $0xF4180;
	[tilespmem:v17+s22+$0x0] =	vst.idx.msk $0xffff, v4  }
0x10e: {  	s1 =	simm.s32 @!p0 $0xF4180;
	[tilespmem:v18+s23+$0x0] =	vst.idx.msk $0xffff, v3  }
0x10f: {  	s18 =	simm.s32 $0x5080;
	s1 =	sadd.s32 s9, s1;
	[tilespmem:v19+s23+$0x0] =	vst.idx.msk $0xffff, v4  }
0x110: {  	[tilespmem:s18], [sflag:$0x5] =	stream.strided.gather [hbm4b:s1+s15], $0x1000, s12, s15, $0x38;
	[tilespmem:$0xC100] =	vst v63  }
0x111: {  	s1 =	sadd.s32 $0xFFF0BE00, s2  }
0x112: {  	s21 =	rddreg [dreg:$0x1d];
	p0 =	sgt.s32 s1, $0x0  }
0x113: {  	v3 =	vor.u32 s21, v1;
	s1 =	simm.s32 @!p0 $0x0  }
0x114: {  	s0 =	simm.s32 $0x6;
	v4 =	vor.u32 s21, v2;
	s1 =	smin.u32 s1, $0x3F  }
0x115: {  	_ =	swait.ge [sflag:s0], $0x1000;
	v5 =	vor.u32 s1, v1  }
0x116: {  	[sflag:s0] =	ssyncset.done $0x0;
	v6 =	vor.u32 s1, v2  }
0x117: {  	s8 =	simm.s32 $0x6080;
	[sflag:s0] =	ssyncadd.s32 $0xFFFFF000  }
0x118: {  	v3 =	vld.idx.msk [tilespmem:v3+s8+$0x0], $0xffff  }
0x119: {  	v4 =	vld.idx.msk [tilespmem:v4+s8+$0x0], $0xffff  }
0x11a: {  	s20 =	sand.u32 $0x7F, s26;
	v5 =	vld.idx.msk [tilespmem:v5+s10+$0x0], $0xffff  }
0x11b: {  	p1 =	slt.s32 s26, $0x1;
	p2 =	sne.s32 s20, $0x0;
	s21 =	sshra.s32 s26, $0x1F;
	v6 =	vld.idx.msk [tilespmem:v6+s10+$0x0], $0xffff  }
0x11c: {  	p0 =	por !p1, !p2;
	s1 =	sshrl.u32 s21, $0x19  }
0x11d: {  	s6 =	simm.s32 $0x1;
	p0 =	por !p0, !p0;
	s1 =	sadd.s32 s1, s26  }
0x11e: {  	p3 =	slt.s32 s2, $0xF4200;
	s6 =	simm.s32 @!p0 $0x0;
	s1 =	sshrl.u32 s1, $0x7  }
0x11f: {  	s1 =	ssub.s32 s1, s6;
	v3 =	vpsel p3, v3, v5  }
0x120: {  	s1 =	sshll.u32 s1, $0x7;
	v4 =	vpsel p3, v4, v6;
	[tilespmem:v20+s22+$0x0] =	vst.idx.msk $0xffff, v3  }
0x121: {  	p0 =	slt.s32 s1, $0xF4180;
	[tilespmem:v21+s22+$0x0] =	vst.idx.msk $0xffff, v4  }
0x122: {  	s1 =	simm.s32 @!p0 $0xF4180;
	[tilespmem:v22+s23+$0x0] =	vst.idx.msk $0xffff, v3  }
0x123: {  	s18 =	simm.s32 $0x6080;
	s1 =	sadd.s32 s9, s1;
	[tilespmem:v23+s23+$0x0] =	vst.idx.msk $0xffff, v4  }
0x124: {  	[tilespmem:s18], [sflag:$0x6] =	stream.strided.gather [hbm4b:s1+s15], $0x1000, s12, s15, $0x38;
	[tilespmem:$0xC100] =	vst v63  }
0x125: {  	s1 =	sadd.s32 $0xFFF0BE00, s31  }
0x126: {  	s6 =	rddreg [dreg:$0x1c];
	p0 =	sgt.s32 s1, $0x0  }
0x127: {  	v3 =	vor.u32 s6, v1;
	s1 =	simm.s32 @!p0 $0x0  }
0x128: {  	s8 =	simm.s32 $0x7;
	v4 =	vor.u32 s6, v2;
	s1 =	smin.u32 s1, $0x3F  }
0x129: {  	_ =	swait.ge [sflag:s8], $0x1000;
	v5 =	vor.u32 s1, v1  }
0x12a: {  	[sflag:s8] =	ssyncset.done $0x0;
	v6 =	vor.u32 s1, v2  }
0x12b: {  	s18 =	simm.s32 $0x7080;
	[sflag:s8] =	ssyncadd.s32 $0xFFFFF000  }
0x12c: {  	v3 =	vld.idx.msk [tilespmem:v3+s18+$0x0], $0xffff  }
0x12d: {  	v4 =	vld.idx.msk [tilespmem:v4+s18+$0x0], $0xffff  }
0x12e: {  	s2 =	sand.u32 $0x7F, s25;
	v5 =	vld.idx.msk [tilespmem:v5+s10+$0x0], $0xffff  }
0x12f: {  	p4 =	slt.s32 s25, $0x1;
	p5 =	sne.s32 s2, $0x0;
	s6 =	sshra.s32 s25, $0x1F;
	v6 =	vld.idx.msk [tilespmem:v6+s10+$0x0], $0xffff  }
0x130: {  	p0 =	por !p4, !p5;
	s1 =	sshrl.u32 s6, $0x19  }
0x131: {  	p0 =	por !p0, !p0;
	s6 =	simm.s32 $0x1;
	s1 =	sadd.s32 s1, s25  }
0x132: {  	p6 =	slt.s32 s31, $0xF4200;
	s6 =	simm.s32 @!p0 $0x0;
	s1 =	sshrl.u32 s1, $0x7  }
0x133: {  	s1 =	ssub.s32 s1, s6;
	v3 =	vpsel p6, v3, v5  }
0x134: {  	s1 =	sshll.u32 s1, $0x7;
	v4 =	vpsel p6, v4, v6;
	[tilespmem:v24+s22+$0x0] =	vst.idx.msk $0xffff, v3  }
0x135: {  	p0 =	slt.s32 s1, $0xF4180;
	[tilespmem:v25+s22+$0x0] =	vst.idx.msk $0xffff, v4  }
0x136: {  	s1 =	simm.s32 @!p0 $0xF4180;
	[tilespmem:v26+s23+$0x0] =	vst.idx.msk $0xffff, v3  }
0x137: {  	s21 =	simm.s32 $0x7080;
	s1 =	sadd.s32 s9, s1;
	[tilespmem:v27+s23+$0x0] =	vst.idx.msk $0xffff, v4  }
0x138: {  	[tilespmem:s21], [sflag:$0x7] =	stream.strided.gather [hbm4b:s1+s15], $0x1000, s12, s15, $0x38;
	[tilespmem:$0xC100] =	vst v63  }
0x139: {  	s1 =	sadd.s32 $0xFFF0BE00, s5  }
0x13a: {  	p0 =	sgt.s32 s1, $0x0  }
0x13b: {  	v3 =	vor.u32 s7, v1;
	s1 =	simm.s32 @!p0 $0x0  }
0x13c: {  	v4 =	vor.u32 s7, v2;
	s7 =	simm.s32 $0x8;
	s1 =	smin.u32 s1, $0x3F  }
0x13d: {  	_ =	swait.ge [sflag:s7], $0x1000;
	v5 =	vor.u32 s1, v1  }
0x13e: {  	[sflag:s7] =	ssyncset.done $0x0;
	v6 =	vor.u32 s1, v2  }
0x13f: {  	s8 =	simm.s32 $0x8080;
	[sflag:s7] =	ssyncadd.s32 $0xFFFFF000  }
0x140: {  	v3 =	vld.idx.msk [tilespmem:v3+s8+$0x0], $0xffff  }
0x141: {  	v4 =	vld.idx.msk [tilespmem:v4+s8+$0x0], $0xffff  }
0x142: {  	s1 =	sand.u32 $0x7F, s24;
	v5 =	vld.idx.msk [tilespmem:v5+s10+$0x0], $0xffff  }
0x143: {  	p1 =	slt.s32 s24, $0x1;
	s21 =	sshra.s32 s24, $0x1F;
	p2 =	sne.s32 s1, $0x0;
	v6 =	vld.idx.msk [tilespmem:v6+s10+$0x0], $0xffff  }
0x144: {  	s6 =	sshrl.u32 s21, $0x19;
	p0 =	por !p1, !p2  }
0x145: {  	s6 =	sadd.s32 s6, s24;
	s7 =	simm.s32 $0x1;
	p0 =	por !p0, !p0  }
0x146: {  	p3 =	slt.s32 s5, $0xF4200;
	s31 =	sshrl.u32 s6, $0x7;
	s7 =	simm.s32 @!p0 $0x0  }
0x147: {  	s5 =	ssub.s32 s31, s7;
	v3 =	vpsel p3, v3, v5  }
0x148: {  	s5 =	sshll.u32 s5, $0x7;
	v4 =	vpsel p3, v4, v6;
	[tilespmem:v28+s22+$0x0] =	vst.idx.msk $0xffff, v3  }
0x149: {  	p0 =	slt.s32 s5, $0xF4180;
	[tilespmem:v29+s22+$0x0] =	vst.idx.msk $0xffff, v4  }
0x14a: {  	s5 =	simm.s32 @!p0 $0xF4180;
	[tilespmem:v30+s23+$0x0] =	vst.idx.msk $0xffff, v3  }
0x14b: {  	s18 =	simm.s32 $0x8080;
	s5 =	sadd.s32 s9, s5;
	[tilespmem:v31+s23+$0x0] =	vst.idx.msk $0xffff, v4  }
0x14c: {  	[tilespmem:s18], [sflag:$0x8] =	stream.strided.gather [hbm4b:s5+s15], $0x1000, s12, s15, $0x38;
	[tilespmem:$0xC100] =	vst v63  }
0x14d: {  	s5 =	sadd.s32 $0xFFF0BE00, s29  }
0x14e: {  	p0 =	sgt.s32 s5, $0x0  }
0x14f: {  	v3 =	vor.u32 s13, v1;
	s5 =	simm.s32 @!p0 $0x0  }
0x150: {  	s0 =	simm.s32 $0x1;
	v4 =	vor.u32 s13, v2;
	s5 =	smin.u32 s5, $0x3F  }
0x151: {  	_ =	swait.ge [sflag:s0], $0x1000;
	v5 =	vor.u32 s5, v1  }
0x152: {  	[sflag:s0] =	ssyncset.done $0x0;
	v6 =	vor.u32 s5, v2  }
0x153: {  	s7 =	simm.s32 $0x1080;
	[sflag:s0] =	ssyncadd.s32 $0xFFFFF000  }
0x154: {  	v3 =	vld.idx.msk [tilespmem:v3+s7+$0x0], $0xffff  }
0x155: {  	v4 =	vld.idx.msk [tilespmem:v4+s7+$0x0], $0xffff  }
0x156: {  	s18 =	sand.u32 $0x7F, s19;
	v5 =	vld.idx.msk [tilespmem:v5+s10+$0x0], $0xffff  }
0x157: {  	p4 =	slt.s32 s19, $0x1;
	s13 =	sshra.s32 s19, $0x1F;
	p5 =	sne.s32 s18, $0x0;
	v6 =	vld.idx.msk [tilespmem:v6+s10+$0x0], $0xffff  }
0x158: {  	p0 =	por !p4, !p5;
	s5 =	sshrl.u32 s13, $0x19  }
0x159: {  	s6 =	simm.s32 $0x1;
	p0 =	por !p0, !p0;
	s5 =	sadd.s32 s5, s19  }
0x15a: {  	p6 =	slt.s32 s29, $0xF4200;
	s6 =	simm.s32 @!p0 $0x0;
	s5 =	sshrl.u32 s5, $0x7  }
0x15b: {  	s5 =	ssub.s32 s5, s6;
	v3 =	vpsel p6, v3, v5  }
0x15c: {  	s5 =	sshll.u32 s5, $0x7;
	v4 =	vpsel p6, v4, v6;
	[tilespmem:v32+s22+$0x0] =	vst.idx.msk $0xffff, v3  }
0x15d: {  	p0 =	slt.s32 s5, $0xF4180;
	[tilespmem:v33+s22+$0x0] =	vst.idx.msk $0xffff, v4  }
0x15e: {  	s5 =	simm.s32 @!p0 $0xF4180;
	[tilespmem:v34+s23+$0x0] =	vst.idx.msk $0xffff, v3  }
0x15f: {  	s8 =	simm.s32 $0x1080;
	s5 =	sadd.s32 s9, s5;
	[tilespmem:v35+s23+$0x0] =	vst.idx.msk $0xffff, v4  }
0x160: {  	[tilespmem:s8], [sflag:$0x1] =	stream.strided.gather [hbm4b:s5+s15], $0x1000, s12, s15, $0x38;
	[tilespmem:$0xC100] =	vst v63  }
0x161: {  	s5 =	sadd.s32 $0xFFF0BE00, s11  }
0x162: {  	p0 =	sgt.s32 s5, $0x0  }
0x163: {  	v3 =	vor.u32 s17, v1;
	s5 =	simm.s32 @!p0 $0x0  }
0x164: {  	v4 =	vor.u32 s17, v2;
	s17 =	simm.s32 $0x2;
	s5 =	smin.u32 s5, $0x3F  }
0x165: {  	_ =	swait.ge [sflag:s17], $0x1000;
	v5 =	vor.u32 s5, v1  }
0x166: {  	[sflag:s17] =	ssyncset.done $0x0;
	v6 =	vor.u32 s5, v2  }
0x167: {  	s21 =	simm.s32 $0x2080;
	s31 =	sld [smem:$0x7FD];
	[sflag:s17] =	ssyncadd.s32 $0xFFFFF000  }
0x168: {  	v3 =	vld.idx.msk [tilespmem:v3+s21+$0x0], $0xffff  }
0x169: {  	v4 =	vld.idx.msk [tilespmem:v4+s21+$0x0], $0xffff  }
0x16a: {  	s5 =	sand.u32 $0x7F, s31;
	v5 =	vld.idx.msk [tilespmem:v5+s10+$0x0], $0xffff  }
0x16b: {  	p1 =	slt.s32 s31, $0x1;
	s0 =	sshra.s32 s31, $0x1F;
	p2 =	sne.s32 s5, $0x0;
	v6 =	vld.idx.msk [tilespmem:v6+s10+$0x0], $0xffff  }
0x16c: {  	s6 =	sshrl.u32 s0, $0x19;
	p0 =	por !p1, !p2  }
0x16d: {  	s7 =	simm.s32 $0x1;
	s6 =	sadd.s32 s6, s31;
	p0 =	por !p0, !p0  }
0x16e: {  	p3 =	slt.s32 s11, $0xF4200;
	s6 =	sshrl.u32 s6, $0x7;
	s7 =	simm.s32 @!p0 $0x0  }
0x16f: {  	s0 =	ssub.s32 s6, s7;
	v3 =	vpsel p3, v3, v5  }
0x170: {  	s0 =	sshll.u32 s0, $0x7;
	v4 =	vpsel p3, v4, v6;
	[tilespmem:v36+s22+$0x0] =	vst.idx.msk $0xffff, v3  }
0x171: {  	p0 =	slt.s32 s0, $0xF4180;
	[tilespmem:v37+s22+$0x0] =	vst.idx.msk $0xffff, v4  }
0x172: {  	s0 =	simm.s32 @!p0 $0xF4180;
	[tilespmem:v38+s23+$0x0] =	vst.idx.msk $0xffff, v3  }
0x173: {  	s29 =	simm.s32 $0x2080;
	s0 =	sadd.s32 s9, s0;
	[tilespmem:v39+s23+$0x0] =	vst.idx.msk $0xffff, v4  }
0x174: {  	[tilespmem:s29], [sflag:$0x2] =	stream.strided.gather [hbm4b:s0+s15], $0x1000, s12, s15, $0x38;
	[tilespmem:$0xC100] =	vst v63  }
0x175: {  	s0 =	sadd.s32 $0xFFF0BE00, s4  }
0x176: {  	p0 =	sgt.s32 s0, $0x0  }
0x177: {  	v3 =	vor.u32 s16, v1;
	s0 =	simm.s32 @!p0 $0x0  }
0x178: {  	s7 =	simm.s32 $0x3;
	v4 =	vor.u32 s16, v2;
	s0 =	smin.u32 s0, $0x3F  }
0x179: {  	_ =	swait.ge [sflag:s7], $0x1000;
	v5 =	vor.u32 s0, v1  }
0x17a: {  	[sflag:s7] =	ssyncset.done $0x0;
	v6 =	vor.u32 s0, v2  }
0x17b: {  	s8 =	simm.s32 $0x3080;
	[sflag:s7] =	ssyncadd.s32 $0xFFFFF000  }
0x17c: {  	v3 =	vld.idx.msk [tilespmem:v3+s8+$0x0], $0xffff  }
0x17d: {  	s21 =	rddreg [dreg:$0x1e];
	v4 =	vld.idx.msk [tilespmem:v4+s8+$0x0], $0xffff  }
0x17e: {  	s7 =	sand.u32 $0x7F, s21;
	v5 =	vld.idx.msk [tilespmem:v5+s10+$0x0], $0xffff  }
0x17f: {  	p4 =	slt.s32 s21, $0x1;
	s13 =	sshra.s32 s21, $0x1F;
	p5 =	sne.s32 s7, $0x0;
	v6 =	vld.idx.msk [tilespmem:v6+s10+$0x0], $0xffff  }
0x180: {  	s0 =	sshrl.u32 s13, $0x19;
	p0 =	por !p4, !p5  }
0x181: {  	s6 =	simm.s32 $0x1;
	s0 =	sadd.s32 s0, s21;
	p0 =	por !p0, !p0  }
0x182: {  	p6 =	slt.s32 s4, $0xF4200;
	s0 =	sshrl.u32 s0, $0x7;
	s6 =	simm.s32 @!p0 $0x0  }
0x183: {  	s0 =	ssub.s32 s0, s6;
	v3 =	vpsel p6, v3, v5  }
0x184: {  	s0 =	sshll.u32 s0, $0x7;
	v4 =	vpsel p6, v4, v6;
	[tilespmem:v40+s22+$0x0] =	vst.idx.msk $0xffff, v3  }
0x185: {  	p0 =	slt.s32 s0, $0xF4180;
	[tilespmem:v41+s22+$0x0] =	vst.idx.msk $0xffff, v4  }
0x186: {  	s0 =	simm.s32 @!p0 $0xF4180;
	[tilespmem:v42+s23+$0x0] =	vst.idx.msk $0xffff, v3  }
0x187: {  	s11 =	simm.s32 $0x3080;
	s0 =	sadd.s32 s9, s0;
	[tilespmem:v43+s23+$0x0] =	vst.idx.msk $0xffff, v4  }
0x188: {  	[tilespmem:s11], [sflag:$0x3] =	stream.strided.gather [hbm4b:s0+s15], $0x1000, s12, s15, $0x38;
	[tilespmem:$0xC100] =	vst v63  }
0x189: {  	s0 =	sadd.s32 $0xFFF0BE00, s30  }
0x18a: {  	p0 =	sgt.s32 s0, $0x0  }
0x18b: {  	v3 =	vor.u32 s14, v1;
	s0 =	simm.s32 @!p0 $0x0  }
0x18c: {  	s16 =	simm.s32 $0x4;
	v4 =	vor.u32 s14, v2;
	s0 =	smin.u32 s0, $0x3F  }
0x18d: {  	_ =	swait.ge [sflag:s16], $0x1000;
	v5 =	vor.u32 s0, v1  }
0x18e: {  	[sflag:s16] =	ssyncset.done $0x0;
	v6 =	vor.u32 s0, v2  }
0x18f: {  	s17 =	simm.s32 $0x4080;
	[sflag:s16] =	ssyncadd.s32 $0xFFFFF000  }
0x190: {  	v3 =	vld.idx.msk [tilespmem:v3+s17+$0x0], $0xffff  }
0x191: {  	v4 =	vld.idx.msk [tilespmem:v4+s17+$0x0], $0xffff;
	s17 =	rddreg [dreg:$0x1b]  }
0x192: {  	s6 =	sand.u32 $0x7F, s17;
	v5 =	vld.idx.msk [tilespmem:v5+s10+$0x0], $0xffff  }
0x193: {  	p1 =	slt.s32 s17, $0x1;
	s4 =	sshra.s32 s17, $0x1F;
	p2 =	sne.s32 s6, $0x0;
	v6 =	vld.idx.msk [tilespmem:v6+s10+$0x0], $0xffff  }
0x194: {  	s0 =	sshrl.u32 s4, $0x19;
	p0 =	por !p1, !p2  }
0x195: {  	s4 =	simm.s32 $0x1;
	s0 =	sadd.s32 s0, s17;
	p0 =	por !p0, !p0  }
0x196: {  	p3 =	slt.s32 s30, $0xF4200;
	s0 =	sshrl.u32 s0, $0x7;
	s4 =	simm.s32 @!p0 $0x0  }
0x197: {  	s0 =	ssub.s32 s0, s4;
	v3 =	vpsel p3, v3, v5  }
0x198: {  	s0 =	sshll.u32 s0, $0x7;
	v4 =	vpsel p3, v4, v6;
	[tilespmem:v44+s22+$0x0] =	vst.idx.msk $0xffff, v3  }
0x199: {  	p0 =	slt.s32 s0, $0xF4180;
	[tilespmem:v45+s22+$0x0] =	vst.idx.msk $0xffff, v4  }
0x19a: {  	s0 =	simm.s32 @!p0 $0xF4180;
	[tilespmem:v46+s23+$0x0] =	vst.idx.msk $0xffff, v3  }
0x19b: {  	s29 =	simm.s32 $0x4080;
	s0 =	sadd.s32 s9, s0;
	[tilespmem:v47+s23+$0x0] =	vst.idx.msk $0xffff, v4  }
0x19c: {  	[tilespmem:s29], [sflag:$0x4] =	stream.strided.gather [hbm4b:s0+s15], $0x1000, s12, s15, $0x38;
	[tilespmem:$0xC100] =	vst v63  }
0x19d: {  	s0 =	sadd.s32 $0xFFF0BE00, s28  }
0x19e: {  	p0 =	sgt.s32 s0, $0x0  }
0x19f: {  	v3 =	vor.u32 s3, v1;
	s0 =	simm.s32 @!p0 $0x0  }
0x1a0: {  	s8 =	simm.s32 $0x5;
	v4 =	vor.u32 s3, v2;
	s0 =	smin.u32 s0, $0x3F  }
0x1a1: {  	_ =	swait.ge [sflag:s8], $0x1000;
	v5 =	vor.u32 s0, v1  }
0x1a2: {  	[sflag:s8] =	ssyncset.done $0x0;
	v6 =	vor.u32 s0, v2  }
0x1a3: {  	s11 =	simm.s32 $0x5080;
	[sflag:s8] =	ssyncadd.s32 $0xFFFFF000  }
0x1a4: {  	v3 =	vld.idx.msk [tilespmem:v3+s11+$0x0], $0xffff  }
0x1a5: {  	s16 =	rddreg [dreg:$0x1a];
	v4 =	vld.idx.msk [tilespmem:v4+s11+$0x0], $0xffff  }
0x1a6: {  	s4 =	sand.u32 $0x7F, s16;
	v5 =	vld.idx.msk [tilespmem:v5+s10+$0x0], $0xffff  }
0x1a7: {  	p4 =	slt.s32 s16, $0x1;
	s14 =	sshra.s32 s16, $0x1F;
	p5 =	sne.s32 s4, $0x0;
	v6 =	vld.idx.msk [tilespmem:v6+s10+$0x0], $0xffff  }
0x1a8: {  	s0 =	sshrl.u32 s14, $0x19;
	p0 =	por !p4, !p5  }
0x1a9: {  	s3 =	simm.s32 $0x1;
	s0 =	sadd.s32 s0, s16;
	p0 =	por !p0, !p0  }
0x1aa: {  	p6 =	slt.s32 s28, $0xF4200;
	s0 =	sshrl.u32 s0, $0x7;
	s3 =	simm.s32 @!p0 $0x0  }
0x1ab: {  	s0 =	ssub.s32 s0, s3;
	v3 =	vpsel p6, v3, v5  }
0x1ac: {  	s0 =	sshll.u32 s0, $0x7;
	v4 =	vpsel p6, v4, v6;
	[tilespmem:v48+s22+$0x0] =	vst.idx.msk $0xffff, v3  }
0x1ad: {  	p0 =	slt.s32 s0, $0xF4180;
	[tilespmem:v49+s22+$0x0] =	vst.idx.msk $0xffff, v4  }
0x1ae: {  	s0 =	simm.s32 @!p0 $0xF4180;
	[tilespmem:v50+s23+$0x0] =	vst.idx.msk $0xffff, v3  }
0x1af: {  	s13 =	simm.s32 $0x5080;
	s0 =	sadd.s32 s9, s0;
	[tilespmem:v51+s23+$0x0] =	vst.idx.msk $0xffff, v4  }
0x1b0: {  	[tilespmem:s13], [sflag:$0x5] =	stream.strided.gather [hbm4b:s0+s15], $0x1000, s12, s15, $0x38;
	[tilespmem:$0xC100] =	vst v63  }
0x1b1: {  	s0 =	sadd.s32 $0xFFF0BE00, s26  }
0x1b2: {  	p0 =	sgt.s32 s0, $0x0  }
0x1b3: {  	v3 =	vor.u32 s20, v1;
	s0 =	simm.s32 @!p0 $0x0  }
0x1b4: {  	s28 =	simm.s32 $0x6;
	v4 =	vor.u32 s20, v2;
	s0 =	smin.u32 s0, $0x3F  }
0x1b5: {  	_ =	swait.ge [sflag:s28], $0x1000;
	v5 =	vor.u32 s0, v1  }
0x1b6: {  	[sflag:s28] =	ssyncset.done $0x0;
	v6 =	vor.u32 s0, v2  }
0x1b7: {  	s29 =	simm.s32 $0x6080;
	[sflag:s28] =	ssyncadd.s32 $0xFFFFF000  }
0x1b8: {  	v3 =	vld.idx.msk [tilespmem:v3+s29+$0x0], $0xffff  }
0x1b9: {  	s14 =	rddreg [dreg:$0x19];
	v4 =	vld.idx.msk [tilespmem:v4+s29+$0x0], $0xffff  }
0x1ba: {  	s3 =	sand.u32 $0x7F, s14;
	v5 =	vld.idx.msk [tilespmem:v5+s10+$0x0], $0xffff  }
0x1bb: {  	p1 =	slt.s32 s14, $0x1;
	s8 =	sshra.s32 s14, $0x1F;
	p2 =	sne.s32 s3, $0x0;
	v6 =	vld.idx.msk [tilespmem:v6+s10+$0x0], $0xffff  }
0x1bc: {  	s0 =	sshrl.u32 s8, $0x19;
	p0 =	por !p1, !p2  }
0x1bd: {  	s8 =	simm.s32 $0x1;
	s0 =	sadd.s32 s0, s14;
	p0 =	por !p0, !p0  }
0x1be: {  	p3 =	slt.s32 s26, $0xF4200;
	s0 =	sshrl.u32 s0, $0x7;
	s8 =	simm.s32 @!p0 $0x0  }
0x1bf: {  	s0 =	ssub.s32 s0, s8;
	v3 =	vpsel p3, v3, v5  }
0x1c0: {  	s0 =	sshll.u32 s0, $0x7;
	v4 =	vpsel p3, v4, v6;
	[tilespmem:v52+s22+$0x0] =	vst.idx.msk $0xffff, v3  }
0x1c1: {  	p0 =	slt.s32 s0, $0xF4180;
	[tilespmem:v53+s22+$0x0] =	vst.idx.msk $0xffff, v4  }
0x1c2: {  	s0 =	simm.s32 @!p0 $0xF4180;
	[tilespmem:v54+s23+$0x0] =	vst.idx.msk $0xffff, v3  }
0x1c3: {  	s30 =	simm.s32 $0x6080;
	s0 =	sadd.s32 s9, s0;
	[tilespmem:v55+s23+$0x0] =	vst.idx.msk $0xffff, v4  }
0x1c4: {  	[tilespmem:s30], [sflag:$0x6] =	stream.strided.gather [hbm4b:s0+s15], $0x1000, s12, s15, $0x38;
	[tilespmem:$0xC100] =	vst v63  }
0x1c5: {  	s0 =	sadd.s32 $0xFFF0BE00, s25  }
0x1c6: {  	p0 =	sgt.s32 s0, $0x0  }
0x1c7: {  	v3 =	vor.u32 s2, v1;
	s0 =	simm.s32 @!p0 $0x0  }
0x1c8: {  	s11 =	simm.s32 $0x7;
	v4 =	vor.u32 s2, v2;
	s0 =	smin.u32 s0, $0x3F  }
0x1c9: {  	_ =	swait.ge [sflag:s11], $0x1000;
	v5 =	vor.u32 s0, v1  }
0x1ca: {  	[sflag:s11] =	ssyncset.done $0x0;
	v6 =	vor.u32 s0, v2  }
0x1cb: {  	s13 =	simm.s32 $0x7080;
	[sflag:s11] =	ssyncadd.s32 $0xFFFFF000  }
0x1cc: {  	v3 =	vld.idx.msk [tilespmem:v3+s13+$0x0], $0xffff  }
0x1cd: {  	v4 =	vld.idx.msk [tilespmem:v4+s13+$0x0], $0xffff;
	s13 =	rddreg [dreg:$0x18]  }
0x1ce: {  	s2 =	sand.u32 $0x7F, s13;
	v5 =	vld.idx.msk [tilespmem:v5+s10+$0x0], $0xffff  }
0x1cf: {  	p4 =	slt.s32 s13, $0x1;
	s26 =	sshra.s32 s13, $0x1F;
	p5 =	sne.s32 s2, $0x0;
	v6 =	vld.idx.msk [tilespmem:v6+s10+$0x0], $0xffff  }
0x1d0: {  	s0 =	sshrl.u32 s26, $0x19;
	p0 =	por !p4, !p5  }
0x1d1: {  	s8 =	simm.s32 $0x1;
	s0 =	sadd.s32 s0, s13;
	p0 =	por !p0, !p0  }
0x1d2: {  	p6 =	slt.s32 s25, $0xF4200;
	s0 =	sshrl.u32 s0, $0x7;
	s8 =	simm.s32 @!p0 $0x0  }
0x1d3: {  	s0 =	ssub.s32 s0, s8;
	v3 =	vpsel p6, v3, v5  }
0x1d4: {  	s0 =	sshll.u32 s0, $0x7;
	v4 =	vpsel p6, v4, v6;
	[tilespmem:v56+s22+$0x0] =	vst.idx.msk $0xffff, v3  }
0x1d5: {  	p0 =	slt.s32 s0, $0xF4180;
	[tilespmem:v57+s22+$0x0] =	vst.idx.msk $0xffff, v4  }
0x1d6: {  	s0 =	simm.s32 @!p0 $0xF4180;
	[tilespmem:v58+s23+$0x0] =	vst.idx.msk $0xffff, v3  }
0x1d7: {  	s20 =	simm.s32 $0x7080;
	s0 =	sadd.s32 s9, s0;
	[tilespmem:v59+s23+$0x0] =	vst.idx.msk $0xffff, v4  }
0x1d8: {  	[tilespmem:s20], [sflag:$0x7] =	stream.strided.gather [hbm4b:s0+s15], $0x1000, s12, s15, $0x38;
	[tilespmem:$0xC100] =	vst v63  }
0x1d9: {  	s0 =	sadd.s32 $0xFFF0BE00, s24  }
0x1da: {  	p0 =	sgt.s32 s0, $0x0  }
0x1db: {  	v3 =	vor.u32 s1, v1;
	s0 =	simm.s32 @!p0 $0x0  }
0x1dc: {  	s28 =	simm.s32 $0x8;
	v4 =	vor.u32 s1, v2;
	s0 =	smin.u32 s0, $0x3F  }
0x1dd: {  	_ =	swait.ge [sflag:s28], $0x1000;
	v5 =	vor.u32 s0, v1  }
0x1de: {  	[sflag:s28] =	ssyncset.done $0x0;
	v6 =	vor.u32 s0, v2  }
0x1df: {  	s29 =	simm.s32 $0x8080;
	[sflag:s28] =	ssyncadd.s32 $0xFFFFF000  }
0x1e0: {  	v3 =	vld.idx.msk [tilespmem:v3+s29+$0x0], $0xffff  }
0x1e1: {  	v4 =	vld.idx.msk [tilespmem:v4+s29+$0x0], $0xffff;
	s29 =	rddreg [dreg:$0x17]  }
0x1e2: {  	s1 =	sand.u32 $0x7F, s29;
	v5 =	vld.idx.msk [tilespmem:v5+s10+$0x0], $0xffff  }
0x1e3: {  	s20 =	sshra.s32 s29, $0x1F;
	p1 =	slt.s32 s29, $0x1;
	p2 =	sne.s32 s1, $0x0;
	v6 =	vld.idx.msk [tilespmem:v6+s10+$0x0], $0xffff  }
0x1e4: {  	s0 =	sshrl.u32 s20, $0x19;
	p0 =	por !p1, !p2  }
0x1e5: {  	s8 =	simm.s32 $0x1;
	s0 =	sadd.s32 s0, s29;
	p0 =	por !p0, !p0  }
0x1e6: {  	p3 =	slt.s32 s24, $0xF4200;
	s0 =	sshrl.u32 s0, $0x7;
	s8 =	simm.s32 @!p0 $0x0  }
0x1e7: {  	s0 =	ssub.s32 s0, s8;
	v3 =	vpsel p3, v3, v5  }
0x1e8: {  	s0 =	sshll.u32 s0, $0x7;
	v4 =	vpsel p3, v4, v6;
	[tilespmem:v60+s22+$0x0] =	vst.idx.msk $0xffff, v3  }
0x1e9: {  	p0 =	slt.s32 s0, $0xF4180;
	[tilespmem:v61+s22+$0x0] =	vst.idx.msk $0xffff, v4  }
0x1ea: {  	s0 =	simm.s32 @!p0 $0xF4180;
	[tilespmem:v62+s23+$0x0] =	vst.idx.msk $0xffff, v3  }
0x1eb: {  	s30 =	simm.s32 $0x8080;
	s0 =	sadd.s32 s9, s0;
	[tilespmem:v63+s23+$0x0] =	vst.idx.msk $0xffff, v4  }
0x1ec: {  	[tilespmem:s30], [sflag:$0x8] =	stream.strided.gather [hbm4b:s0+s15], $0x1000, s12, s15, $0x38;
	[tilespmem:$0xC100] =	vst v63  }
0x1ed: {  	s0 =	sadd.s32 $0xFFF0BE00, s19  }
0x1ee: {  	p0 =	sgt.s32 s0, $0x0  }
0x1ef: {  	v3 =	vor.u32 s18, v1;
	s0 =	simm.s32 @!p0 $0x0  }
0x1f0: {  	s25 =	simm.s32 $0x1;
	v4 =	vor.u32 s18, v2;
	s0 =	smin.u32 s0, $0x3F  }
0x1f1: {  	_ =	swait.ge [sflag:s25], $0x1000;
	v5 =	vor.u32 s0, v1  }
0x1f2: {  	[sflag:s25] =	ssyncset.done $0x0;
	v6 =	vor.u32 s0, v2  }
0x1f3: {  	s26 =	simm.s32 $0x1080;
	[sflag:s25] =	ssyncadd.s32 $0xFFFFF000  }
0x1f4: {  	v3 =	vld.idx.msk [tilespmem:v3+s26+$0x0], $0xffff  }
0x1f5: {  	v4 =	vld.idx.msk [tilespmem:v4+s26+$0x0], $0xffff;
	s26 =	rddreg [dreg:$0x16]  }
0x1f6: {  	s0 =	sand.u32 $0x7F, s26;
	v5 =	vld.idx.msk [tilespmem:v5+s10+$0x0], $0xffff  }
0x1f7: {  	v7 =	vor.u32 $0x10, v1;
	s30 =	sshra.s32 s26, $0x1F;
	p4 =	slt.s32 s26, $0x1;
	p5 =	sne.s32 s0, $0x0;
	v6 =	vld.idx.msk [tilespmem:v6+s10+$0x0], $0xffff  }
0x1f8: {  	v8 =	vor.u32 $0x810, v1;
	s8 =	sshrl.u32 s30, $0x19;
	p0 =	por !p4, !p5  }
0x1f9: {  	v9 =	vor.u32 $0x800, v0;
	s11 =	simm.s32 $0x1;
	s8 =	sadd.s32 s8, s26;
	p0 =	por !p0, !p0  }
0x1fa: {  	v10 =	vor.u32 $0x810, v0;
	p6 =	slt.s32 s19, $0xF4200;
	s8 =	sshrl.u32 s8, $0x7;
	s11 =	simm.s32 @!p0 $0x0  }
0x1fb: {  	s8 =	ssub.s32 s8, s11;
	v3 =	vpsel p6, v3, v5  }
0x1fc: {  	s8 =	sshll.u32 s8, $0x7;
	v4 =	vpsel p6, v4, v6;
	[tilespmem:v7+s22+$0x0] =	vst.idx.msk $0xffff, v3  }
0x1fd: {  	p0 =	slt.s32 s8, $0xF4180;
	[tilespmem:v8+s22+$0x0] =	vst.idx.msk $0xffff, v4  }
0x1fe: {  	s8 =	simm.s32 @!p0 $0xF4180;
	[tilespmem:v9+s23+$0x0] =	vst.idx.msk $0xffff, v3  }
0x1ff: {  	s28 =	simm.s32 $0x1080;
	s8 =	sadd.s32 s9, s8;
	[tilespmem:v10+s23+$0x0] =	vst.idx.msk $0xffff, v4  }
0x200: {  	[tilespmem:s28], [sflag:$0x1] =	stream.strided.gather [hbm4b:s8+s15], $0x1000, s12, s15, $0x38;
	[tilespmem:$0xC100] =	vst v63  }
0x201: {  	s8 =	sadd.s32 $0xFFF0BE00, s31  }
0x202: {  	p0 =	sgt.s32 s8, $0x0  }
0x203: {  	v3 =	vor.u32 s5, v1;
	s8 =	simm.s32 @!p0 $0x0  }
0x204: {  	s11 =	simm.s32 $0x2;
	v4 =	vor.u32 s5, v2;
	s8 =	smin.u32 s8, $0x3F  }
0x205: {  	_ =	swait.ge [sflag:s11], $0x1000;
	v5 =	vor.u32 s8, v1  }
0x206: {  	[sflag:s11] =	ssyncset.done $0x0;
	v6 =	vor.u32 s8, v2  }
0x207: {  	s18 =	simm.s32 $0x2080;
	[sflag:s11] =	ssyncadd.s32 $0xFFFFF000  }
0x208: {  	v3 =	vld.idx.msk [tilespmem:v3+s18+$0x0], $0xffff  }
0x209: {  	s25 =	rddreg [dreg:$0x15];
	v4 =	vld.idx.msk [tilespmem:v4+s18+$0x0], $0xffff  }
0x20a: {  	s5 =	sand.u32 $0x7F, s25;
	v5 =	vld.idx.msk [tilespmem:v5+s10+$0x0], $0xffff  }
0x20b: {  	v7 =	vor.u32 $0x11, v1;
	s20 =	sshra.s32 s25, $0x1F;
	p1 =	slt.s32 s25, $0x1;
	p2 =	sne.s32 s5, $0x0;
	v6 =	vld.idx.msk [tilespmem:v6+s10+$0x0], $0xffff  }
0x20c: {  	v8 =	vor.u32 $0x811, v1;
	s8 =	sshrl.u32 s20, $0x19;
	p0 =	por !p1, !p2  }
0x20d: {  	v9 =	vor.u32 $0x880, v0;
	s11 =	simm.s32 $0x1;
	s8 =	sadd.s32 s8, s25;
	p0 =	por !p0, !p0  }
0x20e: {  	p3 =	slt.s32 s31, $0xF4200;
	v10 =	vor.u32 $0x890, v0;
	s8 =	sshrl.u32 s8, $0x7;
	s11 =	simm.s32 @!p0 $0x0  }
0x20f: {  	s8 =	ssub.s32 s8, s11;
	v3 =	vpsel p3, v3, v5  }
0x210: {  	s8 =	sshll.u32 s8, $0x7;
	v4 =	vpsel p3, v4, v6;
	[tilespmem:v7+s22+$0x0] =	vst.idx.msk $0xffff, v3  }
0x211: {  	p0 =	slt.s32 s8, $0xF4180;
	[tilespmem:v8+s22+$0x0] =	vst.idx.msk $0xffff, v4  }
0x212: {  	s8 =	simm.s32 @!p0 $0xF4180;
	[tilespmem:v9+s23+$0x0] =	vst.idx.msk $0xffff, v3  }
0x213: {  	s19 =	simm.s32 $0x2080;
	s8 =	sadd.s32 s9, s8;
	[tilespmem:v10+s23+$0x0] =	vst.idx.msk $0xffff, v4  }
0x214: {  	[tilespmem:s19], [sflag:$0x2] =	stream.strided.gather [hbm4b:s8+s15], $0x1000, s12, s15, $0x38;
	[tilespmem:$0xC100] =	vst v63  }
0x215: {  	s8 =	sadd.s32 $0xFFF0BE00, s21  }
0x216: {  	p0 =	sgt.s32 s8, $0x0  }
0x217: {  	v3 =	vor.u32 s7, v1;
	s8 =	simm.s32 @!p0 $0x0  }
0x218: {  	s24 =	simm.s32 $0x3;
	v4 =	vor.u32 s7, v2;
	s8 =	smin.u32 s8, $0x3F  }
0x219: {  	_ =	swait.ge [sflag:s24], $0x1000;
	v5 =	vor.u32 s8, v1  }
0x21a: {  	[sflag:s24] =	ssyncset.done $0x0;
	v6 =	vor.u32 s8, v2  }
0x21b: {  	s28 =	simm.s32 $0x3080;
	[sflag:s24] =	ssyncadd.s32 $0xFFFFF000  }
0x21c: {  	v3 =	vld.idx.msk [tilespmem:v3+s28+$0x0], $0xffff  }
0x21d: {  	s24 =	rddreg [dreg:$0x14];
	v4 =	vld.idx.msk [tilespmem:v4+s28+$0x0], $0xffff  }
0x21e: {  	s7 =	sand.u32 $0x7F, s24;
	v5 =	vld.idx.msk [tilespmem:v5+s10+$0x0], $0xffff  }
0x21f: {  	v7 =	vor.u32 $0x12, v1;
	s31 =	sshra.s32 s24, $0x1F;
	p4 =	slt.s32 s24, $0x1;
	p5 =	sne.s32 s7, $0x0;
	v6 =	vld.idx.msk [tilespmem:v6+s10+$0x0], $0xffff  }
0x220: {  	v8 =	vor.u32 $0x812, v1;
	s8 =	sshrl.u32 s31, $0x19;
	p0 =	por !p4, !p5  }
0x221: {  	s11 =	simm.s32 $0x1;
	v9 =	vor.u32 $0x900, v0;
	s8 =	sadd.s32 s8, s24;
	p0 =	por !p0, !p0  }
0x222: {  	p6 =	slt.s32 s21, $0xF4200;
	v10 =	vor.u32 $0x910, v0;
	s8 =	sshrl.u32 s8, $0x7;
	s11 =	simm.s32 @!p0 $0x0  }
0x223: {  	s8 =	ssub.s32 s8, s11;
	v3 =	vpsel p6, v3, v5  }
0x224: {  	s8 =	sshll.u32 s8, $0x7;
	v4 =	vpsel p6, v4, v6;
	[tilespmem:v7+s22+$0x0] =	vst.idx.msk $0xffff, v3  }
0x225: {  	p0 =	slt.s32 s8, $0xF4180;
	[tilespmem:v8+s22+$0x0] =	vst.idx.msk $0xffff, v4  }
0x226: {  	s8 =	simm.s32 @!p0 $0xF4180;
	[tilespmem:v9+s23+$0x0] =	vst.idx.msk $0xffff, v3  }
0x227: {  	s30 =	simm.s32 $0x3080;
	s8 =	sadd.s32 s9, s8;
	[tilespmem:v10+s23+$0x0] =	vst.idx.msk $0xffff, v4  }
0x228: {  	[tilespmem:s30], [sflag:$0x3] =	stream.strided.gather [hbm4b:s8+s15], $0x1000, s12, s15, $0x38;
	[tilespmem:$0xC100] =	vst v63  }
0x229: {  	s8 =	sadd.s32 $0xFFF0BE00, s17  }
0x22a: {  	p0 =	sgt.s32 s8, $0x0  }
0x22b: {  	v3 =	vor.u32 s6, v1;
	s8 =	simm.s32 @!p0 $0x0  }
0x22c: {  	s11 =	simm.s32 $0x4;
	v4 =	vor.u32 s6, v2;
	s8 =	smin.u32 s8, $0x3F  }
0x22d: {  	_ =	swait.ge [sflag:s11], $0x1000;
	v5 =	vor.u32 s8, v1  }
0x22e: {  	[sflag:s11] =	ssyncset.done $0x0;
	v6 =	vor.u32 s8, v2  }
0x22f: {  	s18 =	simm.s32 $0x4080;
	[sflag:s11] =	ssyncadd.s32 $0xFFFFF000  }
0x230: {  	v3 =	vld.idx.msk [tilespmem:v3+s18+$0x0], $0xffff  }
0x231: {  	s20 =	rddreg [dreg:$0x13];
	v4 =	vld.idx.msk [tilespmem:v4+s18+$0x0], $0xffff  }
0x232: {  	s6 =	sand.u32 $0x7F, s20;
	v5 =	vld.idx.msk [tilespmem:v5+s10+$0x0], $0xffff  }
0x233: {  	v7 =	vor.u32 $0x13, v1;
	s21 =	sshra.s32 s20, $0x1F;
	p1 =	slt.s32 s20, $0x1;
	p2 =	sne.s32 s6, $0x0;
	v6 =	vld.idx.msk [tilespmem:v6+s10+$0x0], $0xffff  }
0x234: {  	v8 =	vor.u32 $0x813, v1;
	s8 =	sshrl.u32 s21, $0x19;
	p0 =	por !p1, !p2  }
0x235: {  	v9 =	vor.u32 $0x980, v0;
	s11 =	simm.s32 $0x1;
	s8 =	sadd.s32 s8, s20;
	p0 =	por !p0, !p0  }
0x236: {  	p3 =	slt.s32 s17, $0xF4200;
	v10 =	vor.u32 $0x990, v0;
	s8 =	sshrl.u32 s8, $0x7;
	s11 =	simm.s32 @!p0 $0x0  }
0x237: {  	s8 =	ssub.s32 s8, s11;
	v3 =	vpsel p3, v3, v5  }
0x238: {  	s8 =	sshll.u32 s8, $0x7;
	v4 =	vpsel p3, v4, v6;
	[tilespmem:v7+s22+$0x0] =	vst.idx.msk $0xffff, v3  }
0x239: {  	p0 =	slt.s32 s8, $0xF4180;
	[tilespmem:v8+s22+$0x0] =	vst.idx.msk $0xffff, v4  }
0x23a: {  	s8 =	simm.s32 @!p0 $0xF4180;
	[tilespmem:v9+s23+$0x0] =	vst.idx.msk $0xffff, v3  }
0x23b: {  	s19 =	simm.s32 $0x4080;
	s8 =	sadd.s32 s9, s8;
	[tilespmem:v10+s23+$0x0] =	vst.idx.msk $0xffff, v4  }
0x23c: {  	[tilespmem:s19], [sflag:$0x4] =	stream.strided.gather [hbm4b:s8+s15], $0x1000, s12, s15, $0x38;
	[tilespmem:$0xC100] =	vst v63  }
0x23d: {  	s8 =	sadd.s32 $0xFFF0BE00, s16  }
0x23e: {  	p0 =	sgt.s32 s8, $0x0  }
0x23f: {  	v3 =	vor.u32 s4, v1;
	s8 =	simm.s32 @!p0 $0x0  }
0x240: {  	s28 =	simm.s32 $0x5;
	v4 =	vor.u32 s4, v2;
	s8 =	smin.u32 s8, $0x3F  }
0x241: {  	_ =	swait.ge [sflag:s28], $0x1000;
	v5 =	vor.u32 s8, v1  }
0x242: {  	[sflag:s28] =	ssyncset.done $0x0;
	v6 =	vor.u32 s8, v2  }
0x243: {  	s30 =	simm.s32 $0x5080;
	[sflag:s28] =	ssyncadd.s32 $0xFFFFF000  }
0x244: {  	v3 =	vld.idx.msk [tilespmem:v3+s30+$0x0], $0xffff  }
0x245: {  	s19 =	rddreg [dreg:$0x12];
	v4 =	vld.idx.msk [tilespmem:v4+s30+$0x0], $0xffff  }
0x246: {  	s4 =	sand.u32 $0x7F, s19;
	v5 =	vld.idx.msk [tilespmem:v5+s10+$0x0], $0xffff  }
0x247: {  	v7 =	vor.u32 $0x14, v1;
	s11 =	sshra.s32 s19, $0x1F;
	p4 =	slt.s32 s19, $0x1;
	p5 =	sne.s32 s4, $0x0;
	v6 =	vld.idx.msk [tilespmem:v6+s10+$0x0], $0xffff  }
0x248: {  	v8 =	vor.u32 $0x814, v1;
	s8 =	sshrl.u32 s11, $0x19;
	p0 =	por !p4, !p5  }
0x249: {  	v9 =	vor.u32 $0xA00, v0;
	s11 =	simm.s32 $0x1;
	s8 =	sadd.s32 s8, s19;
	p0 =	por !p0, !p0  }
0x24a: {  	p6 =	slt.s32 s16, $0xF4200;
	v10 =	vor.u32 $0xA10, v0;
	s8 =	sshrl.u32 s8, $0x7;
	s11 =	simm.s32 @!p0 $0x0  }
0x24b: {  	s8 =	ssub.s32 s8, s11;
	v3 =	vpsel p6, v3, v5  }
0x24c: {  	s8 =	sshll.u32 s8, $0x7;
	v4 =	vpsel p6, v4, v6;
	[tilespmem:v7+s22+$0x0] =	vst.idx.msk $0xffff, v3  }
0x24d: {  	p0 =	slt.s32 s8, $0xF4180;
	[tilespmem:v8+s22+$0x0] =	vst.idx.msk $0xffff, v4  }
0x24e: {  	s8 =	simm.s32 @!p0 $0xF4180;
	[tilespmem:v9+s23+$0x0] =	vst.idx.msk $0xffff, v3  }
0x24f: {  	s31 =	simm.s32 $0x5080;
	s8 =	sadd.s32 s9, s8;
	[tilespmem:v10+s23+$0x0] =	vst.idx.msk $0xffff, v4  }
0x250: {  	[tilespmem:s31], [sflag:$0x5] =	stream.strided.gather [hbm4b:s8+s15], $0x1000, s12, s15, $0x38;
	[tilespmem:$0xC100] =	vst v63  }
0x251: {  	s8 =	sadd.s32 $0xFFF0BE00, s14  }
0x252: {  	p0 =	sgt.s32 s8, $0x0  }
0x253: {  	v3 =	vor.u32 s3, v1;
	s8 =	simm.s32 @!p0 $0x0  }
0x254: {  	s17 =	simm.s32 $0x6;
	v4 =	vor.u32 s3, v2;
	s8 =	smin.u32 s8, $0x3F  }
0x255: {  	_ =	swait.ge [sflag:s17], $0x1000;
	v5 =	vor.u32 s8, v1  }
0x256: {  	[sflag:s17] =	ssyncset.done $0x0;
	v6 =	vor.u32 s8, v2  }
0x257: {  	s18 =	simm.s32 $0x6080;
	[sflag:s17] =	ssyncadd.s32 $0xFFFFF000  }
0x258: {  	v3 =	vld.idx.msk [tilespmem:v3+s18+$0x0], $0xffff  }
0x259: {  	v4 =	vld.idx.msk [tilespmem:v4+s18+$0x0], $0xffff;
	s18 =	rddreg [dreg:$0x11]  }
0x25a: {  	s3 =	sand.u32 $0x7F, s18;
	v5 =	vld.idx.msk [tilespmem:v5+s10+$0x0], $0xffff  }
0x25b: {  	v7 =	vor.u32 $0x15, v1;
	s21 =	sshra.s32 s18, $0x1F;
	p1 =	slt.s32 s18, $0x1;
	p2 =	sne.s32 s3, $0x0;
	v6 =	vld.idx.msk [tilespmem:v6+s10+$0x0], $0xffff  }
0x25c: {  	v8 =	vor.u32 $0x815, v1;
	s8 =	sshrl.u32 s21, $0x19;
	p0 =	por !p1, !p2  }
0x25d: {  	s11 =	simm.s32 $0x1;
	v9 =	vor.u32 $0xA80, v0;
	s8 =	sadd.s32 s8, s18;
	p0 =	por !p0, !p0  }
0x25e: {  	p3 =	slt.s32 s14, $0xF4200;
	v10 =	vor.u32 $0xA90, v0;
	s8 =	sshrl.u32 s8, $0x7;
	s11 =	simm.s32 @!p0 $0x0  }
0x25f: {  	s8 =	ssub.s32 s8, s11;
	v3 =	vpsel p3, v3, v5  }
0x260: {  	s8 =	sshll.u32 s8, $0x7;
	v4 =	vpsel p3, v4, v6;
	[tilespmem:v7+s22+$0x0] =	vst.idx.msk $0xffff, v3  }
0x261: {  	p0 =	slt.s32 s8, $0xF4180;
	[tilespmem:v8+s22+$0x0] =	vst.idx.msk $0xffff, v4  }
0x262: {  	s8 =	simm.s32 @!p0 $0xF4180;
	[tilespmem:v9+s23+$0x0] =	vst.idx.msk $0xffff, v3  }
0x263: {  	s28 =	simm.s32 $0x6080;
	s8 =	sadd.s32 s9, s8;
	[tilespmem:v10+s23+$0x0] =	vst.idx.msk $0xffff, v4  }
0x264: {  	[tilespmem:s28], [sflag:$0x6] =	stream.strided.gather [hbm4b:s8+s15], $0x1000, s12, s15, $0x38;
	[tilespmem:$0xC100] =	vst v63  }
0x265: {  	s8 =	sadd.s32 $0xFFF0BE00, s13  }
0x266: {  	p0 =	sgt.s32 s8, $0x0  }
0x267: {  	v3 =	vor.u32 s2, v1;
	s8 =	simm.s32 @!p0 $0x0  }
0x268: {  	s31 =	simm.s32 $0x7;
	v4 =	vor.u32 s2, v2;
	s8 =	smin.u32 s8, $0x3F  }
0x269: {  	_ =	swait.ge [sflag:s31], $0x1000;
	v5 =	vor.u32 s8, v1  }
0x26a: {  	[sflag:s31] =	ssyncset.done $0x0;
	v6 =	vor.u32 s8, v2  }
0x26b: {  	s11 =	simm.s32 $0x7080;
	[sflag:s31] =	ssyncadd.s32 $0xFFFFF000  }
0x26c: {  	v3 =	vld.idx.msk [tilespmem:v3+s11+$0x0], $0xffff  }
0x26d: {  	s17 =	rddreg [dreg:$0x10];
	v4 =	vld.idx.msk [tilespmem:v4+s11+$0x0], $0xffff  }
0x26e: {  	s2 =	sand.u32 $0x7F, s17;
	v5 =	vld.idx.msk [tilespmem:v5+s10+$0x0], $0xffff  }
0x26f: {  	v7 =	vor.u32 $0x16, v1;
	s14 =	sshra.s32 s17, $0x1F;
	p4 =	slt.s32 s17, $0x1;
	p5 =	sne.s32 s2, $0x0;
	v6 =	vld.idx.msk [tilespmem:v6+s10+$0x0], $0xffff  }
0x270: {  	v8 =	vor.u32 $0x816, v1;
	s8 =	sshrl.u32 s14, $0x19;
	p0 =	por !p4, !p5  }
0x271: {  	v9 =	vor.u32 $0xB00, v0;
	s11 =	simm.s32 $0x1;
	s8 =	sadd.s32 s8, s17;
	p0 =	por !p0, !p0  }
0x272: {  	p6 =	slt.s32 s13, $0xF4200;
	v10 =	vor.u32 $0xB10, v0;
	s8 =	sshrl.u32 s8, $0x7;
	s11 =	simm.s32 @!p0 $0x0  }
0x273: {  	s8 =	ssub.s32 s8, s11;
	v3 =	vpsel p6, v3, v5  }
0x274: {  	s8 =	sshll.u32 s8, $0x7;
	v4 =	vpsel p6, v4, v6;
	[tilespmem:v7+s22+$0x0] =	vst.idx.msk $0xffff, v3  }
0x275: {  	p0 =	slt.s32 s8, $0xF4180;
	[tilespmem:v8+s22+$0x0] =	vst.idx.msk $0xffff, v4  }
0x276: {  	s8 =	simm.s32 @!p0 $0xF4180;
	[tilespmem:v9+s23+$0x0] =	vst.idx.msk $0xffff, v3  }
0x277: {  	s16 =	simm.s32 $0x7080;
	s8 =	sadd.s32 s9, s8;
	[tilespmem:v10+s23+$0x0] =	vst.idx.msk $0xffff, v4  }
0x278: {  	[tilespmem:s16], [sflag:$0x7] =	stream.strided.gather [hbm4b:s8+s15], $0x1000, s12, s15, $0x38;
	[tilespmem:$0xC100] =	vst v63  }
0x279: {  	s8 =	sadd.s32 $0xFFF0BE00, s29  }
0x27a: {  	p0 =	sgt.s32 s8, $0x0  }
0x27b: {  	v3 =	vor.u32 s1, v1;
	s8 =	simm.s32 @!p0 $0x0  }
0x27c: {  	s31 =	simm.s32 $0x8;
	v4 =	vor.u32 s1, v2;
	s8 =	smin.u32 s8, $0x3F  }
0x27d: {  	_ =	swait.ge [sflag:s31], $0x1000;
	v5 =	vor.u32 s8, v1  }
0x27e: {  	[sflag:s31] =	ssyncset.done $0x0;
	v6 =	vor.u32 s8, v2  }
0x27f: {  	[sflag:s31] =	ssyncadd.s32 $0xFFFFF000;
	s8 =	simm.s32 $0x8080  }
0x280: {  	v3 =	vld.idx.msk [tilespmem:v3+s8+$0x0], $0xffff  }
0x281: {  	s14 =	rddreg [dreg:$0xf];
	v4 =	vld.idx.msk [tilespmem:v4+s8+$0x0], $0xffff  }
0x282: {  	s1 =	sand.u32 $0x7F, s14;
	v5 =	vld.idx.msk [tilespmem:v5+s10+$0x0], $0xffff  }
0x283: {  	v7 =	vor.u32 $0x17, v1;
	s11 =	sshra.s32 s14, $0x1F;
	p2 =	slt.s32 s14, $0x1;
	p3 =	sne.s32 s1, $0x0;
	v6 =	vld.idx.msk [tilespmem:v6+s10+$0x0], $0xffff  }
0x284: {  	v8 =	vor.u32 $0x817, v1;
	s8 =	sshrl.u32 s11, $0x19;
	p0 =	por !p2, !p3  }
0x285: {  	v9 =	vor.u32 $0xB80, v0;
	s11 =	simm.s32 $0x1;
	s8 =	sadd.s32 s8, s14;
	p0 =	por !p0, !p0  }
0x286: {  	p4 =	slt.s32 s29, $0xF4200;
	v10 =	vor.u32 $0xB90, v0;
	s8 =	sshrl.u32 s8, $0x7;
	s11 =	simm.s32 @!p0 $0x0  }
0x287: {  	s8 =	ssub.s32 s8, s11;
	v3 =	vpsel p4, v3, v5  }
0x288: {  	s8 =	sshll.u32 s8, $0x7;
	v4 =	vpsel p4, v4, v6;
	[tilespmem:v7+s22+$0x0] =	vst.idx.msk $0xffff, v3  }
0x289: {  	p0 =	slt.s32 s8, $0xF4180;
	[tilespmem:v8+s22+$0x0] =	vst.idx.msk $0xffff, v4  }
0x28a: {  	s8 =	simm.s32 @!p0 $0xF4180;
	[tilespmem:v9+s23+$0x0] =	vst.idx.msk $0xffff, v3  }
0x28b: {  	s13 =	simm.s32 $0x8080;
	s8 =	sadd.s32 s9, s8;
	[tilespmem:v10+s23+$0x0] =	vst.idx.msk $0xffff, v4  }
0x28c: {  	[tilespmem:s13], [sflag:$0x8] =	stream.strided.gather [hbm4b:s8+s15], $0x1000, s12, s15, $0x38;
	[tilespmem:$0xC100] =	vst v63  }
0x28d: {  	s8 =	sadd.s32 $0xFFF0BE00, s26  }
0x28e: {  	p0 =	sgt.s32 s8, $0x0  }
0x28f: {  	v3 =	vor.u32 s0, v1;
	s8 =	simm.s32 @!p0 $0x0  }
0x290: {  	s29 =	simm.s32 $0x1;
	v4 =	vor.u32 s0, v2;
	s11 =	smin.u32 s8, $0x3F  }
0x291: {  	_ =	swait.ge [sflag:s29], $0x1000;
	v5 =	vor.u32 s11, v1  }
0x292: {  	[sflag:s29] =	ssyncset.done $0x0;
	v6 =	vor.u32 s11, v2  }
0x293: {  	s9 =	simm.s32 $0x1080;
	[sflag:s29] =	ssyncadd.s32 $0xFFFFF000  }
0x294: {  	v3 =	vld.idx.msk [tilespmem:v3+s9+$0x0], $0xffff  }
0x295: {  	v4 =	vld.idx.msk [tilespmem:v4+s9+$0x0], $0xffff  }
0x296: {  	v5 =	vld.idx.msk [tilespmem:v5+s10+$0x0], $0xffff  }
0x297: {  	v7 =	vor.u32 $0x18, v1;
	v6 =	vld.idx.msk [tilespmem:v6+s10+$0x0], $0xffff  }
0x298: {  	v8 =	vor.u32 $0x818, v1  }
0x299: {  	v9 =	vor.u32 $0xC00, v0  }
0x29a: {  	p5 =	slt.s32 s26, $0xF4200;
	v10 =	vor.u32 $0xC10, v0  }
0x29b: {  	v3 =	vpsel p5, v3, v5  }
0x29c: {  	s0 =	sadd.s32 $0xFFF0BE00, s25;
	v4 =	vpsel p5, v4, v6;
	[tilespmem:v7+s22+$0x0] =	vst.idx.msk $0xffff, v3  }
0x29d: {  	p0 =	sgt.s32 s0, $0x0;
	[tilespmem:v8+s22+$0x0] =	vst.idx.msk $0xffff, v4  }
0x29e: {  	s0 =	simm.s32 @!p0 $0x0;
	[tilespmem:v9+s23+$0x0] =	vst.idx.msk $0xffff, v3;
	v3 =	vor.u32 s5, v1  }
0x29f: {  	s0 =	smin.u32 s0, $0x3F;
	s11 =	simm.s32 $0x2;
	v5 =	vor.u32 s5, v2;
	[tilespmem:v10+s23+$0x0] =	vst.idx.msk $0xffff, v4  }
0x2a0: {  	v4 =	vor.u32 s0, v1;
	_ =	swait.ge [sflag:s11], $0x1000  }
0x2a1: {  	v6 =	vor.u32 s0, v2;
	[sflag:s11] =	ssyncset.done $0x0  }
0x2a2: {  	s26 =	simm.s32 $0x2080;
	[sflag:s11] =	ssyncadd.s32 $0xFFFFF000  }
0x2a3: {  	v3 =	vld.idx.msk [tilespmem:v3+s26+$0x0], $0xffff  }
0x2a4: {  	v5 =	vld.idx.msk [tilespmem:v5+s26+$0x0], $0xffff  }
0x2a5: {  	v4 =	vld.idx.msk [tilespmem:v4+s10+$0x0], $0xffff  }
0x2a6: {  	v7 =	vor.u32 $0x19, v1;
	v6 =	vld.idx.msk [tilespmem:v6+s10+$0x0], $0xffff  }
0x2a7: {  	v8 =	vor.u32 $0x819, v1  }
0x2a8: {  	v9 =	vor.u32 $0xC80, v0  }
0x2a9: {  	p6 =	slt.s32 s25, $0xF4200;
	v10 =	vor.u32 $0xC90, v0  }
0x2aa: {  	v3 =	vpsel p6, v3, v4  }
0x2ab: {  	s0 =	sadd.s32 $0xFFF0BE00, s24;
	v4 =	vpsel p6, v5, v6;
	[tilespmem:v7+s22+$0x0] =	vst.idx.msk $0xffff, v3  }
0x2ac: {  	p0 =	sgt.s32 s0, $0x0;
	[tilespmem:v8+s22+$0x0] =	vst.idx.msk $0xffff, v4  }
0x2ad: {  	s0 =	simm.s32 @!p0 $0x0;
	[tilespmem:v9+s23+$0x0] =	vst.idx.msk $0xffff, v3;
	v3 =	vor.u32 s7, v1  }
0x2ae: {  	s29 =	simm.s32 $0x3;
	s0 =	smin.u32 s0, $0x3F;
	v5 =	vor.u32 s7, v2;
	[tilespmem:v10+s23+$0x0] =	vst.idx.msk $0xffff, v4  }
0x2af: {  	v4 =	vor.u32 s0, v1;
	_ =	swait.ge [sflag:s29], $0x1000  }
0x2b0: {  	v6 =	vor.u32 s0, v2;
	[sflag:s29] =	ssyncset.done $0x0  }
0x2b1: {  	s5 =	simm.s32 $0x3080;
	[sflag:s29] =	ssyncadd.s32 $0xFFFFF000  }
0x2b2: {  	v3 =	vld.idx.msk [tilespmem:v3+s5+$0x0], $0xffff  }
0x2b3: {  	v5 =	vld.idx.msk [tilespmem:v5+s5+$0x0], $0xffff  }
0x2b4: {  	v4 =	vld.idx.msk [tilespmem:v4+s10+$0x0], $0xffff  }
0x2b5: {  	v7 =	vor.u32 $0x1A, v1;
	v6 =	vld.idx.msk [tilespmem:v6+s10+$0x0], $0xffff  }
0x2b6: {  	v8 =	vor.u32 $0x81A, v1  }
0x2b7: {  	v9 =	vor.u32 $0xD00, v0  }
0x2b8: {  	p1 =	slt.s32 s24, $0xF4200;
	v10 =	vor.u32 $0xD10, v0  }
0x2b9: {  	v3 =	vpsel p1, v3, v4  }
0x2ba: {  	s0 =	sadd.s32 $0xFFF0BE00, s20;
	v4 =	vpsel p1, v5, v6;
	[tilespmem:v7+s22+$0x0] =	vst.idx.msk $0xffff, v3  }
0x2bb: {  	p0 =	sgt.s32 s0, $0x0;
	[tilespmem:v8+s22+$0x0] =	vst.idx.msk $0xffff, v4  }
0x2bc: {  	s0 =	simm.s32 @!p0 $0x0;
	[tilespmem:v9+s23+$0x0] =	vst.idx.msk $0xffff, v3;
	v3 =	vor.u32 s6, v1  }
0x2bd: {  	s7 =	simm.s32 $0x4;
	s0 =	smin.u32 s0, $0x3F;
	v5 =	vor.u32 s6, v2;
	[tilespmem:v10+s23+$0x0] =	vst.idx.msk $0xffff, v4  }
0x2be: {  	v4 =	vor.u32 s0, v1;
	_ =	swait.ge [sflag:s7], $0x1000  }
0x2bf: {  	v6 =	vor.u32 s0, v2;
	[sflag:s7] =	ssyncset.done $0x0  }
0x2c0: {  	s8 =	simm.s32 $0x4080;
	[sflag:s7] =	ssyncadd.s32 $0xFFFFF000  }
0x2c1: {  	v3 =	vld.idx.msk [tilespmem:v3+s8+$0x0], $0xffff  }
0x2c2: {  	v5 =	vld.idx.msk [tilespmem:v5+s8+$0x0], $0xffff  }
0x2c3: {  	v4 =	vld.idx.msk [tilespmem:v4+s10+$0x0], $0xffff  }
0x2c4: {  	v7 =	vor.u32 $0x1B, v1;
	v6 =	vld.idx.msk [tilespmem:v6+s10+$0x0], $0xffff  }
0x2c5: {  	v8 =	vor.u32 $0x81B, v1  }
0x2c6: {  	v9 =	vor.u32 $0xD80, v0  }
0x2c7: {  	p2 =	slt.s32 s20, $0xF4200;
	v10 =	vor.u32 $0xD90, v0  }
0x2c8: {  	v3 =	vpsel p2, v3, v4  }
0x2c9: {  	s0 =	sadd.s32 $0xFFF0BE00, s19;
	v4 =	vpsel p2, v5, v6;
	[tilespmem:v7+s22+$0x0] =	vst.idx.msk $0xffff, v3  }
0x2ca: {  	p0 =	sgt.s32 s0, $0x0;
	[tilespmem:v8+s22+$0x0] =	vst.idx.msk $0xffff, v4  }
0x2cb: {  	s0 =	simm.s32 @!p0 $0x0;
	[tilespmem:v9+s23+$0x0] =	vst.idx.msk $0xffff, v3;
	v3 =	vor.u32 s4, v1  }
0x2cc: {  	s9 =	simm.s32 $0x5;
	s0 =	smin.u32 s0, $0x3F;
	v5 =	vor.u32 s4, v2;
	[tilespmem:v10+s23+$0x0] =	vst.idx.msk $0xffff, v4  }
0x2cd: {  	v4 =	vor.u32 s0, v1;
	_ =	swait.ge [sflag:s9], $0x1000  }
0x2ce: {  	v6 =	vor.u32 s0, v2;
	[sflag:s9] =	ssyncset.done $0x0  }
0x2cf: {  	s11 =	simm.s32 $0x5080;
	[sflag:s9] =	ssyncadd.s32 $0xFFFFF000  }
0x2d0: {  	v3 =	vld.idx.msk [tilespmem:v3+s11+$0x0], $0xffff  }
0x2d1: {  	v5 =	vld.idx.msk [tilespmem:v5+s11+$0x0], $0xffff  }
0x2d2: {  	v4 =	vld.idx.msk [tilespmem:v4+s10+$0x0], $0xffff  }
0x2d3: {  	v7 =	vor.u32 $0x1C, v1;
	v6 =	vld.idx.msk [tilespmem:v6+s10+$0x0], $0xffff  }
0x2d4: {  	v8 =	vor.u32 $0x81C, v1  }
0x2d5: {  	v9 =	vor.u32 $0xE00, v0  }
0x2d6: {  	p3 =	slt.s32 s19, $0xF4200;
	v10 =	vor.u32 $0xE10, v0  }
0x2d7: {  	v3 =	vpsel p3, v3, v4  }
0x2d8: {  	s0 =	sadd.s32 $0xFFF0BE00, s18;
	v4 =	vpsel p3, v5, v6;
	[tilespmem:v7+s22+$0x0] =	vst.idx.msk $0xffff, v3  }
0x2d9: {  	p0 =	sgt.s32 s0, $0x0;
	[tilespmem:v8+s22+$0x0] =	vst.idx.msk $0xffff, v4  }
0x2da: {  	s0 =	simm.s32 @!p0 $0x0;
	[tilespmem:v9+s23+$0x0] =	vst.idx.msk $0xffff, v3;
	v3 =	vor.u32 s3, v1  }
0x2db: {  	s30 =	simm.s32 $0x6;
	s0 =	smin.u32 s0, $0x3F;
	v5 =	vor.u32 s3, v2;
	[tilespmem:v10+s23+$0x0] =	vst.idx.msk $0xffff, v4  }
0x2dc: {  	v4 =	vor.u32 s0, v1;
	_ =	swait.ge [sflag:s30], $0x1000  }
0x2dd: {  	v6 =	vor.u32 s0, v2;
	[sflag:s30] =	ssyncset.done $0x0  }
0x2de: {  	[sflag:s30] =	ssyncadd.s32 $0xFFFFF000  }
0x2df: {  	v3 =	vld.idx.msk [tilespmem:v3+s28+$0x0], $0xffff  }
0x2e0: {  	v5 =	vld.idx.msk [tilespmem:v5+s28+$0x0], $0xffff  }
0x2e1: {  	v4 =	vld.idx.msk [tilespmem:v4+s10+$0x0], $0xffff  }
0x2e2: {  	v7 =	vor.u32 $0x1D, v1;
	v6 =	vld.idx.msk [tilespmem:v6+s10+$0x0], $0xffff  }
0x2e3: {  	v8 =	vor.u32 $0x81D, v1  }
0x2e4: {  	v9 =	vor.u32 $0xE80, v0  }
0x2e5: {  	p4 =	slt.s32 s18, $0xF4200;
	v10 =	vor.u32 $0xE90, v0  }
0x2e6: {  	v3 =	vpsel p4, v3, v4  }
0x2e7: {  	s0 =	sadd.s32 $0xFFF0BE00, s17;
	v4 =	vpsel p4, v5, v6;
	[tilespmem:v7+s22+$0x0] =	vst.idx.msk $0xffff, v3  }
0x2e8: {  	p0 =	sgt.s32 s0, $0x0;
	[tilespmem:v8+s22+$0x0] =	vst.idx.msk $0xffff, v4  }
0x2e9: {  	s0 =	simm.s32 @!p0 $0x0;
	[tilespmem:v9+s23+$0x0] =	vst.idx.msk $0xffff, v3;
	v3 =	vor.u32 s2, v1  }
0x2ea: {  	s21 =	simm.s32 $0x7;
	s0 =	smin.u32 s0, $0x3F;
	v5 =	vor.u32 s2, v2;
	[tilespmem:v10+s23+$0x0] =	vst.idx.msk $0xffff, v4  }
0x2eb: {  	v4 =	vor.u32 s0, v1;
	_ =	swait.ge [sflag:s21], $0x1000  }
0x2ec: {  	v6 =	vor.u32 s0, v2;
	[sflag:s21] =	ssyncset.done $0x0  }
0x2ed: {  	[sflag:s21] =	ssyncadd.s32 $0xFFFFF000  }
0x2ee: {  	v3 =	vld.idx.msk [tilespmem:v3+s16+$0x0], $0xffff  }
0x2ef: {  	v5 =	vld.idx.msk [tilespmem:v5+s16+$0x0], $0xffff  }
0x2f0: {  	v4 =	vld.idx.msk [tilespmem:v4+s10+$0x0], $0xffff  }
0x2f1: {  	v7 =	vor.u32 $0x1E, v1;
	v6 =	vld.idx.msk [tilespmem:v6+s10+$0x0], $0xffff  }
0x2f2: {  	v8 =	vor.u32 $0x81E, v1  }
0x2f3: {  	v9 =	vor.u32 $0xF00, v0  }
0x2f4: {  	p5 =	slt.s32 s17, $0xF4200;
	v10 =	vor.u32 $0xF10, v0  }
0x2f5: {  	v3 =	vpsel p5, v3, v4  }
0x2f6: {  	s0 =	sadd.s32 $0xFFF0BE00, s14;
	v4 =	vpsel p5, v5, v6;
	[tilespmem:v7+s22+$0x0] =	vst.idx.msk $0xffff, v3  }
0x2f7: {  	p0 =	sgt.s32 s0, $0x0;
	[tilespmem:v8+s22+$0x0] =	vst.idx.msk $0xffff, v4  }
0x2f8: {  	s0 =	simm.s32 @!p0 $0x0;
	[tilespmem:v9+s23+$0x0] =	vst.idx.msk $0xffff, v3;
	v3 =	vor.u32 s1, v1  }
0x2f9: {  	s31 =	simm.s32 $0x8;
	s0 =	smin.u32 s0, $0x3F;
	v5 =	vor.u32 s1, v2;
	[tilespmem:v10+s23+$0x0] =	vst.idx.msk $0xffff, v4  }
0x2fa: {  	v4 =	vor.u32 s0, v1;
	_ =	swait.ge [sflag:s31], $0x1000  }
0x2fb: {  	v6 =	vor.u32 s0, v2;
	[sflag:s31] =	ssyncset.done $0x0  }
0x2fc: {  	[sflag:s31] =	ssyncadd.s32 $0xFFFFF000  }
0x2fd: {  	v3 =	vld.idx.msk [tilespmem:v3+s13+$0x0], $0xffff  }
0x2fe: {  	v5 =	vld.idx.msk [tilespmem:v5+s13+$0x0], $0xffff  }
0x2ff: {  	v4 =	vld.idx.msk [tilespmem:v4+s10+$0x0], $0xffff  }
0x300: {  	v7 =	vor.u32 $0x1F, v1;
	v6 =	vld.idx.msk [tilespmem:v6+s10+$0x0], $0xffff  }
0x301: {  	v8 =	vor.u32 $0x81F, v1  }
0x302: {  	v9 =	vor.u32 $0xF80, v0  }
0x303: {  	p6 =	slt.s32 s14, $0xF4200;
	v10 =	vor.u32 $0xF90, v0  }
0x304: {  	v3 =	vpsel p6, v3, v4  }
0x305: {  	v4 =	vpsel p6, v5, v6;
	[tilespmem:v7+s22+$0x0] =	vst.idx.msk $0xffff, v3  }
0x306: {  	[tilespmem:v8+s22+$0x0] =	vst.idx.msk $0xffff, v4  }
0x307: {  	[tilespmem:v9+s23+$0x0] =	vst.idx.msk $0xffff, v3  }
0x308: {  	s20 =	simm.s32 $0x0;
	s21 =	simm.s32 $0xB;
	s19 =	rddreg [dreg:$0xb];
	[tilespmem:v10+s23+$0x0] =	vst.idx.msk $0xffff, v4  }
0x309: {  	[hbm4b:s19+s20] =	stream.linear.scatter [tilespmem:s22], [sflag:$0xB], $0x1000, $0x38;
	[tilespmem:$0xC100] =	vst v63  }
0x30a: {  	_ =	swait.ge [sflag:s21], $0x1000  }
0x30b: {  	[sflag:s21] =	ssyncset.done $0x0  }
0x30c: {  	s24 =	rddreg [dreg:$0xc];
	[sflag:s21] =	ssyncadd.s32 $0xFFFFF000  }
0x30d: {  	[hbm4b:s24+s20] =	stream.linear.scatter [tilespmem:s23], [sflag:$0xB], $0x1000, $0x38;
	[tilespmem:$0xC100] =	vst v63  }
0x30e: {  	_ =	swait.ge [sflag:s21], $0x1000  }
0x30f: {  	[sflag:s21] =	ssyncset.done $0x0  }
0x310: {  	s26 =	simm.s32 $0xA;
	[sflag:s21] =	ssyncadd.s32 $0xFFFFF000  }
0x311: {  	_ =	swait.ge [sflag:s26], $0x1000  }
0x312: {  	s25 =	simm.s32 $0x0;
	s30 =	rddreg [dreg:$0xe]  }
0x313: {  	s29 =	simm.s32 $0xB100;
	[sflag:s26] =	ssyncset.done $0x0;
	p0 =	sne.s32 s30, $0x1  }
.Ltmp0:
0x314: {  	s28 =	rddreg [dreg:$0xd];
	[sflag:s26] =	ssyncadd.s32 $0xFFFFF000;
	(pc) =	sbr.rel @p0 .LBB2_1-.Ltmp0, $4  }
0x315: {  	[hbm4b:s28+s25] =	stream.linear.scatter [tilespmem:s29], [sflag:$0xB], $0x1000, $0x38;
	[tilespmem:$0xC100] =	vst v63  }
0x316: {  	_ =	swait.ge [sflag:s21], $0x1000  }
0x317: {  	s31 =	simm.s32 $0xB;
	[sflag:s21] =	ssyncset.done $0x0  }
0x318: {  	s0 =	sadd.s32 $0xFFFFFFFF, s30;
	[sflag:s31] =	ssyncadd.s32 $0xFFFFF000  }
0x319: {  	_ =	sfence.sel $0x180000  }
0x31a: {  	[bflag:$0x0] =	sbarrier.arrive $0xFFFF  }
0x31b: {  	_ =	strace $0x90000047  }
0x31c: {  	s0 =	stileid.u32;
	[bflag:$0x2] =	sbarrier.arrive $0xFFFF  }
0x31d: {  	p0 =	sne.s32 s0, $0x0;
	s0 =	rddreg [dreg:$0x6]  }
0x31e: {  	s0 =	sadd.s32 @!p0 $0x100000, s0  }
0x31f: {  	[sflag:s0] =	ssyncadd.tile.s32 @!p0 $0x1;
	_ =	shalt  }
.Lfunc_end2:
_tile_overlayer_lowered:
.L_overlay_start_2:
0x320: {  	(tag) =	ssettag $0x2  }
0x321: {  	s0 =	rddreg [dreg:$0x0];
	s2 =	stileid.u32  }
0x322: {  	s1 =	rddreg [dreg:$0x1];
	p0 =	sne.s32 s2, $0x0  }
0x323: {  	s3 =	rddreg [dreg:$0x2];
	[bflag:$0x3] =	sbarrier.arrive $0xFFFF;
	s2 =	simm.s32 @!p0 $0x1C0B  }
0x324: {  	[timem:s3], [sflag:s2] =	dma.local @!p0 [hbm:s0], s1  }
0x325: {  	s0 =	simm.s32 @!p0 $0xB  }
0x326: {  	_ =	swait.ge @!p0 [sflag:s0], s1  }
0x327: {  	s1 =	ssub.s32 @!p0 $0x0, s1;
	[sflag:s0] =	ssyncset.done @!p0 $0x0  }
0x328: {  	[sflag:s0] =	ssyncadd.s32 @!p0 s1  }
0x329: {  	[bflag:$0x3] =	sbarrier.arrive $0xFFFF  }
0x32a: {  	_ =	shalt  }

</sc_bundles>
